<compile_context>
chip_gen: v7x
topology: tpu7x:2x2x1
jax: 0.10.2.dev20260603
libtpu: 0.0.44.dev20260713+nightly
codegen_flags: <defaults>
</compile_context>

<pallas_src>
import functools

import jax
import jax.numpy as jnp
from jax import lax
from jax.experimental import pallas as pl
from jax.experimental.pallas import tpu as pltpu
from jax.experimental.pallas import tpu_sc as plsc

N = 10000
E = 320000
IN_DIM = 128
HEADS = 4
HEAD_DIM = 16
LATENT = 32
NEG_SLOPE = 0.2

TW = 80
AW = 16
NW = 32
NS = 16
C = 80
EPW = E // NW
NCHUNK = EPW // C
RPT = 624
REM = N - NS * RPT

_BLK = 2000
_GRID = N // _BLK


def _tc_matmul_body(x_ref, w_ref, t_ref, a_ref):
    t = jnp.dot(x_ref[...], w_ref[...], preferred_element_type=jnp.float32)
    t_ref[...] = t[:, :TW]
    a_ref[...] = t[:, TW:TW + AW]


def _tc_matmul(x, wcat):
    in_dim = x.shape[1]
    return pl.pallas_call(
        _tc_matmul_body,
        grid=(_GRID,),
        in_specs=[
            pl.BlockSpec((_BLK, in_dim), lambda i: (i, 0)),
            pl.BlockSpec((in_dim, TW + AW), lambda i: (0, 0)),
        ],
        out_specs=[
            pl.BlockSpec((_BLK, TW), lambda i: (i, 0)),
            pl.BlockSpec((_BLK, AW), lambda i: (i, 0)),
        ],
        out_shape=[
            jax.ShapeDtypeStruct((N, TW), jnp.float32),
            jax.ShapeDtypeStruct((N, AW), jnp.float32),
        ],
    )(x, wcat)


def _make_sc_pass(nh, head_of_vreg):
    mesh = plsc.VectorSubcoreMesh(core_axis_name="c", subcore_axis_name="s")

    @functools.partial(
        pl.kernel,
        out_type=jax.ShapeDtypeStruct((2, N, TW), jnp.float32),
        mesh=mesh,
        scratch_types=[
            [pltpu.VMEM((C,), jnp.int32)] * 2,
            [pltpu.VMEM((C,), jnp.int32)] * 2,
            [pltpu.VMEM((C,), jnp.int32)] * 2,
            [pltpu.VMEM((C, TW), jnp.float32)] * 2,
            [pltpu.VMEM((C, AW), jnp.float32)] * 2,
            [pltpu.VMEM((C, TW), jnp.float32)] * 2,
            [pltpu.SemaphoreType.DMA] * 2,
            [pltpu.SemaphoreType.DMA] * 2,
            [pltpu.SemaphoreType.DMA] * 2,
            [pltpu.SemaphoreType.DMA] * 2,
            pltpu.VMEM_SHARED((N, TW), jnp.float32),
        ],
        compiler_params=pltpu.CompilerParams(use_tc_tiling_on_sc=False),
    )
    def sc_pass(table_hbm, adst_hbm, src_hbm, dst_hbm, zero_hbm, out_hbm,
                sidx, didx, sdix, rows, arows, outb,
                gsem_t, gsem_a, isem, ssem, acc):
        cid = lax.axis_index("c")
        sid = lax.axis_index("s")
        wid = sid * 2 + cid

        pltpu.sync_copy(zero_hbm.at[pl.ds(sid * RPT, RPT)],
                        acc.at[pl.ds(sid * RPT, RPT)])

        @pl.when(sid == NS - 1)
        def _():
            pltpu.sync_copy(zero_hbm.at[pl.ds(NS * RPT, REM)],
                            acc.at[pl.ds(NS * RPT, REM)])

        plsc.subcore_barrier()

        lanes = lax.iota(jnp.int32, 16)
        exmask = jnp.where(lanes < nh, 1.0, 0.0).astype(jnp.float32)

        def ebase(g):
            return pl.multiple_of(wid * EPW + g * C, 8)

        def issue_idx(g, b):
            eb = ebase(g)
            pltpu.async_copy(src_hbm.at[pl.ds(eb, C)], sidx[b], isem[b])
            pltpu.async_copy(dst_hbm.at[pl.ds(eb, C)], didx[b], isem[b])

        def wait_idx(b):
            pltpu.make_async_copy(src_hbm.at[pl.ds(0, C)], sidx[b],
                                  isem[b]).wait()
            pltpu.make_async_copy(dst_hbm.at[pl.ds(0, C)], didx[b],
                                  isem[b]).wait()

        def issue_gather(b):
            pltpu.async_copy(table_hbm.at[sidx[b]], rows[b], gsem_t[b])
            pltpu.async_copy(adst_hbm.at[didx[b]], arows[b], gsem_a[b])

        def wait_gather(b):
            pltpu.make_async_copy(table_hbm.at[sidx[b]], rows[b],
                                  gsem_t[b]).wait()
            pltpu.make_async_copy(adst_hbm.at[didx[b]], arows[b],
                                  gsem_a[b]).wait()

        def wait_scatter(b):
            pltpu.make_async_copy(outb[b], acc.at[sdix[b]], ssem[b]).wait()

        def compute(b):
            rb, ab, ob = rows[b], arows[b], outb[b]

            @plsc.parallel_loop(0, C, 1, unroll=8)
            def _(r):
                e = rb[r, pl.ds(64, 16)] + ab[r, :]
                e = jnp.maximum(e, e * NEG_SLOPE)
                ex = jnp.exp(e) * exmask
                ob[r, pl.ds(64, 16)] = ex
                for k in range(4):
                    s = ex[head_of_vreg[k]]
                    ob[r, pl.ds(16 * k, 16)] = rb[r, pl.ds(16 * k, 16)] * s

        def chunk(g, b, first_pair):
            wait_gather(b)

            @pl.when(jnp.logical_not(first_pair))
            def _():
                wait_scatter(b)
            for v in range(C // 16):
                sdix[b][pl.ds(16 * v, 16)] = didx[b][pl.ds(16 * v, 16)]

            @pl.when(g + 2 < NCHUNK)
            def _():
                issue_idx(g + 2, b)
            compute(b)
            pltpu.async_copy(outb[b], acc.at[sdix[b]], ssem[b], add=True)

            @pl.when(g + 2 < NCHUNK)
            def _():
                wait_idx(b)
                issue_gather(b)

        for b in (0, 1):
            issue_idx(b, b)
            wait_idx(b)
            issue_gather(b)

        def pair_body(p, _):
            g = p * 2
            chunk(g, 0, p == 0)
            chunk(g + 1, 1, p == 0)
            return 0

        lax.fori_loop(0, NCHUNK // 2, pair_body, 0)
        chunk(NCHUNK - 1, 0, False)
        wait_scatter(0)
        wait_scatter(1)

        plsc.subcore_barrier()
        pltpu.sync_copy(acc.at[pl.ds(sid * RPT, RPT)],
                        out_hbm.at[cid, pl.ds(sid * RPT, RPT)])

        @pl.when(sid == NS - 1)
        def _():
            pltpu.sync_copy(acc.at[pl.ds(NS * RPT, REM)],
                            out_hbm.at[cid, pl.ds(NS * RPT, REM)])

    return sc_pass


_sc_pass1 = _make_sc_pass(HEADS, (0, 1, 2, 3))
_sc_pass2 = _make_sc_pass(2, (0, 0, 1, 1))


def _tc_mid_body(a_ref, sel_ref, b_ref, w_ref, t_ref, ad_ref):
    acc = a_ref[0] + a_ref[1]
    recip = 1.0 / jnp.maximum(acc[:, 64:68], 1e-30)
    div = jnp.dot(recip, sel_ref[...], preferred_element_type=jnp.float32)
    o = acc[:, :64] * div + b_ref[...]
    h = jnp.where(o > 0, o, jnp.exp(jnp.minimum(o, 0.0)) - 1.0)
    t = jnp.dot(h, w_ref[...], preferred_element_type=jnp.float32)
    t_ref[...] = t[:, :TW]
    ad_ref[...] = t[:, TW:TW + AW]


def _tc_mid(accs, sel, b1row, wcat2):
    return pl.pallas_call(
        _tc_mid_body,
        grid=(_GRID,),
        in_specs=[
            pl.BlockSpec((2, _BLK, TW), lambda i: (0, i, 0)),
            pl.BlockSpec((HEADS, 64), lambda i: (0, 0)),
            pl.BlockSpec((1, 64), lambda i: (0, 0)),
            pl.BlockSpec((64, TW + AW), lambda i: (0, 0)),
        ],
        out_specs=[
            pl.BlockSpec((_BLK, TW), lambda i: (i, 0)),
            pl.BlockSpec((_BLK, AW), lambda i: (i, 0)),
        ],
        out_shape=[
            jax.ShapeDtypeStruct((N, TW), jnp.float32),
            jax.ShapeDtypeStruct((N, AW), jnp.float32),
        ],
    )(accs, sel, b1row, wcat2)


def _tc_fin_body(a_ref, bm_ref, bv_ref, mu_ref, lv_ref):
    acc = a_ref[0] + a_ref[1]
    dm = 1.0 / jnp.maximum(acc[:, 64:65], 1e-30)
    dv = 1.0 / jnp.maximum(acc[:, 65:66], 1e-30)
    mu_ref[...] = acc[:, 0:32] * dm + bm_ref[...]
    lv_ref[...] = acc[:, 32:64] * dv + bv_ref[...]


def _tc_fin(accs, bm, bv):
    return pl.pallas_call(
        _tc_fin_body,
        grid=(_GRID,),
        in_specs=[
            pl.BlockSpec((2, _BLK, TW), lambda i: (0, i, 0)),
            pl.BlockSpec((1, LATENT), lambda i: (0, 0)),
            pl.BlockSpec((1, LATENT), lambda i: (0, 0)),
        ],
        out_specs=[
            pl.BlockSpec((_BLK, LATENT), lambda i: (i, 0)),
            pl.BlockSpec((_BLK, LATENT), lambda i: (i, 0)),
        ],
        out_shape=[
            jax.ShapeDtypeStruct((N, LATENT), jnp.float32),
            jax.ShapeDtypeStruct((N, LATENT), jnp.float32),
        ],
    )(accs, bm, bv)


def kernel(x, edge_index, W1, a_src1, a_dst1, b1,
           Wm, a_srcm, a_dstm, bm, Wv, a_srcv, a_dstv, bv):
    f32 = jnp.float32
    src = edge_index[0]
    dst = edge_index[1]
    zeros = jnp.zeros((N, TW), f32)

    j = jnp.arange(HEADS * HEAD_DIM)
    selT = (j[:, None] // HEAD_DIM == jnp.arange(HEADS)[None, :]).astype(f32)
    A_src = a_src1.reshape(-1)[:, None] * selT
    A_dst = a_dst1.reshape(-1)[:, None] * selT
    z12 = jnp.zeros((IN_DIM, 12), f32)
    wcat1 = jnp.concatenate(
        [W1, W1 @ A_src, z12, W1 @ A_dst, z12], axis=1)

    sel = selT.T
    b1row = b1.reshape(1, 64)
    z14 = jnp.zeros((64, 14), f32)
    wcat2 = jnp.concatenate(
        [Wm, Wv, Wm @ a_srcm.T, Wv @ a_srcv.T, z14,
         Wm @ a_dstm.T, Wv @ a_dstv.T, z14], axis=1)

    table1, adst1 = _tc_matmul(x, wcat1)
    accs1 = _sc_pass1(table1, adst1, src, dst, zeros)
    table2, adst2 = _tc_mid(accs1, sel, b1row, wcat2)
    accs2 = _sc_pass2(table2, adst2, src, dst, zeros)
    mu, logvar = _tc_fin(accs2, bm.reshape(1, LATENT), bv.reshape(1, LATENT))
    return (mu, logvar)

# --- scband reference (transcript-rebuilt; emitter-appended) ---
"""Pipeline reference for scband-gatencoder-12867722018829 (READ-ONLY COPY).

The authoritative reference and input builder live on the scoring server;
editing this copy changes nothing except your own understanding.
"""

import jax, jax.numpy as jnp
import numpy as np

N = 10000
E = 320000
IN_DIM = 128
HEADS = 4
HEAD_DIM = 16
LATENT = 32
NEG_SLOPE = 0.2


def gat_conv(x, edge_index, W, a_src, a_dst, bias, heads, out_dim, concat):
    n = x.shape[0]
    h = (x @ W).reshape(n, heads, out_dim)
    alpha_src = jnp.sum(h * a_src[None, :, :], axis=-1)
    alpha_dst = jnp.sum(h * a_dst[None, :, :], axis=-1)
    src = edge_index[0]
    dst = edge_index[1]
    e = alpha_src[src] + alpha_dst[dst]
    e = jax.nn.leaky_relu(e, NEG_SLOPE)
    e_max = jax.ops.segment_max(e, dst, num_segments=n)
    e_max = jax.lax.stop_gradient(e_max)
    ex = jnp.exp(e - e_max[dst])
    denom = jax.ops.segment_sum(ex, dst, num_segments=n)
    alpha = ex / (denom[dst] + 1e-16)
    msg = h[src] * alpha[:, :, None]
    out = jax.ops.segment_sum(msg, dst, num_segments=n)
    if concat:
        out = out.reshape(n, heads * out_dim)
    else:
        out = jnp.mean(out, axis=1)
    return out + bias


def setup_inputs(seed: int = 0):
    key = jax.random.key(seed)
    ks = jax.random.split(key, 12)
    x = jax.random.normal(ks[0], (N, IN_DIM), dtype=jnp.float32)
    edge_index = jax.random.randint(ks[1], (2, E), 0, N, dtype=jnp.int32)
    W1 = jax.random.normal(ks[2], (IN_DIM, HEADS * HEAD_DIM), dtype=jnp.float32) / np.sqrt(IN_DIM)
    a_src1 = jax.random.normal(ks[3], (HEADS, HEAD_DIM), dtype=jnp.float32) * 0.1
    a_dst1 = jax.random.normal(ks[4], (HEADS, HEAD_DIM), dtype=jnp.float32) * 0.1
    b1 = jnp.zeros((HEADS * HEAD_DIM,), dtype=jnp.float32)
    Wm = jax.random.normal(ks[5], (HEADS * HEAD_DIM, LATENT), dtype=jnp.float32) / np.sqrt(HEADS * HEAD_DIM)
    a_srcm = jax.random.normal(ks[6], (1, LATENT), dtype=jnp.float32) * 0.1
    a_dstm = jax.random.normal(ks[7], (1, LATENT), dtype=jnp.float32) * 0.1
    bm = jnp.zeros((LATENT,), dtype=jnp.float32)
    Wv = jax.random.normal(ks[8], (HEADS * HEAD_DIM, LATENT), dtype=jnp.float32) / np.sqrt(HEADS * HEAD_DIM)
    a_srcv = jax.random.normal(ks[9], (1, LATENT), dtype=jnp.float32) * 0.1
    a_dstv = jax.random.normal(ks[10], (1, LATENT), dtype=jnp.float32) * 0.1
    bv = jnp.zeros((LATENT,), dtype=jnp.float32)
    return {"x": x, "edge_index": edge_index, "W1": W1, "a_src1": a_src1, "a_dst1": a_dst1, "b1": b1, "Wm": Wm, "a_srcm": a_srcm, "a_dstm": a_dstm, "bm": bm, "Wv": Wv, "a_srcv": a_srcv, "a_dstv": a_dstv, "bv": bv}


def reference(x, edge_index, W1, a_src1, a_dst1, b1, Wm, a_srcm, a_dstm, bm, Wv, a_srcv, a_dstv, bv):
    # dropout is identity in eval mode
    h = gat_conv(x, edge_index, W1, a_src1, a_dst1, b1, HEADS, HEAD_DIM, True)
    h = jax.nn.elu(h)
    mu = gat_conv(h, edge_index, Wm, a_srcm, a_dstm, bm, 1, LATENT, False)
    logvar = gat_conv(h, edge_index, Wv, a_srcv, a_dstv, bv, 1, LATENT, False)
    return (mu, logvar)

if __name__ == "__main__":
    import jax
    _d = setup_inputs()
    print(jax.jit(kernel)(*tuple(_d.values())))

</pallas_src>

<mosaic_0001>
#map = affine_map<(d0, d1) -> (0, 0)>
#map1 = affine_map<(d0, d1) -> (0)>
#map2 = affine_map<(d0, d1) -> (0, 0, 0)>
module attributes {stable_mosaic.version = 14 : i64} {
  func.func @sc_pass(%arg0: i32, %arg1: i32, %arg2: memref<10000x80xf32, #tpu.memory_space<hbm>>, %arg3: memref<10000x16xf32, #tpu.memory_space<hbm>>, %arg4: memref<320000xi32, #tpu.memory_space<hbm>>, %arg5: memref<320000xi32, #tpu.memory_space<hbm>>, %arg6: memref<10000x80xf32, #tpu.memory_space<hbm>>, %arg7: memref<2x10000x80xf32, #tpu.memory_space<hbm>>, %arg8: memref<80xi32, #tpu.memory_space<vmem>>, %arg9: memref<80xi32, #tpu.memory_space<vmem>>, %arg10: memref<80xi32, #tpu.memory_space<vmem>>, %arg11: memref<80xi32, #tpu.memory_space<vmem>>, %arg12: memref<80xi32, #tpu.memory_space<vmem>>, %arg13: memref<80xi32, #tpu.memory_space<vmem>>, %arg14: memref<80x80xf32, #tpu.memory_space<vmem>>, %arg15: memref<80x80xf32, #tpu.memory_space<vmem>>, %arg16: memref<80x16xf32, #tpu.memory_space<vmem>>, %arg17: memref<80x16xf32, #tpu.memory_space<vmem>>, %arg18: memref<80x80xf32, #tpu.memory_space<vmem>>, %arg19: memref<80x80xf32, #tpu.memory_space<vmem>>, %arg20: memref<!tpu.dma_semaphore, #tpu.memory_space<semaphore_mem>>, %arg21: memref<!tpu.dma_semaphore, #tpu.memory_space<semaphore_mem>>, %arg22: memref<!tpu.dma_semaphore, #tpu.memory_space<semaphore_mem>>, %arg23: memref<!tpu.dma_semaphore, #tpu.memory_space<semaphore_mem>>, %arg24: memref<!tpu.dma_semaphore, #tpu.memory_space<semaphore_mem>>, %arg25: memref<!tpu.dma_semaphore, #tpu.memory_space<semaphore_mem>>, %arg26: memref<!tpu.dma_semaphore, #tpu.memory_space<semaphore_mem>>, %arg27: memref<!tpu.dma_semaphore, #tpu.memory_space<semaphore_mem>>, %arg28: memref<10000x80xf32, #tpu.memory_space<vmem_shared>>) attributes {dimension_semantics = [#tpu.dimension_semantics<core_parallel>, #tpu.dimension_semantics<subcore_parallel>], iteration_bounds = array<i64: 2, 16>, scalar_prefetch = 0 : i64, scratch_operands = 21 : i64, tpu.core_type = #tpu.core_type<sc_vector_subcore>, window_params = [{transform_indices = #map}, {transform_indices = #map}, {transform_indices = #map1}, {transform_indices = #map1}, {transform_indices = #map}, {transform_indices = #map2}]} {
    %mul3A = arith.constant 2 : i32
    %mul3A_0 = arith.muli %arg1, %mul3A : i32
    %add3A = arith.addi %mul3A_0, %arg0 : i32
    %mul3A_1 = arith.constant 624 : i32
    %mul3A_2 = arith.muli %arg1, %mul3A_1 : i32
    %mul3A_3 = arith.constant 624 : i32
    %mul3A_4 = arith.muli %arg1, %mul3A_3 : i32
    "tpu.region"() ({
      %run_scoped3A = tpu.sem_alloc : memref<!tpu.dma_semaphore, #tpu.memory_space<semaphore_mem>>
      %dma_start3A_125 = arith.constant 0 : i32
      %dma_start3A_126 = tpu.memref_slice %arg28[%mul3A_4, %dma_start3A_125] : memref<10000x80xf32, #tpu.memory_space<vmem_shared>> -> memref<624x80xf32, #tpu.memory_space<vmem_shared>>
      %dma_start3A_127 = arith.constant 0 : i32
      %dma_start3A_128 = tpu.memref_slice %arg6[%mul3A_2, %dma_start3A_127] : memref<10000x80xf32, #tpu.memory_space<hbm>> -> memref<624x80xf32, #tpu.memory_space<hbm>>
      tpu.enqueue_dma source(%dma_start3A_128 : memref<624x80xf32, #tpu.memory_space<hbm>>) target(%dma_start3A_126 : memref<624x80xf32, #tpu.memory_space<vmem_shared>>) target_semaphore(%run_scoped3A : memref<!tpu.dma_semaphore, #tpu.memory_space<semaphore_mem>>)
      %dma_wait3A_129 = arith.constant 0 : i32
      %dma_wait3A_130 = tpu.memref_slice %arg28[%mul3A_4, %dma_wait3A_129] : memref<10000x80xf32, #tpu.memory_space<vmem_shared>> -> memref<624x80xf32, #tpu.memory_space<vmem_shared>>
      %dma_wait3A_131 = arith.constant 0 : i32
      %dma_wait3A_132 = tpu.memref_slice %arg6[%mul3A_2, %dma_wait3A_131] : memref<10000x80xf32, #tpu.memory_space<hbm>> -> memref<624x80xf32, #tpu.memory_space<hbm>>
      tpu.wait_dma2 semaphore(%run_scoped3A : memref<!tpu.dma_semaphore, #tpu.memory_space<semaphore_mem>>) src(%dma_wait3A_132 : memref<624x80xf32, #tpu.memory_space<hbm>>) dst(%dma_wait3A_130 : memref<624x80xf32, #tpu.memory_space<vmem_shared>>)
      tpu.yield
    }) : () -> ()
    %eq3A = arith.constant 15 : i32
    %eq3A_5 = arith.cmpi eq, %arg1, %eq3A : i32
    %convert_element_type3A = arith.extui %eq3A_5 : i1 to i32
    %cond3A = arith.constant 0 : i32
    %cond3A_6 = arith.cmpi ne, %convert_element_type3A, %cond3A : i32
    scf.if %cond3A_6 {
      "tpu.region"() ({
        %run_scoped3A = tpu.sem_alloc : memref<!tpu.dma_semaphore, #tpu.memory_space<semaphore_mem>>
        %dma_start3A_125 = arith.constant 9984 : i32
        %dma_start3A_126 = arith.constant 0 : i32
        %dma_start3A_127 = tpu.memref_slice %arg28[%dma_start3A_125, %dma_start3A_126] : memref<10000x80xf32, #tpu.memory_space<vmem_shared>> -> memref<16x80xf32, #tpu.memory_space<vmem_shared>>
        %dma_start3A_128 = arith.constant 9984 : i32
        %dma_start3A_129 = arith.constant 0 : i32
        %dma_start3A_130 = tpu.memref_slice %arg6[%dma_start3A_128, %dma_start3A_129] : memref<10000x80xf32, #tpu.memory_space<hbm>> -> memref<16x80xf32, #tpu.memory_space<hbm>>
        tpu.enqueue_dma source(%dma_start3A_130 : memref<16x80xf32, #tpu.memory_space<hbm>>) target(%dma_start3A_127 : memref<16x80xf32, #tpu.memory_space<vmem_shared>>) target_semaphore(%run_scoped3A : memref<!tpu.dma_semaphore, #tpu.memory_space<semaphore_mem>>)
        %dma_wait3A_131 = arith.constant 9984 : i32
        %dma_wait3A_132 = arith.constant 0 : i32
        %dma_wait3A_133 = tpu.memref_slice %arg28[%dma_wait3A_131, %dma_wait3A_132] : memref<10000x80xf32, #tpu.memory_space<vmem_shared>> -> memref<16x80xf32, #tpu.memory_space<vmem_shared>>
        %dma_wait3A_134 = arith.constant 9984 : i32
        %dma_wait3A_135 = arith.constant 0 : i32
        %dma_wait3A_136 = tpu.memref_slice %arg6[%dma_wait3A_134, %dma_wait3A_135] : memref<10000x80xf32, #tpu.memory_space<hbm>> -> memref<16x80xf32, #tpu.memory_space<hbm>>
        tpu.wait_dma2 semaphore(%run_scoped3A : memref<!tpu.dma_semaphore, #tpu.memory_space<semaphore_mem>>) src(%dma_wait3A_136 : memref<16x80xf32, #tpu.memory_space<hbm>>) dst(%dma_wait3A_133 : memref<16x80xf32, #tpu.memory_space<vmem_shared>>)
        tpu.yield
      }) : () -> ()
    } else {
    }
    %barrier3A = arith.constant 0 : index
    tpu.barrier barrier_id(%barrier3A)
    %iota3A = tpu.iota {dimensions = array<i32: 0>} : vector<16xi32>
    %lt3A = arith.constant 4 : i32
    %lt3A_7 = vector.broadcast %lt3A : i32 to vector<16xi32>
    %lt3A_8 = arith.cmpi slt, %iota3A, %lt3A_7 : vector<16xi32>
    %jit3A = arith.constant 1.000000e+00 : f32
    %jit3A_9 = arith.constant 0.000000e+00 : f32
    %broadcast_in_dim3A = vector.broadcast %jit3A : f32 to vector<16xf32>
    %broadcast_in_dim3A_10 = vector.broadcast %jit3A_9 : f32 to vector<16xf32>
    %select_n3A = arith.select %lt3A_8, %broadcast_in_dim3A, %broadcast_in_dim3A_10 : vector<16xi1>, vector<16xf32>
    %mul3A_11 = arith.constant 10000 : i32
    %mul3A_12 = arith.muli %add3A, %mul3A_11 : i32
    %add3A_13 = arith.constant 0 : i32
    %add3A_14 = arith.addi %mul3A_12, %add3A_13 : i32
    %multiple_of3A = tpu.assume_multiple %add3A_14, 8 : i32
    %dma_start3A = tpu.memref_slice %arg4[%multiple_of3A] : memref<320000xi32, #tpu.memory_space<hbm>> -> memref<80xi32, #tpu.memory_space<hbm>>
    %dma_start3A_15 = tpu.memref_slice %arg4[%multiple_of3A] : memref<320000xi32, #tpu.memory_space<hbm>> -> memref<80xi32, #tpu.memory_space<hbm>>
    tpu.enqueue_dma source(%dma_start3A_15 : memref<80xi32, #tpu.memory_space<hbm>>) target(%arg8 : memref<80xi32, #tpu.memory_space<vmem>>) target_semaphore(%arg24 : memref<!tpu.dma_semaphore, #tpu.memory_space<semaphore_mem>>)
    %dma_start3A_16 = tpu.memref_slice %arg5[%multiple_of3A] : memref<320000xi32, #tpu.memory_space<hbm>> -> memref<80xi32, #tpu.memory_space<hbm>>
    %dma_start3A_17 = tpu.memref_slice %arg5[%multiple_of3A] : memref<320000xi32, #tpu.memory_space<hbm>> -> memref<80xi32, #tpu.memory_space<hbm>>
    tpu.enqueue_dma source(%dma_start3A_17 : memref<80xi32, #tpu.memory_space<hbm>>) target(%arg10 : memref<80xi32, #tpu.memory_space<vmem>>) target_semaphore(%arg24 : memref<!tpu.dma_semaphore, #tpu.memory_space<semaphore_mem>>)
    %dma_wait3A = arith.constant 0 : i32
    %dma_wait3A_18 = tpu.memref_slice %arg4[%dma_wait3A] : memref<320000xi32, #tpu.memory_space<hbm>> -> memref<80xi32, #tpu.memory_space<hbm>>
    %dma_wait3A_19 = arith.constant 0 : i32
    %dma_wait3A_20 = tpu.memref_slice %arg4[%dma_wait3A_19] : memref<320000xi32, #tpu.memory_space<hbm>> -> memref<80xi32, #tpu.memory_space<hbm>>
    tpu.wait_dma2 semaphore(%arg24 : memref<!tpu.dma_semaphore, #tpu.memory_space<semaphore_mem>>) src(%dma_wait3A_20 : memref<80xi32, #tpu.memory_space<hbm>>) dst(%arg8 : memref<80xi32, #tpu.memory_space<vmem>>)
    %dma_wait3A_21 = arith.constant 0 : i32
    %dma_wait3A_22 = tpu.memref_slice %arg5[%dma_wait3A_21] : memref<320000xi32, #tpu.memory_space<hbm>> -> memref<80xi32, #tpu.memory_space<hbm>>
    %dma_wait3A_23 = arith.constant 0 : i32
    %dma_wait3A_24 = tpu.memref_slice %arg5[%dma_wait3A_23] : memref<320000xi32, #tpu.memory_space<hbm>> -> memref<80xi32, #tpu.memory_space<hbm>>
    tpu.wait_dma2 semaphore(%arg24 : memref<!tpu.dma_semaphore, #tpu.memory_space<semaphore_mem>>) src(%dma_wait3A_24 : memref<80xi32, #tpu.memory_space<hbm>>) dst(%arg10 : memref<80xi32, #tpu.memory_space<vmem>>)
    %dma_start3A_25 = arith.constant 0 : i32
    %dma_start3A_26 = arith.constant 0 : i32
    %dma_start3A_27 = tpu.memref_slice %arg2[%dma_start3A_25, %dma_start3A_26] : memref<10000x80xf32, #tpu.memory_space<hbm>> -> memref<10000x80xf32, #tpu.memory_space<hbm>>
    tpu.enqueue_indirect_dma source(%dma_start3A_27 : memref<10000x80xf32, #tpu.memory_space<hbm>>) target(%arg14 : memref<80x80xf32, #tpu.memory_space<vmem>>) offsets(%arg8 : memref<80xi32, #tpu.memory_space<vmem>>) semaphore(%arg20 : memref<!tpu.dma_semaphore, #tpu.memory_space<semaphore_mem>>)
    %dma_start3A_28 = arith.constant 0 : i32
    %dma_start3A_29 = arith.constant 0 : i32
    %dma_start3A_30 = tpu.memref_slice %arg3[%dma_start3A_28, %dma_start3A_29] : memref<10000x16xf32, #tpu.memory_space<hbm>> -> memref<10000x16xf32, #tpu.memory_space<hbm>>
    tpu.enqueue_indirect_dma source(%dma_start3A_30 : memref<10000x16xf32, #tpu.memory_space<hbm>>) target(%arg16 : memref<80x16xf32, #tpu.memory_space<vmem>>) offsets(%arg10 : memref<80xi32, #tpu.memory_space<vmem>>) semaphore(%arg22 : memref<!tpu.dma_semaphore, #tpu.memory_space<semaphore_mem>>)
    %mul3A_31 = arith.constant 10000 : i32
    %mul3A_32 = arith.muli %add3A, %mul3A_31 : i32
    %add3A_33 = arith.constant 80 : i32
    %add3A_34 = arith.addi %mul3A_32, %add3A_33 : i32
    %multiple_of3A_35 = tpu.assume_multiple %add3A_34, 8 : i32
    %dma_start3A_36 = tpu.memref_slice %arg4[%multiple_of3A_35] : memref<320000xi32, #tpu.memory_space<hbm>> -> memref<80xi32, #tpu.memory_space<hbm>>
    %dma_start3A_37 = tpu.memref_slice %arg4[%multiple_of3A_35] : memref<320000xi32, #tpu.memory_space<hbm>> -> memref<80xi32, #tpu.memory_space<hbm>>
    tpu.enqueue_dma source(%dma_start3A_37 : memref<80xi32, #tpu.memory_space<hbm>>) target(%arg9 : memref<80xi32, #tpu.memory_space<vmem>>) target_semaphore(%arg25 : memref<!tpu.dma_semaphore, #tpu.memory_space<semaphore_mem>>)
    %dma_start3A_38 = tpu.memref_slice %arg5[%multiple_of3A_35] : memref<320000xi32, #tpu.memory_space<hbm>> -> memref<80xi32, #tpu.memory_space<hbm>>
    %dma_start3A_39 = tpu.memref_slice %arg5[%multiple_of3A_35] : memref<320000xi32, #tpu.memory_space<hbm>> -> memref<80xi32, #tpu.memory_space<hbm>>
    tpu.enqueue_dma source(%dma_start3A_39 : memref<80xi32, #tpu.memory_space<hbm>>) target(%arg11 : memref<80xi32, #tpu.memory_space<vmem>>) target_semaphore(%arg25 : memref<!tpu.dma_semaphore, #tpu.memory_space<semaphore_mem>>)
    %dma_wait3A_40 = arith.constant 0 : i32
    %dma_wait3A_41 = tpu.memref_slice %arg4[%dma_wait3A_40] : memref<320000xi32, #tpu.memory_space<hbm>> -> memref<80xi32, #tpu.memory_space<hbm>>
    %dma_wait3A_42 = arith.constant 0 : i32
    %dma_wait3A_43 = tpu.memref_slice %arg4[%dma_wait3A_42] : memref<320000xi32, #tpu.memory_space<hbm>> -> memref<80xi32, #tpu.memory_space<hbm>>
    tpu.wait_dma2 semaphore(%arg25 : memref<!tpu.dma_semaphore, #tpu.memory_space<semaphore_mem>>) src(%dma_wait3A_43 : memref<80xi32, #tpu.memory_space<hbm>>) dst(%arg9 : memref<80xi32, #tpu.memory_space<vmem>>)
    %dma_wait3A_44 = arith.constant 0 : i32
    %dma_wait3A_45 = tpu.memref_slice %arg5[%dma_wait3A_44] : memref<320000xi32, #tpu.memory_space<hbm>> -> memref<80xi32, #tpu.memory_space<hbm>>
    %dma_wait3A_46 = arith.constant 0 : i32
    %dma_wait3A_47 = tpu.memref_slice %arg5[%dma_wait3A_46] : memref<320000xi32, #tpu.memory_space<hbm>> -> memref<80xi32, #tpu.memory_space<hbm>>
    tpu.wait_dma2 semaphore(%arg25 : memref<!tpu.dma_semaphore, #tpu.memory_space<semaphore_mem>>) src(%dma_wait3A_47 : memref<80xi32, #tpu.memory_space<hbm>>) dst(%arg11 : memref<80xi32, #tpu.memory_space<vmem>>)
    %dma_start3A_48 = arith.constant 0 : i32
    %dma_start3A_49 = arith.constant 0 : i32
    %dma_start3A_50 = tpu.memref_slice %arg2[%dma_start3A_48, %dma_start3A_49] : memref<10000x80xf32, #tpu.memory_space<hbm>> -> memref<10000x80xf32, #tpu.memory_space<hbm>>
    tpu.enqueue_indirect_dma source(%dma_start3A_50 : memref<10000x80xf32, #tpu.memory_space<hbm>>) target(%arg15 : memref<80x80xf32, #tpu.memory_space<vmem>>) offsets(%arg9 : memref<80xi32, #tpu.memory_space<vmem>>) semaphore(%arg21 : memref<!tpu.dma_semaphore, #tpu.memory_space<semaphore_mem>>)
    %dma_start3A_51 = arith.constant 0 : i32
    %dma_start3A_52 = arith.constant 0 : i32
    %dma_start3A_53 = tpu.memref_slice %arg3[%dma_start3A_51, %dma_start3A_52] : memref<10000x16xf32, #tpu.memory_space<hbm>> -> memref<10000x16xf32, #tpu.memory_space<hbm>>
    tpu.enqueue_indirect_dma source(%dma_start3A_53 : memref<10000x16xf32, #tpu.memory_space<hbm>>) target(%arg17 : memref<80x16xf32, #tpu.memory_space<vmem>>) offsets(%arg11 : memref<80xi32, #tpu.memory_space<vmem>>) semaphore(%arg23 : memref<!tpu.dma_semaphore, #tpu.memory_space<semaphore_mem>>)
    %scan3A = arith.constant 0 : i32
    %scan3A_54 = arith.constant 0 : i32
    %scan3A_55 = arith.constant 62 : i32
    %scan3A_56 = arith.addi %scan3A_54, %scan3A_55 : i32
    %scan3A_57 = arith.constant 1 : i32
    %scan3A_58 = scf.for %scan3A_125 = %scan3A_54 to %scan3A_56 step %scan3A_57 iter_args(%scan3A_126 = %scan3A) -> (i32)  : i32 {
      %mul3A_127 = arith.constant 2 : i32
      %mul3A_128 = arith.muli %scan3A_125, %mul3A_127 : i32
      %eq3A_129 = arith.constant 0 : i32
      %eq3A_130 = arith.cmpi eq, %scan3A_125, %eq3A_129 : i32
      %dma_wait3A_131 = arith.constant 0 : i32
      %dma_wait3A_132 = arith.constant 0 : i32
      %dma_wait3A_133 = tpu.memref_slice %arg2[%dma_wait3A_131, %dma_wait3A_132] : memref<10000x80xf32, #tpu.memory_space<hbm>> -> memref<10000x80xf32, #tpu.memory_space<hbm>>
      tpu.wait_indirect_dma semaphore(%arg20 : memref<!tpu.dma_semaphore, #tpu.memory_space<semaphore_mem>>) src(%dma_wait3A_133 : memref<10000x80xf32, #tpu.memory_space<hbm>>) dst(%arg14 : memref<80x80xf32, #tpu.memory_space<vmem>>)
      %dma_wait3A_134 = arith.constant 0 : i32
      %dma_wait3A_135 = arith.constant 0 : i32
      %dma_wait3A_136 = tpu.memref_slice %arg3[%dma_wait3A_134, %dma_wait3A_135] : memref<10000x16xf32, #tpu.memory_space<hbm>> -> memref<10000x16xf32, #tpu.memory_space<hbm>>
      tpu.wait_indirect_dma semaphore(%arg22 : memref<!tpu.dma_semaphore, #tpu.memory_space<semaphore_mem>>) src(%dma_wait3A_136 : memref<10000x16xf32, #tpu.memory_space<hbm>>) dst(%arg16 : memref<80x16xf32, #tpu.memory_space<vmem>>)
      %not3A_137 = arith.constant true
      %not3A_138 = arith.xori %eq3A_130, %not3A_137 : i1
      %convert_element_type3A_139 = arith.extui %not3A_138 : i1 to i32
      %cond3A_140 = arith.constant 0 : i32
      %cond3A_141 = arith.cmpi ne, %convert_element_type3A_139, %cond3A_140 : i32
      scf.if %cond3A_141 {
        %dma_wait3A_268 = arith.constant 0 : i32
        %dma_wait3A_269 = arith.constant 0 : i32
        %dma_wait3A_270 = tpu.memref_slice %arg28[%dma_wait3A_268, %dma_wait3A_269] : memref<10000x80xf32, #tpu.memory_space<vmem_shared>> -> memref<10000x80xf32, #tpu.memory_space<vmem_shared>>
        tpu.wait_indirect_dma semaphore(%arg26 : memref<!tpu.dma_semaphore, #tpu.memory_space<semaphore_mem>>) src(%arg18 : memref<80x80xf32, #tpu.memory_space<vmem>>) dst(%dma_wait3A_270 : memref<10000x80xf32, #tpu.memory_space<vmem_shared>>)
      } else {
      }
      %get3A_142 = arith.constant 0 : index
      %get3A_143 = tpu.vector_load %arg10[%get3A_142] {strides = array<i32>} : memref<80xi32, #tpu.memory_space<vmem>>, vector<16xi32>,
      %get3A_144 = vector.shape_cast %get3A_143 : vector<16xi32> to vector<16xi32>
      %swap3A_145 = arith.constant 0 : index
      %swap3A_146 = tpu.vector_load %arg12[%swap3A_145] {strides = array<i32>} : memref<80xi32, #tpu.memory_space<vmem>>, vector<16xi32>,
      %swap3A_147 = vector.shape_cast %swap3A_146 : vector<16xi32> to vector<16xi32>
      %swap3A_148 = vector.shape_cast %get3A_144 : vector<16xi32> to vector<16xi32>
      tpu.vector_store %arg12[%swap3A_145], %swap3A_148 {strides = array<i32>} : memref<80xi32, #tpu.memory_space<vmem>>, vector<16xi32>,
      %get3A_149 = arith.constant 16 : index
      %get3A_150 = tpu.vector_load %arg10[%get3A_149] {strides = array<i32>} : memref<80xi32, #tpu.memory_space<vmem>>, vector<16xi32>,
      %get3A_151 = vector.shape_cast %get3A_150 : vector<16xi32> to vector<16xi32>
      %swap3A_152 = arith.constant 16 : index
      %swap3A_153 = tpu.vector_load %arg12[%swap3A_152] {strides = array<i32>} : memref<80xi32, #tpu.memory_space<vmem>>, vector<16xi32>,
      %swap3A_154 = vector.shape_cast %swap3A_153 : vector<16xi32> to vector<16xi32>
      %swap3A_155 = vector.shape_cast %get3A_151 : vector<16xi32> to vector<16xi32>
      tpu.vector_store %arg12[%swap3A_152], %swap3A_155 {strides = array<i32>} : memref<80xi32, #tpu.memory_space<vmem>>, vector<16xi32>,
      %get3A_156 = arith.constant 32 : index
      %get3A_157 = tpu.vector_load %arg10[%get3A_156] {strides = array<i32>} : memref<80xi32, #tpu.memory_space<vmem>>, vector<16xi32>,
      %get3A_158 = vector.shape_cast %get3A_157 : vector<16xi32> to vector<16xi32>
      %swap3A_159 = arith.constant 32 : index
      %swap3A_160 = tpu.vector_load %arg12[%swap3A_159] {strides = array<i32>} : memref<80xi32, #tpu.memory_space<vmem>>, vector<16xi32>,
      %swap3A_161 = vector.shape_cast %swap3A_160 : vector<16xi32> to vector<16xi32>
      %swap3A_162 = vector.shape_cast %get3A_158 : vector<16xi32> to vector<16xi32>
      tpu.vector_store %arg12[%swap3A_159], %swap3A_162 {strides = array<i32>} : memref<80xi32, #tpu.memory_space<vmem>>, vector<16xi32>,
      %get3A_163 = arith.constant 48 : index
      %get3A_164 = tpu.vector_load %arg10[%get3A_163] {strides = array<i32>} : memref<80xi32, #tpu.memory_space<vmem>>, vector<16xi32>,
      %get3A_165 = vector.shape_cast %get3A_164 : vector<16xi32> to vector<16xi32>
      %swap3A_166 = arith.constant 48 : index
      %swap3A_167 = tpu.vector_load %arg12[%swap3A_166] {strides = array<i32>} : memref<80xi32, #tpu.memory_space<vmem>>, vector<16xi32>,
      %swap3A_168 = vector.shape_cast %swap3A_167 : vector<16xi32> to vector<16xi32>
      %swap3A_169 = vector.shape_cast %get3A_165 : vector<16xi32> to vector<16xi32>
      tpu.vector_store %arg12[%swap3A_166], %swap3A_169 {strides = array<i32>} : memref<80xi32, #tpu.memory_space<vmem>>, vector<16xi32>,
      %get3A_170 = arith.constant 64 : index
      %get3A_171 = tpu.vector_load %arg10[%get3A_170] {strides = array<i32>} : memref<80xi32, #tpu.memory_space<vmem>>, vector<16xi32>,
      %get3A_172 = vector.shape_cast %get3A_171 : vector<16xi32> to vector<16xi32>
      %swap3A_173 = arith.constant 64 : index
      %swap3A_174 = tpu.vector_load %arg12[%swap3A_173] {strides = array<i32>} : memref<80xi32, #tpu.memory_space<vmem>>, vector<16xi32>,
      %swap3A_175 = vector.shape_cast %swap3A_174 : vector<16xi32> to vector<16xi32>
      %swap3A_176 = vector.shape_cast %get3A_172 : vector<16xi32> to vector<16xi32>
      tpu.vector_store %arg12[%swap3A_173], %swap3A_176 {strides = array<i32>} : memref<80xi32, #tpu.memory_space<vmem>>, vector<16xi32>,
      %add3A_177 = arith.constant 2 : i32
      %add3A_178 = arith.addi %mul3A_128, %add3A_177 : i32
      %lt3A_179 = arith.constant 125 : i32
      %lt3A_180 = arith.cmpi slt, %add3A_178, %lt3A_179 : i32
      %convert_element_type3A_181 = arith.extui %lt3A_180 : i1 to i32
      %cond3A_182 = arith.constant 0 : i32
      %cond3A_183 = arith.cmpi ne, %convert_element_type3A_181, %cond3A_182 : i32
      scf.if %cond3A_183 {
        %add3A_268 = arith.constant 2 : i32
        %add3A_269 = arith.addi %mul3A_128, %add3A_268 : i32
        %mul3A_270 = arith.constant 10000 : i32
        %mul3A_271 = arith.muli %add3A, %mul3A_270 : i32
        %mul3A_272 = arith.constant 80 : i32
        %mul3A_273 = arith.muli %add3A_269, %mul3A_272 : i32
        %add3A_274 = arith.addi %mul3A_271, %mul3A_273 : i32
        %multiple_of3A_275 = tpu.assume_multiple %add3A_274, 8 : i32
        %dma_start3A_276 = tpu.memref_slice %arg4[%multiple_of3A_275] : memref<320000xi32, #tpu.memory_space<hbm>> -> memref<80xi32, #tpu.memory_space<hbm>>
        %dma_start3A_277 = tpu.memref_slice %arg4[%multiple_of3A_275] : memref<320000xi32, #tpu.memory_space<hbm>> -> memref<80xi32, #tpu.memory_space<hbm>>
        tpu.enqueue_dma source(%dma_start3A_277 : memref<80xi32, #tpu.memory_space<hbm>>) target(%arg8 : memref<80xi32, #tpu.memory_space<vmem>>) target_semaphore(%arg24 : memref<!tpu.dma_semaphore, #tpu.memory_space<semaphore_mem>>)
        %dma_start3A_278 = tpu.memref_slice %arg5[%multiple_of3A_275] : memref<320000xi32, #tpu.memory_space<hbm>> -> memref<80xi32, #tpu.memory_space<hbm>>
        %dma_start3A_279 = tpu.memref_slice %arg5[%multiple_of3A_275] : memref<320000xi32, #tpu.memory_space<hbm>> -> memref<80xi32, #tpu.memory_space<hbm>>
        tpu.enqueue_dma source(%dma_start3A_279 : memref<80xi32, #tpu.memory_space<hbm>>) target(%arg10 : memref<80xi32, #tpu.memory_space<vmem>>) target_semaphore(%arg24 : memref<!tpu.dma_semaphore, #tpu.memory_space<semaphore_mem>>)
      } else {
      }
      %parallel_loop3A_184 = arith.constant 0 : i32
      %parallel_loop3A_185 = arith.constant 80 : i32
      %parallel_loop3A_186 = arith.constant 1 : i32
      scf.for %parallel_loop3A_268 = %parallel_loop3A_184 to %parallel_loop3A_185 step %parallel_loop3A_186  : i32 {
        %parallel_loop3A_269 = arith.index_cast %parallel_loop3A_268 : i32 to index
        %parallel_loop3A_270 = arith.constant 64 : index
        %parallel_loop3A_271 = tpu.vector_load %arg14[%parallel_loop3A_269, %parallel_loop3A_270] {strides = array<i32>} : memref<80x80xf32, #tpu.memory_space<vmem>>, vector<1x16xf32>,
        %parallel_loop3A_272 = vector.shape_cast %parallel_loop3A_271 : vector<1x16xf32> to vector<16xf32>
        %parallel_loop3A_273 = arith.index_cast %parallel_loop3A_268 : i32 to index
        %parallel_loop3A_274 = arith.constant 0 : index
        %parallel_loop3A_275 = tpu.vector_load %arg16[%parallel_loop3A_273, %parallel_loop3A_274] {strides = array<i32>} : memref<80x16xf32, #tpu.memory_space<vmem>>, vector<1x16xf32>,
        %parallel_loop3A_276 = vector.shape_cast %parallel_loop3A_275 : vector<1x16xf32> to vector<16xf32>
        %parallel_loop3A_277 = arith.addf %parallel_loop3A_272, %parallel_loop3A_276 : vector<16xf32>
        %parallel_loop3A_278 = arith.constant 2.000000e-01 : f32
        %parallel_loop3A_279 = vector.broadcast %parallel_loop3A_278 : f32 to vector<16xf32>
        %parallel_loop3A_280 = arith.mulf %parallel_loop3A_277, %parallel_loop3A_279 : vector<16xf32>
        %parallel_loop3A_281 = arith.maximumf %parallel_loop3A_277, %parallel_loop3A_280 : vector<16xf32>
        %parallel_loop3A_282 = math.exp %parallel_loop3A_281 : vector<16xf32>
        %parallel_loop3A_283 = arith.mulf %parallel_loop3A_282, %select_n3A : vector<16xf32>
        %parallel_loop3A_284 = arith.index_cast %parallel_loop3A_268 : i32 to index
        %parallel_loop3A_285 = arith.constant 64 : index
        %parallel_loop3A_286 = tpu.vector_load %arg18[%parallel_loop3A_284, %parallel_loop3A_285] {strides = array<i32>} : memref<80x80xf32, #tpu.memory_space<vmem>>, vector<1x16xf32>,
        %parallel_loop3A_287 = vector.shape_cast %parallel_loop3A_286 : vector<1x16xf32> to vector<16xf32>
        %parallel_loop3A_288 = vector.shape_cast %parallel_loop3A_283 : vector<16xf32> to vector<1x16xf32>
        tpu.vector_store %arg18[%parallel_loop3A_284, %parallel_loop3A_285], %parallel_loop3A_288 {strides = array<i32>} : memref<80x80xf32, #tpu.memory_space<vmem>>, vector<1x16xf32>,
        %parallel_loop3A_289 = vector.extract_strided_slice %parallel_loop3A_283 {offsets = [0], sizes = [1], strides = [1]} : vector<16xf32> to vector<1xf32>
        %parallel_loop3A_290 = vector.extract %parallel_loop3A_289[0] : f32 from vector<1xf32>
        %parallel_loop3A_291 = arith.index_cast %parallel_loop3A_268 : i32 to index
        %parallel_loop3A_292 = arith.constant 0 : index
        %parallel_loop3A_293 = tpu.vector_load %arg14[%parallel_loop3A_291, %parallel_loop3A_292] {strides = array<i32>} : memref<80x80xf32, #tpu.memory_space<vmem>>, vector<1x16xf32>,
        %parallel_loop3A_294 = vector.shape_cast %parallel_loop3A_293 : vector<1x16xf32> to vector<16xf32>
        %parallel_loop3A_295 = vector.broadcast %parallel_loop3A_290 : f32 to vector<16xf32>
        %parallel_loop3A_296 = arith.mulf %parallel_loop3A_294, %parallel_loop3A_295 : vector<16xf32>
        %parallel_loop3A_297 = arith.index_cast %parallel_loop3A_268 : i32 to index
        %parallel_loop3A_298 = arith.constant 0 : index
        %parallel_loop3A_299 = tpu.vector_load %arg18[%parallel_loop3A_297, %parallel_loop3A_298] {strides = array<i32>} : memref<80x80xf32, #tpu.memory_space<vmem>>, vector<1x16xf32>,
        %parallel_loop3A_300 = vector.shape_cast %parallel_loop3A_299 : vector<1x16xf32> to vector<16xf32>
        %parallel_loop3A_301 = vector.shape_cast %parallel_loop3A_296 : vector<16xf32> to vector<1x16xf32>
        tpu.vector_store %arg18[%parallel_loop3A_297, %parallel_loop3A_298], %parallel_loop3A_301 {strides = array<i32>} : memref<80x80xf32, #tpu.memory_space<vmem>>, vector<1x16xf32>,
        %parallel_loop3A_302 = vector.extract_strided_slice %parallel_loop3A_283 {offsets = [1], sizes = [1], strides = [1]} : vector<16xf32> to vector<1xf32>
        %parallel_loop3A_303 = vector.extract %parallel_loop3A_302[0] : f32 from vector<1xf32>
        %parallel_loop3A_304 = arith.index_cast %parallel_loop3A_268 : i32 to index
        %parallel_loop3A_305 = arith.constant 16 : index
        %parallel_loop3A_306 = tpu.vector_load %arg14[%parallel_loop3A_304, %parallel_loop3A_305] {strides = array<i32>} : memref<80x80xf32, #tpu.memory_space<vmem>>, vector<1x16xf32>,
        %parallel_loop3A_307 = vector.shape_cast %parallel_loop3A_306 : vector<1x16xf32> to vector<16xf32>
        %parallel_loop3A_308 = vector.broadcast %parallel_loop3A_303 : f32 to vector<16xf32>
        %parallel_loop3A_309 = arith.mulf %parallel_loop3A_307, %parallel_loop3A_308 : vector<16xf32>
        %parallel_loop3A_310 = arith.index_cast %parallel_loop3A_268 : i32 to index
        %parallel_loop3A_311 = arith.constant 16 : index
        %parallel_loop3A_312 = tpu.vector_load %arg18[%parallel_loop3A_310, %parallel_loop3A_311] {strides = array<i32>} : memref<80x80xf32, #tpu.memory_space<vmem>>, vector<1x16xf32>,
        %parallel_loop3A_313 = vector.shape_cast %parallel_loop3A_312 : vector<1x16xf32> to vector<16xf32>
        %parallel_loop3A_314 = vector.shape_cast %parallel_loop3A_309 : vector<16xf32> to vector<1x16xf32>
        tpu.vector_store %arg18[%parallel_loop3A_310, %parallel_loop3A_311], %parallel_loop3A_314 {strides = array<i32>} : memref<80x80xf32, #tpu.memory_space<vmem>>, vector<1x16xf32>,
        %parallel_loop3A_315 = vector.extract_strided_slice %parallel_loop3A_283 {offsets = [2], sizes = [1], strides = [1]} : vector<16xf32> to vector<1xf32>
        %parallel_loop3A_316 = vector.extract %parallel_loop3A_315[0] : f32 from vector<1xf32>
        %parallel_loop3A_317 = arith.index_cast %parallel_loop3A_268 : i32 to index
        %parallel_loop3A_318 = arith.constant 32 : index
        %parallel_loop3A_319 = tpu.vector_load %arg14[%parallel_loop3A_317, %parallel_loop3A_318] {strides = array<i32>} : memref<80x80xf32, #tpu.memory_space<vmem>>, vector<1x16xf32>,
        %parallel_loop3A_320 = vector.shape_cast %parallel_loop3A_319 : vector<1x16xf32> to vector<16xf32>
        %parallel_loop3A_321 = vector.broadcast %parallel_loop3A_316 : f32 to vector<16xf32>
        %parallel_loop3A_322 = arith.mulf %parallel_loop3A_320, %parallel_loop3A_321 : vector<16xf32>
        %parallel_loop3A_323 = arith.index_cast %parallel_loop3A_268 : i32 to index
        %parallel_loop3A_324 = arith.constant 32 : index
        %parallel_loop3A_325 = tpu.vector_load %arg18[%parallel_loop3A_323, %parallel_loop3A_324] {strides = array<i32>} : memref<80x80xf32, #tpu.memory_space<vmem>>, vector<1x16xf32>,
        %parallel_loop3A_326 = vector.shape_cast %parallel_loop3A_325 : vector<1x16xf32> to vector<16xf32>
        %parallel_loop3A_327 = vector.shape_cast %parallel_loop3A_322 : vector<16xf32> to vector<1x16xf32>
        tpu.vector_store %arg18[%parallel_loop3A_323, %parallel_loop3A_324], %parallel_loop3A_327 {strides = array<i32>} : memref<80x80xf32, #tpu.memory_space<vmem>>, vector<1x16xf32>,
        %parallel_loop3A_328 = vector.extract_strided_slice %parallel_loop3A_283 {offsets = [3], sizes = [1], strides = [1]} : vector<16xf32> to vector<1xf32>
        %parallel_loop3A_329 = vector.extract %parallel_loop3A_328[0] : f32 from vector<1xf32>
        %parallel_loop3A_330 = arith.index_cast %parallel_loop3A_268 : i32 to index
        %parallel_loop3A_331 = arith.constant 48 : index
        %parallel_loop3A_332 = tpu.vector_load %arg14[%parallel_loop3A_330, %parallel_loop3A_331] {strides = array<i32>} : memref<80x80xf32, #tpu.memory_space<vmem>>, vector<1x16xf32>,
        %parallel_loop3A_333 = vector.shape_cast %parallel_loop3A_332 : vector<1x16xf32> to vector<16xf32>
        %parallel_loop3A_334 = vector.broadcast %parallel_loop3A_329 : f32 to vector<16xf32>
        %parallel_loop3A_335 = arith.mulf %parallel_loop3A_333, %parallel_loop3A_334 : vector<16xf32>
        %parallel_loop3A_336 = arith.index_cast %parallel_loop3A_268 : i32 to index
        %parallel_loop3A_337 = arith.constant 48 : index
        %parallel_loop3A_338 = tpu.vector_load %arg18[%parallel_loop3A_336, %parallel_loop3A_337] {strides = array<i32>} : memref<80x80xf32, #tpu.memory_space<vmem>>, vector<1x16xf32>,
        %parallel_loop3A_339 = vector.shape_cast %parallel_loop3A_338 : vector<1x16xf32> to vector<16xf32>
        %parallel_loop3A_340 = vector.shape_cast %parallel_loop3A_335 : vector<16xf32> to vector<1x16xf32>
        tpu.vector_store %arg18[%parallel_loop3A_336, %parallel_loop3A_337], %parallel_loop3A_340 {strides = array<i32>} : memref<80x80xf32, #tpu.memory_space<vmem>>, vector<1x16xf32>,
      } {sc.loop_unroll_factor = 8 : i64, sc.parallel_access}
      %dma_start3A_187 = arith.constant 0 : i32
      %dma_start3A_188 = arith.constant 0 : i32
      %dma_start3A_189 = tpu.memref_slice %arg28[%dma_start3A_187, %dma_start3A_188] : memref<10000x80xf32, #tpu.memory_space<vmem_shared>> -> memref<10000x80xf32, #tpu.memory_space<vmem_shared>>
      tpu.enqueue_indirect_dma source(%arg18 : memref<80x80xf32, #tpu.memory_space<vmem>>) target(%dma_start3A_189 : memref<10000x80xf32, #tpu.memory_space<vmem_shared>>) offsets(%arg12 : memref<80xi32, #tpu.memory_space<vmem>>) semaphore(%arg26 : memref<!tpu.dma_semaphore, #tpu.memory_space<semaphore_mem>>) {add = true}
      %add3A_190 = arith.constant 2 : i32
      %add3A_191 = arith.addi %mul3A_128, %add3A_190 : i32
      %lt3A_192 = arith.constant 125 : i32
      %lt3A_193 = arith.cmpi slt, %add3A_191, %lt3A_192 : i32
      %convert_element_type3A_194 = arith.extui %lt3A_193 : i1 to i32
      %cond3A_195 = arith.constant 0 : i32
      %cond3A_196 = arith.cmpi ne, %convert_element_type3A_194, %cond3A_195 : i32
      scf.if %cond3A_196 {
        %dma_wait3A_268 = arith.constant 0 : i32
        %dma_wait3A_269 = tpu.memref_slice %arg4[%dma_wait3A_268] : memref<320000xi32, #tpu.memory_space<hbm>> -> memref<80xi32, #tpu.memory_space<hbm>>
        %dma_wait3A_270 = arith.constant 0 : i32
        %dma_wait3A_271 = tpu.memref_slice %arg4[%dma_wait3A_270] : memref<320000xi32, #tpu.memory_space<hbm>> -> memref<80xi32, #tpu.memory_space<hbm>>
        tpu.wait_dma2 semaphore(%arg24 : memref<!tpu.dma_semaphore, #tpu.memory_space<semaphore_mem>>) src(%dma_wait3A_271 : memref<80xi32, #tpu.memory_space<hbm>>) dst(%arg8 : memref<80xi32, #tpu.memory_space<vmem>>)
        %dma_wait3A_272 = arith.constant 0 : i32
        %dma_wait3A_273 = tpu.memref_slice %arg5[%dma_wait3A_272] : memref<320000xi32, #tpu.memory_space<hbm>> -> memref<80xi32, #tpu.memory_space<hbm>>
        %dma_wait3A_274 = arith.constant 0 : i32
        %dma_wait3A_275 = tpu.memref_slice %arg5[%dma_wait3A_274] : memref<320000xi32, #tpu.memory_space<hbm>> -> memref<80xi32, #tpu.memory_space<hbm>>
        tpu.wait_dma2 semaphore(%arg24 : memref<!tpu.dma_semaphore, #tpu.memory_space<semaphore_mem>>) src(%dma_wait3A_275 : memref<80xi32, #tpu.memory_space<hbm>>) dst(%arg10 : memref<80xi32, #tpu.memory_space<vmem>>)
        %dma_start3A_276 = arith.constant 0 : i32
        %dma_start3A_277 = arith.constant 0 : i32
        %dma_start3A_278 = tpu.memref_slice %arg2[%dma_start3A_276, %dma_start3A_277] : memref<10000x80xf32, #tpu.memory_space<hbm>> -> memref<10000x80xf32, #tpu.memory_space<hbm>>
        tpu.enqueue_indirect_dma source(%dma_start3A_278 : memref<10000x80xf32, #tpu.memory_space<hbm>>) target(%arg14 : memref<80x80xf32, #tpu.memory_space<vmem>>) offsets(%arg8 : memref<80xi32, #tpu.memory_space<vmem>>) semaphore(%arg20 : memref<!tpu.dma_semaphore, #tpu.memory_space<semaphore_mem>>)
        %dma_start3A_279 = arith.constant 0 : i32
        %dma_start3A_280 = arith.constant 0 : i32
        %dma_start3A_281 = tpu.memref_slice %arg3[%dma_start3A_279, %dma_start3A_280] : memref<10000x16xf32, #tpu.memory_space<hbm>> -> memref<10000x16xf32, #tpu.memory_space<hbm>>
        tpu.enqueue_indirect_dma source(%dma_start3A_281 : memref<10000x16xf32, #tpu.memory_space<hbm>>) target(%arg16 : memref<80x16xf32, #tpu.memory_space<vmem>>) offsets(%arg10 : memref<80xi32, #tpu.memory_space<vmem>>) semaphore(%arg22 : memref<!tpu.dma_semaphore, #tpu.memory_space<semaphore_mem>>)
      } else {
      }
      %add3A_197 = arith.constant 1 : i32
      %add3A_198 = arith.addi %mul3A_128, %add3A_197 : i32
      %eq3A_199 = arith.constant 0 : i32
      %eq3A_200 = arith.cmpi eq, %scan3A_125, %eq3A_199 : i32
      %dma_wait3A_201 = arith.constant 0 : i32
      %dma_wait3A_202 = arith.constant 0 : i32
      %dma_wait3A_203 = tpu.memref_slice %arg2[%dma_wait3A_201, %dma_wait3A_202] : memref<10000x80xf32, #tpu.memory_space<hbm>> -> memref<10000x80xf32, #tpu.memory_space<hbm>>
      tpu.wait_indirect_dma semaphore(%arg21 : memref<!tpu.dma_semaphore, #tpu.memory_space<semaphore_mem>>) src(%dma_wait3A_203 : memref<10000x80xf32, #tpu.memory_space<hbm>>) dst(%arg15 : memref<80x80xf32, #tpu.memory_space<vmem>>)
      %dma_wait3A_204 = arith.constant 0 : i32
      %dma_wait3A_205 = arith.constant 0 : i32
      %dma_wait3A_206 = tpu.memref_slice %arg3[%dma_wait3A_204, %dma_wait3A_205] : memref<10000x16xf32, #tpu.memory_space<hbm>> -> memref<10000x16xf32, #tpu.memory_space<hbm>>
      tpu.wait_indirect_dma semaphore(%arg23 : memref<!tpu.dma_semaphore, #tpu.memory_space<semaphore_mem>>) src(%dma_wait3A_206 : memref<10000x16xf32, #tpu.memory_space<hbm>>) dst(%arg17 : memref<80x16xf32, #tpu.memory_space<vmem>>)
      %not3A_207 = arith.constant true
      %not3A_208 = arith.xori %eq3A_200, %not3A_207 : i1
      %convert_element_type3A_209 = arith.extui %not3A_208 : i1 to i32
      %cond3A_210 = arith.constant 0 : i32
      %cond3A_211 = arith.cmpi ne, %convert_element_type3A_209, %cond3A_210 : i32
      scf.if %cond3A_211 {
        %dma_wait3A_268 = arith.constant 0 : i32
        %dma_wait3A_269 = arith.constant 0 : i32
        %dma_wait3A_270 = tpu.memref_slice %arg28[%dma_wait3A_268, %dma_wait3A_269] : memref<10000x80xf32, #tpu.memory_space<vmem_shared>> -> memref<10000x80xf32, #tpu.memory_space<vmem_shared>>
        tpu.wait_indirect_dma semaphore(%arg27 : memref<!tpu.dma_semaphore, #tpu.memory_space<semaphore_mem>>) src(%arg19 : memref<80x80xf32, #tpu.memory_space<vmem>>) dst(%dma_wait3A_270 : memref<10000x80xf32, #tpu.memory_space<vmem_shared>>)
      } else {
      }
      %get3A_212 = arith.constant 0 : index
      %get3A_213 = tpu.vector_load %arg11[%get3A_212] {strides = array<i32>} : memref<80xi32, #tpu.memory_space<vmem>>, vector<16xi32>,
      %get3A_214 = vector.shape_cast %get3A_213 : vector<16xi32> to vector<16xi32>
      %swap3A_215 = arith.constant 0 : index
      %swap3A_216 = tpu.vector_load %arg13[%swap3A_215] {strides = array<i32>} : memref<80xi32, #tpu.memory_space<vmem>>, vector<16xi32>,
      %swap3A_217 = vector.shape_cast %swap3A_216 : vector<16xi32> to vector<16xi32>
      %swap3A_218 = vector.shape_cast %get3A_214 : vector<16xi32> to vector<16xi32>
      tpu.vector_store %arg13[%swap3A_215], %swap3A_218 {strides = array<i32>} : memref<80xi32, #tpu.memory_space<vmem>>, vector<16xi32>,
      %get3A_219 = arith.constant 16 : index
      %get3A_220 = tpu.vector_load %arg11[%get3A_219] {strides = array<i32>} : memref<80xi32, #tpu.memory_space<vmem>>, vector<16xi32>,
      %get3A_221 = vector.shape_cast %get3A_220 : vector<16xi32> to vector<16xi32>
      %swap3A_222 = arith.constant 16 : index
      %swap3A_223 = tpu.vector_load %arg13[%swap3A_222] {strides = array<i32>} : memref<80xi32, #tpu.memory_space<vmem>>, vector<16xi32>,
      %swap3A_224 = vector.shape_cast %swap3A_223 : vector<16xi32> to vector<16xi32>
      %swap3A_225 = vector.shape_cast %get3A_221 : vector<16xi32> to vector<16xi32>
      tpu.vector_store %arg13[%swap3A_222], %swap3A_225 {strides = array<i32>} : memref<80xi32, #tpu.memory_space<vmem>>, vector<16xi32>,
      %get3A_226 = arith.constant 32 : index
      %get3A_227 = tpu.vector_load %arg11[%get3A_226] {strides = array<i32>} : memref<80xi32, #tpu.memory_space<vmem>>, vector<16xi32>,
      %get3A_228 = vector.shape_cast %get3A_227 : vector<16xi32> to vector<16xi32>
      %swap3A_229 = arith.constant 32 : index
      %swap3A_230 = tpu.vector_load %arg13[%swap3A_229] {strides = array<i32>} : memref<80xi32, #tpu.memory_space<vmem>>, vector<16xi32>,
      %swap3A_231 = vector.shape_cast %swap3A_230 : vector<16xi32> to vector<16xi32>
      %swap3A_232 = vector.shape_cast %get3A_228 : vector<16xi32> to vector<16xi32>
      tpu.vector_store %arg13[%swap3A_229], %swap3A_232 {strides = array<i32>} : memref<80xi32, #tpu.memory_space<vmem>>, vector<16xi32>,
      %get3A_233 = arith.constant 48 : index
      %get3A_234 = tpu.vector_load %arg11[%get3A_233] {strides = array<i32>} : memref<80xi32, #tpu.memory_space<vmem>>, vector<16xi32>,
      %get3A_235 = vector.shape_cast %get3A_234 : vector<16xi32> to vector<16xi32>
      %swap3A_236 = arith.constant 48 : index
      %swap3A_237 = tpu.vector_load %arg13[%swap3A_236] {strides = array<i32>} : memref<80xi32, #tpu.memory_space<vmem>>, vector<16xi32>,
      %swap3A_238 = vector.shape_cast %swap3A_237 : vector<16xi32> to vector<16xi32>
      %swap3A_239 = vector.shape_cast %get3A_235 : vector<16xi32> to vector<16xi32>
      tpu.vector_store %arg13[%swap3A_236], %swap3A_239 {strides = array<i32>} : memref<80xi32, #tpu.memory_space<vmem>>, vector<16xi32>,
      %get3A_240 = arith.constant 64 : index
      %get3A_241 = tpu.vector_load %arg11[%get3A_240] {strides = array<i32>} : memref<80xi32, #tpu.memory_space<vmem>>, vector<16xi32>,
      %get3A_242 = vector.shape_cast %get3A_241 : vector<16xi32> to vector<16xi32>
      %swap3A_243 = arith.constant 64 : index
      %swap3A_244 = tpu.vector_load %arg13[%swap3A_243] {strides = array<i32>} : memref<80xi32, #tpu.memory_space<vmem>>, vector<16xi32>,
      %swap3A_245 = vector.shape_cast %swap3A_244 : vector<16xi32> to vector<16xi32>
      %swap3A_246 = vector.shape_cast %get3A_242 : vector<16xi32> to vector<16xi32>
      tpu.vector_store %arg13[%swap3A_243], %swap3A_246 {strides = array<i32>} : memref<80xi32, #tpu.memory_space<vmem>>, vector<16xi32>,
      %add3A_247 = arith.constant 2 : i32
      %add3A_248 = arith.addi %add3A_198, %add3A_247 : i32
      %lt3A_249 = arith.constant 125 : i32
      %lt3A_250 = arith.cmpi slt, %add3A_248, %lt3A_249 : i32
      %convert_element_type3A_251 = arith.extui %lt3A_250 : i1 to i32
      %cond3A_252 = arith.constant 0 : i32
      %cond3A_253 = arith.cmpi ne, %convert_element_type3A_251, %cond3A_252 : i32
      scf.if %cond3A_253 {
        %add3A_268 = arith.constant 2 : i32
        %add3A_269 = arith.addi %add3A_198, %add3A_268 : i32
        %mul3A_270 = arith.constant 10000 : i32
        %mul3A_271 = arith.muli %add3A, %mul3A_270 : i32
        %mul3A_272 = arith.constant 80 : i32
        %mul3A_273 = arith.muli %add3A_269, %mul3A_272 : i32
        %add3A_274 = arith.addi %mul3A_271, %mul3A_273 : i32
        %multiple_of3A_275 = tpu.assume_multiple %add3A_274, 8 : i32
        %dma_start3A_276 = tpu.memref_slice %arg4[%multiple_of3A_275] : memref<320000xi32, #tpu.memory_space<hbm>> -> memref<80xi32, #tpu.memory_space<hbm>>
        %dma_start3A_277 = tpu.memref_slice %arg4[%multiple_of3A_275] : memref<320000xi32, #tpu.memory_space<hbm>> -> memref<80xi32, #tpu.memory_space<hbm>>
        tpu.enqueue_dma source(%dma_start3A_277 : memref<80xi32, #tpu.memory_space<hbm>>) target(%arg9 : memref<80xi32, #tpu.memory_space<vmem>>) target_semaphore(%arg25 : memref<!tpu.dma_semaphore, #tpu.memory_space<semaphore_mem>>)
        %dma_start3A_278 = tpu.memref_slice %arg5[%multiple_of3A_275] : memref<320000xi32, #tpu.memory_space<hbm>> -> memref<80xi32, #tpu.memory_space<hbm>>
        %dma_start3A_279 = tpu.memref_slice %arg5[%multiple_of3A_275] : memref<320000xi32, #tpu.memory_space<hbm>> -> memref<80xi32, #tpu.memory_space<hbm>>
        tpu.enqueue_dma source(%dma_start3A_279 : memref<80xi32, #tpu.memory_space<hbm>>) target(%arg11 : memref<80xi32, #tpu.memory_space<vmem>>) target_semaphore(%arg25 : memref<!tpu.dma_semaphore, #tpu.memory_space<semaphore_mem>>)
      } else {
      }
      %parallel_loop3A_254 = arith.constant 0 : i32
      %parallel_loop3A_255 = arith.constant 80 : i32
      %parallel_loop3A_256 = arith.constant 1 : i32
      scf.for %parallel_loop3A_268 = %parallel_loop3A_254 to %parallel_loop3A_255 step %parallel_loop3A_256  : i32 {
        %parallel_loop3A_269 = arith.index_cast %parallel_loop3A_268 : i32 to index
        %parallel_loop3A_270 = arith.constant 64 : index
        %parallel_loop3A_271 = tpu.vector_load %arg15[%parallel_loop3A_269, %parallel_loop3A_270] {strides = array<i32>} : memref<80x80xf32, #tpu.memory_space<vmem>>, vector<1x16xf32>,
        %parallel_loop3A_272 = vector.shape_cast %parallel_loop3A_271 : vector<1x16xf32> to vector<16xf32>
        %parallel_loop3A_273 = arith.index_cast %parallel_loop3A_268 : i32 to index
        %parallel_loop3A_274 = arith.constant 0 : index
        %parallel_loop3A_275 = tpu.vector_load %arg17[%parallel_loop3A_273, %parallel_loop3A_274] {strides = array<i32>} : memref<80x16xf32, #tpu.memory_space<vmem>>, vector<1x16xf32>,
        %parallel_loop3A_276 = vector.shape_cast %parallel_loop3A_275 : vector<1x16xf32> to vector<16xf32>
        %parallel_loop3A_277 = arith.addf %parallel_loop3A_272, %parallel_loop3A_276 : vector<16xf32>
        %parallel_loop3A_278 = arith.constant 2.000000e-01 : f32
        %parallel_loop3A_279 = vector.broadcast %parallel_loop3A_278 : f32 to vector<16xf32>
        %parallel_loop3A_280 = arith.mulf %parallel_loop3A_277, %parallel_loop3A_279 : vector<16xf32>
        %parallel_loop3A_281 = arith.maximumf %parallel_loop3A_277, %parallel_loop3A_280 : vector<16xf32>
        %parallel_loop3A_282 = math.exp %parallel_loop3A_281 : vector<16xf32>
        %parallel_loop3A_283 = arith.mulf %parallel_loop3A_282, %select_n3A : vector<16xf32>
        %parallel_loop3A_284 = arith.index_cast %parallel_loop3A_268 : i32 to index
        %parallel_loop3A_285 = arith.constant 64 : index
        %parallel_loop3A_286 = tpu.vector_load %arg19[%parallel_loop3A_284, %parallel_loop3A_285] {strides = array<i32>} : memref<80x80xf32, #tpu.memory_space<vmem>>, vector<1x16xf32>,
        %parallel_loop3A_287 = vector.shape_cast %parallel_loop3A_286 : vector<1x16xf32> to vector<16xf32>
        %parallel_loop3A_288 = vector.shape_cast %parallel_loop3A_283 : vector<16xf32> to vector<1x16xf32>
        tpu.vector_store %arg19[%parallel_loop3A_284, %parallel_loop3A_285], %parallel_loop3A_288 {strides = array<i32>} : memref<80x80xf32, #tpu.memory_space<vmem>>, vector<1x16xf32>,
        %parallel_loop3A_289 = vector.extract_strided_slice %parallel_loop3A_283 {offsets = [0], sizes = [1], strides = [1]} : vector<16xf32> to vector<1xf32>
        %parallel_loop3A_290 = vector.extract %parallel_loop3A_289[0] : f32 from vector<1xf32>
        %parallel_loop3A_291 = arith.index_cast %parallel_loop3A_268 : i32 to index
        %parallel_loop3A_292 = arith.constant 0 : index
        %parallel_loop3A_293 = tpu.vector_load %arg15[%parallel_loop3A_291, %parallel_loop3A_292] {strides = array<i32>} : memref<80x80xf32, #tpu.memory_space<vmem>>, vector<1x16xf32>,
        %parallel_loop3A_294 = vector.shape_cast %parallel_loop3A_293 : vector<1x16xf32> to vector<16xf32>
        %parallel_loop3A_295 = vector.broadcast %parallel_loop3A_290 : f32 to vector<16xf32>
        %parallel_loop3A_296 = arith.mulf %parallel_loop3A_294, %parallel_loop3A_295 : vector<16xf32>
        %parallel_loop3A_297 = arith.index_cast %parallel_loop3A_268 : i32 to index
        %parallel_loop3A_298 = arith.constant 0 : index
        %parallel_loop3A_299 = tpu.vector_load %arg19[%parallel_loop3A_297, %parallel_loop3A_298] {strides = array<i32>} : memref<80x80xf32, #tpu.memory_space<vmem>>, vector<1x16xf32>,
        %parallel_loop3A_300 = vector.shape_cast %parallel_loop3A_299 : vector<1x16xf32> to vector<16xf32>
        %parallel_loop3A_301 = vector.shape_cast %parallel_loop3A_296 : vector<16xf32> to vector<1x16xf32>
        tpu.vector_store %arg19[%parallel_loop3A_297, %parallel_loop3A_298], %parallel_loop3A_301 {strides = array<i32>} : memref<80x80xf32, #tpu.memory_space<vmem>>, vector<1x16xf32>,
        %parallel_loop3A_302 = vector.extract_strided_slice %parallel_loop3A_283 {offsets = [1], sizes = [1], strides = [1]} : vector<16xf32> to vector<1xf32>
        %parallel_loop3A_303 = vector.extract %parallel_loop3A_302[0] : f32 from vector<1xf32>
        %parallel_loop3A_304 = arith.index_cast %parallel_loop3A_268 : i32 to index
        %parallel_loop3A_305 = arith.constant 16 : index
        %parallel_loop3A_306 = tpu.vector_load %arg15[%parallel_loop3A_304, %parallel_loop3A_305] {strides = array<i32>} : memref<80x80xf32, #tpu.memory_space<vmem>>, vector<1x16xf32>,
        %parallel_loop3A_307 = vector.shape_cast %parallel_loop3A_306 : vector<1x16xf32> to vector<16xf32>
        %parallel_loop3A_308 = vector.broadcast %parallel_loop3A_303 : f32 to vector<16xf32>
        %parallel_loop3A_309 = arith.mulf %parallel_loop3A_307, %parallel_loop3A_308 : vector<16xf32>
        %parallel_loop3A_310 = arith.index_cast %parallel_loop3A_268 : i32 to index
        %parallel_loop3A_311 = arith.constant 16 : index
        %parallel_loop3A_312 = tpu.vector_load %arg19[%parallel_loop3A_310, %parallel_loop3A_311] {strides = array<i32>} : memref<80x80xf32, #tpu.memory_space<vmem>>, vector<1x16xf32>,
        %parallel_loop3A_313 = vector.shape_cast %parallel_loop3A_312 : vector<1x16xf32> to vector<16xf32>
        %parallel_loop3A_314 = vector.shape_cast %parallel_loop3A_309 : vector<16xf32> to vector<1x16xf32>
        tpu.vector_store %arg19[%parallel_loop3A_310, %parallel_loop3A_311], %parallel_loop3A_314 {strides = array<i32>} : memref<80x80xf32, #tpu.memory_space<vmem>>, vector<1x16xf32>,
        %parallel_loop3A_315 = vector.extract_strided_slice %parallel_loop3A_283 {offsets = [2], sizes = [1], strides = [1]} : vector<16xf32> to vector<1xf32>
        %parallel_loop3A_316 = vector.extract %parallel_loop3A_315[0] : f32 from vector<1xf32>
        %parallel_loop3A_317 = arith.index_cast %parallel_loop3A_268 : i32 to index
        %parallel_loop3A_318 = arith.constant 32 : index
        %parallel_loop3A_319 = tpu.vector_load %arg15[%parallel_loop3A_317, %parallel_loop3A_318] {strides = array<i32>} : memref<80x80xf32, #tpu.memory_space<vmem>>, vector<1x16xf32>,
        %parallel_loop3A_320 = vector.shape_cast %parallel_loop3A_319 : vector<1x16xf32> to vector<16xf32>
        %parallel_loop3A_321 = vector.broadcast %parallel_loop3A_316 : f32 to vector<16xf32>
        %parallel_loop3A_322 = arith.mulf %parallel_loop3A_320, %parallel_loop3A_321 : vector<16xf32>
        %parallel_loop3A_323 = arith.index_cast %parallel_loop3A_268 : i32 to index
        %parallel_loop3A_324 = arith.constant 32 : index
        %parallel_loop3A_325 = tpu.vector_load %arg19[%parallel_loop3A_323, %parallel_loop3A_324] {strides = array<i32>} : memref<80x80xf32, #tpu.memory_space<vmem>>, vector<1x16xf32>,
        %parallel_loop3A_326 = vector.shape_cast %parallel_loop3A_325 : vector<1x16xf32> to vector<16xf32>
        %parallel_loop3A_327 = vector.shape_cast %parallel_loop3A_322 : vector<16xf32> to vector<1x16xf32>
        tpu.vector_store %arg19[%parallel_loop3A_323, %parallel_loop3A_324], %parallel_loop3A_327 {strides = array<i32>} : memref<80x80xf32, #tpu.memory_space<vmem>>, vector<1x16xf32>,
        %parallel_loop3A_328 = vector.extract_strided_slice %parallel_loop3A_283 {offsets = [3], sizes = [1], strides = [1]} : vector<16xf32> to vector<1xf32>
        %parallel_loop3A_329 = vector.extract %parallel_loop3A_328[0] : f32 from vector<1xf32>
        %parallel_loop3A_330 = arith.index_cast %parallel_loop3A_268 : i32 to index
        %parallel_loop3A_331 = arith.constant 48 : index
        %parallel_loop3A_332 = tpu.vector_load %arg15[%parallel_loop3A_330, %parallel_loop3A_331] {strides = array<i32>} : memref<80x80xf32, #tpu.memory_space<vmem>>, vector<1x16xf32>,
        %parallel_loop3A_333 = vector.shape_cast %parallel_loop3A_332 : vector<1x16xf32> to vector<16xf32>
        %parallel_loop3A_334 = vector.broadcast %parallel_loop3A_329 : f32 to vector<16xf32>
        %parallel_loop3A_335 = arith.mulf %parallel_loop3A_333, %parallel_loop3A_334 : vector<16xf32>
        %parallel_loop3A_336 = arith.index_cast %parallel_loop3A_268 : i32 to index
        %parallel_loop3A_337 = arith.constant 48 : index
        %parallel_loop3A_338 = tpu.vector_load %arg19[%parallel_loop3A_336, %parallel_loop3A_337] {strides = array<i32>} : memref<80x80xf32, #tpu.memory_space<vmem>>, vector<1x16xf32>,
        %parallel_loop3A_339 = vector.shape_cast %parallel_loop3A_338 : vector<1x16xf32> to vector<16xf32>
        %parallel_loop3A_340 = vector.shape_cast %parallel_loop3A_335 : vector<16xf32> to vector<1x16xf32>
        tpu.vector_store %arg19[%parallel_loop3A_336, %parallel_loop3A_337], %parallel_loop3A_340 {strides = array<i32>} : memref<80x80xf32, #tpu.memory_space<vmem>>, vector<1x16xf32>,
      } {sc.loop_unroll_factor = 8 : i64, sc.parallel_access}
      %dma_start3A_257 = arith.constant 0 : i32
      %dma_start3A_258 = arith.constant 0 : i32
      %dma_start3A_259 = tpu.memref_slice %arg28[%dma_start3A_257, %dma_start3A_258] : memref<10000x80xf32, #tpu.memory_space<vmem_shared>> -> memref<10000x80xf32, #tpu.memory_space<vmem_shared>>
      tpu.enqueue_indirect_dma source(%arg19 : memref<80x80xf32, #tpu.memory_space<vmem>>) target(%dma_start3A_259 : memref<10000x80xf32, #tpu.memory_space<vmem_shared>>) offsets(%arg13 : memref<80xi32, #tpu.memory_space<vmem>>) semaphore(%arg27 : memref<!tpu.dma_semaphore, #tpu.memory_space<semaphore_mem>>) {add = true}
      %add3A_260 = arith.constant 2 : i32
      %add3A_261 = arith.addi %add3A_198, %add3A_260 : i32
      %lt3A_262 = arith.constant 125 : i32
      %lt3A_263 = arith.cmpi slt, %add3A_261, %lt3A_262 : i32
      %convert_element_type3A_264 = arith.extui %lt3A_263 : i1 to i32
      %cond3A_265 = arith.constant 0 : i32
      %cond3A_266 = arith.cmpi ne, %convert_element_type3A_264, %cond3A_265 : i32
      scf.if %cond3A_266 {
        %dma_wait3A_268 = arith.constant 0 : i32
        %dma_wait3A_269 = tpu.memref_slice %arg4[%dma_wait3A_268] : memref<320000xi32, #tpu.memory_space<hbm>> -> memref<80xi32, #tpu.memory_space<hbm>>
        %dma_wait3A_270 = arith.constant 0 : i32
        %dma_wait3A_271 = tpu.memref_slice %arg4[%dma_wait3A_270] : memref<320000xi32, #tpu.memory_space<hbm>> -> memref<80xi32, #tpu.memory_space<hbm>>
        tpu.wait_dma2 semaphore(%arg25 : memref<!tpu.dma_semaphore, #tpu.memory_space<semaphore_mem>>) src(%dma_wait3A_271 : memref<80xi32, #tpu.memory_space<hbm>>) dst(%arg9 : memref<80xi32, #tpu.memory_space<vmem>>)
        %dma_wait3A_272 = arith.constant 0 : i32
        %dma_wait3A_273 = tpu.memref_slice %arg5[%dma_wait3A_272] : memref<320000xi32, #tpu.memory_space<hbm>> -> memref<80xi32, #tpu.memory_space<hbm>>
        %dma_wait3A_274 = arith.constant 0 : i32
        %dma_wait3A_275 = tpu.memref_slice %arg5[%dma_wait3A_274] : memref<320000xi32, #tpu.memory_space<hbm>> -> memref<80xi32, #tpu.memory_space<hbm>>
        tpu.wait_dma2 semaphore(%arg25 : memref<!tpu.dma_semaphore, #tpu.memory_space<semaphore_mem>>) src(%dma_wait3A_275 : memref<80xi32, #tpu.memory_space<hbm>>) dst(%arg11 : memref<80xi32, #tpu.memory_space<vmem>>)
        %dma_start3A_276 = arith.constant 0 : i32
        %dma_start3A_277 = arith.constant 0 : i32
        %dma_start3A_278 = tpu.memref_slice %arg2[%dma_start3A_276, %dma_start3A_277] : memref<10000x80xf32, #tpu.memory_space<hbm>> -> memref<10000x80xf32, #tpu.memory_space<hbm>>
        tpu.enqueue_indirect_dma source(%dma_start3A_278 : memref<10000x80xf32, #tpu.memory_space<hbm>>) target(%arg15 : memref<80x80xf32, #tpu.memory_space<vmem>>) offsets(%arg9 : memref<80xi32, #tpu.memory_space<vmem>>) semaphore(%arg21 : memref<!tpu.dma_semaphore, #tpu.memory_space<semaphore_mem>>)
        %dma_start3A_279 = arith.constant 0 : i32
        %dma_start3A_280 = arith.constant 0 : i32
        %dma_start3A_281 = tpu.memref_slice %arg3[%dma_start3A_279, %dma_start3A_280] : memref<10000x16xf32, #tpu.memory_space<hbm>> -> memref<10000x16xf32, #tpu.memory_space<hbm>>
        tpu.enqueue_indirect_dma source(%dma_start3A_281 : memref<10000x16xf32, #tpu.memory_space<hbm>>) target(%arg17 : memref<80x16xf32, #tpu.memory_space<vmem>>) offsets(%arg11 : memref<80xi32, #tpu.memory_space<vmem>>) semaphore(%arg23 : memref<!tpu.dma_semaphore, #tpu.memory_space<semaphore_mem>>)
      } else {
      }
      %scan3A_267 = arith.constant 0 : i32
      scf.yield %scan3A_267 : i32
    }
    %scan3A_59 = arith.constant 62 : i32
    %dma_wait3A_60 = arith.constant 0 : i32
    %dma_wait3A_61 = arith.constant 0 : i32
    %dma_wait3A_62 = tpu.memref_slice %arg2[%dma_wait3A_60, %dma_wait3A_61] : memref<10000x80xf32, #tpu.memory_space<hbm>> -> memref<10000x80xf32, #tpu.memory_space<hbm>>
    tpu.wait_indirect_dma semaphore(%arg20 : memref<!tpu.dma_semaphore, #tpu.memory_space<semaphore_mem>>) src(%dma_wait3A_62 : memref<10000x80xf32, #tpu.memory_space<hbm>>) dst(%arg14 : memref<80x80xf32, #tpu.memory_space<vmem>>)
    %dma_wait3A_63 = arith.constant 0 : i32
    %dma_wait3A_64 = arith.constant 0 : i32
    %dma_wait3A_65 = tpu.memref_slice %arg3[%dma_wait3A_63, %dma_wait3A_64] : memref<10000x16xf32, #tpu.memory_space<hbm>> -> memref<10000x16xf32, #tpu.memory_space<hbm>>
    tpu.wait_indirect_dma semaphore(%arg22 : memref<!tpu.dma_semaphore, #tpu.memory_space<semaphore_mem>>) src(%dma_wait3A_65 : memref<10000x16xf32, #tpu.memory_space<hbm>>) dst(%arg16 : memref<80x16xf32, #tpu.memory_space<vmem>>)
    %not3A = arith.constant false
    %not3A_66 = arith.constant true
    %not3A_67 = arith.xori %not3A, %not3A_66 : i1
    %convert_element_type3A_68 = arith.extui %not3A_67 : i1 to i32
    %cond3A_69 = arith.constant 0 : i32
    %cond3A_70 = arith.cmpi ne, %convert_element_type3A_68, %cond3A_69 : i32
    scf.if %cond3A_70 {
      %dma_wait3A_125 = arith.constant 0 : i32
      %dma_wait3A_126 = arith.constant 0 : i32
      %dma_wait3A_127 = tpu.memref_slice %arg28[%dma_wait3A_125, %dma_wait3A_126] : memref<10000x80xf32, #tpu.memory_space<vmem_shared>> -> memref<10000x80xf32, #tpu.memory_space<vmem_shared>>
      tpu.wait_indirect_dma semaphore(%arg26 : memref<!tpu.dma_semaphore, #tpu.memory_space<semaphore_mem>>) src(%arg18 : memref<80x80xf32, #tpu.memory_space<vmem>>) dst(%dma_wait3A_127 : memref<10000x80xf32, #tpu.memory_space<vmem_shared>>)
    } else {
    }
    %get3A = arith.constant 0 : index
    %get3A_71 = tpu.vector_load %arg10[%get3A] {strides = array<i32>} : memref<80xi32, #tpu.memory_space<vmem>>, vector<16xi32>,
    %get3A_72 = vector.shape_cast %get3A_71 : vector<16xi32> to vector<16xi32>
    %swap3A = arith.constant 0 : index
    %swap3A_73 = tpu.vector_load %arg12[%swap3A] {strides = array<i32>} : memref<80xi32, #tpu.memory_space<vmem>>, vector<16xi32>,
    %swap3A_74 = vector.shape_cast %swap3A_73 : vector<16xi32> to vector<16xi32>
    %swap3A_75 = vector.shape_cast %get3A_72 : vector<16xi32> to vector<16xi32>
    tpu.vector_store %arg12[%swap3A], %swap3A_75 {strides = array<i32>} : memref<80xi32, #tpu.memory_space<vmem>>, vector<16xi32>,
    %get3A_76 = arith.constant 16 : index
    %get3A_77 = tpu.vector_load %arg10[%get3A_76] {strides = array<i32>} : memref<80xi32, #tpu.memory_space<vmem>>, vector<16xi32>,
    %get3A_78 = vector.shape_cast %get3A_77 : vector<16xi32> to vector<16xi32>
    %swap3A_79 = arith.constant 16 : index
    %swap3A_80 = tpu.vector_load %arg12[%swap3A_79] {strides = array<i32>} : memref<80xi32, #tpu.memory_space<vmem>>, vector<16xi32>,
    %swap3A_81 = vector.shape_cast %swap3A_80 : vector<16xi32> to vector<16xi32>
    %swap3A_82 = vector.shape_cast %get3A_78 : vector<16xi32> to vector<16xi32>
    tpu.vector_store %arg12[%swap3A_79], %swap3A_82 {strides = array<i32>} : memref<80xi32, #tpu.memory_space<vmem>>, vector<16xi32>,
    %get3A_83 = arith.constant 32 : index
    %get3A_84 = tpu.vector_load %arg10[%get3A_83] {strides = array<i32>} : memref<80xi32, #tpu.memory_space<vmem>>, vector<16xi32>,
    %get3A_85 = vector.shape_cast %get3A_84 : vector<16xi32> to vector<16xi32>
    %swap3A_86 = arith.constant 32 : index
    %swap3A_87 = tpu.vector_load %arg12[%swap3A_86] {strides = array<i32>} : memref<80xi32, #tpu.memory_space<vmem>>, vector<16xi32>,
    %swap3A_88 = vector.shape_cast %swap3A_87 : vector<16xi32> to vector<16xi32>
    %swap3A_89 = vector.shape_cast %get3A_85 : vector<16xi32> to vector<16xi32>
    tpu.vector_store %arg12[%swap3A_86], %swap3A_89 {strides = array<i32>} : memref<80xi32, #tpu.memory_space<vmem>>, vector<16xi32>,
    %get3A_90 = arith.constant 48 : index
    %get3A_91 = tpu.vector_load %arg10[%get3A_90] {strides = array<i32>} : memref<80xi32, #tpu.memory_space<vmem>>, vector<16xi32>,
    %get3A_92 = vector.shape_cast %get3A_91 : vector<16xi32> to vector<16xi32>
    %swap3A_93 = arith.constant 48 : index
    %swap3A_94 = tpu.vector_load %arg12[%swap3A_93] {strides = array<i32>} : memref<80xi32, #tpu.memory_space<vmem>>, vector<16xi32>,
    %swap3A_95 = vector.shape_cast %swap3A_94 : vector<16xi32> to vector<16xi32>
    %swap3A_96 = vector.shape_cast %get3A_92 : vector<16xi32> to vector<16xi32>
    tpu.vector_store %arg12[%swap3A_93], %swap3A_96 {strides = array<i32>} : memref<80xi32, #tpu.memory_space<vmem>>, vector<16xi32>,
    %get3A_97 = arith.constant 64 : index
    %get3A_98 = tpu.vector_load %arg10[%get3A_97] {strides = array<i32>} : memref<80xi32, #tpu.memory_space<vmem>>, vector<16xi32>,
    %get3A_99 = vector.shape_cast %get3A_98 : vector<16xi32> to vector<16xi32>
    %swap3A_100 = arith.constant 64 : index
    %swap3A_101 = tpu.vector_load %arg12[%swap3A_100] {strides = array<i32>} : memref<80xi32, #tpu.memory_space<vmem>>, vector<16xi32>,
    %swap3A_102 = vector.shape_cast %swap3A_101 : vector<16xi32> to vector<16xi32>
    %swap3A_103 = vector.shape_cast %get3A_99 : vector<16xi32> to vector<16xi32>
    tpu.vector_store %arg12[%swap3A_100], %swap3A_103 {strides = array<i32>} : memref<80xi32, #tpu.memory_space<vmem>>, vector<16xi32>,
    %parallel_loop3A = arith.constant 0 : i32
    %parallel_loop3A_104 = arith.constant 80 : i32
    %parallel_loop3A_105 = arith.constant 1 : i32
    scf.for %parallel_loop3A_125 = %parallel_loop3A to %parallel_loop3A_104 step %parallel_loop3A_105  : i32 {
      %parallel_loop3A_126 = arith.index_cast %parallel_loop3A_125 : i32 to index
      %parallel_loop3A_127 = arith.constant 64 : index
      %parallel_loop3A_128 = tpu.vector_load %arg14[%parallel_loop3A_126, %parallel_loop3A_127] {strides = array<i32>} : memref<80x80xf32, #tpu.memory_space<vmem>>, vector<1x16xf32>,
      %parallel_loop3A_129 = vector.shape_cast %parallel_loop3A_128 : vector<1x16xf32> to vector<16xf32>
      %parallel_loop3A_130 = arith.index_cast %parallel_loop3A_125 : i32 to index
      %parallel_loop3A_131 = arith.constant 0 : index
      %parallel_loop3A_132 = tpu.vector_load %arg16[%parallel_loop3A_130, %parallel_loop3A_131] {strides = array<i32>} : memref<80x16xf32, #tpu.memory_space<vmem>>, vector<1x16xf32>,
      %parallel_loop3A_133 = vector.shape_cast %parallel_loop3A_132 : vector<1x16xf32> to vector<16xf32>
      %parallel_loop3A_134 = arith.addf %parallel_loop3A_129, %parallel_loop3A_133 : vector<16xf32>
      %parallel_loop3A_135 = arith.constant 2.000000e-01 : f32
      %parallel_loop3A_136 = vector.broadcast %parallel_loop3A_135 : f32 to vector<16xf32>
      %parallel_loop3A_137 = arith.mulf %parallel_loop3A_134, %parallel_loop3A_136 : vector<16xf32>
      %parallel_loop3A_138 = arith.maximumf %parallel_loop3A_134, %parallel_loop3A_137 : vector<16xf32>
      %parallel_loop3A_139 = math.exp %parallel_loop3A_138 : vector<16xf32>
      %parallel_loop3A_140 = arith.mulf %parallel_loop3A_139, %select_n3A : vector<16xf32>
      %parallel_loop3A_141 = arith.index_cast %parallel_loop3A_125 : i32 to index
      %parallel_loop3A_142 = arith.constant 64 : index
      %parallel_loop3A_143 = tpu.vector_load %arg18[%parallel_loop3A_141, %parallel_loop3A_142] {strides = array<i32>} : memref<80x80xf32, #tpu.memory_space<vmem>>, vector<1x16xf32>,
      %parallel_loop3A_144 = vector.shape_cast %parallel_loop3A_143 : vector<1x16xf32> to vector<16xf32>
      %parallel_loop3A_145 = vector.shape_cast %parallel_loop3A_140 : vector<16xf32> to vector<1x16xf32>
      tpu.vector_store %arg18[%parallel_loop3A_141, %parallel_loop3A_142], %parallel_loop3A_145 {strides = array<i32>} : memref<80x80xf32, #tpu.memory_space<vmem>>, vector<1x16xf32>,
      %parallel_loop3A_146 = vector.extract_strided_slice %parallel_loop3A_140 {offsets = [0], sizes = [1], strides = [1]} : vector<16xf32> to vector<1xf32>
      %parallel_loop3A_147 = vector.extract %parallel_loop3A_146[0] : f32 from vector<1xf32>
      %parallel_loop3A_148 = arith.index_cast %parallel_loop3A_125 : i32 to index
      %parallel_loop3A_149 = arith.constant 0 : index
      %parallel_loop3A_150 = tpu.vector_load %arg14[%parallel_loop3A_148, %parallel_loop3A_149] {strides = array<i32>} : memref<80x80xf32, #tpu.memory_space<vmem>>, vector<1x16xf32>,
      %parallel_loop3A_151 = vector.shape_cast %parallel_loop3A_150 : vector<1x16xf32> to vector<16xf32>
      %parallel_loop3A_152 = vector.broadcast %parallel_loop3A_147 : f32 to vector<16xf32>
      %parallel_loop3A_153 = arith.mulf %parallel_loop3A_151, %parallel_loop3A_152 : vector<16xf32>
      %parallel_loop3A_154 = arith.index_cast %parallel_loop3A_125 : i32 to index
      %parallel_loop3A_155 = arith.constant 0 : index
      %parallel_loop3A_156 = tpu.vector_load %arg18[%parallel_loop3A_154, %parallel_loop3A_155] {strides = array<i32>} : memref<80x80xf32, #tpu.memory_space<vmem>>, vector<1x16xf32>,
      %parallel_loop3A_157 = vector.shape_cast %parallel_loop3A_156 : vector<1x16xf32> to vector<16xf32>
      %parallel_loop3A_158 = vector.shape_cast %parallel_loop3A_153 : vector<16xf32> to vector<1x16xf32>
      tpu.vector_store %arg18[%parallel_loop3A_154, %parallel_loop3A_155], %parallel_loop3A_158 {strides = array<i32>} : memref<80x80xf32, #tpu.memory_space<vmem>>, vector<1x16xf32>,
      %parallel_loop3A_159 = vector.extract_strided_slice %parallel_loop3A_140 {offsets = [1], sizes = [1], strides = [1]} : vector<16xf32> to vector<1xf32>
      %parallel_loop3A_160 = vector.extract %parallel_loop3A_159[0] : f32 from vector<1xf32>
      %parallel_loop3A_161 = arith.index_cast %parallel_loop3A_125 : i32 to index
      %parallel_loop3A_162 = arith.constant 16 : index
      %parallel_loop3A_163 = tpu.vector_load %arg14[%parallel_loop3A_161, %parallel_loop3A_162] {strides = array<i32>} : memref<80x80xf32, #tpu.memory_space<vmem>>, vector<1x16xf32>,
      %parallel_loop3A_164 = vector.shape_cast %parallel_loop3A_163 : vector<1x16xf32> to vector<16xf32>
      %parallel_loop3A_165 = vector.broadcast %parallel_loop3A_160 : f32 to vector<16xf32>
      %parallel_loop3A_166 = arith.mulf %parallel_loop3A_164, %parallel_loop3A_165 : vector<16xf32>
      %parallel_loop3A_167 = arith.index_cast %parallel_loop3A_125 : i32 to index
      %parallel_loop3A_168 = arith.constant 16 : index
      %parallel_loop3A_169 = tpu.vector_load %arg18[%parallel_loop3A_167, %parallel_loop3A_168] {strides = array<i32>} : memref<80x80xf32, #tpu.memory_space<vmem>>, vector<1x16xf32>,
      %parallel_loop3A_170 = vector.shape_cast %parallel_loop3A_169 : vector<1x16xf32> to vector<16xf32>
      %parallel_loop3A_171 = vector.shape_cast %parallel_loop3A_166 : vector<16xf32> to vector<1x16xf32>
      tpu.vector_store %arg18[%parallel_loop3A_167, %parallel_loop3A_168], %parallel_loop3A_171 {strides = array<i32>} : memref<80x80xf32, #tpu.memory_space<vmem>>, vector<1x16xf32>,
      %parallel_loop3A_172 = vector.extract_strided_slice %parallel_loop3A_140 {offsets = [2], sizes = [1], strides = [1]} : vector<16xf32> to vector<1xf32>
      %parallel_loop3A_173 = vector.extract %parallel_loop3A_172[0] : f32 from vector<1xf32>
      %parallel_loop3A_174 = arith.index_cast %parallel_loop3A_125 : i32 to index
      %parallel_loop3A_175 = arith.constant 32 : index
      %parallel_loop3A_176 = tpu.vector_load %arg14[%parallel_loop3A_174, %parallel_loop3A_175] {strides = array<i32>} : memref<80x80xf32, #tpu.memory_space<vmem>>, vector<1x16xf32>,
      %parallel_loop3A_177 = vector.shape_cast %parallel_loop3A_176 : vector<1x16xf32> to vector<16xf32>
      %parallel_loop3A_178 = vector.broadcast %parallel_loop3A_173 : f32 to vector<16xf32>
      %parallel_loop3A_179 = arith.mulf %parallel_loop3A_177, %parallel_loop3A_178 : vector<16xf32>
      %parallel_loop3A_180 = arith.index_cast %parallel_loop3A_125 : i32 to index
      %parallel_loop3A_181 = arith.constant 32 : index
      %parallel_loop3A_182 = tpu.vector_load %arg18[%parallel_loop3A_180, %parallel_loop3A_181] {strides = array<i32>} : memref<80x80xf32, #tpu.memory_space<vmem>>, vector<1x16xf32>,
      %parallel_loop3A_183 = vector.shape_cast %parallel_loop3A_182 : vector<1x16xf32> to vector<16xf32>
      %parallel_loop3A_184 = vector.shape_cast %parallel_loop3A_179 : vector<16xf32> to vector<1x16xf32>
      tpu.vector_store %arg18[%parallel_loop3A_180, %parallel_loop3A_181], %parallel_loop3A_184 {strides = array<i32>} : memref<80x80xf32, #tpu.memory_space<vmem>>, vector<1x16xf32>,
      %parallel_loop3A_185 = vector.extract_strided_slice %parallel_loop3A_140 {offsets = [3], sizes = [1], strides = [1]} : vector<16xf32> to vector<1xf32>
      %parallel_loop3A_186 = vector.extract %parallel_loop3A_185[0] : f32 from vector<1xf32>
      %parallel_loop3A_187 = arith.index_cast %parallel_loop3A_125 : i32 to index
      %parallel_loop3A_188 = arith.constant 48 : index
      %parallel_loop3A_189 = tpu.vector_load %arg14[%parallel_loop3A_187, %parallel_loop3A_188] {strides = array<i32>} : memref<80x80xf32, #tpu.memory_space<vmem>>, vector<1x16xf32>,
      %parallel_loop3A_190 = vector.shape_cast %parallel_loop3A_189 : vector<1x16xf32> to vector<16xf32>
      %parallel_loop3A_191 = vector.broadcast %parallel_loop3A_186 : f32 to vector<16xf32>
      %parallel_loop3A_192 = arith.mulf %parallel_loop3A_190, %parallel_loop3A_191 : vector<16xf32>
      %parallel_loop3A_193 = arith.index_cast %parallel_loop3A_125 : i32 to index
      %parallel_loop3A_194 = arith.constant 48 : index
      %parallel_loop3A_195 = tpu.vector_load %arg18[%parallel_loop3A_193, %parallel_loop3A_194] {strides = array<i32>} : memref<80x80xf32, #tpu.memory_space<vmem>>, vector<1x16xf32>,
      %parallel_loop3A_196 = vector.shape_cast %parallel_loop3A_195 : vector<1x16xf32> to vector<16xf32>
      %parallel_loop3A_197 = vector.shape_cast %parallel_loop3A_192 : vector<16xf32> to vector<1x16xf32>
      tpu.vector_store %arg18[%parallel_loop3A_193, %parallel_loop3A_194], %parallel_loop3A_197 {strides = array<i32>} : memref<80x80xf32, #tpu.memory_space<vmem>>, vector<1x16xf32>,
    } {sc.loop_unroll_factor = 8 : i64, sc.parallel_access}
    %dma_start3A_106 = arith.constant 0 : i32
    %dma_start3A_107 = arith.constant 0 : i32
    %dma_start3A_108 = tpu.memref_slice %arg28[%dma_start3A_106, %dma_start3A_107] : memref<10000x80xf32, #tpu.memory_space<vmem_shared>> -> memref<10000x80xf32, #tpu.memory_space<vmem_shared>>
    tpu.enqueue_indirect_dma source(%arg18 : memref<80x80xf32, #tpu.memory_space<vmem>>) target(%dma_start3A_108 : memref<10000x80xf32, #tpu.memory_space<vmem_shared>>) offsets(%arg12 : memref<80xi32, #tpu.memory_space<vmem>>) semaphore(%arg26 : memref<!tpu.dma_semaphore, #tpu.memory_space<semaphore_mem>>) {add = true}
    %dma_wait3A_109 = arith.constant 0 : i32
    %dma_wait3A_110 = arith.constant 0 : i32
    %dma_wait3A_111 = tpu.memref_slice %arg28[%dma_wait3A_109, %dma_wait3A_110] : memref<10000x80xf32, #tpu.memory_space<vmem_shared>> -> memref<10000x80xf32, #tpu.memory_space<vmem_shared>>
    tpu.wait_indirect_dma semaphore(%arg26 : memref<!tpu.dma_semaphore, #tpu.memory_space<semaphore_mem>>) src(%arg18 : memref<80x80xf32, #tpu.memory_space<vmem>>) dst(%dma_wait3A_111 : memref<10000x80xf32, #tpu.memory_space<vmem_shared>>)
    %dma_wait3A_112 = arith.constant 0 : i32
    %dma_wait3A_113 = arith.constant 0 : i32
    %dma_wait3A_114 = tpu.memref_slice %arg28[%dma_wait3A_112, %dma_wait3A_113] : memref<10000x80xf32, #tpu.memory_space<vmem_shared>> -> memref<10000x80xf32, #tpu.memory_space<vmem_shared>>
    tpu.wait_indirect_dma semaphore(%arg27 : memref<!tpu.dma_semaphore, #tpu.memory_space<semaphore_mem>>) src(%arg19 : memref<80x80xf32, #tpu.memory_space<vmem>>) dst(%dma_wait3A_114 : memref<10000x80xf32, #tpu.memory_space<vmem_shared>>)
    %barrier3A_115 = arith.constant 0 : index
    tpu.barrier barrier_id(%barrier3A_115)
    %mul3A_116 = arith.constant 624 : i32
    %mul3A_117 = arith.muli %arg1, %mul3A_116 : i32
    %mul3A_118 = arith.constant 624 : i32
    %mul3A_119 = arith.muli %arg1, %mul3A_118 : i32
    "tpu.region"() ({
      %run_scoped3A = tpu.sem_alloc : memref<!tpu.dma_semaphore, #tpu.memory_space<semaphore_mem>>
      %dma_start3A_125 = arith.constant 0 : i32
      %dma_start3A_126 = tpu.memref_slice %arg7[%arg0, %mul3A_119, %dma_start3A_125] : memref<2x10000x80xf32, #tpu.memory_space<hbm>> -> memref<1x624x80xf32, #tpu.memory_space<hbm>>
      %dma_start3A_127 = tpu.memref_squeeze %dma_start3A_126 : memref<1x624x80xf32, #tpu.memory_space<hbm>> -> memref<624x80xf32, #tpu.memory_space<hbm>>
      %dma_start3A_128 = arith.constant 0 : i32
      %dma_start3A_129 = tpu.memref_slice %arg28[%mul3A_117, %dma_start3A_128] : memref<10000x80xf32, #tpu.memory_space<vmem_shared>> -> memref<624x80xf32, #tpu.memory_space<vmem_shared>>
      tpu.enqueue_dma source(%dma_start3A_129 : memref<624x80xf32, #tpu.memory_space<vmem_shared>>) target(%dma_start3A_127 : memref<624x80xf32, #tpu.memory_space<hbm>>) target_semaphore(%run_scoped3A : memref<!tpu.dma_semaphore, #tpu.memory_space<semaphore_mem>>)
      %dma_wait3A_130 = arith.constant 0 : i32
      %dma_wait3A_131 = tpu.memref_slice %arg7[%arg0, %mul3A_119, %dma_wait3A_130] : memref<2x10000x80xf32, #tpu.memory_space<hbm>> -> memref<1x624x80xf32, #tpu.memory_space<hbm>>
      %dma_wait3A_132 = tpu.memref_squeeze %dma_wait3A_131 : memref<1x624x80xf32, #tpu.memory_space<hbm>> -> memref<624x80xf32, #tpu.memory_space<hbm>>
      %dma_wait3A_133 = arith.constant 0 : i32
      %dma_wait3A_134 = tpu.memref_slice %arg28[%mul3A_117, %dma_wait3A_133] : memref<10000x80xf32, #tpu.memory_space<vmem_shared>> -> memref<624x80xf32, #tpu.memory_space<vmem_shared>>
      tpu.wait_dma2 semaphore(%run_scoped3A : memref<!tpu.dma_semaphore, #tpu.memory_space<semaphore_mem>>) src(%dma_wait3A_134 : memref<624x80xf32, #tpu.memory_space<vmem_shared>>) dst(%dma_wait3A_132 : memref<624x80xf32, #tpu.memory_space<hbm>>)
      tpu.yield
    }) : () -> ()
    %eq3A_120 = arith.constant 15 : i32
    %eq3A_121 = arith.cmpi eq, %arg1, %eq3A_120 : i32
    %convert_element_type3A_122 = arith.extui %eq3A_121 : i1 to i32
    %cond3A_123 = arith.constant 0 : i32
    %cond3A_124 = arith.cmpi ne, %convert_element_type3A_122, %cond3A_123 : i32
    scf.if %cond3A_124 {
      "tpu.region"() ({
        %run_scoped3A = tpu.sem_alloc : memref<!tpu.dma_semaphore, #tpu.memory_space<semaphore_mem>>
        %dma_start3A_125 = arith.constant 9984 : i32
        %dma_start3A_126 = arith.constant 0 : i32
        %dma_start3A_127 = tpu.memref_slice %arg7[%arg0, %dma_start3A_125, %dma_start3A_126] : memref<2x10000x80xf32, #tpu.memory_space<hbm>> -> memref<1x16x80xf32, #tpu.memory_space<hbm>>
        %dma_start3A_128 = tpu.memref_squeeze %dma_start3A_127 : memref<1x16x80xf32, #tpu.memory_space<hbm>> -> memref<16x80xf32, #tpu.memory_space<hbm>>
        %dma_start3A_129 = arith.constant 9984 : i32
        %dma_start3A_130 = arith.constant 0 : i32
        %dma_start3A_131 = tpu.memref_slice %arg28[%dma_start3A_129, %dma_start3A_130] : memref<10000x80xf32, #tpu.memory_space<vmem_shared>> -> memref<16x80xf32, #tpu.memory_space<vmem_shared>>
        tpu.enqueue_dma source(%dma_start3A_131 : memref<16x80xf32, #tpu.memory_space<vmem_shared>>) target(%dma_start3A_128 : memref<16x80xf32, #tpu.memory_space<hbm>>) target_semaphore(%run_scoped3A : memref<!tpu.dma_semaphore, #tpu.memory_space<semaphore_mem>>)
        %dma_wait3A_132 = arith.constant 9984 : i32
        %dma_wait3A_133 = arith.constant 0 : i32
        %dma_wait3A_134 = tpu.memref_slice %arg7[%arg0, %dma_wait3A_132, %dma_wait3A_133] : memref<2x10000x80xf32, #tpu.memory_space<hbm>> -> memref<1x16x80xf32, #tpu.memory_space<hbm>>
        %dma_wait3A_135 = tpu.memref_squeeze %dma_wait3A_134 : memref<1x16x80xf32, #tpu.memory_space<hbm>> -> memref<16x80xf32, #tpu.memory_space<hbm>>
        %dma_wait3A_136 = arith.constant 9984 : i32
        %dma_wait3A_137 = arith.constant 0 : i32
        %dma_wait3A_138 = tpu.memref_slice %arg28[%dma_wait3A_136, %dma_wait3A_137] : memref<10000x80xf32, #tpu.memory_space<vmem_shared>> -> memref<16x80xf32, #tpu.memory_space<vmem_shared>>
        tpu.wait_dma2 semaphore(%run_scoped3A : memref<!tpu.dma_semaphore, #tpu.memory_space<semaphore_mem>>) src(%dma_wait3A_138 : memref<16x80xf32, #tpu.memory_space<vmem_shared>>) dst(%dma_wait3A_135 : memref<16x80xf32, #tpu.memory_space<hbm>>)
        tpu.yield
      }) : () -> ()
    } else {
    }
    return
  }
}

#map = affine_map<(d0, d1) -> (0, 0)>
#map1 = affine_map<(d0, d1) -> (0)>
#map2 = affine_map<(d0, d1) -> (0, 0, 0)>
module attributes {stable_mosaic.version = 14 : i64} {
  func.func @sc_pass(%arg0: i32, %arg1: i32, %arg2: memref<10000x80xf32, #tpu.memory_space<hbm>>, %arg3: memref<10000x16xf32, #tpu.memory_space<hbm>>, %arg4: memref<320000xi32, #tpu.memory_space<hbm>>, %arg5: memref<320000xi32, #tpu.memory_space<hbm>>, %arg6: memref<10000x80xf32, #tpu.memory_space<hbm>>, %arg7: memref<2x10000x80xf32, #tpu.memory_space<hbm>>, %arg8: memref<80xi32, #tpu.memory_space<vmem>>, %arg9: memref<80xi32, #tpu.memory_space<vmem>>, %arg10: memref<80xi32, #tpu.memory_space<vmem>>, %arg11: memref<80xi32, #tpu.memory_space<vmem>>, %arg12: memref<80xi32, #tpu.memory_space<vmem>>, %arg13: memref<80xi32, #tpu.memory_space<vmem>>, %arg14: memref<80x80xf32, #tpu.memory_space<vmem>>, %arg15: memref<80x80xf32, #tpu.memory_space<vmem>>, %arg16: memref<80x16xf32, #tpu.memory_space<vmem>>, %arg17: memref<80x16xf32, #tpu.memory_space<vmem>>, %arg18: memref<80x80xf32, #tpu.memory_space<vmem>>, %arg19: memref<80x80xf32, #tpu.memory_space<vmem>>, %arg20: memref<!tpu.dma_semaphore, #tpu.memory_space<semaphore_mem>>, %arg21: memref<!tpu.dma_semaphore, #tpu.memory_space<semaphore_mem>>, %arg22: memref<!tpu.dma_semaphore, #tpu.memory_space<semaphore_mem>>, %arg23: memref<!tpu.dma_semaphore, #tpu.memory_space<semaphore_mem>>, %arg24: memref<!tpu.dma_semaphore, #tpu.memory_space<semaphore_mem>>, %arg25: memref<!tpu.dma_semaphore, #tpu.memory_space<semaphore_mem>>, %arg26: memref<!tpu.dma_semaphore, #tpu.memory_space<semaphore_mem>>, %arg27: memref<!tpu.dma_semaphore, #tpu.memory_space<semaphore_mem>>, %arg28: memref<10000x80xf32, #tpu.memory_space<vmem_shared>>) attributes {dimension_semantics = [#tpu.dimension_semantics<core_parallel>, #tpu.dimension_semantics<subcore_parallel>], iteration_bounds = array<i64: 2, 16>, scalar_prefetch = 0 : i64, scratch_operands = 21 : i64, tpu.core_type = #tpu.core_type<sc_vector_subcore>, window_params = [{transform_indices = #map}, {transform_indices = #map}, {transform_indices = #map1}, {transform_indices = #map1}, {transform_indices = #map}, {transform_indices = #map2}]} {
    %mul3A = arith.constant 2 : i32
    %mul3A_0 = arith.muli %arg1, %mul3A : i32
    %add3A = arith.addi %mul3A_0, %arg0 : i32
    %mul3A_1 = arith.constant 624 : i32
    %mul3A_2 = arith.muli %arg1, %mul3A_1 : i32
    %mul3A_3 = arith.constant 624 : i32
    %mul3A_4 = arith.muli %arg1, %mul3A_3 : i32
    "tpu.region"() ({
      %run_scoped3A = tpu.sem_alloc : memref<!tpu.dma_semaphore, #tpu.memory_space<semaphore_mem>>
      %dma_start3A_125 = arith.constant 0 : i32
      %dma_start3A_126 = tpu.memref_slice %arg28[%mul3A_4, %dma_start3A_125] : memref<10000x80xf32, #tpu.memory_space<vmem_shared>> -> memref<624x80xf32, #tpu.memory_space<vmem_shared>>
      %dma_start3A_127 = arith.constant 0 : i32
      %dma_start3A_128 = tpu.memref_slice %arg6[%mul3A_2, %dma_start3A_127] : memref<10000x80xf32, #tpu.memory_space<hbm>> -> memref<624x80xf32, #tpu.memory_space<hbm>>
      tpu.enqueue_dma source(%dma_start3A_128 : memref<624x80xf32, #tpu.memory_space<hbm>>) target(%dma_start3A_126 : memref<624x80xf32, #tpu.memory_space<vmem_shared>>) target_semaphore(%run_scoped3A : memref<!tpu.dma_semaphore, #tpu.memory_space<semaphore_mem>>)
      %dma_wait3A_129 = arith.constant 0 : i32
      %dma_wait3A_130 = tpu.memref_slice %arg28[%mul3A_4, %dma_wait3A_129] : memref<10000x80xf32, #tpu.memory_space<vmem_shared>> -> memref<624x80xf32, #tpu.memory_space<vmem_shared>>
      %dma_wait3A_131 = arith.constant 0 : i32
      %dma_wait3A_132 = tpu.memref_slice %arg6[%mul3A_2, %dma_wait3A_131] : memref<10000x80xf32, #tpu.memory_space<hbm>> -> memref<624x80xf32, #tpu.memory_space<hbm>>
      tpu.wait_dma2 semaphore(%run_scoped3A : memref<!tpu.dma_semaphore, #tpu.memory_space<semaphore_mem>>) src(%dma_wait3A_132 : memref<624x80xf32, #tpu.memory_space<hbm>>) dst(%dma_wait3A_130 : memref<624x80xf32, #tpu.memory_space<vmem_shared>>)
      tpu.yield
    }) : () -> ()
    %eq3A = arith.constant 15 : i32
    %eq3A_5 = arith.cmpi eq, %arg1, %eq3A : i32
    %convert_element_type3A = arith.extui %eq3A_5 : i1 to i32
    %cond3A = arith.constant 0 : i32
    %cond3A_6 = arith.cmpi ne, %convert_element_type3A, %cond3A : i32
    scf.if %cond3A_6 {
      "tpu.region"() ({
        %run_scoped3A = tpu.sem_alloc : memref<!tpu.dma_semaphore, #tpu.memory_space<semaphore_mem>>
        %dma_start3A_125 = arith.constant 9984 : i32
        %dma_start3A_126 = arith.constant 0 : i32
        %dma_start3A_127 = tpu.memref_slice %arg28[%dma_start3A_125, %dma_start3A_126] : memref<10000x80xf32, #tpu.memory_space<vmem_shared>> -> memref<16x80xf32, #tpu.memory_space<vmem_shared>>
        %dma_start3A_128 = arith.constant 9984 : i32
        %dma_start3A_129 = arith.constant 0 : i32
        %dma_start3A_130 = tpu.memref_slice %arg6[%dma_start3A_128, %dma_start3A_129] : memref<10000x80xf32, #tpu.memory_space<hbm>> -> memref<16x80xf32, #tpu.memory_space<hbm>>
        tpu.enqueue_dma source(%dma_start3A_130 : memref<16x80xf32, #tpu.memory_space<hbm>>) target(%dma_start3A_127 : memref<16x80xf32, #tpu.memory_space<vmem_shared>>) target_semaphore(%run_scoped3A : memref<!tpu.dma_semaphore, #tpu.memory_space<semaphore_mem>>)
        %dma_wait3A_131 = arith.constant 9984 : i32
        %dma_wait3A_132 = arith.constant 0 : i32
        %dma_wait3A_133 = tpu.memref_slice %arg28[%dma_wait3A_131, %dma_wait3A_132] : memref<10000x80xf32, #tpu.memory_space<vmem_shared>> -> memref<16x80xf32, #tpu.memory_space<vmem_shared>>
        %dma_wait3A_134 = arith.constant 9984 : i32
        %dma_wait3A_135 = arith.constant 0 : i32
        %dma_wait3A_136 = tpu.memref_slice %arg6[%dma_wait3A_134, %dma_wait3A_135] : memref<10000x80xf32, #tpu.memory_space<hbm>> -> memref<16x80xf32, #tpu.memory_space<hbm>>
        tpu.wait_dma2 semaphore(%run_scoped3A : memref<!tpu.dma_semaphore, #tpu.memory_space<semaphore_mem>>) src(%dma_wait3A_136 : memref<16x80xf32, #tpu.memory_space<hbm>>) dst(%dma_wait3A_133 : memref<16x80xf32, #tpu.memory_space<vmem_shared>>)
        tpu.yield
      }) : () -> ()
    } else {
    }
    %barrier3A = arith.constant 0 : index
    tpu.barrier barrier_id(%barrier3A)
    %iota3A = tpu.iota {dimensions = array<i32: 0>} : vector<16xi32>
    %lt3A = arith.constant 2 : i32
    %lt3A_7 = vector.broadcast %lt3A : i32 to vector<16xi32>
    %lt3A_8 = arith.cmpi slt, %iota3A, %lt3A_7 : vector<16xi32>
    %jit3A = arith.constant 1.000000e+00 : f32
    %jit3A_9 = arith.constant 0.000000e+00 : f32
    %broadcast_in_dim3A = vector.broadcast %jit3A : f32 to vector<16xf32>
    %broadcast_in_dim3A_10 = vector.broadcast %jit3A_9 : f32 to vector<16xf32>
    %select_n3A = arith.select %lt3A_8, %broadcast_in_dim3A, %broadcast_in_dim3A_10 : vector<16xi1>, vector<16xf32>
    %mul3A_11 = arith.constant 10000 : i32
    %mul3A_12 = arith.muli %add3A, %mul3A_11 : i32
    %add3A_13 = arith.constant 0 : i32
    %add3A_14 = arith.addi %mul3A_12, %add3A_13 : i32
    %multiple_of3A = tpu.assume_multiple %add3A_14, 8 : i32
    %dma_start3A = tpu.memref_slice %arg4[%multiple_of3A] : memref<320000xi32, #tpu.memory_space<hbm>> -> memref<80xi32, #tpu.memory_space<hbm>>
    %dma_start3A_15 = tpu.memref_slice %arg4[%multiple_of3A] : memref<320000xi32, #tpu.memory_space<hbm>> -> memref<80xi32, #tpu.memory_space<hbm>>
    tpu.enqueue_dma source(%dma_start3A_15 : memref<80xi32, #tpu.memory_space<hbm>>) target(%arg8 : memref<80xi32, #tpu.memory_space<vmem>>) target_semaphore(%arg24 : memref<!tpu.dma_semaphore, #tpu.memory_space<semaphore_mem>>)
    %dma_start3A_16 = tpu.memref_slice %arg5[%multiple_of3A] : memref<320000xi32, #tpu.memory_space<hbm>> -> memref<80xi32, #tpu.memory_space<hbm>>
    %dma_start3A_17 = tpu.memref_slice %arg5[%multiple_of3A] : memref<320000xi32, #tpu.memory_space<hbm>> -> memref<80xi32, #tpu.memory_space<hbm>>
    tpu.enqueue_dma source(%dma_start3A_17 : memref<80xi32, #tpu.memory_space<hbm>>) target(%arg10 : memref<80xi32, #tpu.memory_space<vmem>>) target_semaphore(%arg24 : memref<!tpu.dma_semaphore, #tpu.memory_space<semaphore_mem>>)
    %dma_wait3A = arith.constant 0 : i32
    %dma_wait3A_18 = tpu.memref_slice %arg4[%dma_wait3A] : memref<320000xi32, #tpu.memory_space<hbm>> -> memref<80xi32, #tpu.memory_space<hbm>>
    %dma_wait3A_19 = arith.constant 0 : i32
    %dma_wait3A_20 = tpu.memref_slice %arg4[%dma_wait3A_19] : memref<320000xi32, #tpu.memory_space<hbm>> -> memref<80xi32, #tpu.memory_space<hbm>>
    tpu.wait_dma2 semaphore(%arg24 : memref<!tpu.dma_semaphore, #tpu.memory_space<semaphore_mem>>) src(%dma_wait3A_20 : memref<80xi32, #tpu.memory_space<hbm>>) dst(%arg8 : memref<80xi32, #tpu.memory_space<vmem>>)
    %dma_wait3A_21 = arith.constant 0 : i32
    %dma_wait3A_22 = tpu.memref_slice %arg5[%dma_wait3A_21] : memref<320000xi32, #tpu.memory_space<hbm>> -> memref<80xi32, #tpu.memory_space<hbm>>
    %dma_wait3A_23 = arith.constant 0 : i32
    %dma_wait3A_24 = tpu.memref_slice %arg5[%dma_wait3A_23] : memref<320000xi32, #tpu.memory_space<hbm>> -> memref<80xi32, #tpu.memory_space<hbm>>
    tpu.wait_dma2 semaphore(%arg24 : memref<!tpu.dma_semaphore, #tpu.memory_space<semaphore_mem>>) src(%dma_wait3A_24 : memref<80xi32, #tpu.memory_space<hbm>>) dst(%arg10 : memref<80xi32, #tpu.memory_space<vmem>>)
    %dma_start3A_25 = arith.constant 0 : i32
    %dma_start3A_26 = arith.constant 0 : i32
    %dma_start3A_27 = tpu.memref_slice %arg2[%dma_start3A_25, %dma_start3A_26] : memref<10000x80xf32, #tpu.memory_space<hbm>> -> memref<10000x80xf32, #tpu.memory_space<hbm>>
    tpu.enqueue_indirect_dma source(%dma_start3A_27 : memref<10000x80xf32, #tpu.memory_space<hbm>>) target(%arg14 : memref<80x80xf32, #tpu.memory_space<vmem>>) offsets(%arg8 : memref<80xi32, #tpu.memory_space<vmem>>) semaphore(%arg20 : memref<!tpu.dma_semaphore, #tpu.memory_space<semaphore_mem>>)
    %dma_start3A_28 = arith.constant 0 : i32
    %dma_start3A_29 = arith.constant 0 : i32
    %dma_start3A_30 = tpu.memref_slice %arg3[%dma_start3A_28, %dma_start3A_29] : memref<10000x16xf32, #tpu.memory_space<hbm>> -> memref<10000x16xf32, #tpu.memory_space<hbm>>
    tpu.enqueue_indirect_dma source(%dma_start3A_30 : memref<10000x16xf32, #tpu.memory_space<hbm>>) target(%arg16 : memref<80x16xf32, #tpu.memory_space<vmem>>) offsets(%arg10 : memref<80xi32, #tpu.memory_space<vmem>>) semaphore(%arg22 : memref<!tpu.dma_semaphore, #tpu.memory_space<semaphore_mem>>)
    %mul3A_31 = arith.constant 10000 : i32
    %mul3A_32 = arith.muli %add3A, %mul3A_31 : i32
    %add3A_33 = arith.constant 80 : i32
    %add3A_34 = arith.addi %mul3A_32, %add3A_33 : i32
    %multiple_of3A_35 = tpu.assume_multiple %add3A_34, 8 : i32
    %dma_start3A_36 = tpu.memref_slice %arg4[%multiple_of3A_35] : memref<320000xi32, #tpu.memory_space<hbm>> -> memref<80xi32, #tpu.memory_space<hbm>>
    %dma_start3A_37 = tpu.memref_slice %arg4[%multiple_of3A_35] : memref<320000xi32, #tpu.memory_space<hbm>> -> memref<80xi32, #tpu.memory_space<hbm>>
    tpu.enqueue_dma source(%dma_start3A_37 : memref<80xi32, #tpu.memory_space<hbm>>) target(%arg9 : memref<80xi32, #tpu.memory_space<vmem>>) target_semaphore(%arg25 : memref<!tpu.dma_semaphore, #tpu.memory_space<semaphore_mem>>)
    %dma_start3A_38 = tpu.memref_slice %arg5[%multiple_of3A_35] : memref<320000xi32, #tpu.memory_space<hbm>> -> memref<80xi32, #tpu.memory_space<hbm>>
    %dma_start3A_39 = tpu.memref_slice %arg5[%multiple_of3A_35] : memref<320000xi32, #tpu.memory_space<hbm>> -> memref<80xi32, #tpu.memory_space<hbm>>
    tpu.enqueue_dma source(%dma_start3A_39 : memref<80xi32, #tpu.memory_space<hbm>>) target(%arg11 : memref<80xi32, #tpu.memory_space<vmem>>) target_semaphore(%arg25 : memref<!tpu.dma_semaphore, #tpu.memory_space<semaphore_mem>>)
    %dma_wait3A_40 = arith.constant 0 : i32
    %dma_wait3A_41 = tpu.memref_slice %arg4[%dma_wait3A_40] : memref<320000xi32, #tpu.memory_space<hbm>> -> memref<80xi32, #tpu.memory_space<hbm>>
    %dma_wait3A_42 = arith.constant 0 : i32
    %dma_wait3A_43 = tpu.memref_slice %arg4[%dma_wait3A_42] : memref<320000xi32, #tpu.memory_space<hbm>> -> memref<80xi32, #tpu.memory_space<hbm>>
    tpu.wait_dma2 semaphore(%arg25 : memref<!tpu.dma_semaphore, #tpu.memory_space<semaphore_mem>>) src(%dma_wait3A_43 : memref<80xi32, #tpu.memory_space<hbm>>) dst(%arg9 : memref<80xi32, #tpu.memory_space<vmem>>)
    %dma_wait3A_44 = arith.constant 0 : i32
    %dma_wait3A_45 = tpu.memref_slice %arg5[%dma_wait3A_44] : memref<320000xi32, #tpu.memory_space<hbm>> -> memref<80xi32, #tpu.memory_space<hbm>>
    %dma_wait3A_46 = arith.constant 0 : i32
    %dma_wait3A_47 = tpu.memref_slice %arg5[%dma_wait3A_46] : memref<320000xi32, #tpu.memory_space<hbm>> -> memref<80xi32, #tpu.memory_space<hbm>>
    tpu.wait_dma2 semaphore(%arg25 : memref<!tpu.dma_semaphore, #tpu.memory_space<semaphore_mem>>) src(%dma_wait3A_47 : memref<80xi32, #tpu.memory_space<hbm>>) dst(%arg11 : memref<80xi32, #tpu.memory_space<vmem>>)
    %dma_start3A_48 = arith.constant 0 : i32
    %dma_start3A_49 = arith.constant 0 : i32
    %dma_start3A_50 = tpu.memref_slice %arg2[%dma_start3A_48, %dma_start3A_49] : memref<10000x80xf32, #tpu.memory_space<hbm>> -> memref<10000x80xf32, #tpu.memory_space<hbm>>
    tpu.enqueue_indirect_dma source(%dma_start3A_50 : memref<10000x80xf32, #tpu.memory_space<hbm>>) target(%arg15 : memref<80x80xf32, #tpu.memory_space<vmem>>) offsets(%arg9 : memref<80xi32, #tpu.memory_space<vmem>>) semaphore(%arg21 : memref<!tpu.dma_semaphore, #tpu.memory_space<semaphore_mem>>)
    %dma_start3A_51 = arith.constant 0 : i32
    %dma_start3A_52 = arith.constant 0 : i32
    %dma_start3A_53 = tpu.memref_slice %arg3[%dma_start3A_51, %dma_start3A_52] : memref<10000x16xf32, #tpu.memory_space<hbm>> -> memref<10000x16xf32, #tpu.memory_space<hbm>>
    tpu.enqueue_indirect_dma source(%dma_start3A_53 : memref<10000x16xf32, #tpu.memory_space<hbm>>) target(%arg17 : memref<80x16xf32, #tpu.memory_space<vmem>>) offsets(%arg11 : memref<80xi32, #tpu.memory_space<vmem>>) semaphore(%arg23 : memref<!tpu.dma_semaphore, #tpu.memory_space<semaphore_mem>>)
    %scan3A = arith.constant 0 : i32
    %scan3A_54 = arith.constant 0 : i32
    %scan3A_55 = arith.constant 62 : i32
    %scan3A_56 = arith.addi %scan3A_54, %scan3A_55 : i32
    %scan3A_57 = arith.constant 1 : i32
    %scan3A_58 = scf.for %scan3A_125 = %scan3A_54 to %scan3A_56 step %scan3A_57 iter_args(%scan3A_126 = %scan3A) -> (i32)  : i32 {
      %mul3A_127 = arith.constant 2 : i32
      %mul3A_128 = arith.muli %scan3A_125, %mul3A_127 : i32
      %eq3A_129 = arith.constant 0 : i32
      %eq3A_130 = arith.cmpi eq, %scan3A_125, %eq3A_129 : i32
      %dma_wait3A_131 = arith.constant 0 : i32
      %dma_wait3A_132 = arith.constant 0 : i32
      %dma_wait3A_133 = tpu.memref_slice %arg2[%dma_wait3A_131, %dma_wait3A_132] : memref<10000x80xf32, #tpu.memory_space<hbm>> -> memref<10000x80xf32, #tpu.memory_space<hbm>>
      tpu.wait_indirect_dma semaphore(%arg20 : memref<!tpu.dma_semaphore, #tpu.memory_space<semaphore_mem>>) src(%dma_wait3A_133 : memref<10000x80xf32, #tpu.memory_space<hbm>>) dst(%arg14 : memref<80x80xf32, #tpu.memory_space<vmem>>)
      %dma_wait3A_134 = arith.constant 0 : i32
      %dma_wait3A_135 = arith.constant 0 : i32
      %dma_wait3A_136 = tpu.memref_slice %arg3[%dma_wait3A_134, %dma_wait3A_135] : memref<10000x16xf32, #tpu.memory_space<hbm>> -> memref<10000x16xf32, #tpu.memory_space<hbm>>
      tpu.wait_indirect_dma semaphore(%arg22 : memref<!tpu.dma_semaphore, #tpu.memory_space<semaphore_mem>>) src(%dma_wait3A_136 : memref<10000x16xf32, #tpu.memory_space<hbm>>) dst(%arg16 : memref<80x16xf32, #tpu.memory_space<vmem>>)
      %not3A_137 = arith.constant true
      %not3A_138 = arith.xori %eq3A_130, %not3A_137 : i1
      %convert_element_type3A_139 = arith.extui %not3A_138 : i1 to i32
      %cond3A_140 = arith.constant 0 : i32
      %cond3A_141 = arith.cmpi ne, %convert_element_type3A_139, %cond3A_140 : i32
      scf.if %cond3A_141 {
        %dma_wait3A_268 = arith.constant 0 : i32
        %dma_wait3A_269 = arith.constant 0 : i32
        %dma_wait3A_270 = tpu.memref_slice %arg28[%dma_wait3A_268, %dma_wait3A_269] : memref<10000x80xf32, #tpu.memory_space<vmem_shared>> -> memref<10000x80xf32, #tpu.memory_space<vmem_shared>>
        tpu.wait_indirect_dma semaphore(%arg26 : memref<!tpu.dma_semaphore, #tpu.memory_space<semaphore_mem>>) src(%arg18 : memref<80x80xf32, #tpu.memory_space<vmem>>) dst(%dma_wait3A_270 : memref<10000x80xf32, #tpu.memory_space<vmem_shared>>)
      } else {
      }
      %get3A_142 = arith.constant 0 : index
      %get3A_143 = tpu.vector_load %arg10[%get3A_142] {strides = array<i32>} : memref<80xi32, #tpu.memory_space<vmem>>, vector<16xi32>,
      %get3A_144 = vector.shape_cast %get3A_143 : vector<16xi32> to vector<16xi32>
      %swap3A_145 = arith.constant 0 : index
      %swap3A_146 = tpu.vector_load %arg12[%swap3A_145] {strides = array<i32>} : memref<80xi32, #tpu.memory_space<vmem>>, vector<16xi32>,
      %swap3A_147 = vector.shape_cast %swap3A_146 : vector<16xi32> to vector<16xi32>
      %swap3A_148 = vector.shape_cast %get3A_144 : vector<16xi32> to vector<16xi32>
      tpu.vector_store %arg12[%swap3A_145], %swap3A_148 {strides = array<i32>} : memref<80xi32, #tpu.memory_space<vmem>>, vector<16xi32>,
      %get3A_149 = arith.constant 16 : index
      %get3A_150 = tpu.vector_load %arg10[%get3A_149] {strides = array<i32>} : memref<80xi32, #tpu.memory_space<vmem>>, vector<16xi32>,
      %get3A_151 = vector.shape_cast %get3A_150 : vector<16xi32> to vector<16xi32>
      %swap3A_152 = arith.constant 16 : index
      %swap3A_153 = tpu.vector_load %arg12[%swap3A_152] {strides = array<i32>} : memref<80xi32, #tpu.memory_space<vmem>>, vector<16xi32>,
      %swap3A_154 = vector.shape_cast %swap3A_153 : vector<16xi32> to vector<16xi32>
      %swap3A_155 = vector.shape_cast %get3A_151 : vector<16xi32> to vector<16xi32>
      tpu.vector_store %arg12[%swap3A_152], %swap3A_155 {strides = array<i32>} : memref<80xi32, #tpu.memory_space<vmem>>, vector<16xi32>,
      %get3A_156 = arith.constant 32 : index
      %get3A_157 = tpu.vector_load %arg10[%get3A_156] {strides = array<i32>} : memref<80xi32, #tpu.memory_space<vmem>>, vector<16xi32>,
      %get3A_158 = vector.shape_cast %get3A_157 : vector<16xi32> to vector<16xi32>
      %swap3A_159 = arith.constant 32 : index
      %swap3A_160 = tpu.vector_load %arg12[%swap3A_159] {strides = array<i32>} : memref<80xi32, #tpu.memory_space<vmem>>, vector<16xi32>,
      %swap3A_161 = vector.shape_cast %swap3A_160 : vector<16xi32> to vector<16xi32>
      %swap3A_162 = vector.shape_cast %get3A_158 : vector<16xi32> to vector<16xi32>
      tpu.vector_store %arg12[%swap3A_159], %swap3A_162 {strides = array<i32>} : memref<80xi32, #tpu.memory_space<vmem>>, vector<16xi32>,
      %get3A_163 = arith.constant 48 : index
      %get3A_164 = tpu.vector_load %arg10[%get3A_163] {strides = array<i32>} : memref<80xi32, #tpu.memory_space<vmem>>, vector<16xi32>,
      %get3A_165 = vector.shape_cast %get3A_164 : vector<16xi32> to vector<16xi32>
      %swap3A_166 = arith.constant 48 : index
      %swap3A_167 = tpu.vector_load %arg12[%swap3A_166] {strides = array<i32>} : memref<80xi32, #tpu.memory_space<vmem>>, vector<16xi32>,
      %swap3A_168 = vector.shape_cast %swap3A_167 : vector<16xi32> to vector<16xi32>
      %swap3A_169 = vector.shape_cast %get3A_165 : vector<16xi32> to vector<16xi32>
      tpu.vector_store %arg12[%swap3A_166], %swap3A_169 {strides = array<i32>} : memref<80xi32, #tpu.memory_space<vmem>>, vector<16xi32>,
      %get3A_170 = arith.constant 64 : index
      %get3A_171 = tpu.vector_load %arg10[%get3A_170] {strides = array<i32>} : memref<80xi32, #tpu.memory_space<vmem>>, vector<16xi32>,
      %get3A_172 = vector.shape_cast %get3A_171 : vector<16xi32> to vector<16xi32>
      %swap3A_173 = arith.constant 64 : index
      %swap3A_174 = tpu.vector_load %arg12[%swap3A_173] {strides = array<i32>} : memref<80xi32, #tpu.memory_space<vmem>>, vector<16xi32>,
      %swap3A_175 = vector.shape_cast %swap3A_174 : vector<16xi32> to vector<16xi32>
      %swap3A_176 = vector.shape_cast %get3A_172 : vector<16xi32> to vector<16xi32>
      tpu.vector_store %arg12[%swap3A_173], %swap3A_176 {strides = array<i32>} : memref<80xi32, #tpu.memory_space<vmem>>, vector<16xi32>,
      %add3A_177 = arith.constant 2 : i32
      %add3A_178 = arith.addi %mul3A_128, %add3A_177 : i32
      %lt3A_179 = arith.constant 125 : i32
      %lt3A_180 = arith.cmpi slt, %add3A_178, %lt3A_179 : i32
      %convert_element_type3A_181 = arith.extui %lt3A_180 : i1 to i32
      %cond3A_182 = arith.constant 0 : i32
      %cond3A_183 = arith.cmpi ne, %convert_element_type3A_181, %cond3A_182 : i32
      scf.if %cond3A_183 {
        %add3A_268 = arith.constant 2 : i32
        %add3A_269 = arith.addi %mul3A_128, %add3A_268 : i32
        %mul3A_270 = arith.constant 10000 : i32
        %mul3A_271 = arith.muli %add3A, %mul3A_270 : i32
        %mul3A_272 = arith.constant 80 : i32
        %mul3A_273 = arith.muli %add3A_269, %mul3A_272 : i32
        %add3A_274 = arith.addi %mul3A_271, %mul3A_273 : i32
        %multiple_of3A_275 = tpu.assume_multiple %add3A_274, 8 : i32
        %dma_start3A_276 = tpu.memref_slice %arg4[%multiple_of3A_275] : memref<320000xi32, #tpu.memory_space<hbm>> -> memref<80xi32, #tpu.memory_space<hbm>>
        %dma_start3A_277 = tpu.memref_slice %arg4[%multiple_of3A_275] : memref<320000xi32, #tpu.memory_space<hbm>> -> memref<80xi32, #tpu.memory_space<hbm>>
        tpu.enqueue_dma source(%dma_start3A_277 : memref<80xi32, #tpu.memory_space<hbm>>) target(%arg8 : memref<80xi32, #tpu.memory_space<vmem>>) target_semaphore(%arg24 : memref<!tpu.dma_semaphore, #tpu.memory_space<semaphore_mem>>)
        %dma_start3A_278 = tpu.memref_slice %arg5[%multiple_of3A_275] : memref<320000xi32, #tpu.memory_space<hbm>> -> memref<80xi32, #tpu.memory_space<hbm>>
        %dma_start3A_279 = tpu.memref_slice %arg5[%multiple_of3A_275] : memref<320000xi32, #tpu.memory_space<hbm>> -> memref<80xi32, #tpu.memory_space<hbm>>
        tpu.enqueue_dma source(%dma_start3A_279 : memref<80xi32, #tpu.memory_space<hbm>>) target(%arg10 : memref<80xi32, #tpu.memory_space<vmem>>) target_semaphore(%arg24 : memref<!tpu.dma_semaphore, #tpu.memory_space<semaphore_mem>>)
      } else {
      }
      %parallel_loop3A_184 = arith.constant 0 : i32
      %parallel_loop3A_185 = arith.constant 80 : i32
      %parallel_loop3A_186 = arith.constant 1 : i32
      scf.for %parallel_loop3A_268 = %parallel_loop3A_184 to %parallel_loop3A_185 step %parallel_loop3A_186  : i32 {
        %parallel_loop3A_269 = arith.index_cast %parallel_loop3A_268 : i32 to index
        %parallel_loop3A_270 = arith.constant 64 : index
        %parallel_loop3A_271 = tpu.vector_load %arg14[%parallel_loop3A_269, %parallel_loop3A_270] {strides = array<i32>} : memref<80x80xf32, #tpu.memory_space<vmem>>, vector<1x16xf32>,
        %parallel_loop3A_272 = vector.shape_cast %parallel_loop3A_271 : vector<1x16xf32> to vector<16xf32>
        %parallel_loop3A_273 = arith.index_cast %parallel_loop3A_268 : i32 to index
        %parallel_loop3A_274 = arith.constant 0 : index
        %parallel_loop3A_275 = tpu.vector_load %arg16[%parallel_loop3A_273, %parallel_loop3A_274] {strides = array<i32>} : memref<80x16xf32, #tpu.memory_space<vmem>>, vector<1x16xf32>,
        %parallel_loop3A_276 = vector.shape_cast %parallel_loop3A_275 : vector<1x16xf32> to vector<16xf32>
        %parallel_loop3A_277 = arith.addf %parallel_loop3A_272, %parallel_loop3A_276 : vector<16xf32>
        %parallel_loop3A_278 = arith.constant 2.000000e-01 : f32
        %parallel_loop3A_279 = vector.broadcast %parallel_loop3A_278 : f32 to vector<16xf32>
        %parallel_loop3A_280 = arith.mulf %parallel_loop3A_277, %parallel_loop3A_279 : vector<16xf32>
        %parallel_loop3A_281 = arith.maximumf %parallel_loop3A_277, %parallel_loop3A_280 : vector<16xf32>
        %parallel_loop3A_282 = math.exp %parallel_loop3A_281 : vector<16xf32>
        %parallel_loop3A_283 = arith.mulf %parallel_loop3A_282, %select_n3A : vector<16xf32>
        %parallel_loop3A_284 = arith.index_cast %parallel_loop3A_268 : i32 to index
        %parallel_loop3A_285 = arith.constant 64 : index
        %parallel_loop3A_286 = tpu.vector_load %arg18[%parallel_loop3A_284, %parallel_loop3A_285] {strides = array<i32>} : memref<80x80xf32, #tpu.memory_space<vmem>>, vector<1x16xf32>,
        %parallel_loop3A_287 = vector.shape_cast %parallel_loop3A_286 : vector<1x16xf32> to vector<16xf32>
        %parallel_loop3A_288 = vector.shape_cast %parallel_loop3A_283 : vector<16xf32> to vector<1x16xf32>
        tpu.vector_store %arg18[%parallel_loop3A_284, %parallel_loop3A_285], %parallel_loop3A_288 {strides = array<i32>} : memref<80x80xf32, #tpu.memory_space<vmem>>, vector<1x16xf32>,
        %parallel_loop3A_289 = vector.extract_strided_slice %parallel_loop3A_283 {offsets = [0], sizes = [1], strides = [1]} : vector<16xf32> to vector<1xf32>
        %parallel_loop3A_290 = vector.extract %parallel_loop3A_289[0] : f32 from vector<1xf32>
        %parallel_loop3A_291 = arith.index_cast %parallel_loop3A_268 : i32 to index
        %parallel_loop3A_292 = arith.constant 0 : index
        %parallel_loop3A_293 = tpu.vector_load %arg14[%parallel_loop3A_291, %parallel_loop3A_292] {strides = array<i32>} : memref<80x80xf32, #tpu.memory_space<vmem>>, vector<1x16xf32>,
        %parallel_loop3A_294 = vector.shape_cast %parallel_loop3A_293 : vector<1x16xf32> to vector<16xf32>
        %parallel_loop3A_295 = vector.broadcast %parallel_loop3A_290 : f32 to vector<16xf32>
        %parallel_loop3A_296 = arith.mulf %parallel_loop3A_294, %parallel_loop3A_295 : vector<16xf32>
        %parallel_loop3A_297 = arith.index_cast %parallel_loop3A_268 : i32 to index
        %parallel_loop3A_298 = arith.constant 0 : index
        %parallel_loop3A_299 = tpu.vector_load %arg18[%parallel_loop3A_297, %parallel_loop3A_298] {strides = array<i32>} : memref<80x80xf32, #tpu.memory_space<vmem>>, vector<1x16xf32>,
        %parallel_loop3A_300 = vector.shape_cast %parallel_loop3A_299 : vector<1x16xf32> to vector<16xf32>
        %parallel_loop3A_301 = vector.shape_cast %parallel_loop3A_296 : vector<16xf32> to vector<1x16xf32>
        tpu.vector_store %arg18[%parallel_loop3A_297, %parallel_loop3A_298], %parallel_loop3A_301 {strides = array<i32>} : memref<80x80xf32, #tpu.memory_space<vmem>>, vector<1x16xf32>,
        %parallel_loop3A_302 = vector.extract_strided_slice %parallel_loop3A_283 {offsets = [0], sizes = [1], strides = [1]} : vector<16xf32> to vector<1xf32>
        %parallel_loop3A_303 = vector.extract %parallel_loop3A_302[0] : f32 from vector<1xf32>
        %parallel_loop3A_304 = arith.index_cast %parallel_loop3A_268 : i32 to index
        %parallel_loop3A_305 = arith.constant 16 : index
        %parallel_loop3A_306 = tpu.vector_load %arg14[%parallel_loop3A_304, %parallel_loop3A_305] {strides = array<i32>} : memref<80x80xf32, #tpu.memory_space<vmem>>, vector<1x16xf32>,
        %parallel_loop3A_307 = vector.shape_cast %parallel_loop3A_306 : vector<1x16xf32> to vector<16xf32>
        %parallel_loop3A_308 = vector.broadcast %parallel_loop3A_303 : f32 to vector<16xf32>
        %parallel_loop3A_309 = arith.mulf %parallel_loop3A_307, %parallel_loop3A_308 : vector<16xf32>
        %parallel_loop3A_310 = arith.index_cast %parallel_loop3A_268 : i32 to index
        %parallel_loop3A_311 = arith.constant 16 : index
        %parallel_loop3A_312 = tpu.vector_load %arg18[%parallel_loop3A_310, %parallel_loop3A_311] {strides = array<i32>} : memref<80x80xf32, #tpu.memory_space<vmem>>, vector<1x16xf32>,
        %parallel_loop3A_313 = vector.shape_cast %parallel_loop3A_312 : vector<1x16xf32> to vector<16xf32>
        %parallel_loop3A_314 = vector.shape_cast %parallel_loop3A_309 : vector<16xf32> to vector<1x16xf32>
        tpu.vector_store %arg18[%parallel_loop3A_310, %parallel_loop3A_311], %parallel_loop3A_314 {strides = array<i32>} : memref<80x80xf32, #tpu.memory_space<vmem>>, vector<1x16xf32>,
        %parallel_loop3A_315 = vector.extract_strided_slice %parallel_loop3A_283 {offsets = [1], sizes = [1], strides = [1]} : vector<16xf32> to vector<1xf32>
        %parallel_loop3A_316 = vector.extract %parallel_loop3A_315[0] : f32 from vector<1xf32>
        %parallel_loop3A_317 = arith.index_cast %parallel_loop3A_268 : i32 to index
        %parallel_loop3A_318 = arith.constant 32 : index
        %parallel_loop3A_319 = tpu.vector_load %arg14[%parallel_loop3A_317, %parallel_loop3A_318] {strides = array<i32>} : memref<80x80xf32, #tpu.memory_space<vmem>>, vector<1x16xf32>,
        %parallel_loop3A_320 = vector.shape_cast %parallel_loop3A_319 : vector<1x16xf32> to vector<16xf32>
        %parallel_loop3A_321 = vector.broadcast %parallel_loop3A_316 : f32 to vector<16xf32>
        %parallel_loop3A_322 = arith.mulf %parallel_loop3A_320, %parallel_loop3A_321 : vector<16xf32>
        %parallel_loop3A_323 = arith.index_cast %parallel_loop3A_268 : i32 to index
        %parallel_loop3A_324 = arith.constant 32 : index
        %parallel_loop3A_325 = tpu.vector_load %arg18[%parallel_loop3A_323, %parallel_loop3A_324] {strides = array<i32>} : memref<80x80xf32, #tpu.memory_space<vmem>>, vector<1x16xf32>,
        %parallel_loop3A_326 = vector.shape_cast %parallel_loop3A_325 : vector<1x16xf32> to vector<16xf32>
        %parallel_loop3A_327 = vector.shape_cast %parallel_loop3A_322 : vector<16xf32> to vector<1x16xf32>
        tpu.vector_store %arg18[%parallel_loop3A_323, %parallel_loop3A_324], %parallel_loop3A_327 {strides = array<i32>} : memref<80x80xf32, #tpu.memory_space<vmem>>, vector<1x16xf32>,
        %parallel_loop3A_328 = vector.extract_strided_slice %parallel_loop3A_283 {offsets = [1], sizes = [1], strides = [1]} : vector<16xf32> to vector<1xf32>
        %parallel_loop3A_329 = vector.extract %parallel_loop3A_328[0] : f32 from vector<1xf32>
        %parallel_loop3A_330 = arith.index_cast %parallel_loop3A_268 : i32 to index
        %parallel_loop3A_331 = arith.constant 48 : index
        %parallel_loop3A_332 = tpu.vector_load %arg14[%parallel_loop3A_330, %parallel_loop3A_331] {strides = array<i32>} : memref<80x80xf32, #tpu.memory_space<vmem>>, vector<1x16xf32>,
        %parallel_loop3A_333 = vector.shape_cast %parallel_loop3A_332 : vector<1x16xf32> to vector<16xf32>
        %parallel_loop3A_334 = vector.broadcast %parallel_loop3A_329 : f32 to vector<16xf32>
        %parallel_loop3A_335 = arith.mulf %parallel_loop3A_333, %parallel_loop3A_334 : vector<16xf32>
        %parallel_loop3A_336 = arith.index_cast %parallel_loop3A_268 : i32 to index
        %parallel_loop3A_337 = arith.constant 48 : index
        %parallel_loop3A_338 = tpu.vector_load %arg18[%parallel_loop3A_336, %parallel_loop3A_337] {strides = array<i32>} : memref<80x80xf32, #tpu.memory_space<vmem>>, vector<1x16xf32>,
        %parallel_loop3A_339 = vector.shape_cast %parallel_loop3A_338 : vector<1x16xf32> to vector<16xf32>
        %parallel_loop3A_340 = vector.shape_cast %parallel_loop3A_335 : vector<16xf32> to vector<1x16xf32>
        tpu.vector_store %arg18[%parallel_loop3A_336, %parallel_loop3A_337], %parallel_loop3A_340 {strides = array<i32>} : memref<80x80xf32, #tpu.memory_space<vmem>>, vector<1x16xf32>,
      } {sc.loop_unroll_factor = 8 : i64, sc.parallel_access}
      %dma_start3A_187 = arith.constant 0 : i32
      %dma_start3A_188 = arith.constant 0 : i32
      %dma_start3A_189 = tpu.memref_slice %arg28[%dma_start3A_187, %dma_start3A_188] : memref<10000x80xf32, #tpu.memory_space<vmem_shared>> -> memref<10000x80xf32, #tpu.memory_space<vmem_shared>>
      tpu.enqueue_indirect_dma source(%arg18 : memref<80x80xf32, #tpu.memory_space<vmem>>) target(%dma_start3A_189 : memref<10000x80xf32, #tpu.memory_space<vmem_shared>>) offsets(%arg12 : memref<80xi32, #tpu.memory_space<vmem>>) semaphore(%arg26 : memref<!tpu.dma_semaphore, #tpu.memory_space<semaphore_mem>>) {add = true}
      %add3A_190 = arith.constant 2 : i32
      %add3A_191 = arith.addi %mul3A_128, %add3A_190 : i32
      %lt3A_192 = arith.constant 125 : i32
      %lt3A_193 = arith.cmpi slt, %add3A_191, %lt3A_192 : i32
      %convert_element_type3A_194 = arith.extui %lt3A_193 : i1 to i32
      %cond3A_195 = arith.constant 0 : i32
      %cond3A_196 = arith.cmpi ne, %convert_element_type3A_194, %cond3A_195 : i32
      scf.if %cond3A_196 {
        %dma_wait3A_268 = arith.constant 0 : i32
        %dma_wait3A_269 = tpu.memref_slice %arg4[%dma_wait3A_268] : memref<320000xi32, #tpu.memory_space<hbm>> -> memref<80xi32, #tpu.memory_space<hbm>>
        %dma_wait3A_270 = arith.constant 0 : i32
        %dma_wait3A_271 = tpu.memref_slice %arg4[%dma_wait3A_270] : memref<320000xi32, #tpu.memory_space<hbm>> -> memref<80xi32, #tpu.memory_space<hbm>>
        tpu.wait_dma2 semaphore(%arg24 : memref<!tpu.dma_semaphore, #tpu.memory_space<semaphore_mem>>) src(%dma_wait3A_271 : memref<80xi32, #tpu.memory_space<hbm>>) dst(%arg8 : memref<80xi32, #tpu.memory_space<vmem>>)
        %dma_wait3A_272 = arith.constant 0 : i32
        %dma_wait3A_273 = tpu.memref_slice %arg5[%dma_wait3A_272] : memref<320000xi32, #tpu.memory_space<hbm>> -> memref<80xi32, #tpu.memory_space<hbm>>
        %dma_wait3A_274 = arith.constant 0 : i32
        %dma_wait3A_275 = tpu.memref_slice %arg5[%dma_wait3A_274] : memref<320000xi32, #tpu.memory_space<hbm>> -> memref<80xi32, #tpu.memory_space<hbm>>
        tpu.wait_dma2 semaphore(%arg24 : memref<!tpu.dma_semaphore, #tpu.memory_space<semaphore_mem>>) src(%dma_wait3A_275 : memref<80xi32, #tpu.memory_space<hbm>>) dst(%arg10 : memref<80xi32, #tpu.memory_space<vmem>>)
        %dma_start3A_276 = arith.constant 0 : i32
        %dma_start3A_277 = arith.constant 0 : i32
        %dma_start3A_278 = tpu.memref_slice %arg2[%dma_start3A_276, %dma_start3A_277] : memref<10000x80xf32, #tpu.memory_space<hbm>> -> memref<10000x80xf32, #tpu.memory_space<hbm>>
        tpu.enqueue_indirect_dma source(%dma_start3A_278 : memref<10000x80xf32, #tpu.memory_space<hbm>>) target(%arg14 : memref<80x80xf32, #tpu.memory_space<vmem>>) offsets(%arg8 : memref<80xi32, #tpu.memory_space<vmem>>) semaphore(%arg20 : memref<!tpu.dma_semaphore, #tpu.memory_space<semaphore_mem>>)
        %dma_start3A_279 = arith.constant 0 : i32
        %dma_start3A_280 = arith.constant 0 : i32
        %dma_start3A_281 = tpu.memref_slice %arg3[%dma_start3A_279, %dma_start3A_280] : memref<10000x16xf32, #tpu.memory_space<hbm>> -> memref<10000x16xf32, #tpu.memory_space<hbm>>
        tpu.enqueue_indirect_dma source(%dma_start3A_281 : memref<10000x16xf32, #tpu.memory_space<hbm>>) target(%arg16 : memref<80x16xf32, #tpu.memory_space<vmem>>) offsets(%arg10 : memref<80xi32, #tpu.memory_space<vmem>>) semaphore(%arg22 : memref<!tpu.dma_semaphore, #tpu.memory_space<semaphore_mem>>)
      } else {
      }
      %add3A_197 = arith.constant 1 : i32
      %add3A_198 = arith.addi %mul3A_128, %add3A_197 : i32
      %eq3A_199 = arith.constant 0 : i32
      %eq3A_200 = arith.cmpi eq, %scan3A_125, %eq3A_199 : i32
      %dma_wait3A_201 = arith.constant 0 : i32
      %dma_wait3A_202 = arith.constant 0 : i32
      %dma_wait3A_203 = tpu.memref_slice %arg2[%dma_wait3A_201, %dma_wait3A_202] : memref<10000x80xf32, #tpu.memory_space<hbm>> -> memref<10000x80xf32, #tpu.memory_space<hbm>>
      tpu.wait_indirect_dma semaphore(%arg21 : memref<!tpu.dma_semaphore, #tpu.memory_space<semaphore_mem>>) src(%dma_wait3A_203 : memref<10000x80xf32, #tpu.memory_space<hbm>>) dst(%arg15 : memref<80x80xf32, #tpu.memory_space<vmem>>)
      %dma_wait3A_204 = arith.constant 0 : i32
      %dma_wait3A_205 = arith.constant 0 : i32
      %dma_wait3A_206 = tpu.memref_slice %arg3[%dma_wait3A_204, %dma_wait3A_205] : memref<10000x16xf32, #tpu.memory_space<hbm>> -> memref<10000x16xf32, #tpu.memory_space<hbm>>
      tpu.wait_indirect_dma semaphore(%arg23 : memref<!tpu.dma_semaphore, #tpu.memory_space<semaphore_mem>>) src(%dma_wait3A_206 : memref<10000x16xf32, #tpu.memory_space<hbm>>) dst(%arg17 : memref<80x16xf32, #tpu.memory_space<vmem>>)
      %not3A_207 = arith.constant true
      %not3A_208 = arith.xori %eq3A_200, %not3A_207 : i1
      %convert_element_type3A_209 = arith.extui %not3A_208 : i1 to i32
      %cond3A_210 = arith.constant 0 : i32
      %cond3A_211 = arith.cmpi ne, %convert_element_type3A_209, %cond3A_210 : i32
      scf.if %cond3A_211 {
        %dma_wait3A_268 = arith.constant 0 : i32
        %dma_wait3A_269 = arith.constant 0 : i32
        %dma_wait3A_270 = tpu.memref_slice %arg28[%dma_wait3A_268, %dma_wait3A_269] : memref<10000x80xf32, #tpu.memory_space<vmem_shared>> -> memref<10000x80xf32, #tpu.memory_space<vmem_shared>>
        tpu.wait_indirect_dma semaphore(%arg27 : memref<!tpu.dma_semaphore, #tpu.memory_space<semaphore_mem>>) src(%arg19 : memref<80x80xf32, #tpu.memory_space<vmem>>) dst(%dma_wait3A_270 : memref<10000x80xf32, #tpu.memory_space<vmem_shared>>)
      } else {
      }
      %get3A_212 = arith.constant 0 : index
      %get3A_213 = tpu.vector_load %arg11[%get3A_212] {strides = array<i32>} : memref<80xi32, #tpu.memory_space<vmem>>, vector<16xi32>,
      %get3A_214 = vector.shape_cast %get3A_213 : vector<16xi32> to vector<16xi32>
      %swap3A_215 = arith.constant 0 : index
      %swap3A_216 = tpu.vector_load %arg13[%swap3A_215] {strides = array<i32>} : memref<80xi32, #tpu.memory_space<vmem>>, vector<16xi32>,
      %swap3A_217 = vector.shape_cast %swap3A_216 : vector<16xi32> to vector<16xi32>
      %swap3A_218 = vector.shape_cast %get3A_214 : vector<16xi32> to vector<16xi32>
      tpu.vector_store %arg13[%swap3A_215], %swap3A_218 {strides = array<i32>} : memref<80xi32, #tpu.memory_space<vmem>>, vector<16xi32>,
      %get3A_219 = arith.constant 16 : index
      %get3A_220 = tpu.vector_load %arg11[%get3A_219] {strides = array<i32>} : memref<80xi32, #tpu.memory_space<vmem>>, vector<16xi32>,
      %get3A_221 = vector.shape_cast %get3A_220 : vector<16xi32> to vector<16xi32>
      %swap3A_222 = arith.constant 16 : index
      %swap3A_223 = tpu.vector_load %arg13[%swap3A_222] {strides = array<i32>} : memref<80xi32, #tpu.memory_space<vmem>>, vector<16xi32>,
      %swap3A_224 = vector.shape_cast %swap3A_223 : vector<16xi32> to vector<16xi32>
      %swap3A_225 = vector.shape_cast %get3A_221 : vector<16xi32> to vector<16xi32>
      tpu.vector_store %arg13[%swap3A_222], %swap3A_225 {strides = array<i32>} : memref<80xi32, #tpu.memory_space<vmem>>, vector<16xi32>,
      %get3A_226 = arith.constant 32 : index
      %get3A_227 = tpu.vector_load %arg11[%get3A_226] {strides = array<i32>} : memref<80xi32, #tpu.memory_space<vmem>>, vector<16xi32>,
      %get3A_228 = vector.shape_cast %get3A_227 : vector<16xi32> to vector<16xi32>
      %swap3A_229 = arith.constant 32 : index
      %swap3A_230 = tpu.vector_load %arg13[%swap3A_229] {strides = array<i32>} : memref<80xi32, #tpu.memory_space<vmem>>, vector<16xi32>,
      %swap3A_231 = vector.shape_cast %swap3A_230 : vector<16xi32> to vector<16xi32>
      %swap3A_232 = vector.shape_cast %get3A_228 : vector<16xi32> to vector<16xi32>
      tpu.vector_store %arg13[%swap3A_229], %swap3A_232 {strides = array<i32>} : memref<80xi32, #tpu.memory_space<vmem>>, vector<16xi32>,
      %get3A_233 = arith.constant 48 : index
      %get3A_234 = tpu.vector_load %arg11[%get3A_233] {strides = array<i32>} : memref<80xi32, #tpu.memory_space<vmem>>, vector<16xi32>,
      %get3A_235 = vector.shape_cast %get3A_234 : vector<16xi32> to vector<16xi32>
      %swap3A_236 = arith.constant 48 : index
      %swap3A_237 = tpu.vector_load %arg13[%swap3A_236] {strides = array<i32>} : memref<80xi32, #tpu.memory_space<vmem>>, vector<16xi32>,
      %swap3A_238 = vector.shape_cast %swap3A_237 : vector<16xi32> to vector<16xi32>
      %swap3A_239 = vector.shape_cast %get3A_235 : vector<16xi32> to vector<16xi32>
      tpu.vector_store %arg13[%swap3A_236], %swap3A_239 {strides = array<i32>} : memref<80xi32, #tpu.memory_space<vmem>>, vector<16xi32>,
      %get3A_240 = arith.constant 64 : index
      %get3A_241 = tpu.vector_load %arg11[%get3A_240] {strides = array<i32>} : memref<80xi32, #tpu.memory_space<vmem>>, vector<16xi32>,
      %get3A_242 = vector.shape_cast %get3A_241 : vector<16xi32> to vector<16xi32>
      %swap3A_243 = arith.constant 64 : index
      %swap3A_244 = tpu.vector_load %arg13[%swap3A_243] {strides = array<i32>} : memref<80xi32, #tpu.memory_space<vmem>>, vector<16xi32>,
      %swap3A_245 = vector.shape_cast %swap3A_244 : vector<16xi32> to vector<16xi32>
      %swap3A_246 = vector.shape_cast %get3A_242 : vector<16xi32> to vector<16xi32>
      tpu.vector_store %arg13[%swap3A_243], %swap3A_246 {strides = array<i32>} : memref<80xi32, #tpu.memory_space<vmem>>, vector<16xi32>,
      %add3A_247 = arith.constant 2 : i32
      %add3A_248 = arith.addi %add3A_198, %add3A_247 : i32
      %lt3A_249 = arith.constant 125 : i32
      %lt3A_250 = arith.cmpi slt, %add3A_248, %lt3A_249 : i32
      %convert_element_type3A_251 = arith.extui %lt3A_250 : i1 to i32
      %cond3A_252 = arith.constant 0 : i32
      %cond3A_253 = arith.cmpi ne, %convert_element_type3A_251, %cond3A_252 : i32
      scf.if %cond3A_253 {
        %add3A_268 = arith.constant 2 : i32
        %add3A_269 = arith.addi %add3A_198, %add3A_268 : i32
        %mul3A_270 = arith.constant 10000 : i32
        %mul3A_271 = arith.muli %add3A, %mul3A_270 : i32
        %mul3A_272 = arith.constant 80 : i32
        %mul3A_273 = arith.muli %add3A_269, %mul3A_272 : i32
        %add3A_274 = arith.addi %mul3A_271, %mul3A_273 : i32
        %multiple_of3A_275 = tpu.assume_multiple %add3A_274, 8 : i32
        %dma_start3A_276 = tpu.memref_slice %arg4[%multiple_of3A_275] : memref<320000xi32, #tpu.memory_space<hbm>> -> memref<80xi32, #tpu.memory_space<hbm>>
        %dma_start3A_277 = tpu.memref_slice %arg4[%multiple_of3A_275] : memref<320000xi32, #tpu.memory_space<hbm>> -> memref<80xi32, #tpu.memory_space<hbm>>
        tpu.enqueue_dma source(%dma_start3A_277 : memref<80xi32, #tpu.memory_space<hbm>>) target(%arg9 : memref<80xi32, #tpu.memory_space<vmem>>) target_semaphore(%arg25 : memref<!tpu.dma_semaphore, #tpu.memory_space<semaphore_mem>>)
        %dma_start3A_278 = tpu.memref_slice %arg5[%multiple_of3A_275] : memref<320000xi32, #tpu.memory_space<hbm>> -> memref<80xi32, #tpu.memory_space<hbm>>
        %dma_start3A_279 = tpu.memref_slice %arg5[%multiple_of3A_275] : memref<320000xi32, #tpu.memory_space<hbm>> -> memref<80xi32, #tpu.memory_space<hbm>>
        tpu.enqueue_dma source(%dma_start3A_279 : memref<80xi32, #tpu.memory_space<hbm>>) target(%arg11 : memref<80xi32, #tpu.memory_space<vmem>>) target_semaphore(%arg25 : memref<!tpu.dma_semaphore, #tpu.memory_space<semaphore_mem>>)
      } else {
      }
      %parallel_loop3A_254 = arith.constant 0 : i32
      %parallel_loop3A_255 = arith.constant 80 : i32
      %parallel_loop3A_256 = arith.constant 1 : i32
      scf.for %parallel_loop3A_268 = %parallel_loop3A_254 to %parallel_loop3A_255 step %parallel_loop3A_256  : i32 {
        %parallel_loop3A_269 = arith.index_cast %parallel_loop3A_268 : i32 to index
        %parallel_loop3A_270 = arith.constant 64 : index
        %parallel_loop3A_271 = tpu.vector_load %arg15[%parallel_loop3A_269, %parallel_loop3A_270] {strides = array<i32>} : memref<80x80xf32, #tpu.memory_space<vmem>>, vector<1x16xf32>,
        %parallel_loop3A_272 = vector.shape_cast %parallel_loop3A_271 : vector<1x16xf32> to vector<16xf32>
        %parallel_loop3A_273 = arith.index_cast %parallel_loop3A_268 : i32 to index
        %parallel_loop3A_274 = arith.constant 0 : index
        %parallel_loop3A_275 = tpu.vector_load %arg17[%parallel_loop3A_273, %parallel_loop3A_274] {strides = array<i32>} : memref<80x16xf32, #tpu.memory_space<vmem>>, vector<1x16xf32>,
        %parallel_loop3A_276 = vector.shape_cast %parallel_loop3A_275 : vector<1x16xf32> to vector<16xf32>
        %parallel_loop3A_277 = arith.addf %parallel_loop3A_272, %parallel_loop3A_276 : vector<16xf32>
        %parallel_loop3A_278 = arith.constant 2.000000e-01 : f32
        %parallel_loop3A_279 = vector.broadcast %parallel_loop3A_278 : f32 to vector<16xf32>
        %parallel_loop3A_280 = arith.mulf %parallel_loop3A_277, %parallel_loop3A_279 : vector<16xf32>
        %parallel_loop3A_281 = arith.maximumf %parallel_loop3A_277, %parallel_loop3A_280 : vector<16xf32>
        %parallel_loop3A_282 = math.exp %parallel_loop3A_281 : vector<16xf32>
        %parallel_loop3A_283 = arith.mulf %parallel_loop3A_282, %select_n3A : vector<16xf32>
        %parallel_loop3A_284 = arith.index_cast %parallel_loop3A_268 : i32 to index
        %parallel_loop3A_285 = arith.constant 64 : index
        %parallel_loop3A_286 = tpu.vector_load %arg19[%parallel_loop3A_284, %parallel_loop3A_285] {strides = array<i32>} : memref<80x80xf32, #tpu.memory_space<vmem>>, vector<1x16xf32>,
        %parallel_loop3A_287 = vector.shape_cast %parallel_loop3A_286 : vector<1x16xf32> to vector<16xf32>
        %parallel_loop3A_288 = vector.shape_cast %parallel_loop3A_283 : vector<16xf32> to vector<1x16xf32>
        tpu.vector_store %arg19[%parallel_loop3A_284, %parallel_loop3A_285], %parallel_loop3A_288 {strides = array<i32>} : memref<80x80xf32, #tpu.memory_space<vmem>>, vector<1x16xf32>,
        %parallel_loop3A_289 = vector.extract_strided_slice %parallel_loop3A_283 {offsets = [0], sizes = [1], strides = [1]} : vector<16xf32> to vector<1xf32>
        %parallel_loop3A_290 = vector.extract %parallel_loop3A_289[0] : f32 from vector<1xf32>
        %parallel_loop3A_291 = arith.index_cast %parallel_loop3A_268 : i32 to index
        %parallel_loop3A_292 = arith.constant 0 : index
        %parallel_loop3A_293 = tpu.vector_load %arg15[%parallel_loop3A_291, %parallel_loop3A_292] {strides = array<i32>} : memref<80x80xf32, #tpu.memory_space<vmem>>, vector<1x16xf32>,
        %parallel_loop3A_294 = vector.shape_cast %parallel_loop3A_293 : vector<1x16xf32> to vector<16xf32>
        %parallel_loop3A_295 = vector.broadcast %parallel_loop3A_290 : f32 to vector<16xf32>
        %parallel_loop3A_296 = arith.mulf %parallel_loop3A_294, %parallel_loop3A_295 : vector<16xf32>
        %parallel_loop3A_297 = arith.index_cast %parallel_loop3A_268 : i32 to index
        %parallel_loop3A_298 = arith.constant 0 : index
        %parallel_loop3A_299 = tpu.vector_load %arg19[%parallel_loop3A_297, %parallel_loop3A_298] {strides = array<i32>} : memref<80x80xf32, #tpu.memory_space<vmem>>, vector<1x16xf32>,
        %parallel_loop3A_300 = vector.shape_cast %parallel_loop3A_299 : vector<1x16xf32> to vector<16xf32>
        %parallel_loop3A_301 = vector.shape_cast %parallel_loop3A_296 : vector<16xf32> to vector<1x16xf32>
        tpu.vector_store %arg19[%parallel_loop3A_297, %parallel_loop3A_298], %parallel_loop3A_301 {strides = array<i32>} : memref<80x80xf32, #tpu.memory_space<vmem>>, vector<1x16xf32>,
        %parallel_loop3A_302 = vector.extract_strided_slice %parallel_loop3A_283 {offsets = [0], sizes = [1], strides = [1]} : vector<16xf32> to vector<1xf32>
        %parallel_loop3A_303 = vector.extract %parallel_loop3A_302[0] : f32 from vector<1xf32>
        %parallel_loop3A_304 = arith.index_cast %parallel_loop3A_268 : i32 to index
        %parallel_loop3A_305 = arith.constant 16 : index
        %parallel_loop3A_306 = tpu.vector_load %arg15[%parallel_loop3A_304, %parallel_loop3A_305] {strides = array<i32>} : memref<80x80xf32, #tpu.memory_space<vmem>>, vector<1x16xf32>,
        %parallel_loop3A_307 = vector.shape_cast %parallel_loop3A_306 : vector<1x16xf32> to vector<16xf32>
        %parallel_loop3A_308 = vector.broadcast %parallel_loop3A_303 : f32 to vector<16xf32>
        %parallel_loop3A_309 = arith.mulf %parallel_loop3A_307, %parallel_loop3A_308 : vector<16xf32>
        %parallel_loop3A_310 = arith.index_cast %parallel_loop3A_268 : i32 to index
        %parallel_loop3A_311 = arith.constant 16 : index
        %parallel_loop3A_312 = tpu.vector_load %arg19[%parallel_loop3A_310, %parallel_loop3A_311] {strides = array<i32>} : memref<80x80xf32, #tpu.memory_space<vmem>>, vector<1x16xf32>,
        %parallel_loop3A_313 = vector.shape_cast %parallel_loop3A_312 : vector<1x16xf32> to vector<16xf32>
        %parallel_loop3A_314 = vector.shape_cast %parallel_loop3A_309 : vector<16xf32> to vector<1x16xf32>
        tpu.vector_store %arg19[%parallel_loop3A_310, %parallel_loop3A_311], %parallel_loop3A_314 {strides = array<i32>} : memref<80x80xf32, #tpu.memory_space<vmem>>, vector<1x16xf32>,
        %parallel_loop3A_315 = vector.extract_strided_slice %parallel_loop3A_283 {offsets = [1], sizes = [1], strides = [1]} : vector<16xf32> to vector<1xf32>
        %parallel_loop3A_316 = vector.extract %parallel_loop3A_315[0] : f32 from vector<1xf32>
        %parallel_loop3A_317 = arith.index_cast %parallel_loop3A_268 : i32 to index
        %parallel_loop3A_318 = arith.constant 32 : index
        %parallel_loop3A_319 = tpu.vector_load %arg15[%parallel_loop3A_317, %parallel_loop3A_318] {strides = array<i32>} : memref<80x80xf32, #tpu.memory_space<vmem>>, vector<1x16xf32>,
        %parallel_loop3A_320 = vector.shape_cast %parallel_loop3A_319 : vector<1x16xf32> to vector<16xf32>
        %parallel_loop3A_321 = vector.broadcast %parallel_loop3A_316 : f32 to vector<16xf32>
        %parallel_loop3A_322 = arith.mulf %parallel_loop3A_320, %parallel_loop3A_321 : vector<16xf32>
        %parallel_loop3A_323 = arith.index_cast %parallel_loop3A_268 : i32 to index
        %parallel_loop3A_324 = arith.constant 32 : index
        %parallel_loop3A_325 = tpu.vector_load %arg19[%parallel_loop3A_323, %parallel_loop3A_324] {strides = array<i32>} : memref<80x80xf32, #tpu.memory_space<vmem>>, vector<1x16xf32>,
        %parallel_loop3A_326 = vector.shape_cast %parallel_loop3A_325 : vector<1x16xf32> to vector<16xf32>
        %parallel_loop3A_327 = vector.shape_cast %parallel_loop3A_322 : vector<16xf32> to vector<1x16xf32>
        tpu.vector_store %arg19[%parallel_loop3A_323, %parallel_loop3A_324], %parallel_loop3A_327 {strides = array<i32>} : memref<80x80xf32, #tpu.memory_space<vmem>>, vector<1x16xf32>,
        %parallel_loop3A_328 = vector.extract_strided_slice %parallel_loop3A_283 {offsets = [1], sizes = [1], strides = [1]} : vector<16xf32> to vector<1xf32>
        %parallel_loop3A_329 = vector.extract %parallel_loop3A_328[0] : f32 from vector<1xf32>
        %parallel_loop3A_330 = arith.index_cast %parallel_loop3A_268 : i32 to index
        %parallel_loop3A_331 = arith.constant 48 : index
        %parallel_loop3A_332 = tpu.vector_load %arg15[%parallel_loop3A_330, %parallel_loop3A_331] {strides = array<i32>} : memref<80x80xf32, #tpu.memory_space<vmem>>, vector<1x16xf32>,
        %parallel_loop3A_333 = vector.shape_cast %parallel_loop3A_332 : vector<1x16xf32> to vector<16xf32>
        %parallel_loop3A_334 = vector.broadcast %parallel_loop3A_329 : f32 to vector<16xf32>
        %parallel_loop3A_335 = arith.mulf %parallel_loop3A_333, %parallel_loop3A_334 : vector<16xf32>
        %parallel_loop3A_336 = arith.index_cast %parallel_loop3A_268 : i32 to index
        %parallel_loop3A_337 = arith.constant 48 : index
        %parallel_loop3A_338 = tpu.vector_load %arg19[%parallel_loop3A_336, %parallel_loop3A_337] {strides = array<i32>} : memref<80x80xf32, #tpu.memory_space<vmem>>, vector<1x16xf32>,
        %parallel_loop3A_339 = vector.shape_cast %parallel_loop3A_338 : vector<1x16xf32> to vector<16xf32>
        %parallel_loop3A_340 = vector.shape_cast %parallel_loop3A_335 : vector<16xf32> to vector<1x16xf32>
        tpu.vector_store %arg19[%parallel_loop3A_336, %parallel_loop3A_337], %parallel_loop3A_340 {strides = array<i32>} : memref<80x80xf32, #tpu.memory_space<vmem>>, vector<1x16xf32>,
      } {sc.loop_unroll_factor = 8 : i64, sc.parallel_access}
      %dma_start3A_257 = arith.constant 0 : i32
      %dma_start3A_258 = arith.constant 0 : i32
      %dma_start3A_259 = tpu.memref_slice %arg28[%dma_start3A_257, %dma_start3A_258] : memref<10000x80xf32, #tpu.memory_space<vmem_shared>> -> memref<10000x80xf32, #tpu.memory_space<vmem_shared>>
      tpu.enqueue_indirect_dma source(%arg19 : memref<80x80xf32, #tpu.memory_space<vmem>>) target(%dma_start3A_259 : memref<10000x80xf32, #tpu.memory_space<vmem_shared>>) offsets(%arg13 : memref<80xi32, #tpu.memory_space<vmem>>) semaphore(%arg27 : memref<!tpu.dma_semaphore, #tpu.memory_space<semaphore_mem>>) {add = true}
      %add3A_260 = arith.constant 2 : i32
      %add3A_261 = arith.addi %add3A_198, %add3A_260 : i32
      %lt3A_262 = arith.constant 125 : i32
      %lt3A_263 = arith.cmpi slt, %add3A_261, %lt3A_262 : i32
      %convert_element_type3A_264 = arith.extui %lt3A_263 : i1 to i32
      %cond3A_265 = arith.constant 0 : i32
      %cond3A_266 = arith.cmpi ne, %convert_element_type3A_264, %cond3A_265 : i32
      scf.if %cond3A_266 {
        %dma_wait3A_268 = arith.constant 0 : i32
        %dma_wait3A_269 = tpu.memref_slice %arg4[%dma_wait3A_268] : memref<320000xi32, #tpu.memory_space<hbm>> -> memref<80xi32, #tpu.memory_space<hbm>>
        %dma_wait3A_270 = arith.constant 0 : i32
        %dma_wait3A_271 = tpu.memref_slice %arg4[%dma_wait3A_270] : memref<320000xi32, #tpu.memory_space<hbm>> -> memref<80xi32, #tpu.memory_space<hbm>>
        tpu.wait_dma2 semaphore(%arg25 : memref<!tpu.dma_semaphore, #tpu.memory_space<semaphore_mem>>) src(%dma_wait3A_271 : memref<80xi32, #tpu.memory_space<hbm>>) dst(%arg9 : memref<80xi32, #tpu.memory_space<vmem>>)
        %dma_wait3A_272 = arith.constant 0 : i32
        %dma_wait3A_273 = tpu.memref_slice %arg5[%dma_wait3A_272] : memref<320000xi32, #tpu.memory_space<hbm>> -> memref<80xi32, #tpu.memory_space<hbm>>
        %dma_wait3A_274 = arith.constant 0 : i32
        %dma_wait3A_275 = tpu.memref_slice %arg5[%dma_wait3A_274] : memref<320000xi32, #tpu.memory_space<hbm>> -> memref<80xi32, #tpu.memory_space<hbm>>
        tpu.wait_dma2 semaphore(%arg25 : memref<!tpu.dma_semaphore, #tpu.memory_space<semaphore_mem>>) src(%dma_wait3A_275 : memref<80xi32, #tpu.memory_space<hbm>>) dst(%arg11 : memref<80xi32, #tpu.memory_space<vmem>>)
        %dma_start3A_276 = arith.constant 0 : i32
        %dma_start3A_277 = arith.constant 0 : i32
        %dma_start3A_278 = tpu.memref_slice %arg2[%dma_start3A_276, %dma_start3A_277] : memref<10000x80xf32, #tpu.memory_space<hbm>> -> memref<10000x80xf32, #tpu.memory_space<hbm>>
        tpu.enqueue_indirect_dma source(%dma_start3A_278 : memref<10000x80xf32, #tpu.memory_space<hbm>>) target(%arg15 : memref<80x80xf32, #tpu.memory_space<vmem>>) offsets(%arg9 : memref<80xi32, #tpu.memory_space<vmem>>) semaphore(%arg21 : memref<!tpu.dma_semaphore, #tpu.memory_space<semaphore_mem>>)
        %dma_start3A_279 = arith.constant 0 : i32
        %dma_start3A_280 = arith.constant 0 : i32
        %dma_start3A_281 = tpu.memref_slice %arg3[%dma_start3A_279, %dma_start3A_280] : memref<10000x16xf32, #tpu.memory_space<hbm>> -> memref<10000x16xf32, #tpu.memory_space<hbm>>
        tpu.enqueue_indirect_dma source(%dma_start3A_281 : memref<10000x16xf32, #tpu.memory_space<hbm>>) target(%arg17 : memref<80x16xf32, #tpu.memory_space<vmem>>) offsets(%arg11 : memref<80xi32, #tpu.memory_space<vmem>>) semaphore(%arg23 : memref<!tpu.dma_semaphore, #tpu.memory_space<semaphore_mem>>)
      } else {
      }
      %scan3A_267 = arith.constant 0 : i32
      scf.yield %scan3A_267 : i32
    }
    %scan3A_59 = arith.constant 62 : i32
    %dma_wait3A_60 = arith.constant 0 : i32
    %dma_wait3A_61 = arith.constant 0 : i32
    %dma_wait3A_62 = tpu.memref_slice %arg2[%dma_wait3A_60, %dma_wait3A_61] : memref<10000x80xf32, #tpu.memory_space<hbm>> -> memref<10000x80xf32, #tpu.memory_space<hbm>>
    tpu.wait_indirect_dma semaphore(%arg20 : memref<!tpu.dma_semaphore, #tpu.memory_space<semaphore_mem>>) src(%dma_wait3A_62 : memref<10000x80xf32, #tpu.memory_space<hbm>>) dst(%arg14 : memref<80x80xf32, #tpu.memory_space<vmem>>)
    %dma_wait3A_63 = arith.constant 0 : i32
    %dma_wait3A_64 = arith.constant 0 : i32
    %dma_wait3A_65 = tpu.memref_slice %arg3[%dma_wait3A_63, %dma_wait3A_64] : memref<10000x16xf32, #tpu.memory_space<hbm>> -> memref<10000x16xf32, #tpu.memory_space<hbm>>
    tpu.wait_indirect_dma semaphore(%arg22 : memref<!tpu.dma_semaphore, #tpu.memory_space<semaphore_mem>>) src(%dma_wait3A_65 : memref<10000x16xf32, #tpu.memory_space<hbm>>) dst(%arg16 : memref<80x16xf32, #tpu.memory_space<vmem>>)
    %not3A = arith.constant false
    %not3A_66 = arith.constant true
    %not3A_67 = arith.xori %not3A, %not3A_66 : i1
    %convert_element_type3A_68 = arith.extui %not3A_67 : i1 to i32
    %cond3A_69 = arith.constant 0 : i32
    %cond3A_70 = arith.cmpi ne, %convert_element_type3A_68, %cond3A_69 : i32
    scf.if %cond3A_70 {
      %dma_wait3A_125 = arith.constant 0 : i32
      %dma_wait3A_126 = arith.constant 0 : i32
      %dma_wait3A_127 = tpu.memref_slice %arg28[%dma_wait3A_125, %dma_wait3A_126] : memref<10000x80xf32, #tpu.memory_space<vmem_shared>> -> memref<10000x80xf32, #tpu.memory_space<vmem_shared>>
      tpu.wait_indirect_dma semaphore(%arg26 : memref<!tpu.dma_semaphore, #tpu.memory_space<semaphore_mem>>) src(%arg18 : memref<80x80xf32, #tpu.memory_space<vmem>>) dst(%dma_wait3A_127 : memref<10000x80xf32, #tpu.memory_space<vmem_shared>>)
    } else {
    }
    %get3A = arith.constant 0 : index
    %get3A_71 = tpu.vector_load %arg10[%get3A] {strides = array<i32>} : memref<80xi32, #tpu.memory_space<vmem>>, vector<16xi32>,
    %get3A_72 = vector.shape_cast %get3A_71 : vector<16xi32> to vector<16xi32>
    %swap3A = arith.constant 0 : index
    %swap3A_73 = tpu.vector_load %arg12[%swap3A] {strides = array<i32>} : memref<80xi32, #tpu.memory_space<vmem>>, vector<16xi32>,
    %swap3A_74 = vector.shape_cast %swap3A_73 : vector<16xi32> to vector<16xi32>
    %swap3A_75 = vector.shape_cast %get3A_72 : vector<16xi32> to vector<16xi32>
    tpu.vector_store %arg12[%swap3A], %swap3A_75 {strides = array<i32>} : memref<80xi32, #tpu.memory_space<vmem>>, vector<16xi32>,
    %get3A_76 = arith.constant 16 : index
    %get3A_77 = tpu.vector_load %arg10[%get3A_76] {strides = array<i32>} : memref<80xi32, #tpu.memory_space<vmem>>, vector<16xi32>,
    %get3A_78 = vector.shape_cast %get3A_77 : vector<16xi32> to vector<16xi32>
    %swap3A_79 = arith.constant 16 : index
    %swap3A_80 = tpu.vector_load %arg12[%swap3A_79] {strides = array<i32>} : memref<80xi32, #tpu.memory_space<vmem>>, vector<16xi32>,
    %swap3A_81 = vector.shape_cast %swap3A_80 : vector<16xi32> to vector<16xi32>
    %swap3A_82 = vector.shape_cast %get3A_78 : vector<16xi32> to vector<16xi32>
    tpu.vector_store %arg12[%swap3A_79], %swap3A_82 {strides = array<i32>} : memref<80xi32, #tpu.memory_space<vmem>>, vector<16xi32>,
    %get3A_83 = arith.constant 32 : index
    %get3A_84 = tpu.vector_load %arg10[%get3A_83] {strides = array<i32>} : memref<80xi32, #tpu.memory_space<vmem>>, vector<16xi32>,
    %get3A_85 = vector.shape_cast %get3A_84 : vector<16xi32> to vector<16xi32>
    %swap3A_86 = arith.constant 32 : index
    %swap3A_87 = tpu.vector_load %arg12[%swap3A_86] {strides = array<i32>} : memref<80xi32, #tpu.memory_space<vmem>>, vector<16xi32>,
    %swap3A_88 = vector.shape_cast %swap3A_87 : vector<16xi32> to vector<16xi32>
    %swap3A_89 = vector.shape_cast %get3A_85 : vector<16xi32> to vector<16xi32>
    tpu.vector_store %arg12[%swap3A_86], %swap3A_89 {strides = array<i32>} : memref<80xi32, #tpu.memory_space<vmem>>, vector<16xi32>,
    %get3A_90 = arith.constant 48 : index
    %get3A_91 = tpu.vector_load %arg10[%get3A_90] {strides = array<i32>} : memref<80xi32, #tpu.memory_space<vmem>>, vector<16xi32>,
    %get3A_92 = vector.shape_cast %get3A_91 : vector<16xi32> to vector<16xi32>
    %swap3A_93 = arith.constant 48 : index
    %swap3A_94 = tpu.vector_load %arg12[%swap3A_93] {strides = array<i32>} : memref<80xi32, #tpu.memory_space<vmem>>, vector<16xi32>,
    %swap3A_95 = vector.shape_cast %swap3A_94 : vector<16xi32> to vector<16xi32>
    %swap3A_96 = vector.shape_cast %get3A_92 : vector<16xi32> to vector<16xi32>
    tpu.vector_store %arg12[%swap3A_93], %swap3A_96 {strides = array<i32>} : memref<80xi32, #tpu.memory_space<vmem>>, vector<16xi32>,
    %get3A_97 = arith.constant 64 : index
    %get3A_98 = tpu.vector_load %arg10[%get3A_97] {strides = array<i32>} : memref<80xi32, #tpu.memory_space<vmem>>, vector<16xi32>,
    %get3A_99 = vector.shape_cast %get3A_98 : vector<16xi32> to vector<16xi32>
    %swap3A_100 = arith.constant 64 : index
    %swap3A_101 = tpu.vector_load %arg12[%swap3A_100] {strides = array<i32>} : memref<80xi32, #tpu.memory_space<vmem>>, vector<16xi32>,
    %swap3A_102 = vector.shape_cast %swap3A_101 : vector<16xi32> to vector<16xi32>
    %swap3A_103 = vector.shape_cast %get3A_99 : vector<16xi32> to vector<16xi32>
    tpu.vector_store %arg12[%swap3A_100], %swap3A_103 {strides = array<i32>} : memref<80xi32, #tpu.memory_space<vmem>>, vector<16xi32>,
    %parallel_loop3A = arith.constant 0 : i32
    %parallel_loop3A_104 = arith.constant 80 : i32
    %parallel_loop3A_105 = arith.constant 1 : i32
    scf.for %parallel_loop3A_125 = %parallel_loop3A to %parallel_loop3A_104 step %parallel_loop3A_105  : i32 {
      %parallel_loop3A_126 = arith.index_cast %parallel_loop3A_125 : i32 to index
      %parallel_loop3A_127 = arith.constant 64 : index
      %parallel_loop3A_128 = tpu.vector_load %arg14[%parallel_loop3A_126, %parallel_loop3A_127] {strides = array<i32>} : memref<80x80xf32, #tpu.memory_space<vmem>>, vector<1x16xf32>,
      %parallel_loop3A_129 = vector.shape_cast %parallel_loop3A_128 : vector<1x16xf32> to vector<16xf32>
      %parallel_loop3A_130 = arith.index_cast %parallel_loop3A_125 : i32 to index
      %parallel_loop3A_131 = arith.constant 0 : index
      %parallel_loop3A_132 = tpu.vector_load %arg16[%parallel_loop3A_130, %parallel_loop3A_131] {strides = array<i32>} : memref<80x16xf32, #tpu.memory_space<vmem>>, vector<1x16xf32>,
      %parallel_loop3A_133 = vector.shape_cast %parallel_loop3A_132 : vector<1x16xf32> to vector<16xf32>
      %parallel_loop3A_134 = arith.addf %parallel_loop3A_129, %parallel_loop3A_133 : vector<16xf32>
      %parallel_loop3A_135 = arith.constant 2.000000e-01 : f32
      %parallel_loop3A_136 = vector.broadcast %parallel_loop3A_135 : f32 to vector<16xf32>
      %parallel_loop3A_137 = arith.mulf %parallel_loop3A_134, %parallel_loop3A_136 : vector<16xf32>
      %parallel_loop3A_138 = arith.maximumf %parallel_loop3A_134, %parallel_loop3A_137 : vector<16xf32>
      %parallel_loop3A_139 = math.exp %parallel_loop3A_138 : vector<16xf32>
      %parallel_loop3A_140 = arith.mulf %parallel_loop3A_139, %select_n3A : vector<16xf32>
      %parallel_loop3A_141 = arith.index_cast %parallel_loop3A_125 : i32 to index
      %parallel_loop3A_142 = arith.constant 64 : index
      %parallel_loop3A_143 = tpu.vector_load %arg18[%parallel_loop3A_141, %parallel_loop3A_142] {strides = array<i32>} : memref<80x80xf32, #tpu.memory_space<vmem>>, vector<1x16xf32>,
      %parallel_loop3A_144 = vector.shape_cast %parallel_loop3A_143 : vector<1x16xf32> to vector<16xf32>
      %parallel_loop3A_145 = vector.shape_cast %parallel_loop3A_140 : vector<16xf32> to vector<1x16xf32>
      tpu.vector_store %arg18[%parallel_loop3A_141, %parallel_loop3A_142], %parallel_loop3A_145 {strides = array<i32>} : memref<80x80xf32, #tpu.memory_space<vmem>>, vector<1x16xf32>,
      %parallel_loop3A_146 = vector.extract_strided_slice %parallel_loop3A_140 {offsets = [0], sizes = [1], strides = [1]} : vector<16xf32> to vector<1xf32>
      %parallel_loop3A_147 = vector.extract %parallel_loop3A_146[0] : f32 from vector<1xf32>
      %parallel_loop3A_148 = arith.index_cast %parallel_loop3A_125 : i32 to index
      %parallel_loop3A_149 = arith.constant 0 : index
      %parallel_loop3A_150 = tpu.vector_load %arg14[%parallel_loop3A_148, %parallel_loop3A_149] {strides = array<i32>} : memref<80x80xf32, #tpu.memory_space<vmem>>, vector<1x16xf32>,
      %parallel_loop3A_151 = vector.shape_cast %parallel_loop3A_150 : vector<1x16xf32> to vector<16xf32>
      %parallel_loop3A_152 = vector.broadcast %parallel_loop3A_147 : f32 to vector<16xf32>
      %parallel_loop3A_153 = arith.mulf %parallel_loop3A_151, %parallel_loop3A_152 : vector<16xf32>
      %parallel_loop3A_154 = arith.index_cast %parallel_loop3A_125 : i32 to index
      %parallel_loop3A_155 = arith.constant 0 : index
      %parallel_loop3A_156 = tpu.vector_load %arg18[%parallel_loop3A_154, %parallel_loop3A_155] {strides = array<i32>} : memref<80x80xf32, #tpu.memory_space<vmem>>, vector<1x16xf32>,
      %parallel_loop3A_157 = vector.shape_cast %parallel_loop3A_156 : vector<1x16xf32> to vector<16xf32>
      %parallel_loop3A_158 = vector.shape_cast %parallel_loop3A_153 : vector<16xf32> to vector<1x16xf32>
      tpu.vector_store %arg18[%parallel_loop3A_154, %parallel_loop3A_155], %parallel_loop3A_158 {strides = array<i32>} : memref<80x80xf32, #tpu.memory_space<vmem>>, vector<1x16xf32>,
      %parallel_loop3A_159 = vector.extract_strided_slice %parallel_loop3A_140 {offsets = [0], sizes = [1], strides = [1]} : vector<16xf32> to vector<1xf32>
      %parallel_loop3A_160 = vector.extract %parallel_loop3A_159[0] : f32 from vector<1xf32>
      %parallel_loop3A_161 = arith.index_cast %parallel_loop3A_125 : i32 to index
      %parallel_loop3A_162 = arith.constant 16 : index
      %parallel_loop3A_163 = tpu.vector_load %arg14[%parallel_loop3A_161, %parallel_loop3A_162] {strides = array<i32>} : memref<80x80xf32, #tpu.memory_space<vmem>>, vector<1x16xf32>,
      %parallel_loop3A_164 = vector.shape_cast %parallel_loop3A_163 : vector<1x16xf32> to vector<16xf32>
      %parallel_loop3A_165 = vector.broadcast %parallel_loop3A_160 : f32 to vector<16xf32>
      %parallel_loop3A_166 = arith.mulf %parallel_loop3A_164, %parallel_loop3A_165 : vector<16xf32>
      %parallel_loop3A_167 = arith.index_cast %parallel_loop3A_125 : i32 to index
      %parallel_loop3A_168 = arith.constant 16 : index
      %parallel_loop3A_169 = tpu.vector_load %arg18[%parallel_loop3A_167, %parallel_loop3A_168] {strides = array<i32>} : memref<80x80xf32, #tpu.memory_space<vmem>>, vector<1x16xf32>,
      %parallel_loop3A_170 = vector.shape_cast %parallel_loop3A_169 : vector<1x16xf32> to vector<16xf32>
      %parallel_loop3A_171 = vector.shape_cast %parallel_loop3A_166 : vector<16xf32> to vector<1x16xf32>
      tpu.vector_store %arg18[%parallel_loop3A_167, %parallel_loop3A_168], %parallel_loop3A_171 {strides = array<i32>} : memref<80x80xf32, #tpu.memory_space<vmem>>, vector<1x16xf32>,
      %parallel_loop3A_172 = vector.extract_strided_slice %parallel_loop3A_140 {offsets = [1], sizes = [1], strides = [1]} : vector<16xf32> to vector<1xf32>
      %parallel_loop3A_173 = vector.extract %parallel_loop3A_172[0] : f32 from vector<1xf32>
      %parallel_loop3A_174 = arith.index_cast %parallel_loop3A_125 : i32 to index
      %parallel_loop3A_175 = arith.constant 32 : index
      %parallel_loop3A_176 = tpu.vector_load %arg14[%parallel_loop3A_174, %parallel_loop3A_175] {strides = array<i32>} : memref<80x80xf32, #tpu.memory_space<vmem>>, vector<1x16xf32>,
      %parallel_loop3A_177 = vector.shape_cast %parallel_loop3A_176 : vector<1x16xf32> to vector<16xf32>
      %parallel_loop3A_178 = vector.broadcast %parallel_loop3A_173 : f32 to vector<16xf32>
      %parallel_loop3A_179 = arith.mulf %parallel_loop3A_177, %parallel_loop3A_178 : vector<16xf32>
      %parallel_loop3A_180 = arith.index_cast %parallel_loop3A_125 : i32 to index
      %parallel_loop3A_181 = arith.constant 32 : index
      %parallel_loop3A_182 = tpu.vector_load %arg18[%parallel_loop3A_180, %parallel_loop3A_181] {strides = array<i32>} : memref<80x80xf32, #tpu.memory_space<vmem>>, vector<1x16xf32>,
      %parallel_loop3A_183 = vector.shape_cast %parallel_loop3A_182 : vector<1x16xf32> to vector<16xf32>
      %parallel_loop3A_184 = vector.shape_cast %parallel_loop3A_179 : vector<16xf32> to vector<1x16xf32>
      tpu.vector_store %arg18[%parallel_loop3A_180, %parallel_loop3A_181], %parallel_loop3A_184 {strides = array<i32>} : memref<80x80xf32, #tpu.memory_space<vmem>>, vector<1x16xf32>,
      %parallel_loop3A_185 = vector.extract_strided_slice %parallel_loop3A_140 {offsets = [1], sizes = [1], strides = [1]} : vector<16xf32> to vector<1xf32>
      %parallel_loop3A_186 = vector.extract %parallel_loop3A_185[0] : f32 from vector<1xf32>
      %parallel_loop3A_187 = arith.index_cast %parallel_loop3A_125 : i32 to index
      %parallel_loop3A_188 = arith.constant 48 : index
      %parallel_loop3A_189 = tpu.vector_load %arg14[%parallel_loop3A_187, %parallel_loop3A_188] {strides = array<i32>} : memref<80x80xf32, #tpu.memory_space<vmem>>, vector<1x16xf32>,
      %parallel_loop3A_190 = vector.shape_cast %parallel_loop3A_189 : vector<1x16xf32> to vector<16xf32>
      %parallel_loop3A_191 = vector.broadcast %parallel_loop3A_186 : f32 to vector<16xf32>
      %parallel_loop3A_192 = arith.mulf %parallel_loop3A_190, %parallel_loop3A_191 : vector<16xf32>
      %parallel_loop3A_193 = arith.index_cast %parallel_loop3A_125 : i32 to index
      %parallel_loop3A_194 = arith.constant 48 : index
      %parallel_loop3A_195 = tpu.vector_load %arg18[%parallel_loop3A_193, %parallel_loop3A_194] {strides = array<i32>} : memref<80x80xf32, #tpu.memory_space<vmem>>, vector<1x16xf32>,
      %parallel_loop3A_196 = vector.shape_cast %parallel_loop3A_195 : vector<1x16xf32> to vector<16xf32>
      %parallel_loop3A_197 = vector.shape_cast %parallel_loop3A_192 : vector<16xf32> to vector<1x16xf32>
      tpu.vector_store %arg18[%parallel_loop3A_193, %parallel_loop3A_194], %parallel_loop3A_197 {strides = array<i32>} : memref<80x80xf32, #tpu.memory_space<vmem>>, vector<1x16xf32>,
    } {sc.loop_unroll_factor = 8 : i64, sc.parallel_access}
    %dma_start3A_106 = arith.constant 0 : i32
    %dma_start3A_107 = arith.constant 0 : i32
    %dma_start3A_108 = tpu.memref_slice %arg28[%dma_start3A_106, %dma_start3A_107] : memref<10000x80xf32, #tpu.memory_space<vmem_shared>> -> memref<10000x80xf32, #tpu.memory_space<vmem_shared>>
    tpu.enqueue_indirect_dma source(%arg18 : memref<80x80xf32, #tpu.memory_space<vmem>>) target(%dma_start3A_108 : memref<10000x80xf32, #tpu.memory_space<vmem_shared>>) offsets(%arg12 : memref<80xi32, #tpu.memory_space<vmem>>) semaphore(%arg26 : memref<!tpu.dma_semaphore, #tpu.memory_space<semaphore_mem>>) {add = true}
    %dma_wait3A_109 = arith.constant 0 : i32
    %dma_wait3A_110 = arith.constant 0 : i32
    %dma_wait3A_111 = tpu.memref_slice %arg28[%dma_wait3A_109, %dma_wait3A_110] : memref<10000x80xf32, #tpu.memory_space<vmem_shared>> -> memref<10000x80xf32, #tpu.memory_space<vmem_shared>>
    tpu.wait_indirect_dma semaphore(%arg26 : memref<!tpu.dma_semaphore, #tpu.memory_space<semaphore_mem>>) src(%arg18 : memref<80x80xf32, #tpu.memory_space<vmem>>) dst(%dma_wait3A_111 : memref<10000x80xf32, #tpu.memory_space<vmem_shared>>)
    %dma_wait3A_112 = arith.constant 0 : i32
    %dma_wait3A_113 = arith.constant 0 : i32
    %dma_wait3A_114 = tpu.memref_slice %arg28[%dma_wait3A_112, %dma_wait3A_113] : memref<10000x80xf32, #tpu.memory_space<vmem_shared>> -> memref<10000x80xf32, #tpu.memory_space<vmem_shared>>
    tpu.wait_indirect_dma semaphore(%arg27 : memref<!tpu.dma_semaphore, #tpu.memory_space<semaphore_mem>>) src(%arg19 : memref<80x80xf32, #tpu.memory_space<vmem>>) dst(%dma_wait3A_114 : memref<10000x80xf32, #tpu.memory_space<vmem_shared>>)
    %barrier3A_115 = arith.constant 0 : index
    tpu.barrier barrier_id(%barrier3A_115)
    %mul3A_116 = arith.constant 624 : i32
    %mul3A_117 = arith.muli %arg1, %mul3A_116 : i32
    %mul3A_118 = arith.constant 624 : i32
    %mul3A_119 = arith.muli %arg1, %mul3A_118 : i32
    "tpu.region"() ({
      %run_scoped3A = tpu.sem_alloc : memref<!tpu.dma_semaphore, #tpu.memory_space<semaphore_mem>>
      %dma_start3A_125 = arith.constant 0 : i32
      %dma_start3A_126 = tpu.memref_slice %arg7[%arg0, %mul3A_119, %dma_start3A_125] : memref<2x10000x80xf32, #tpu.memory_space<hbm>> -> memref<1x624x80xf32, #tpu.memory_space<hbm>>
      %dma_start3A_127 = tpu.memref_squeeze %dma_start3A_126 : memref<1x624x80xf32, #tpu.memory_space<hbm>> -> memref<624x80xf32, #tpu.memory_space<hbm>>
      %dma_start3A_128 = arith.constant 0 : i32
      %dma_start3A_129 = tpu.memref_slice %arg28[%mul3A_117, %dma_start3A_128] : memref<10000x80xf32, #tpu.memory_space<vmem_shared>> -> memref<624x80xf32, #tpu.memory_space<vmem_shared>>
      tpu.enqueue_dma source(%dma_start3A_129 : memref<624x80xf32, #tpu.memory_space<vmem_shared>>) target(%dma_start3A_127 : memref<624x80xf32, #tpu.memory_space<hbm>>) target_semaphore(%run_scoped3A : memref<!tpu.dma_semaphore, #tpu.memory_space<semaphore_mem>>)
      %dma_wait3A_130 = arith.constant 0 : i32
      %dma_wait3A_131 = tpu.memref_slice %arg7[%arg0, %mul3A_119, %dma_wait3A_130] : memref<2x10000x80xf32, #tpu.memory_space<hbm>> -> memref<1x624x80xf32, #tpu.memory_space<hbm>>
      %dma_wait3A_132 = tpu.memref_squeeze %dma_wait3A_131 : memref<1x624x80xf32, #tpu.memory_space<hbm>> -> memref<624x80xf32, #tpu.memory_space<hbm>>
      %dma_wait3A_133 = arith.constant 0 : i32
      %dma_wait3A_134 = tpu.memref_slice %arg28[%mul3A_117, %dma_wait3A_133] : memref<10000x80xf32, #tpu.memory_space<vmem_shared>> -> memref<624x80xf32, #tpu.memory_space<vmem_shared>>
      tpu.wait_dma2 semaphore(%run_scoped3A : memref<!tpu.dma_semaphore, #tpu.memory_space<semaphore_mem>>) src(%dma_wait3A_134 : memref<624x80xf32, #tpu.memory_space<vmem_shared>>) dst(%dma_wait3A_132 : memref<624x80xf32, #tpu.memory_space<hbm>>)
      tpu.yield
    }) : () -> ()
    %eq3A_120 = arith.constant 15 : i32
    %eq3A_121 = arith.cmpi eq, %arg1, %eq3A_120 : i32
    %convert_element_type3A_122 = arith.extui %eq3A_121 : i1 to i32
    %cond3A_123 = arith.constant 0 : i32
    %cond3A_124 = arith.cmpi ne, %convert_element_type3A_122, %cond3A_123 : i32
    scf.if %cond3A_124 {
      "tpu.region"() ({
        %run_scoped3A = tpu.sem_alloc : memref<!tpu.dma_semaphore, #tpu.memory_space<semaphore_mem>>
        %dma_start3A_125 = arith.constant 9984 : i32
        %dma_start3A_126 = arith.constant 0 : i32
        %dma_start3A_127 = tpu.memref_slice %arg7[%arg0, %dma_start3A_125, %dma_start3A_126] : memref<2x10000x80xf32, #tpu.memory_space<hbm>> -> memref<1x16x80xf32, #tpu.memory_space<hbm>>
        %dma_start3A_128 = tpu.memref_squeeze %dma_start3A_127 : memref<1x16x80xf32, #tpu.memory_space<hbm>> -> memref<16x80xf32, #tpu.memory_space<hbm>>
        %dma_start3A_129 = arith.constant 9984 : i32
        %dma_start3A_130 = arith.constant 0 : i32
        %dma_start3A_131 = tpu.memref_slice %arg28[%dma_start3A_129, %dma_start3A_130] : memref<10000x80xf32, #tpu.memory_space<vmem_shared>> -> memref<16x80xf32, #tpu.memory_space<vmem_shared>>
        tpu.enqueue_dma source(%dma_start3A_131 : memref<16x80xf32, #tpu.memory_space<vmem_shared>>) target(%dma_start3A_128 : memref<16x80xf32, #tpu.memory_space<hbm>>) target_semaphore(%run_scoped3A : memref<!tpu.dma_semaphore, #tpu.memory_space<semaphore_mem>>)
        %dma_wait3A_132 = arith.constant 9984 : i32
        %dma_wait3A_133 = arith.constant 0 : i32
        %dma_wait3A_134 = tpu.memref_slice %arg7[%arg0, %dma_wait3A_132, %dma_wait3A_133] : memref<2x10000x80xf32, #tpu.memory_space<hbm>> -> memref<1x16x80xf32, #tpu.memory_space<hbm>>
        %dma_wait3A_135 = tpu.memref_squeeze %dma_wait3A_134 : memref<1x16x80xf32, #tpu.memory_space<hbm>> -> memref<16x80xf32, #tpu.memory_space<hbm>>
        %dma_wait3A_136 = arith.constant 9984 : i32
        %dma_wait3A_137 = arith.constant 0 : i32
        %dma_wait3A_138 = tpu.memref_slice %arg28[%dma_wait3A_136, %dma_wait3A_137] : memref<10000x80xf32, #tpu.memory_space<vmem_shared>> -> memref<16x80xf32, #tpu.memory_space<vmem_shared>>
        tpu.wait_dma2 semaphore(%run_scoped3A : memref<!tpu.dma_semaphore, #tpu.memory_space<semaphore_mem>>) src(%dma_wait3A_138 : memref<16x80xf32, #tpu.memory_space<vmem_shared>>) dst(%dma_wait3A_135 : memref<16x80xf32, #tpu.memory_space<hbm>>)
        tpu.yield
      }) : () -> ()
    } else {
    }
    return
  }
}

module attributes {stable_mosaic.version = 14 : i64} {
  func.func @_tc_matmul_body(%arg0: i32, %arg1: memref<2000x128xf32, #tpu.memory_space<vmem>>, %arg2: memref<128x96xf32, #tpu.memory_space<vmem>>, %arg3: memref<2000x80xf32, #tpu.memory_space<vmem>>, %arg4: memref<2000x16xf32, #tpu.memory_space<vmem>>) attributes {dimension_semantics = [#tpu.dimension_semantics<arbitrary>], iteration_bounds = array<i64: 5>, scalar_prefetch = 0 : i64, scratch_operands = 0 : i64, tpu.core_type = #tpu.core_type<tc>, window_params = [{transform_indices = @transform_0, window_bounds = array<i64: 2000, 128>}, {pipeline_mode = #tpu.pipeline_mode<synchronous>, transform_indices = @transform_1, window_bounds = array<i64: 128, 96>}, {transform_indices = @transform_2, window_bounds = array<i64: 2000, 80>}, {transform_indices = @transform_3, window_bounds = array<i64: 2000, 16>}]} {
    %get3A = arith.constant 0 : index
    %get3A_0 = arith.constant 0 : index
    %get3A_1 = vector.load %arg1[%get3A, %get3A_0] : memref<2000x128xf32, #tpu.memory_space<vmem>>, vector<2000x128xf32>
    %get3A_2 = arith.constant 0 : index
    %get3A_3 = arith.constant 0 : index
    %get3A_4 = vector.load %arg2[%get3A_2, %get3A_3] : memref<128x96xf32, #tpu.memory_space<vmem>>, vector<128x96xf32>
    %dot_general3A = arith.constant dense<0.000000e+00> : vector<2000x96xf32>
    %dot_general3A_5 = tpu.matmul %get3A_1, %get3A_4, %dot_general3A {dimension_numbers = #tpu.dot_dimension_numbers<[1], [0], [0], [1], [0, 0, 1, 1], [], []>, transpose_lhs_hint = false} : vector<2000x128xf32>, vector<128x96xf32>, vector<2000x96xf32> -> vector<2000x96xf32>
    %slice3A = vector.extract_strided_slice %dot_general3A_5 {offsets = [0, 0], sizes = [2000, 80], strides = [1, 1]} : vector<2000x96xf32> to vector<2000x80xf32>
    %swap3A = arith.constant 0 : index
    %swap3A_6 = arith.constant 0 : index
    %swap3A_7 = vector.load %arg3[%swap3A, %swap3A_6] : memref<2000x80xf32, #tpu.memory_space<vmem>>, vector<2000x80xf32>
    tpu.vector_store %arg3[%swap3A, %swap3A_6], %slice3A {strides = array<i32>} : memref<2000x80xf32, #tpu.memory_space<vmem>>, vector<2000x80xf32>,
    %slice3A_8 = vector.extract_strided_slice %dot_general3A_5 {offsets = [0, 80], sizes = [2000, 16], strides = [1, 1]} : vector<2000x96xf32> to vector<2000x16xf32>
    %swap3A_9 = arith.constant 0 : index
    %swap3A_10 = arith.constant 0 : index
    %swap3A_11 = vector.load %arg4[%swap3A_9, %swap3A_10] : memref<2000x16xf32, #tpu.memory_space<vmem>>, vector<2000x16xf32>
    tpu.vector_store %arg4[%swap3A_9, %swap3A_10], %slice3A_8 {strides = array<i32>} : memref<2000x16xf32, #tpu.memory_space<vmem>>, vector<2000x16xf32>,
    return
  }
  func.func @transform_0(%arg0: i32) -> (i32, i32) {
    %c0_i32 = arith.constant 0 : i32
    %c0_i32_0 = arith.constant 0 : i32
    return %arg0, %c0_i32 : i32, i32
  }
  func.func @transform_1(%arg0: i32) -> (i32, i32) {
    %c0_i32 = arith.constant 0 : i32
    %c0_i32_0 = arith.constant 0 : i32
    %c0_i32_1 = arith.constant 0 : i32
    return %c0_i32, %c0_i32_0 : i32, i32
  }
  func.func @transform_2(%arg0: i32) -> (i32, i32) {
    %c0_i32 = arith.constant 0 : i32
    %c0_i32_0 = arith.constant 0 : i32
    return %arg0, %c0_i32 : i32, i32
  }
  func.func @transform_3(%arg0: i32) -> (i32, i32) {
    %c0_i32 = arith.constant 0 : i32
    %c0_i32_0 = arith.constant 0 : i32
    return %arg0, %c0_i32 : i32, i32
  }
}

module attributes {stable_mosaic.version = 14 : i64} {
  func.func @_tc_mid_body(%arg0: i32, %arg1: memref<2x2000x80xf32, #tpu.memory_space<vmem>>, %arg2: memref<4x64xf32, #tpu.memory_space<vmem>>, %arg3: memref<1x64xf32, #tpu.memory_space<vmem>>, %arg4: memref<64x96xf32, #tpu.memory_space<vmem>>, %arg5: memref<2000x80xf32, #tpu.memory_space<vmem>>, %arg6: memref<2000x16xf32, #tpu.memory_space<vmem>>) attributes {dimension_semantics = [#tpu.dimension_semantics<arbitrary>], iteration_bounds = array<i64: 5>, scalar_prefetch = 0 : i64, scratch_operands = 0 : i64, tpu.core_type = #tpu.core_type<tc>, window_params = [{transform_indices = @transform_0, window_bounds = array<i64: 2, 2000, 80>}, {pipeline_mode = #tpu.pipeline_mode<synchronous>, transform_indices = @transform_1, window_bounds = array<i64: 4, 64>}, {pipeline_mode = #tpu.pipeline_mode<synchronous>, transform_indices = @transform_2, window_bounds = array<i64: 1, 64>}, {pipeline_mode = #tpu.pipeline_mode<synchronous>, transform_indices = @transform_3, window_bounds = array<i64: 64, 96>}, {transform_indices = @transform_4, window_bounds = array<i64: 2000, 80>}, {transform_indices = @transform_5, window_bounds = array<i64: 2000, 16>}]} {
    %get3A = arith.constant 0 : index
    %get3A_0 = arith.constant 0 : index
    %get3A_1 = arith.constant 0 : index
    %get3A_2 = vector.load %arg1[%get3A, %get3A_0, %get3A_1] : memref<2x2000x80xf32, #tpu.memory_space<vmem>>, vector<1x2000x80xf32>
    %get3A_3 = vector.shape_cast %get3A_2 : vector<1x2000x80xf32> to vector<2000x80xf32>
    %get3A_4 = arith.constant 1 : index
    %get3A_5 = arith.constant 0 : index
    %get3A_6 = arith.constant 0 : index
    %get3A_7 = vector.load %arg1[%get3A_4, %get3A_5, %get3A_6] : memref<2x2000x80xf32, #tpu.memory_space<vmem>>, vector<1x2000x80xf32>
    %get3A_8 = vector.shape_cast %get3A_7 : vector<1x2000x80xf32> to vector<2000x80xf32>
    %add3A = arith.addf %get3A_3, %get3A_8 : vector<2000x80xf32>
    %slice3A = vector.extract_strided_slice %add3A {offsets = [0, 64], sizes = [2000, 4], strides = [1, 1]} : vector<2000x80xf32> to vector<2000x4xf32>
    %max3A = arith.constant 1.000000e-30 : f32
    %max3A_9 = vector.broadcast %max3A : f32 to vector<2000x4xf32>
    %max3A_10 = arith.maximumf %slice3A, %max3A_9 : vector<2000x4xf32>
    %div3A = arith.constant 1.000000e+00 : f32
    %div3A_11 = vector.broadcast %div3A : f32 to vector<2000x4xf32>
    %div3A_12 = arith.divf %div3A_11, %max3A_10 : vector<2000x4xf32>
    %get3A_13 = arith.constant 0 : index
    %get3A_14 = arith.constant 0 : index
    %get3A_15 = vector.load %arg2[%get3A_13, %get3A_14] : memref<4x64xf32, #tpu.memory_space<vmem>>, vector<4x64xf32>
    %dot_general3A = arith.constant dense<0.000000e+00> : vector<2000x64xf32>
    %dot_general3A_16 = tpu.matmul %div3A_12, %get3A_15, %dot_general3A {dimension_numbers = #tpu.dot_dimension_numbers<[1], [0], [0], [1], [0, 0, 1, 1], [], []>, transpose_lhs_hint = false} : vector<2000x4xf32>, vector<4x64xf32>, vector<2000x64xf32> -> vector<2000x64xf32>
    %slice3A_17 = vector.extract_strided_slice %add3A {offsets = [0, 0], sizes = [2000, 64], strides = [1, 1]} : vector<2000x80xf32> to vector<2000x64xf32>
    %mul3A = arith.mulf %slice3A_17, %dot_general3A_16 : vector<2000x64xf32>
    %get3A_18 = arith.constant 0 : index
    %get3A_19 = arith.constant 0 : index
    %get3A_20 = vector.load %arg3[%get3A_18, %get3A_19] : memref<1x64xf32, #tpu.memory_space<vmem>>, vector<1x64xf32>
    %add3A_21 = vector.broadcast %get3A_20 : vector<1x64xf32> to vector<2000x64xf32>
    %add3A_22 = arith.addf %mul3A, %add3A_21 : vector<2000x64xf32>
    %gt3A = arith.constant 0.000000e+00 : f32
    %gt3A_23 = vector.broadcast %gt3A : f32 to vector<2000x64xf32>
    %gt3A_24 = arith.cmpf ogt, %add3A_22, %gt3A_23 : vector<2000x64xf32>
    %min3A = arith.constant 0.000000e+00 : f32
    %min3A_25 = vector.broadcast %min3A : f32 to vector<2000x64xf32>
    %min3A_26 = arith.minimumf %add3A_22, %min3A_25 : vector<2000x64xf32>
    %exp3A = math.exp %min3A_26 : vector<2000x64xf32>
    %sub3A = arith.constant 1.000000e+00 : f32
    %sub3A_27 = vector.broadcast %sub3A : f32 to vector<2000x64xf32>
    %sub3A_28 = arith.subf %exp3A, %sub3A_27 : vector<2000x64xf32>
    %select_n3A = arith.select %gt3A_24, %add3A_22, %sub3A_28 : vector<2000x64xi1>, vector<2000x64xf32>
    %get3A_29 = arith.constant 0 : index
    %get3A_30 = arith.constant 0 : index
    %get3A_31 = vector.load %arg4[%get3A_29, %get3A_30] : memref<64x96xf32, #tpu.memory_space<vmem>>, vector<64x96xf32>
    %dot_general3A_32 = arith.constant dense<0.000000e+00> : vector<2000x96xf32>
    %dot_general3A_33 = tpu.matmul %select_n3A, %get3A_31, %dot_general3A_32 {dimension_numbers = #tpu.dot_dimension_numbers<[1], [0], [0], [1], [0, 0, 1, 1], [], []>, transpose_lhs_hint = false} : vector<2000x64xf32>, vector<64x96xf32>, vector<2000x96xf32> -> vector<2000x96xf32>
    %slice3A_34 = vector.extract_strided_slice %dot_general3A_33 {offsets = [0, 0], sizes = [2000, 80], strides = [1, 1]} : vector<2000x96xf32> to vector<2000x80xf32>
    %swap3A = arith.constant 0 : index
    %swap3A_35 = arith.constant 0 : index
    %swap3A_36 = vector.load %arg5[%swap3A, %swap3A_35] : memref<2000x80xf32, #tpu.memory_space<vmem>>, vector<2000x80xf32>
    tpu.vector_store %arg5[%swap3A, %swap3A_35], %slice3A_34 {strides = array<i32>} : memref<2000x80xf32, #tpu.memory_space<vmem>>, vector<2000x80xf32>,
    %slice3A_37 = vector.extract_strided_slice %dot_general3A_33 {offsets = [0, 80], sizes = [2000, 16], strides = [1, 1]} : vector<2000x96xf32> to vector<2000x16xf32>
    %swap3A_38 = arith.constant 0 : index
    %swap3A_39 = arith.constant 0 : index
    %swap3A_40 = vector.load %arg6[%swap3A_38, %swap3A_39] : memref<2000x16xf32, #tpu.memory_space<vmem>>, vector<2000x16xf32>
    tpu.vector_store %arg6[%swap3A_38, %swap3A_39], %slice3A_37 {strides = array<i32>} : memref<2000x16xf32, #tpu.memory_space<vmem>>, vector<2000x16xf32>,
    return
  }
  func.func @transform_0(%arg0: i32) -> (i32, i32, i32) {
    %c0_i32 = arith.constant 0 : i32
    %c0_i32_0 = arith.constant 0 : i32
    %c0_i32_1 = arith.constant 0 : i32
    return %c0_i32, %arg0, %c0_i32_0 : i32, i32, i32
  }
  func.func @transform_1(%arg0: i32) -> (i32, i32) {
    %c0_i32 = arith.constant 0 : i32
    %c0_i32_0 = arith.constant 0 : i32
    %c0_i32_1 = arith.constant 0 : i32
    return %c0_i32, %c0_i32_0 : i32, i32
  }
  func.func @transform_2(%arg0: i32) -> (i32, i32) {
    %c0_i32 = arith.constant 0 : i32
    %c0_i32_0 = arith.constant 0 : i32
    %c0_i32_1 = arith.constant 0 : i32
    return %c0_i32, %c0_i32_0 : i32, i32
  }
  func.func @transform_3(%arg0: i32) -> (i32, i32) {
    %c0_i32 = arith.constant 0 : i32
    %c0_i32_0 = arith.constant 0 : i32
    %c0_i32_1 = arith.constant 0 : i32
    return %c0_i32, %c0_i32_0 : i32, i32
  }
  func.func @transform_4(%arg0: i32) -> (i32, i32) {
    %c0_i32 = arith.constant 0 : i32
    %c0_i32_0 = arith.constant 0 : i32
    return %arg0, %c0_i32 : i32, i32
  }
  func.func @transform_5(%arg0: i32) -> (i32, i32) {
    %c0_i32 = arith.constant 0 : i32
    %c0_i32_0 = arith.constant 0 : i32
    return %arg0, %c0_i32 : i32, i32
  }
}

module attributes {stable_mosaic.version = 14 : i64} {
  func.func @_tc_fin_body(%arg0: i32, %arg1: memref<2x2000x80xf32, #tpu.memory_space<vmem>>, %arg2: memref<1x32xf32, #tpu.memory_space<vmem>>, %arg3: memref<1x32xf32, #tpu.memory_space<vmem>>, %arg4: memref<2000x32xf32, #tpu.memory_space<vmem>>, %arg5: memref<2000x32xf32, #tpu.memory_space<vmem>>) attributes {dimension_semantics = [#tpu.dimension_semantics<arbitrary>], iteration_bounds = array<i64: 5>, scalar_prefetch = 0 : i64, scratch_operands = 0 : i64, tpu.core_type = #tpu.core_type<tc>, window_params = [{transform_indices = @transform_0, window_bounds = array<i64: 2, 2000, 80>}, {pipeline_mode = #tpu.pipeline_mode<synchronous>, transform_indices = @transform_1, window_bounds = array<i64: 1, 32>}, {pipeline_mode = #tpu.pipeline_mode<synchronous>, transform_indices = @transform_2, window_bounds = array<i64: 1, 32>}, {transform_indices = @transform_3, window_bounds = array<i64: 2000, 32>}, {transform_indices = @transform_4, window_bounds = array<i64: 2000, 32>}]} {
    %get3A = arith.constant 0 : index
    %get3A_0 = arith.constant 0 : index
    %get3A_1 = arith.constant 0 : index
    %get3A_2 = vector.load %arg1[%get3A, %get3A_0, %get3A_1] : memref<2x2000x80xf32, #tpu.memory_space<vmem>>, vector<1x2000x80xf32>
    %get3A_3 = vector.shape_cast %get3A_2 : vector<1x2000x80xf32> to vector<2000x80xf32>
    %get3A_4 = arith.constant 1 : index
    %get3A_5 = arith.constant 0 : index
    %get3A_6 = arith.constant 0 : index
    %get3A_7 = vector.load %arg1[%get3A_4, %get3A_5, %get3A_6] : memref<2x2000x80xf32, #tpu.memory_space<vmem>>, vector<1x2000x80xf32>
    %get3A_8 = vector.shape_cast %get3A_7 : vector<1x2000x80xf32> to vector<2000x80xf32>
    %add3A = arith.addf %get3A_3, %get3A_8 : vector<2000x80xf32>
    %slice3A = vector.extract_strided_slice %add3A {offsets = [0, 64], sizes = [2000, 1], strides = [1, 1]} : vector<2000x80xf32> to vector<2000x1xf32>
    %max3A = arith.constant 1.000000e-30 : f32
    %max3A_9 = vector.broadcast %max3A : f32 to vector<2000x1xf32>
    %max3A_10 = arith.maximumf %slice3A, %max3A_9 : vector<2000x1xf32>
    %div3A = arith.constant 1.000000e+00 : f32
    %div3A_11 = vector.broadcast %div3A : f32 to vector<2000x1xf32>
    %div3A_12 = arith.divf %div3A_11, %max3A_10 : vector<2000x1xf32>
    %slice3A_13 = vector.extract_strided_slice %add3A {offsets = [0, 65], sizes = [2000, 1], strides = [1, 1]} : vector<2000x80xf32> to vector<2000x1xf32>
    %max3A_14 = arith.constant 1.000000e-30 : f32
    %max3A_15 = vector.broadcast %max3A_14 : f32 to vector<2000x1xf32>
    %max3A_16 = arith.maximumf %slice3A_13, %max3A_15 : vector<2000x1xf32>
    %div3A_17 = arith.constant 1.000000e+00 : f32
    %div3A_18 = vector.broadcast %div3A_17 : f32 to vector<2000x1xf32>
    %div3A_19 = arith.divf %div3A_18, %max3A_16 : vector<2000x1xf32>
    %slice3A_20 = vector.extract_strided_slice %add3A {offsets = [0, 0], sizes = [2000, 32], strides = [1, 1]} : vector<2000x80xf32> to vector<2000x32xf32>
    %mul3A = vector.broadcast %div3A_12 : vector<2000x1xf32> to vector<2000x32xf32>
    %mul3A_21 = arith.mulf %slice3A_20, %mul3A : vector<2000x32xf32>
    %get3A_22 = arith.constant 0 : index
    %get3A_23 = arith.constant 0 : index
    %get3A_24 = vector.load %arg2[%get3A_22, %get3A_23] : memref<1x32xf32, #tpu.memory_space<vmem>>, vector<1x32xf32>
    %add3A_25 = vector.broadcast %get3A_24 : vector<1x32xf32> to vector<2000x32xf32>
    %add3A_26 = arith.addf %mul3A_21, %add3A_25 : vector<2000x32xf32>
    %swap3A = arith.constant 0 : index
    %swap3A_27 = arith.constant 0 : index
    %swap3A_28 = vector.load %arg4[%swap3A, %swap3A_27] : memref<2000x32xf32, #tpu.memory_space<vmem>>, vector<2000x32xf32>
    tpu.vector_store %arg4[%swap3A, %swap3A_27], %add3A_26 {strides = array<i32>} : memref<2000x32xf32, #tpu.memory_space<vmem>>, vector<2000x32xf32>,
    %slice3A_29 = vector.extract_strided_slice %add3A {offsets = [0, 32], sizes = [2000, 32], strides = [1, 1]} : vector<2000x80xf32> to vector<2000x32xf32>
    %mul3A_30 = vector.broadcast %div3A_19 : vector<2000x1xf32> to vector<2000x32xf32>
    %mul3A_31 = arith.mulf %slice3A_29, %mul3A_30 : vector<2000x32xf32>
    %get3A_32 = arith.constant 0 : index
    %get3A_33 = arith.constant 0 : index
    %get3A_34 = vector.load %arg3[%get3A_32, %get3A_33] : memref<1x32xf32, #tpu.memory_space<vmem>>, vector<1x32xf32>
    %add3A_35 = vector.broadcast %get3A_34 : vector<1x32xf32> to vector<2000x32xf32>
    %add3A_36 = arith.addf %mul3A_31, %add3A_35 : vector<2000x32xf32>
    %swap3A_37 = arith.constant 0 : index
    %swap3A_38 = arith.constant 0 : index
    %swap3A_39 = vector.load %arg5[%swap3A_37, %swap3A_38] : memref<2000x32xf32, #tpu.memory_space<vmem>>, vector<2000x32xf32>
    tpu.vector_store %arg5[%swap3A_37, %swap3A_38], %add3A_36 {strides = array<i32>} : memref<2000x32xf32, #tpu.memory_space<vmem>>, vector<2000x32xf32>,
    return
  }
  func.func @transform_0(%arg0: i32) -> (i32, i32, i32) {
    %c0_i32 = arith.constant 0 : i32
    %c0_i32_0 = arith.constant 0 : i32
    %c0_i32_1 = arith.constant 0 : i32
    return %c0_i32, %arg0, %c0_i32_0 : i32, i32, i32
  }
  func.func @transform_1(%arg0: i32) -> (i32, i32) {
    %c0_i32 = arith.constant 0 : i32
    %c0_i32_0 = arith.constant 0 : i32
    %c0_i32_1 = arith.constant 0 : i32
    return %c0_i32, %c0_i32_0 : i32, i32
  }
  func.func @transform_2(%arg0: i32) -> (i32, i32) {
    %c0_i32 = arith.constant 0 : i32
    %c0_i32_0 = arith.constant 0 : i32
    %c0_i32_1 = arith.constant 0 : i32
    return %c0_i32, %c0_i32_0 : i32, i32
  }
  func.func @transform_3(%arg0: i32) -> (i32, i32) {
    %c0_i32 = arith.constant 0 : i32
    %c0_i32_0 = arith.constant 0 : i32
    return %arg0, %c0_i32 : i32, i32
  }
  func.func @transform_4(%arg0: i32) -> (i32, i32) {
    %c0_i32 = arith.constant 0 : i32
    %c0_i32_0 = arith.constant 0 : i32
    return %arg0, %c0_i32 : i32, i32
  }
}

</mosaic_0001>

<sc_bundles>
// kernel: kernel.10.cloned.1.call-start
scs
__scs_entry_jumppad:
0x0: {  	(pc) =	sbr.rel $0x88, $3  }
0x1: {  	(tag) =	ssettag $0x0;
	lr =	simm.s32 $0x1  }
0x2: {  	[smem:$0x3F93] =	sst lr;
	_ =	strace $0xD0000000  }
0x3: {  	_ = 	snop  }
0x4: {  	_ = 	snop  }
0x5: {  	_ = 	snop  }
0x6: {  	_ = 	snop  }
0x7: {  	_ = 	snop  }
__scs_overlays_trampoline_lowered:
0x8: {  	[smem:$0x3FA2] =	sst s0  }
0x9: {  	[smem:$0x3FA3] =	sst s1  }
0xa: {  	[smem:$0x3FA4] =	sst s2  }
0xb: {  	[smem:$0x3FA5] =	sst s3  }
0xc: {  	[smem:$0x3FA6] =	sst s4  }
0xd: {  	[smem:$0x3FA7] =	sst s5  }
0xe: {  	[smem:$0x3FA8] =	sst s6  }
0xf: {  	[smem:$0x3FA9] =	sst s7  }
0x10: {  	[smem:$0x3FAA] =	sst s8  }
0x11: {  	[smem:$0x3FAB] =	sst s9;
	s0 =	simm.s32 @!p0 $0x0  }
0x12: {  	s1 =	sld [smem:$0x3F91];
	s0 =	simm.s32 @p0 $0x1  }
0x13: {  	[smem:$0x3FAC] =	sst s0;
	s0 =	simm.s32 @!p1 $0x0  }
0x14: {  	s2 =	sld [smem:$0x3F90];
	s0 =	simm.s32 @p1 $0x1  }
0x15: {  	[smem:$0x3FAD] =	sst s0;
	s0 =	simm.s32 @!p2 $0x0  }
0x16: {  	s3 =	sld [smem:$0x3FDB];
	s0 =	simm.s32 @p2 $0x1  }
0x17: {  	s4 =	simm.s32 $0x1BF5;
	[smem:$0x3FAF] =	sst s0  }
0x18: {  	s0 =	sld [smem:$0x3F92];
	_ =	swait.ge [sflag:s4], $0x0  }
0x19: {  	s7 =	sld [smem:$0x3F93]  }
0x1a: {  	s8 =	sadd.s32 $0xFFFFE003, lr  }
0x1b: {  	s9 =	sadd.s32 $0xFFFFFEF7, lr;
	s5 =	simm.s32 $0xFFFFFFFF;
	p2 =	slt.u32 s8, $0xFFFFF086  }
0x1c: {  	p1 =	slt.u32 s9, $0xF7A;
	s5 =	simm.s32 @!p2 $0x0  }
0x1d: {  	s5 =	simm.s32 @p1 $0x1;
	p0 =	seq.s32 s7, s2  }
0x1e: {  	s7 =	smul.u32 @!p0 $0xF7A, s2;
	p2 =	seq.s32 @!p0 s5, $0x0  }
0x1f: {  	s9 =	smul.u32 $0xF7A, s1;
	s8 =	simm.s32 @!p0 $0x1BF5;
	p2 =	por !p2, p0  }
0x20: {  	[sflag:s8] =	ssyncset.s32 @!p0 $0xFFFFF086;
	s6 =	sadd.s32 @!p0 s3, s7;
	s7 =	simm.s32 @!p0 $0x108  }
0x21: {  	s3 =	sadd.s32 s3, s9;
	s6 =	sadd.s32 @!p0 $0x88, s6;
	s7 =	simm.s32 @p2 $0x1082  }
0x22: {  	[simem:s7], [sflag:s8] =	dma.local @!p0 [hbm:s6], $0xF7A  }
0x23: {  	s9 =	sor.u32 $0xD0000000, s2;
	s6 =	simm.s32 $0x108;
	_ =	swait.ge @!p0 [sflag:s8], $0x0  }
0x24: {  	s3 =	sadd.s32 $0x88, s3;
	s6 =	simm.s32 @!p1 $0x1082;
	[sflag:s4] =	ssyncset.s32 $0xFFFFF086  }
0x25: {  	[simem:s6], [sflag:s4] =	dma.local [hbm:s3], $0xF7A  }
0x26: {  	[smem:$0x3F93] =	sst s1;
	(tag) =	ssettag s2;
	_ =	strace s9  }
0x27: {  	s1 =	sld [smem:$0x3FA3]  }
0x28: {  	s2 =	sld [smem:$0x3FA4]  }
0x29: {  	s4 =	sld [smem:$0x3FA6]  }
0x2a: {  	p0 =	seq.s32 s5, $0x0;
	s5 =	sld [smem:$0x3FA7]  }
0x2b: {  	s6 =	sld [smem:$0x3FA8]  }
0x2c: {  	s7 =	sld [smem:$0x3FA9]  }
0x2d: {  	s3 =	simm.s32 $0x108;
	s8 =	sld [smem:$0x3FAA]  }
0x2e: {  	s3 =	simm.s32 @!p0 $0x1082;
	s9 =	sld [smem:$0x3FAB]  }
0x2f: {  	lr =	sadd.s32 s0, s3;
	s0 =	sld [smem:$0x3FA2]  }
0x30: {  	s3 =	sld [smem:$0x3FA5]  }
0x31: {  	[smem:$0x3FAE] =	sst s10  }
0x32: {  	s10 =	sld [smem:$0x3FAC];
	_ =	sdelay $0x3  }
0x33: {  	p0 =	seq.s32 s10, $0x1;
	s10 =	sld [smem:$0x3FAE];
	_ =	sdelay $0x3  }
0x34: {  	[smem:$0x3FAE] =	sst s10  }
0x35: {  	s10 =	sld [smem:$0x3FAD];
	_ =	sdelay $0x3  }
0x36: {  	p1 =	seq.s32 s10, $0x1;
	s10 =	sld [smem:$0x3FAE];
	_ =	sdelay $0x3  }
0x37: {  	[smem:$0x3FAE] =	sst s10  }
0x38: {  	s10 =	sld [smem:$0x3FAF]  }
0x39: {  	_ = 	snop;
	(pc) =	sbr.ind lr, $3  }
0x3a: {  	_ = 	snop  }
0x3b: {  	_ = 	snop  }
0x3c: {  	p2 =	seq.s32 s10, $0x1;
	s10 =	sld [smem:$0x3FAE]  }
0x3d: {  	_ =	shalt  }
0x3e: {  	_ =	shalt  }
0x3f: {  	_ =	shalt  }
0x40: {  	_ =	shalt  }
0x41: {  	_ =	shalt  }
0x42: {  	_ =	shalt  }
0x43: {  	_ =	shalt  }
0x44: {  	_ =	shalt  }
0x45: {  	_ =	shalt  }
0x46: {  	_ =	shalt  }
0x47: {  	_ =	shalt  }
0x48: {  	_ =	shalt  }
0x49: {  	_ =	shalt  }
0x4a: {  	_ =	shalt  }
0x4b: {  	_ =	shalt  }
0x4c: {  	_ =	shalt  }
0x4d: {  	_ =	shalt  }
0x4e: {  	_ =	shalt  }
0x4f: {  	_ =	shalt  }
0x50: {  	_ =	shalt  }
0x51: {  	_ =	shalt  }
0x52: {  	_ =	shalt  }
0x53: {  	_ =	shalt  }
0x54: {  	_ =	shalt  }
0x55: {  	_ =	shalt  }
0x56: {  	_ =	shalt  }
0x57: {  	_ =	shalt  }
0x58: {  	_ =	shalt  }
0x59: {  	_ =	shalt  }
0x5a: {  	_ =	shalt  }
0x5b: {  	_ =	shalt  }
0x5c: {  	_ =	shalt  }
0x5d: {  	_ =	shalt  }
0x5e: {  	_ =	shalt  }
0x5f: {  	_ =	shalt  }
0x60: {  	_ =	shalt  }
0x61: {  	_ =	shalt  }
0x62: {  	_ =	shalt  }
0x63: {  	_ =	shalt  }
0x64: {  	_ =	shalt  }
0x65: {  	_ =	shalt  }
0x66: {  	_ =	shalt  }
0x67: {  	_ =	shalt  }
0x68: {  	_ =	shalt  }
0x69: {  	_ =	shalt  }
0x6a: {  	_ =	shalt  }
0x6b: {  	_ =	shalt  }
0x6c: {  	_ =	shalt  }
0x6d: {  	_ =	shalt  }
0x6e: {  	_ =	shalt  }
0x6f: {  	_ =	shalt  }
0x70: {  	_ =	shalt  }
0x71: {  	_ =	shalt  }
0x72: {  	_ =	shalt  }
0x73: {  	_ =	shalt  }
0x74: {  	_ =	shalt  }
0x75: {  	_ =	shalt  }
0x76: {  	_ =	shalt  }
0x77: {  	_ =	shalt  }
0x78: {  	_ =	shalt  }
0x79: {  	_ =	shalt  }
0x7a: {  	_ =	shalt  }
0x7b: {  	_ =	shalt  }
0x7c: {  	_ =	shalt  }
0x7d: {  	_ =	shalt  }
0x7e: {  	_ =	shalt  }
0x7f: {  	_ =	shalt  }
0x80: {  	_ =	shalt  }
0x81: {  	_ =	shalt  }
0x82: {  	_ =	shalt  }
0x83: {  	_ =	shalt  }
0x84: {  	_ =	shalt  }
0x85: {  	_ =	shalt  }
0x86: {  	_ =	shalt  }
0x87: {  	_ =	shalt  }
.Lfunc_end0:
.L_simem_size_0:
called_computation.1_lowered:
.L_overlay_start_0:
0x88: {  	s2 =	sld [smem:$0x3FD9]  }
0x89: {  	s3 =	sld [smem:$0x3FFE];
	_ =	sdelay $0x1  }
0x8a: {  	s1 =	srdreg.scid  }
0x8b: {  	s0 =	sand.u32 $0x1, s1  }
0x8c: {  	s14 =	sshll.u32 s0, $0xA;
	s2 =	sadd.s32 s3, s2  }
0x8d: {  	s2 =	sadd.s32 s2, s14  }
0x8e: {  	[smem:$0x3FBA] =	sst s2  }
0x8f: {  	_ = 	snop  }
0x90: {  	s2 =	sld [smem:$0x3FD0];
	_ =	sdelay $0x2  }
0x91: {  	s15 =	simm.s32 $0xA;
	s4 =	simm.s32 $0x10  }
0x92: {  	[smem:s4], [sflag:s15] =	dma.local [hbm:s2], $0x1  }
0x93: {  	_ =	swait.eq [sflag:s15], $0x1  }
0x94: {  	[sflag:s15] =	ssyncset.done $0x0  }
0x95: {  	s16 =	sld [smem:$0x10];
	[sflag:s15] =	ssyncadd.s32 $0xFFFFFFFF  }
0x96: {  	s17 =	sld [smem:$0x11];
	(tm) =	ssettm $0x1  }
0x97: {  	s18 =	sld [smem:$0x3FFB];
	_ =	sdelay $0x3  }
0x98: {  	_ =	strace s18  }
0x99: {  	s4 =	sld [smem:$0x3FFC];
	_ =	sdelay $0x3  }
0x9a: {  	_ =	strace s4  }
0x9b: {  	s4 =	sld [smem:$0x3FFD];
	_ =	sdelay $0x3  }
0x9c: {  	_ =	strace s4  }
0x9d: {  	_ =	strace $0x8FFFFFFF  }
0x9e: {  	s19 =	sld [smem:$0x3FDB];
	_ =	sdelay $0x1  }
0x9f: {  	s5 =	simm.s32 $_scs_section_size  }
0xa0: {  	s6 =	simm.s32 $_size__tile_overlayer_lowered;
	s7 =	simm.s32 $_tile_overlayer_lowered  }
0xa1: {  	s22 =	simm.s32 $0x1BFF;
	s21 =	sshll.u32 s7, $0x1;
	s4 =	sadd.s32 s5, s19  }
0xa2: {  	s8 =	simm.s32 $0x0;
	s20 =	sshll.u32 s6, $0x1;
	s6 =	sadd.s32 s21, s4  }
0xa3: {  	[timem:s8], [sflag:s22] =	dma.local [hbm:s6], s20  }
0xa4: {  	_ =	swait.ge [sflag:s22], s20  }
0xa5: {  	s5 =	ssub.s32 $0x0, s20;
	[sflag:s22] =	ssyncset.done $0x0  }
0xa6: {  	[sflag:s22] =	ssyncadd.s32 s5;
	_ =	sdelay $0x1  }
0xa7: {  	s23 =	simm.s32 $0x1B8B  }
0xa8: {  	_ =	swait.ge [sflag:s23], $0x1  }
0xa9: {  	[sflag:s23] =	ssyncset.done $0x0  }
0xaa: {  	s25 =	simm.s32 $0x1B8E;
	s24 =	sld [smem:$0x3FFE];
	[sflag:s23] =	ssyncadd.s32 $0xFFFFFFFF  }
0xab: {  	s26 =	simm.s32 $execute0_lowered;
	[smem:$0x3FD2] =	sst s25  }
0xac: {  	s6 =	sshll.u32 s26, $0x1;
	_ =	strace $0x80000049;
	[dreg:$0x1] =	wrdreg $0xFFFFFFFF  }
0xad: {  	s28 =	simm.s32 $_size_execute0_lowered;
	s4 =	sadd.s32 s4, s6;
	[dreg:$0x0] =	wrdreg $0x0  }
0xae: {  	s6 =	sshll.u32 s28, $0x1;
	[dreg:$0x2] =	wrdreg s4  }
0xaf: {  	[dreg:$0x3] =	wrdreg s6  }
0xb0: {  	[dreg:$0x4] =	wrdreg $0xC0  }
0xb1: {  	_ =	task [dreg:s8], $0x5FFFF  }
0xb2: {  	[dreg:$0x1] =	wrdreg $0xFFFFFFFF  }
0xb3: {  	[dreg:$0x0] =	wrdreg $0x60  }
0xb4: {  	[dreg:$0x2] =	wrdreg s24  }
0xb5: {  	[dreg:$0x3] =	wrdreg s16  }
0xb6: {  	[dreg:$0x4] =	wrdreg s17  }
0xb7: {  	[dreg:$0x5] =	wrdreg $0x6FE00  }
0xb8: {  	[dreg:$0x6] =	wrdreg $0x9  }
0xb9: {  	_ =	task.clear_ibuf [dreg:s8], $0x7FFFF;
	_ =	strace $0x90000049  }
0xba: {  	s29 =	simm.s32 $0x9;
	_ =	strace $0x8000004B  }
0xbb: {  	_ =	swait.ge [sflag:s29], $0x1  }
0xbc: {  	[sflag:s29] =	ssyncadd.s32 $0xFFFFFFFF  }
0xbd: {  	_ =	strace $0x9000004B  }
0xbe: {  	_ =	sfence  }
0xbf: {  	s30 =	sld [smem:$0x0];
	_ =	sdelay $0x2  }
0xc0: {  	s31 =	sshll.u32 s1, $0xD;
	s1 =	sshrl.u32 s1, $0x2  }
0xc1: {  	s3 =	sand.u32 $0x4000, s31;
	s1 =	sadd.s32 s1, s30  }
0xc2: {  	s0 =	sor.u32 s3, s0;
	s1 =	sshll.u32 s1, $0x11  }
0xc3: {  	s0 =	sor.u32 s1, s0  }
0xc4: {  	s0 =	sadd.s32 $0x8F2B, s0  }
0xc5: {  	[sflag:s0] =	ssyncadd.remote.s32 $0x1  }
0xc6: {  	_ =	sfence.sel $0xFFFF  }
0xc7: {  	[dreg:$0x0] =	wrdreg $0xFFFFFFFF;
	(pc) =	sbr.abs _section_cstart, $3  }
0xc8: {  	[dreg:$0x1] =	wrdreg $0xFFFFFFFF  }
0xc9: {  	_ =	task.clear_ibuf [dreg:s8], $0x2FFFF;
	_ =	strace $0x9FFFFFFF  }
0xca: {  	(tm) =	ssettm $0x7FFFFFFF  }
0xcb: {  	_ =	shalt  }
tec
execute0_lowered:
.L_overlay_start_1:
0x0: {  	(tag) =	ssettag $0x1  }
0x1: {  	s0 =	rddreg [dreg:$0x0]  }
0x2: {  	s1 =	rddreg [dreg:$0x1]  }
0x3: {  	s2 =	rddreg [dreg:$0x2]  }
0x4: {  	s4 =	rddreg [dreg:$0x3];
	s5 =	simm.s32 $0x0;
	s14 =	stileid.u32  }
0x5: {  	s7 =	srdreg.scid;
	s28 =	simm.s32 $0x33E0;
	s29 =	simm.s32 $0xF0  }
0x6: {  	s30 =	simm.s32 $0x6;
	[smem:$0x7FF] =	sst s5;
	s3 =	smul.u32 $0xC300, s14  }
0x7: {  	s6 =	sadd.s32 $0x1C00, s0;
	s8 =	sand.u32 $0x1, s7;
	s7 =	sadd.s32 $0x1A400, s0  }
0x8: {  	s12 =	sshll.u32 s14, $0x1;
	s13 =	sadd.s32 $0x37C00, s0;
	s18 =	sshll.u32 s14, $0x6  }
0x9: {  	s19 =	sadd.s32 $0xC3000, s4;
	p0 =	sne.s32 s14, $0xF;
	s14 =	simm.s32 $0x9  }
0xa: {  	_ =	strace $0x8000004A;
	s10 =	ssub.s32 $0x2, s8;
	s16 =	sor.u32 s8, s12  }
0xb: {  	s15 =	sor.u32 $0x1C09, s18;
	[dreg:$0x8] =	wrdreg s19;
	s8 =	smul.u32 $0xC3500, s8  }
0xc: {  	s12 =	simm.s32 $0x2;
	s9 =	sshrl.u32 s3, $0x3;
	s11 =	sshrl.u32 s10, $0x1  }
0xd: {  	s17 =	sadd.s32 s3, s4;
	[dreg:$0x7] =	wrdreg s15;
	s9 =	sadd.s32 s9, s0  }
0xe: {  	s10 =	ssub.s32 s10, s11;
	[dreg:$0x5] =	wrdreg s17;
	s11 =	smul.u32 $0x2710, s16  }
0xf: {  	s0 =	sadd.s32 $0x37A00, s0;
	s24 =	sadd.s32 s3, s8;
	s25 =	sshrl.u32 s8, $0x3  }
0x10: {  	s3 =	simm.s32 $0x1;
	s8 =	simm.s32 $0x3;
	s16 =	simm.s32 $0x0  }
0x11: {  	s9 =	sadd.s32 $0x1F400, s9;
	[dreg:$0x9] =	wrdreg s0;
	s26 =	sadd.s32 s13, s25  }
0x12: {  	s31 =	smax.u32 s10, $0x1;
	s25 =	simm.s32 $0x50;
	[dreg:$0x6] =	wrdreg s9  }
0x13: {  	s20 =	sshrl.u32 s11, $0x3;
	s17 =	sadd.s32 $0xA0, s11;
	s18 =	sadd.s32 $0xF0, s11  }
0x14: {  	[dreg:$0x10] =	wrdreg s31;
	s9 =	simm.s32 $0x140;
	s21 =	sadd.s32 s1, s20  }
0x15: {  	s22 =	sadd.s32 s2, s20;
	s0 =	sadd.s32 $0xA, s20;
	[dreg:$0xa] =	wrdreg s21  }
0x16: {  	[dreg:$0xb] =	wrdreg s22;
	s23 =	sadd.s32 s1, s0;
	s0 =	sadd.s32 s2, s0  }
0x17: {  	s11 =	simm.s32 $0x3DE0;
	[dreg:$0xd] =	wrdreg s0;
	s0 =	sshrl.u32 s24, $0x3  }
0x18: {  	[dreg:$0xc] =	wrdreg s23;
	s23 =	simm.s32 $0xA0;
	s0 =	sadd.s32 s13, s0  }
0x19: {  	v0 =	vimm.f32 $0.0e+00;
	vm0 =	vcmask $0x700;
	s24 =	simm.s32 $0x5;
	[dreg:$0xe] =	wrdreg s0;
	s0 =	sadd.s32 $0x18600, s26  }
0x1a: {  	v0 =	vsel vm0, $0x3F800000, v0;
	s13 =	simm.s32 $0x4;
	s26 =	simm.s32 $0x1E0;
	[dreg:$0xf] =	wrdreg s0  }
.LBB2_1:
0x1b: {  	[dreg:$0x11] =	wrdreg s16  }
0x1c: {  	s0 =	rddreg [dreg:$0x5]  }
0x1d: {  	s31 =	rddreg [dreg:$0x6];
	s10 =	sshrl.u32 s0, $0x3  }
0x1e: {  	[dreg:$0x12] =	wrdreg s10  }
0x1f: {  	[spmem:s10], [sflag:s15] =	dma.local [hbm:s31], $0x1860  }
0x20: {  	_ =	swait.ge [sflag:s14], $0x1860  }
0x21: {  	s0 =	rddreg [dreg:$0x8]  }
0x22: {  	[sflag:s14] =	ssyncset.done $0x0;
	s10 =	sshrl.u32 @!p0 s0, $0x3;
	s0 =	rddreg [dreg:$0x9]  }
0x23: {  	[sflag:s14] =	ssyncadd.s32 $0xFFFFE7A0;
	[dreg:$0x13] =	wrdreg s10  }
0x24: {  	[spmem:s10], [sflag:s15] =	dma.local @!p0 [hbm:s0], $0xA0  }
0x25: {  	s0 =	simm.s32 @!p0 $0x9  }
0x26: {  	_ =	swait.ge @!p0 [sflag:s0], $0xA0  }
0x27: {  	[sflag:s0] =	ssyncset.done @!p0 $0x0  }
0x28: {  	[sflag:s0] =	ssyncadd.s32 @!p0 $0xFFFFFF60  }
0x29: {  	[bflag:$0x0] =	sbarrier.arrive $0xFFFF  }
0x2a: {  	s16 =	rddreg [dreg:$0xa]  }
0x2b: {  	[tilespmem:s5], [sflag:$0x5] =	stream.linear.gather [hbm4b:s16+s5], $0x50, $0x38;
	[tilespmem:$0x13330] =	vst v63  }
0x2c: {  	s19 =	rddreg [dreg:$0xb]  }
0x2d: {  	[tilespmem:s23], [sflag:$0x5] =	stream.linear.gather [hbm4b:s19+s5], $0x50, $0x38;
	[tilespmem:$0x13330] =	vst v63  }
0x2e: {  	_ =	swait.ge [sflag:s24], $0x50  }
0x2f: {  	[sflag:s24] =	ssyncset.done $0x0  }
0x30: {  	[sflag:s24] =	ssyncadd.s32 $0xFFFFFFB0  }
0x31: {  	_ =	swait.ge [sflag:s24], $0x50  }
0x32: {  	[sflag:s24] =	ssyncset.done $0x0  }
0x33: {  	[sflag:s24] =	ssyncadd.s32 $0xFFFFFFB0  }
0x34: {  	[tilespmem:s26], [sflag:$0x1] =	stream.indirect.gather [hbm4b:s6+s25], $0x50, s5, s25, $0xb8;
	[tilespmem:$0x13330] =	vst v63  }
0x35: {  	_ = 	snop  }
0x36: {  	[tilespmem:s28], [sflag:$0x3] =	stream.indirect.gather [hbm4b:s7+s25], $0x10, s23, s25, $0xb8;
	[tilespmem:$0x13330] =	vst v63  }
0x37: {  	s20 =	rddreg [dreg:$0xc]  }
0x38: {  	[tilespmem:s25], [sflag:$0x6] =	stream.linear.gather [hbm4b:s20+s5], $0x50, $0x38;
	[tilespmem:$0x13330] =	vst v63  }
0x39: {  	s21 =	rddreg [dreg:$0xd]  }
0x3a: {  	[tilespmem:s29], [sflag:$0x6] =	stream.linear.gather [hbm4b:s21+s5], $0x50, $0x38;
	[tilespmem:$0x13330] =	vst v63  }
0x3b: {  	_ =	swait.ge [sflag:s30], $0x50  }
0x3c: {  	[sflag:s30] =	ssyncset.done $0x0  }
0x3d: {  	[sflag:s30] =	ssyncadd.s32 $0xFFFFFFB0  }
0x3e: {  	_ =	swait.ge [sflag:s30], $0x50  }
0x3f: {  	[sflag:s30] =	ssyncset.done $0x0  }
0x40: {  	s22 =	simm.s32 $0x1AE0;
	[sflag:s30] =	ssyncadd.s32 $0xFFFFFFB0  }
0x41: {  	[tilespmem:s22], [sflag:$0x2] =	stream.indirect.gather [hbm4b:s6+s25], $0x50, s25, s25, $0xb8;
	[tilespmem:$0x13330] =	vst v63  }
0x42: {  	s31 =	simm.s32 $0x38E0;
	s22 =	simm.s32 $0x0  }
0x43: {  	[tilespmem:s31], [sflag:$0x4] =	stream.indirect.gather [hbm4b:s7+s25], $0x10, s29, s25, $0xb8;
	[tilespmem:$0x13330] =	vst v63  }
.LBB2_2:
0x44: {  	_ =	swait.ge [sflag:s3], $0x1900  }
0x45: {  	[sflag:s3] =	ssyncset.done $0x0  }
0x46: {  	[sflag:s3] =	ssyncadd.s32 $0xFFFFE700  }
0x47: {  	_ =	swait.ge [sflag:s8], $0x500  }
0x48: {  	p1 =	seq.s32 s22, $0x0;
	[sflag:s8] =	ssyncset.done $0x0  }
0x49: {  	s0 =	simm.s32 @!p1 $0x7;
	[sflag:s8] =	ssyncadd.s32 $0xFFFFFB00  }
0x4a: {  	_ =	swait.ge @!p1 [sflag:s0], $0x1900  }
0x4b: {  	[sflag:s0] =	ssyncset.done @!p1 $0x0  }
0x4c: {  	[sflag:s0] =	ssyncadd.s32 @!p1 $0xFFFFE700  }
0x4d: {  	v1 =	vld [tilespmem:$0xA0]  }
0x4e: {  	v2 =	vld [tilespmem:$0xB0]  }
0x4f: {  	v3 =	vld [tilespmem:$0xC0]  }
0x50: {  	v4 =	vld [tilespmem:$0xD0]  }
0x51: {  	v5 =	vld [tilespmem:$0xE0]  }
0x52: {  	s16 =	smul.u32 $0xA0, s22;
	[tilespmem:$0x140] =	vst v1  }
0x53: {  	[tilespmem:$0x150] =	vst v2  }
0x54: {  	s15 =	sadd.s32 s16, s17;
	[tilespmem:$0x160] =	vst v3  }
0x55: {  	s0 =	sshrl.u32 s15, $0x3;
	[tilespmem:$0x170] =	vst v4  }
0x56: {  	s10 =	sadd.s32 s1, s0;
	[tilespmem:$0x180] =	vst v5  }
0x57: {  	[tilespmem:s5], [sflag:$0x5] =	stream.linear.gather [hbm4b:s10+s5], $0x50, $0x38;
	[tilespmem:$0x13330] =	vst v63  }
0x58: {  	s14 =	simm.s32 $0x320;
	s0 =	sadd.s32 s2, s0  }
0x59: {  	[tilespmem:s23], [sflag:$0x5] =	stream.linear.gather [hbm4b:s0+s5], $0x50, $0x38;
	[tilespmem:$0x13330] =	vst v63  }
0x5a: {  	s19 =	simm.s32 $0x3420;
	v1 =	vld [tilespmem:s14+$0x130]  }
0x5b: {  	v2 =	vld [tilespmem:s19+$0x30];
	_ =	sdelay $0x1  }
0x5c: {  	v3 =	vld [tilespmem:s19+$0xFFFFFFC0]  }
0x5d: {  	v4 =	vld [tilespmem:s14+$0xFFFFFF50]  }
0x5e: {  	v5 =	vld [tilespmem:s19+$0xFFFFFFD0]  }
0x5f: {  	v6 =	vld [tilespmem:s14+$0xFFFFFFA0];
	v1 =	vadd.f32 v2, v1  }
0x60: {  	v2 =	vld [tilespmem:s19+$0xFFFFFFE0]  }
0x61: {  	v7 =	vld [tilespmem:s14+$0xFFFFFFF0];
	v8 =	vmul.f32 $2.000000030e-01, v1  }
0x62: {  	v9 =	vld [tilespmem:s19+$0xFFFFFFF0]  }
0x63: {  	v4 =	vadd.f32 v5, v4;
	v5 =	vld [tilespmem:s14+$0x40];
	v1 =	vmax.f32 v1, v8  }
0x64: {  	v8 =	vld [tilespmem:s19+$0x0];
	v1 =	vmul.f32 $1.442695020e+00, v1  }
0x65: {  	v11 =	vld [tilespmem:s14+$0x90];
	v10 =	vmul.f32 $2.000000030e-01, v4;
	v2 =	vadd.f32 v2, v6  }
0x66: {  	v6 =	vld [tilespmem:s19+$0x10];
	(erf) = vpow2.f32 v1  }
0x67: {  	v12 =	vld [tilespmem:s14+$0xFFFFFF00];
	v1 =	vmax.f32 v4, v10;
	v4 =	vadd.f32 v9, v7;
	v9 =	vmul.f32 $2.000000030e-01, v2  }
0x68: {  	v7 =	vld [tilespmem:s14+$0xE0];
	v1 =	vmul.f32 $1.442695020e+00, v1  }
0x69: {  	v10 =	vld [tilespmem:s19+$0x20];
	v13 =	vmul.f32 $2.000000030e-01, v4;
	v5 =	vadd.f32 v8, v5;
	v2 =	vmax.f32 v2, v9  }
0x6a: {  	(erf) = vpow2.f32 v1;
	v1 =	vmul.f32 $1.442695020e+00, v2  }
0x6b: {  	v6 =	vadd.f32 v6, v11;
	v2 =	vmax.f32 v4, v13;
	v4 =	vmul.f32 $2.000000030e-01, v5  }
0x6c: {  	v3 =	vadd.f32 v3, v12;
	v2 =	vmul.f32 $1.442695020e+00, v2  }
0x6d: {  	(erf) = vpow2.f32 v1;
	v1 =	vmax.f32 v5, v4;
	v5 =	vmul.f32 $2.000000030e-01, v6  }
0x6e: {  	v4 =	vadd.f32 v10, v7;
	v1 =	vmul.f32 $1.442695020e+00, v1  }
0x6f: {  	(erf) = vpow2.f32 v2;
	v5 =	vmax.f32 v6, v5;
	v6 =	vmul.f32 $2.000000030e-01, v3;
	v7 =	vpop (erf)  }
0x70: {  	(erf) = vpow2.f32 v1;
	v7 =	vmul.f32 v0, v7  }
0x71: {  	s21 =	simm.s32 $0x3F20;
	v2 =	vmul.f32 $2.000000030e-01, v4  }
0x72: {  	v1 =	vmax.f32 v3, v6;
	[tilespmem:s21+$0x130] =	vst v7  }
0x73: {  	v5 =	vmul.f32 $1.442695020e+00, v5;
	v2 =	vmax.f32 v4, v2;
	v1 =	vmul.f32 $1.442695020e+00, v1;
	v4 =	vpop (erf);
	v3 =	vld [tilespmem:s14+$0xF0]  }
0x74: {  	v2 =	vmul.f32 $1.442695020e+00, v2;
	v6 =	vmul.f32 v0, v4  }
0x75: {  	(erf) = vpow2.f32 v5  }
0x76: {  	v8 =	vbroadcast v7, $0x0;
	(erf) = vpow2.f32 v2;
	[tilespmem:s21+$0xFFFFFF50] =	vst v6  }
0x77: {  	s20 =	simm.s32 $0x34A0;
	(erf) = vpow2.f32 v1;
	v1 =	vpop (erf);
	v4 =	vld [tilespmem:s14+$0xFFFFFF10]  }
0x78: {  	v24 =	vld [tilespmem:s20+$0xFFFFFFC0];
	v9 =	vmul.f32 v0, v1;
	v1 =	vpop (erf);
	v3 =	vmul.f32 v8, v3  }
0x79: {  	v26 =	vld [tilespmem:s20+$0xFFFFFFD0];
	v2 =	vmul.f32 v0, v1;
	v1 =	vpop (erf)  }
0x7a: {  	v27 =	vld [tilespmem:s20+$0xFFFFFFE0];
	v10 =	vbroadcast v6, $0x0;
	v1 =	vmul.f32 v0, v1;
	[tilespmem:s21+$0xF0] =	vst v3  }
0x7b: {  	[tilespmem:s21+$0xFFFFFFA0] =	vst v9;
	v11 =	vld [tilespmem:s14+$0x100]  }
0x7c: {  	v12 =	vld [tilespmem:s14+$0xFFFFFF60];
	v4 =	vmul.f32 v10, v4;
	[tilespmem:s21+$0x40] =	vst v1  }
0x7d: {  	v14 =	vld [tilespmem:s14+$0x0]  }
0x7e: {  	v31 =	vld [tilespmem:s20+$0xFFFFFFF0];
	v3 =	vpop (erf);
	[tilespmem:s21+$0xFFFFFF10] =	vst v4  }
0x7f: {  	s19 =	simm.s32 $0x5A0;
	v15 =	vbroadcast v9, $0x0;
	v3 =	vmul.f32 v0, v3;
	v16 =	vld [tilespmem:s14+$0xFFFFFF20]  }
0x80: {  	v25 =	vld [tilespmem:s19+$0xFFFFFF50];
	[tilespmem:s21+$0xFFFFFFF0] =	vst v2;
	v19 =	vbroadcast v1, $0x0;
	v8 =	vmul.f32 v8, v11  }
0x81: {  	v13 =	vld [tilespmem:s14+$0xFFFFFFB0];
	[tilespmem:s21+$0x90] =	vst v3;
	v11 =	vmul.f32 v15, v12  }
0x82: {  	v33 =	vld [tilespmem:s19+$0x90];
	v5 =	vpop (erf);
	[tilespmem:s21+$0x100] =	vst v8;
	v8 =	vmul.f32 v19, v14  }
0x83: {  	v4 =	vmul.f32 v0, v5;
	v18 =	vld [tilespmem:s14+$0x50];
	[tilespmem:s21+$0xFFFFFF60] =	vst v11  }
0x84: {  	v17 =	vbroadcast v2, $0x0;
	v5 =	vpop (erf);
	v11 =	vld [tilespmem:s19+$0x130];
	[tilespmem:s21+$0x0] =	vst v8;
	v8 =	vmul.f32 v10, v16  }
0x85: {  	v5 =	vmul.f32 v0, v5;
	[tilespmem:s21+$0xE0] =	vst v4;
	v14 =	vbroadcast v6, $0x1;
	v6 =	vld [tilespmem:s19+$0xFFFFFFA0]  }
0x86: {  	v13 =	vmul.f32 v17, v13;
	[tilespmem:s21+$0xFFFFFF20] =	vst v8;
	v8 =	vld [tilespmem:s20+$0x30]  }
0x87: {  	[tilespmem:s21+$0xFFFFFF00] =	vst v5;
	v12 =	vld [tilespmem:s14+$0xA0]  }
0x88: {  	v25 =	vadd.f32 v26, v25;
	[tilespmem:s21+$0xFFFFFFB0] =	vst v13;
	v20 =	vld [tilespmem:s14+$0xFFFFFEC0]  }
0x89: {  	v23 =	vld [tilespmem:s14+$0xFFFFFFC0]  }
0x8a: {  	v32 =	vmul.f32 $2.000000030e-01, v25;
	v10 =	vld [tilespmem:s14+$0x10]  }
0x8b: {  	v28 =	vbroadcast v4, $0x0;
	v6 =	vadd.f32 v27, v6;
	v27 =	vld [tilespmem:s20+$0x10];
	v8 =	vadd.f32 v8, v11  }
0x8c: {  	v13 =	vbroadcast v9, $0x1;
	v9 =	vbroadcast v3, $0x0;
	v16 =	vld [tilespmem:s14+$0xFFFFFF30]  }
0x8d: {  	v29 =	vld [tilespmem:s19+$0xFFFFFFF0];
	v30 =	vbroadcast v5, $0x0;
	v11 =	vmul.f32 $2.000000030e-01, v8  }
0x8e: {  	v22 =	vld [tilespmem:s14+$0xFFFFFF70];
	v18 =	vmul.f32 v9, v18;
	v12 =	vmul.f32 v28, v12  }
0x8f: {  	v26 =	vld [tilespmem:s19+$0x40];
	v20 =	vmul.f32 v30, v20;
	v17 =	vmul.f32 v17, v23;
	v8 =	vmax.f32 v8, v11  }
0x90: {  	[tilespmem:s21+$0x50] =	vst v18;
	v18 =	vadd.f32 v27, v33;
	v11 =	vbroadcast v7, $0x1;
	v7 =	vld [tilespmem:s20+$0x0];
	v8 =	vmul.f32 $1.442695020e+00, v8  }
0x91: {  	v21 =	vld [tilespmem:s14+$0x110];
	v10 =	vmul.f32 v19, v10;
	v16 =	vmul.f32 v14, v16  }
0x92: {  	v23 =	vld [tilespmem:s19+$0xFFFFFF00];
	[tilespmem:s21+$0xFFFFFEC0] =	vst v20;
	v20 =	vmul.f32 $2.000000030e-01, v18;
	(erf) = vpow2.f32 v8  }
0x93: {  	v8 =	vmul.f32 v15, v22;
	v15 =	vmax.f32 v25, v32;
	v22 =	vadd.f32 v31, v29;
	v25 =	vld [tilespmem:s19+$0xE0]  }
0x94: {  	s31 =	simm.s32 $0x3520;
	v29 =	vmul.f32 $2.000000030e-01, v6;
	v31 =	vld [tilespmem:s20+$0x20];
	v15 =	vmul.f32 $1.442695020e+00, v15  }
0x95: {  	v56 =	vld [tilespmem:s31+$0xFFFFFFC0];
	v18 =	vmax.f32 v18, v20;
	v51 =	vmul.f32 $2.000000030e-01, v22;
	v7 =	vadd.f32 v7, v26  }
0x96: {  	[tilespmem:s21+$0xA0] =	vst v12;
	v12 =	vld [tilespmem:s14+$0xFFFFFED0];
	v21 =	vmul.f32 v11, v21;
	s20 =	simm.s32 $0x820;
	v6 =	vmax.f32 v6, v29;
	(erf) = vpow2.f32 v15  }
0x97: {  	v57 =	vld [tilespmem:s20+$0xFFFFFFA0];
	v6 =	vmul.f32 $1.442695020e+00, v6;
	v15 =	vmax.f32 v22, v51;
	v19 =	vmul.f32 $2.000000030e-01, v7  }
0x98: {  	v18 =	vmul.f32 $1.442695020e+00, v18;
	[tilespmem:s21+$0x110] =	vst v21;
	v21 =	vadd.f32 v24, v23;
	v22 =	vld [tilespmem:s14+$0x60];
	v15 =	vmul.f32 $1.442695020e+00, v15  }
0x99: {  	v58 =	vld [tilespmem:s20+$0xFFFFFFF0];
	(erf) = vpow2.f32 v6;
	v6 =	vmax.f32 v7, v19;
	v7 =	vadd.f32 v31, v25  }
0x9a: {  	[tilespmem:s21+$0xFFFFFFC0] =	vst v17;
	v62 =	vld [tilespmem:s20+$0xFFFFFF00];
	v20 =	vmul.f32 $2.000000030e-01, v21;
	v6 =	vmul.f32 $1.442695020e+00, v6  }
0x9b: {  	[tilespmem:s21+$0xFFFFFF70] =	vst v8;
	v8 =	vld [tilespmem:s14+$0xB0];
	(erf) = vpow2.f32 v15;
	v15 =	vmul.f32 $2.000000030e-01, v7;
	v23 =	vpop (erf)  }
0x9c: {  	[tilespmem:s21+$0x10] =	vst v10;
	v17 =	vld [tilespmem:s14+$0xFFFFFF80];
	(erf) = vpow2.f32 v6;
	v23 =	vmul.f32 v0, v23  }
0x9d: {  	s10 =	simm.s32 $0x41A0;
	[tilespmem:s21+$0xFFFFFF30] =	vst v16;
	v19 =	vld [tilespmem:s14+$0x120];
	v6 =	vmul.f32 v9, v22;
	v9 =	vmax.f32 v21, v20;
	v7 =	vmax.f32 v7, v15  }
0x9e: {  	v21 =	vld [tilespmem:s14+$0xFFFFFF40];
	v9 =	vmul.f32 $1.442695020e+00, v9;
	v7 =	vmul.f32 $1.442695020e+00, v7;
	[tilespmem:s10+$0x130] =	vst v23  }
0x9f: {  	(erf) = vpow2.f32 v18;
	[tilespmem:s21+$0x60] =	vst v6;
	v6 =	vmul.f32 v30, v12;
	v10 =	vld [tilespmem:s19+$0xF0]  }
0xa0: {  	v15 =	vld [tilespmem:s14+$0xFFFFFFD0];
	v20 =	vpop (erf);
	(erf) = vpow2.f32 v7;
	v7 =	vmul.f32 v28, v8  }
0xa1: {  	v18 =	vld [tilespmem:s14+$0x20];
	v20 =	vmul.f32 v0, v20;
	v8 =	vbroadcast v23, $0x0;
	[tilespmem:s21+$0xFFFFFED0] =	vst v6  }
0xa2: {  	v6 =	vmul.f32 v13, v17;
	(erf) = vpow2.f32 v9;
	v17 =	vld [tilespmem:s14+$0xFFFFFEE0]  }
0xa3: {  	v21 =	vmul.f32 v21, v14;
	v14 =	vld [tilespmem:s31+$0xFFFFFFF0];
	[tilespmem:s10+$0xFFFFFF50] =	vst v20  }
0xa4: {  	[tilespmem:s21+$0xB0] =	vst v7;
	v9 =	vld [tilespmem:s19+$0xFFFFFF10];
	v7 =	vpop (erf);
	v10 =	vmul.f32 v8, v10  }
0xa5: {  	v19 =	vmul.f32 v19, v11;
	[tilespmem:s21+$0xFFFFFF80] =	vst v6;
	v22 =	vld [tilespmem:s14+$0xC0];
	v24 =	vmul.f32 v0, v7;
	v7 =	vpop (erf)  }
0xa6: {  	v12 =	vbroadcast v20, $0x0;
	v26 =	vld [tilespmem:s14+$0xFFFFFF90];
	v25 =	vmul.f32 v0, v7;
	[tilespmem:s10+$0xF0] =	vst v10  }
0xa7: {  	v6 =	vpop (erf);
	[tilespmem:s10+$0xFFFFFFA0] =	vst v24;
	v31 =	vbroadcast v24, $0x0;
	v11 =	vbroadcast v24, $0x1;
	v24 =	vld [tilespmem:s31+$0x30]  }
0xa8: {  	v27 =	vmul.f32 v0, v6;
	v6 =	vld [tilespmem:s19+$0x100]  }
0xa9: {  	v7 =	vld [tilespmem:s19+$0xFFFFFF60];
	[tilespmem:s10+$0xFFFFFFF0] =	vst v25;
	v9 =	vmul.f32 v12, v9;
	v10 =	vpop (erf)  }
0xaa: {  	v23 =	vbroadcast v23, $0x1;
	v28 =	vld [tilespmem:s19+$0xFFFFFFB0];
	[tilespmem:s10+$0x40] =	vst v27;
	v29 =	vmul.f32 v0, v10;
	v10 =	vpop (erf)  }
0xab: {  	v53 =	vbroadcast v25, $0x0;
	[tilespmem:s10+$0xFFFFFF10] =	vst v9;
	v9 =	vld [tilespmem:s19+$0x0];
	v30 =	vmul.f32 v0, v10;
	v10 =	vpop (erf)  }
0xac: {  	v26 =	vmul.f32 v26, v13;
	v52 =	vmul.f32 v0, v10;
	v10 =	vld [tilespmem:s19+$0xFFFFFF20];
	[tilespmem:s10+$0x90] =	vst v29  }
0xad: {  	v13 =	vld [tilespmem:s31+$0x0];
	v35 =	vbroadcast v27, $0x0;
	[tilespmem:s10+$0xE0] =	vst v30;
	v6 =	vmul.f32 v8, v6  }
0xae: {  	v37 =	vbroadcast v29, $0x0;
	v34 =	vld [tilespmem:s19+$0x50];
	v7 =	vmul.f32 v31, v7;
	[tilespmem:s10+$0xFFFFFF00] =	vst v52  }
0xaf: {  	v36 =	vld [tilespmem:s19+$0xA0];
	v8 =	vmul.f32 v53, v28;
	v43 =	vbroadcast v52, $0x0;
	[tilespmem:s10+$0x100] =	vst v6  }
0xb0: {  	v28 =	vld [tilespmem:s19+$0xFFFFFEC0];
	[tilespmem:s10+$0xFFFFFF60] =	vst v7;
	v7 =	vmul.f32 v35, v9;
	v6 =	vbroadcast v2, $0x1  }
0xb1: {  	v2 =	vmul.f32 v12, v10;
	v12 =	vbroadcast v20, $0x1;
	v20 =	vld [tilespmem:s20+$0x130]  }
0xb2: {  	v9 =	vbroadcast v4, $0x1;
	v4 =	vbroadcast v27, $0x1;
	v27 =	vld [tilespmem:s20+$0xFFFFFF50]  }
0xb3: {  	v38 =	vld [tilespmem:s19+$0x110];
	[tilespmem:s10+$0xFFFFFFB0] =	vst v8;
	v8 =	vbroadcast v1, $0x1;
	v1 =	vbroadcast v25, $0x1  }
0xb4: {  	[tilespmem:s10+$0x0] =	vst v7;
	v7 =	vbroadcast v3, $0x1;
	v3 =	vbroadcast v29, $0x1;
	v29 =	vld [tilespmem:s31+$0xFFFFFFD0]  }
0xb5: {  	v39 =	vld [tilespmem:s19+$0xFFFFFF70];
	v25 =	vbroadcast v30, $0x0;
	v10 =	vbroadcast v5, $0x1  }
0xb6: {  	v40 =	vld [tilespmem:s19+$0xFFFFFFC0];
	v15 =	vmul.f32 v6, v15;
	v22 =	vmul.f32 v9, v22;
	v20 =	vadd.f32 v24, v20  }
0xb7: {  	[tilespmem:s21+$0x120] =	vst v19;
	v5 =	vmul.f32 v37, v34;
	v18 =	vmul.f32 v8, v18;
	v24 =	vld [tilespmem:s31+$0xFFFFFFE0]  }
0xb8: {  	v54 =	vld [tilespmem:s19+$0x10];
	[tilespmem:s10+$0xFFFFFF20] =	vst v2;
	v17 =	vmul.f32 v10, v17;
	v44 =	vmul.f32 $2.000000030e-01, v20  }
0xb9: {  	[tilespmem:s10+$0x50] =	vst v5;
	v5 =	vbroadcast v52, $0x1;
	v28 =	vmul.f32 v43, v28;
	v27 =	vadd.f32 v29, v27;
	v29 =	vld [tilespmem:s20+$0x40]  }
0xba: {  	[tilespmem:s21+$0xFFFFFFD0] =	vst v15;
	v41 =	vld [tilespmem:s19+$0xFFFFFF30];
	v2 =	vmul.f32 v23, v38;
	v31 =	vmul.f32 v31, v39;
	v20 =	vmax.f32 v20, v44  }
0xbb: {  	v61 =	vld [tilespmem:s31+$0x10];
	v14 =	vadd.f32 v14, v58;
	[tilespmem:s21+$0x20] =	vst v18;
	v59 =	vmul.f32 $2.000000030e-01, v27;
	v20 =	vmul.f32 $1.442695020e+00, v20  }
0xbc: {  	v60 =	vld [tilespmem:s20+$0x90];
	v33 =	vmul.f32 v53, v40;
	[tilespmem:s10+$0x110] =	vst v2;
	v2 =	vbroadcast v30, $0x1;
	v24 =	vadd.f32 v24, v57  }
0xbd: {  	v42 =	vld [tilespmem:s19+$0x60];
	[tilespmem:s21+$0xFFFFFEE0] =	vst v17;
	v30 =	vmul.f32 v25, v36;
	(erf) = vpow2.f32 v20;
	v20 =	vmax.f32 v27, v59  }
0xbe: {  	[tilespmem:s10+$0xFFFFFEC0] =	vst v28;
	v28 =	vld [tilespmem:s20+$0xE0];
	v13 =	vadd.f32 v13, v29;
	v27 =	vmul.f32 $2.000000030e-01, v24;
	v20 =	vmul.f32 $1.442695020e+00, v20  }
0xbf: {  	v15 =	vadd.f32 v56, v62;
	v34 =	vmul.f32 v35, v54;
	[tilespmem:s10+$0xFFFFFF70] =	vst v31;
	v31 =	vld [tilespmem:s31+$0x20];
	v19 =	vmul.f32 v12, v41  }
0xc0: {  	[tilespmem:s10+$0xFFFFFFC0] =	vst v33;
	v17 =	vmul.f32 $2.000000030e-01, v13;
	v24 =	vmax.f32 v24, v27;
	(erf) = vpow2.f32 v20;
	v20 =	vld [tilespmem:s19+$0xFFFFFED0]  }
0xc1: {  	v16 =	vld [tilespmem:s14+$0x70];
	[tilespmem:s10+$0xA0] =	vst v30;
	v27 =	vmul.f32 $2.000000030e-01, v14;
	v24 =	vmul.f32 $1.442695020e+00, v24  }
0xc2: {  	v18 =	vmul.f32 $2.000000030e-01, v15;
	v55 =	vld [tilespmem:s19+$0x120];
	[tilespmem:s10+$0x10] =	vst v34;
	v30 =	vmul.f32 v37, v42;
	v13 =	vmax.f32 v13, v17  }
0xc3: {  	v63 =	vld [tilespmem:s19+$0x20];
	[tilespmem:s10+$0xFFFFFF30] =	vst v19;
	v14 =	vmax.f32 v14, v27;
	v27 =	vadd.f32 v61, v60;
	(erf) = vpow2.f32 v24  }
0xc4: {  	v29 =	vld [tilespmem:s19+$0xB0];
	[tilespmem:s10+$0x60] =	vst v30;
	v19 =	vadd.f32 v31, v28;
	v30 =	vmul.f32 $1.442695020e+00, v13;
	v14 =	vmul.f32 $1.442695020e+00, v14  }
0xc5: {  	v28 =	vld [tilespmem:s19+$0xFFFFFFD0];
	v17 =	vmul.f32 $2.000000030e-01, v27;
	v20 =	vmul.f32 v43, v20  }
0xc6: {  	v15 =	vmax.f32 v15, v18;
	v36 =	vld [tilespmem:s19+$0x70];
	(erf) = vpow2.f32 v14;
	v14 =	vmul.f32 $2.000000030e-01, v19  }
0xc7: {  	v15 =	vmul.f32 $1.442695020e+00, v15;
	v24 =	vld [tilespmem:s19+$0xFFFFFF80];
	v17 =	vmax.f32 v27, v17;
	(erf) = vpow2.f32 v30;
	v13 =	vpop (erf)  }
0xc8: {  	[tilespmem:s21+$0xC0] =	vst v22;
	v17 =	vmul.f32 $1.442695020e+00, v17;
	v19 =	vmax.f32 v19, v14;
	v14 =	vld [tilespmem:s19+$0xFFFFFF40];
	v52 =	vmul.f32 v0, v13  }
0xc9: {  	s0 =	simm.s32 $0x4420;
	v16 =	vmul.f32 v7, v16;
	v13 =	vld [tilespmem:s14+$0xFFFFFEF0];
	[tilespmem:s10+$0xFFFFFED0] =	vst v20;
	v18 =	vmul.f32 $1.442695020e+00, v19;
	v20 =	vpop (erf)  }
0xca: {  	v27 =	vld [tilespmem:s19+$0xFFFFFEE0];
	(erf) = vpow2.f32 v17;
	[tilespmem:s0+$0x130] =	vst v52;
	v20 =	vmul.f32 v0, v20  }
0xcb: {  	[tilespmem:s21+$0x70] =	vst v16;
	v23 =	vmul.f32 v55, v23;
	(erf) = vpow2.f32 v18;
	v16 =	vld [tilespmem:s20+$0xF0]  }
0xcc: {  	v19 =	vmul.f32 v25, v29;
	v17 =	vld [tilespmem:s14+$0xFFFFFFE0];
	(erf) = vpow2.f32 v15;
	v15 =	vpop (erf);
	[tilespmem:s0+$0xFFFFFF50] =	vst v20  }
0xcd: {  	[tilespmem:s10+$0x120] =	vst v23;
	v22 =	vmul.f32 v11, v24;
	v15 =	vmul.f32 v0, v15;
	v24 =	vld [tilespmem:s20+$0xFFFFFF10]  }
0xce: {  	[tilespmem:s10+$0xB0] =	vst v19;
	v53 =	vbroadcast v52, $0x0;
	v19 =	vld [tilespmem:s14+$0x30]  }
0xcf: {  	[tilespmem:s10+$0xFFFFFF80] =	vst v22;
	v46 =	vld [tilespmem:s19+$0xC0];
	v54 =	vbroadcast v20, $0x0;
	v18 =	vbroadcast v20, $0x1;
	v20 =	vpop (erf)  }
0xd0: {  	v23 =	vld [tilespmem:s19+$0xFFFFFF90];
	[tilespmem:s0+$0xFFFFFFA0] =	vst v15;
	v25 =	vmul.f32 v0, v20;
	v22 =	vmul.f32 v53, v16  }
0xd1: {  	[tilespmem:s21+$0xFFFFFF40] =	vst v21;
	v31 =	vbroadcast v15, $0x0;
	v21 =	vld [tilespmem:s20+$0xFFFFFF60];
	v20 =	vbroadcast v15, $0x1;
	v15 =	vpop (erf)  }
0xd2: {  	[tilespmem:s0+$0xF0] =	vst v22;
	v22 =	vld [tilespmem:s14+$0x80];
	v55 =	vmul.f32 v0, v15;
	v15 =	vmul.f32 v54, v24  }
0xd3: {  	v35 =	vmul.f32 v4, v63;
	v29 =	vmul.f32 v5, v27;
	[tilespmem:s0+$0xFFFFFFF0] =	vst v25;
	v56 =	vld [tilespmem:s20+$0x100]  }
0xd4: {  	[tilespmem:s21+$0xFFFFFF90] =	vst v26;
	v30 =	vbroadcast v25, $0x0;
	v16 =	vbroadcast v25, $0x1;
	v26 =	vld [tilespmem:s20+$0xFFFFFFB0];
	v25 =	vpop (erf)  }
0xd5: {  	v24 =	vmul.f32 v1, v28;
	[tilespmem:s0+$0x40] =	vst v55;
	v27 =	vmul.f32 v0, v25;
	v28 =	vpop (erf);
	v25 =	vld [tilespmem:s14+$0xD0]  }
0xd6: {  	v36 =	vmul.f32 v3, v36;
	[tilespmem:s0+$0xFFFFFF10] =	vst v15;
	v58 =	vld [tilespmem:s20+$0x0];
	v28 =	vmul.f32 v0, v28;
	v15 =	vpop (erf)  }
0xd7: {  	v37 =	vmul.f32 v2, v46;
	v60 =	vld [tilespmem:s20+$0xFFFFFF20];
	[tilespmem:s0+$0x90] =	vst v27;
	v59 =	vmul.f32 v0, v15  }
0xd8: {  	v33 =	vbroadcast v55, $0x0;
	v45 =	vld [tilespmem:s20+$0x50];
	[tilespmem:s0+$0xE0] =	vst v28;
	v40 =	vmul.f32 v53, v56  }
0xd9: {  	v57 =	vmul.f32 v31, v21;
	v34 =	vbroadcast v27, $0x0;
	v48 =	vld [tilespmem:s20+$0xA0];
	[tilespmem:s0+$0xFFFFFF00] =	vst v59  }
0xda: {  	v27 =	vbroadcast v27, $0x1;
	v47 =	vmul.f32 v30, v26;
	[tilespmem:s0+$0x100] =	vst v40;
	v49 =	vld [tilespmem:s20+$0xFFFFFEC0]  }
0xdb: {  	[tilespmem:s0+$0xFFFFFF60] =	vst v57;
	v15 =	vbroadcast v28, $0x0;
	v61 =	vmul.f32 v33, v58;
	v50 =	vld [tilespmem:s20+$0x110]  }
0xdc: {  	v26 =	vbroadcast v55, $0x1;
	v43 =	vld [tilespmem:s20+$0xFFFFFF70];
	[tilespmem:s0+$0xFFFFFFB0] =	vst v47;
	v38 =	vmul.f32 v54, v60  }
0xdd: {  	v21 =	vbroadcast v59, $0x0;
	v40 =	vld [tilespmem:s20+$0xFFFFFFC0];
	[tilespmem:s0+$0x0] =	vst v61;
	v62 =	vmul.f32 v34, v45  }
0xde: {  	[tilespmem:s0+$0xFFFFFF20] =	vst v38;
	v42 =	vld [tilespmem:s20+$0x10];
	v38 =	vbroadcast v52, $0x1;
	v63 =	vmul.f32 v15, v48  }
0xdf: {  	v32 =	vbroadcast v59, $0x1;
	v39 =	vld [tilespmem:s20+$0xFFFFFF30];
	[tilespmem:s0+$0x50] =	vst v62;
	v44 =	vmul.f32 v21, v49  }
0xe0: {  	s15 =	simm.s32 $0xAA0;
	s14 =	simm.s32 $0x10;
	v28 =	vbroadcast v28, $0x1;
	v41 =	vld [tilespmem:s20+$0x60];
	[tilespmem:s0+$0xA0] =	vst v63;
	v45 =	vmul.f32 v38, v50  }
.LBB2_3:
0xe1: {  	v46 =	vld [tilespmem:s15+$0x130];
	[tilespmem:s0+$0xFFFFFEC0] =	vst v44;
	v31 =	vmul.f32 v31, v43;
	s31 =	sadd.s32 $0x80, s31;
	v13 =	vmul.f32 v13, v10;
	v10 =	vmovc v5;
	v5 =	vmov v32  }
0xe2: {  	s14 =	sadd.s32 $0x8, s14;
	v14 =	vmul.f32 v14, v12;
	v12 =	vmov v18;
	v32 =	vld [tilespmem:s31+$0x30];
	v30 =	vmul.f32 v30, v40;
	[tilespmem:s0+$0x110] =	vst v45  }
0xe3: {  	v23 =	vmul.f32 v23, v11;
	v11 =	vmov v20;
	p2 =	slt.u32 s14, $0x48;
	[tilespmem:s0+$0xFFFFFF70] =	vst v31;
	v18 =	vmul.f32 v33, v42;
	v31 =	vld [tilespmem:s20+$0x120]  }
0xe4: {  	v17 =	vmul.f32 v17, v6;
	v6 =	vmovc v1;
	v1 =	vmov v16;
	v20 =	vld [tilespmem:s31+$0xFFFFFFC0];
	v33 =	vmul.f32 v12, v39;
	[tilespmem:s0+$0xFFFFFFC0] =	vst v30  }
0xe5: {  	v19 =	vmul.f32 v19, v8;
	v8 =	vmovc v4;
	v4 =	vmov v26;
	v16 =	vld [tilespmem:s15+$0xFFFFFF50];
	[tilespmem:s0+$0x10] =	vst v18;
	v18 =	vmul.f32 v34, v41  }
0xe6: {  	v22 =	vmul.f32 v22, v7;
	v25 =	vmul.f32 v25, v9;
	v7 =	vmovc v3;
	v3 =	vmov v27;
	v26 =	vld [tilespmem:s31+$0xFFFFFFD0];
	[tilespmem:s10+$0xFFFFFEE0] =	vst v29  }
0xe7: {  	v9 =	vmov v2;
	v2 =	vmov v28;
	v27 =	vld [tilespmem:s15+$0xFFFFFFA0];
	v29 =	vadd.f32 v32, v46;
	[tilespmem:s0+$0x60] =	vst v18  }
0xe8: {  	v18 =	vld [tilespmem:s31+$0xFFFFFFE0];
	[tilespmem:s0+$0xFFFFFF30] =	vst v33;
	v28 =	vmul.f32 v31, v38  }
0xe9: {  	v30 =	vld [tilespmem:s15+$0xFFFFFFF0];
	v31 =	vmul.f32 $2.000000030e-01, v29;
	[tilespmem:s10+$0xFFFFFFD0] =	vst v24  }
0xea: {  	v24 =	vld [tilespmem:s31+$0xFFFFFFF0];
	[tilespmem:s0+$0x120] =	vst v28  }
0xeb: {  	v16 =	vadd.f32 v26, v16;
	v26 =	vld [tilespmem:s15+$0x40];
	v28 =	vmax.f32 v29, v31;
	[tilespmem:s10+$0x20] =	vst v35  }
0xec: {  	v29 =	vld [tilespmem:s31+$0x0];
	v28 =	vmul.f32 $1.442695020e+00, v28;
	[tilespmem:s10+$0x70] =	vst v36  }
0xed: {  	v31 =	vmul.f32 $2.000000030e-01, v16;
	v18 =	vadd.f32 v18, v27;
	v27 =	vld [tilespmem:s15+$0x90];
	[tilespmem:s10+$0xC0] =	vst v37  }
0xee: {  	v32 =	vld [tilespmem:s31+$0x10];
	(erf) = vpow2.f32 v28;
	[tilespmem:s21+$0xFFFFFEF0] =	vst v13  }
0xef: {  	v13 =	vmax.f32 v16, v31;
	v16 =	vmul.f32 $2.000000030e-01, v18;
	v24 =	vadd.f32 v24, v30;
	v28 =	vld [tilespmem:s15+$0xE0];
	[tilespmem:s10+$0xFFFFFF40] =	vst v14  }
0xf0: {  	v13 =	vmul.f32 $1.442695020e+00, v13;
	v14 =	vld [tilespmem:s31+$0x20];
	[tilespmem:s10+$0xFFFFFF90] =	vst v23  }
0xf1: {  	v23 =	vld [tilespmem:s15+$0xFFFFFF00];
	v16 =	vmax.f32 v18, v16;
	v18 =	vmul.f32 $2.000000030e-01, v24;
	v26 =	vadd.f32 v29, v26;
	[tilespmem:s21+$0xFFFFFFE0] =	vst v17  }
0xf2: {  	v16 =	vmul.f32 $1.442695020e+00, v16;
	(erf) = vpow2.f32 v13;
	v13 =	vld [tilespmem:s20+$0xFFFFFED0];
	[tilespmem:s21+$0x30] =	vst v19  }
0xf3: {  	v17 =	vmax.f32 v24, v18;
	v18 =	vmul.f32 $2.000000030e-01, v26;
	v19 =	vadd.f32 v32, v27;
	v24 =	vld [tilespmem:s20+$0xB0];
	[tilespmem:s21+$0x80] =	vst v22  }
0xf4: {  	v17 =	vmul.f32 $1.442695020e+00, v17;
	(erf) = vpow2.f32 v16;
	v16 =	vld [tilespmem:s20+$0xFFFFFF80];
	[tilespmem:s21+$0xD0] =	vst v25;
	s21 =	smov.u32 s10;
	s10 =	smov.u32 s0  }
0xf5: {  	v18 =	vmax.f32 v26, v18;
	v26 =	vmul.f32 $2.000000030e-01, v19;
	v14 =	vadd.f32 v14, v28;
	v25 =	vld [tilespmem:s20+$0xFFFFFFD0]  }
0xf6: {  	v20 =	vadd.f32 v20, v23;
	v18 =	vmul.f32 $1.442695020e+00, v18;
	(erf) = vpow2.f32 v17;
	v35 =	vld [tilespmem:s20+$0x20]  }
0xf7: {  	v17 =	vmax.f32 v19, v26;
	v19 =	vmul.f32 $2.000000030e-01, v14;
	v22 =	vpop (erf);
	v21 =	vmul.f32 v21, v13;
	v36 =	vld [tilespmem:s20+$0x70]  }
0xf8: {  	v23 =	vmul.f32 $2.000000030e-01, v20;
	v37 =	vmul.f32 v0, v22;
	v13 =	vld [tilespmem:s19+$0xFFFFFEF0]  }
0xf9: {  	s0 =	sadd.s32 $0x280, s0;
	v17 =	vmul.f32 $1.442695020e+00, v17;
	v19 =	vmax.f32 v14, v19;
	(erf) = vpow2.f32 v18;
	[tilespmem:s10+$0xFFFFFED0] =	vst v21;
	v14 =	vld [tilespmem:s20+$0xFFFFFF40]  }
0xfa: {  	v18 =	vmax.f32 v20, v23;
	v19 =	vmul.f32 $1.442695020e+00, v19;
	[tilespmem:s0+$0x130] =	vst v37;
	v21 =	vld [tilespmem:s20+$0xFFFFFEE0];
	v23 =	vmul.f32 v15, v24  }
0xfb: {  	v18 =	vmul.f32 $1.442695020e+00, v18;
	v20 =	vld [tilespmem:s15+$0xF0];
	v22 =	vpop (erf);
	(erf) = vpow2.f32 v17  }
0xfc: {  	v27 =	vmul.f32 v0, v22;
	(erf) = vpow2.f32 v19;
	[tilespmem:s10+$0xB0] =	vst v23;
	v17 =	vld [tilespmem:s19+$0xFFFFFFE0]  }
0xfd: {  	v16 =	vmul.f32 v11, v16;
	(erf) = vpow2.f32 v18;
	v15 =	vpop (erf);
	v46 =	vld [tilespmem:s20+$0xC0]  }
0xfe: {  	v26 =	vbroadcast v37, $0x0;
	[tilespmem:s0+$0xFFFFFF50] =	vst v27;
	v15 =	vmul.f32 v0, v15;
	v19 =	vld [tilespmem:s19+$0x30]  }
0xff: {  	v28 =	vbroadcast v27, $0x0;
	v18 =	vbroadcast v27, $0x1;
	v24 =	vld [tilespmem:s15+$0xFFFFFF10];
	v22 =	vpop (erf);
	[tilespmem:s10+$0xFFFFFF80] =	vst v16  }
0x100: {  	[tilespmem:s0+$0xFFFFFFA0] =	vst v15;
	v27 =	vmul.f32 v0, v22;
	v22 =	vmul.f32 v26, v20;
	v23 =	vld [tilespmem:s20+$0xFFFFFF90]  }
0x101: {  	v31 =	vbroadcast v15, $0x0;
	v20 =	vbroadcast v15, $0x1;
	v32 =	vld [tilespmem:s15+$0xFFFFFF60]  }
0x102: {  	v30 =	vbroadcast v27, $0x0;
	v16 =	vbroadcast v27, $0x1;
	[tilespmem:s0+$0xF0] =	vst v22;
	v15 =	vpop (erf);
	v22 =	vld [tilespmem:s19+$0x80]  }
0x103: {  	v29 =	vmul.f32 v5, v21;
	[tilespmem:s0+$0xFFFFFFF0] =	vst v27;
	v27 =	vmul.f32 v0, v15;
	v38 =	vld [tilespmem:s15+$0x100]  }
0x104: {  	v34 =	vmul.f32 v28, v24;
	v39 =	vld [tilespmem:s15+$0xFFFFFFB0];
	v21 =	vpop (erf);
	v24 =	vmul.f32 v1, v25  }
0x105: {  	[tilespmem:s0+$0x40] =	vst v27;
	v33 =	vbroadcast v27, $0x0;
	v40 =	vmul.f32 v0, v21;
	v21 =	vpop (erf);
	v25 =	vld [tilespmem:s19+$0xD0];
	s19 =	smov.u32 s20;
	s20 =	smov.u32 s15  }
0x106: {  	[tilespmem:s0+$0xFFFFFF10] =	vst v34;
	v41 =	vmul.f32 v31, v32;
	v42 =	vld [tilespmem:s15+$0x0];
	v44 =	vmul.f32 v0, v21;
	v15 =	vpop (erf)  }
0x107: {  	v32 =	vmul.f32 v0, v15;
	v43 =	vld [tilespmem:s15+$0xFFFFFF20];
	[tilespmem:s0+$0x90] =	vst v40;
	v34 =	vbroadcast v40, $0x0  }
0x108: {  	v45 =	vld [tilespmem:s15+$0x50];
	[tilespmem:s0+$0xE0] =	vst v44;
	v15 =	vbroadcast v44, $0x0;
	v38 =	vmul.f32 v26, v38  }
0x109: {  	[tilespmem:s0+$0xFFFFFF00] =	vst v32;
	v21 =	vbroadcast v32, $0x0;
	v39 =	vmul.f32 v30, v39;
	v47 =	vld [tilespmem:s15+$0xA0]  }
0x10a: {  	v26 =	vbroadcast v27, $0x1;
	v32 =	vbroadcast v32, $0x1;
	v48 =	vld [tilespmem:s15+$0xFFFFFEC0];
	[tilespmem:s0+$0x100] =	vst v38  }
0x10b: {  	v27 =	vbroadcast v40, $0x1;
	[tilespmem:s0+$0xFFFFFF60] =	vst v41;
	v38 =	vmul.f32 v33, v42;
	v49 =	vld [tilespmem:s15+$0x110]  }
.Ltmp0:
0x10c: {  	v41 =	vmul.f32 v28, v43;
	v43 =	vld [tilespmem:s15+$0xFFFFFF70];
	[tilespmem:s0+$0xFFFFFFB0] =	vst v39;
	v28 =	vbroadcast v44, $0x1;
	(pc) =	sbr.rel @p2 .LBB2_3-.Ltmp0, $4  }
0x10d: {  	v35 =	vmul.f32 v4, v35;
	v40 =	vld [tilespmem:s15+$0xFFFFFFC0];
	[tilespmem:s0+$0x0] =	vst v38;
	v45 =	vmul.f32 v34, v45  }
0x10e: {  	v38 =	vbroadcast v37, $0x1;
	[tilespmem:s0+$0xFFFFFF20] =	vst v41;
	v42 =	vld [tilespmem:s15+$0x10];
	v47 =	vmul.f32 v15, v47  }
0x10f: {  	v36 =	vmul.f32 v3, v36;
	v44 =	vmul.f32 v21, v48;
	v39 =	vld [tilespmem:s15+$0xFFFFFF30];
	[tilespmem:s0+$0x50] =	vst v45  }
0x110: {  	v37 =	vmul.f32 v2, v46;
	s15 =	sadd.s32 $0x280, s15;
	v41 =	vld [tilespmem:s20+$0x60];
	[tilespmem:s0+$0xA0] =	vst v47;
	v45 =	vmul.f32 v38, v49  }
0x111: {  	[tilespmem:s0+$0xFFFFFEC0] =	vst v44  }
0x112: {  	[tilespmem:s10+$0xFFFFFEE0] =	vst v29  }
0x113: {  	[tilespmem:s10+$0xFFFFFFD0] =	vst v24  }
0x114: {  	[tilespmem:s10+$0x20] =	vst v35  }
0x115: {  	[tilespmem:s10+$0x70] =	vst v36  }
0x116: {  	v31 =	vmul.f32 v31, v43;
	[tilespmem:s0+$0x110] =	vst v45  }
0x117: {  	v10 =	vmul.f32 v13, v10;
	[tilespmem:s10+$0xC0] =	vst v37  }
0x118: {  	v12 =	vmul.f32 v14, v12;
	[tilespmem:s0+$0xFFFFFF70] =	vst v31  }
0x119: {  	v11 =	vmul.f32 v23, v11;
	[tilespmem:s21+$0xFFFFFEF0] =	vst v10  }
0x11a: {  	v6 =	vmul.f32 v17, v6;
	v24 =	vld [tilespmem:s20+$0xFFFFFED0];
	[tilespmem:s10+$0xFFFFFF40] =	vst v12  }
0x11b: {  	v8 =	vmul.f32 v19, v8;
	[tilespmem:s10+$0xFFFFFF90] =	vst v11  }
0x11c: {  	v7 =	vmul.f32 v22, v7;
	[tilespmem:s21+$0xFFFFFFE0] =	vst v6  }
0x11d: {  	v13 =	vld [tilespmem:s20+$0xB0];
	v9 =	vmul.f32 v25, v9;
	[tilespmem:s21+$0x30] =	vst v8  }
0x11e: {  	v30 =	vmul.f32 v30, v40;
	v54 =	vld [tilespmem:s20+$0x120];
	[tilespmem:s21+$0x80] =	vst v7  }
0x11f: {  	[tilespmem:s21+$0xD0] =	vst v9;
	v9 =	vld [tilespmem:s19+$0xFFFFFEF0];
	v10 =	vmul.f32 v21, v24  }
0x120: {  	v31 =	vmul.f32 v33, v42;
	[tilespmem:s0+$0xFFFFFFC0] =	vst v30;
	v12 =	vld [tilespmem:s20+$0xFFFFFF80]  }
0x121: {  	v30 =	vmul.f32 v34, v41;
	v6 =	vld [tilespmem:s20+$0xFFFFFFD0];
	[tilespmem:s0+$0xFFFFFED0] =	vst v10  }
0x122: {  	[tilespmem:s0+$0x10] =	vst v31;
	v31 =	vmul.f32 v18, v39;
	v10 =	vld [tilespmem:s20+$0xFFFFFEE0]  }
0x123: {  	v11 =	vmul.f32 v15, v13;
	v8 =	vld [tilespmem:s20+$0x20];
	[tilespmem:s0+$0x60] =	vst v30  }
0x124: {  	[tilespmem:s0+$0xFFFFFF30] =	vst v31;
	v29 =	vmul.f32 v54, v38;
	v13 =	vld [tilespmem:s20+$0x70]  }
0x125: {  	[tilespmem:s0+$0xB0] =	vst v11;
	v5 =	vmul.f32 v9, v5;
	v9 =	vld [tilespmem:s19+$0xD0]  }
0x126: {  	v11 =	vld [tilespmem:s20+$0xC0];
	[tilespmem:s0+$0x120] =	vst v29;
	v6 =	vmul.f32 v16, v6  }
0x127: {  	v7 =	vmul.f32 v20, v12;
	v12 =	vld [tilespmem:s20+$0xFFFFFF40];
	[tilespmem:s10+$0xFFFFFEF0] =	vst v5;
	v10 =	vmul.f32 v32, v10  }
0x128: {  	[tilespmem:s0+$0xFFFFFFD0] =	vst v6;
	v6 =	vld [tilespmem:s19+$0x30]  }
0x129: {  	v8 =	vmul.f32 v26, v8;
	[tilespmem:s0+$0xFFFFFEE0] =	vst v10;
	v10 =	vld [tilespmem:s19+$0xFFFFFFE0]  }
0x12a: {  	[tilespmem:s0+$0xFFFFFF80] =	vst v7;
	v13 =	vmul.f32 v27, v13  }
0x12b: {  	[tilespmem:s0+$0x20] =	vst v8;
	v8 =	vld [tilespmem:s19+$0x80];
	v2 =	vmul.f32 v9, v2  }
0x12c: {  	v7 =	vld [tilespmem:s20+$0xFFFFFF90];
	v11 =	vmul.f32 v28, v11;
	[tilespmem:s0+$0x70] =	vst v13  }
0x12d: {  	v12 =	vmul.f32 v12, v18;
	[tilespmem:s10+$0xD0] =	vst v2;
	v5 =	vld [tilespmem:s20+$0xFFFFFEF0]  }
0x12e: {  	[tilespmem:s0+$0xC0] =	vst v11;
	v4 =	vmul.f32 v6, v4;
	v6 =	vld [tilespmem:s20+$0x30];
	v1 =	vmul.f32 v10, v1  }
0x12f: {  	[tilespmem:s0+$0xFFFFFF40] =	vst v12;
	v10 =	vld [tilespmem:s20+$0xFFFFFFE0]  }
0x130: {  	v3 =	vmul.f32 v8, v3;
	[tilespmem:s10+$0xFFFFFFE0] =	vst v1;
	v1 =	vld [tilespmem:s20+$0x80]  }
0x131: {  	v7 =	vmul.f32 v7, v20;
	[tilespmem:s10+$0x30] =	vst v4;
	v4 =	vld [tilespmem:s20+$0xD0]  }
0x132: {  	[tilespmem:s10+$0x80] =	vst v3;
	v3 =	vmul.f32 v5, v32  }
0x133: {  	[tilespmem:s0+$0xFFFFFF90] =	vst v7;
	v5 =	vmul.f32 v6, v26  }
0x134: {  	[tilespmem:s0+$0xFFFFFEF0] =	vst v3;
	v2 =	vmul.f32 v10, v16  }
0x135: {  	[tilespmem:s0+$0x30] =	vst v5;
	v1 =	vmul.f32 v1, v27  }
0x136: {  	[tilespmem:s0+$0xFFFFFFE0] =	vst v2;
	v2 =	vmul.f32 v4, v28  }
0x137: {  	[tilespmem:s0+$0x80] =	vst v1  }
0x138: {  	[tilespmem:s0+$0xD0] =	vst v2  }
0x139: {  	[spmem:s4] =	stream.indirect.scatter.add.f32 [tilespmem:s11], [sflag:$0x7], $0x50, s9, s25, $0xb8;
	[tilespmem:$0x13330] =	vst v63  }
0x13a: {  	_ =	swait.ge [sflag:s24], $0x50  }
0x13b: {  	[sflag:s24] =	ssyncset.done $0x0  }
0x13c: {  	[sflag:s24] =	ssyncadd.s32 $0xFFFFFFB0  }
0x13d: {  	_ =	swait.ge [sflag:s24], $0x50  }
0x13e: {  	[sflag:s24] =	ssyncset.done $0x0  }
0x13f: {  	[sflag:s24] =	ssyncadd.s32 $0xFFFFFFB0  }
0x140: {  	[tilespmem:s26], [sflag:$0x1] =	stream.indirect.gather [hbm4b:s6+s25], $0x50, s5, s25, $0xb8;
	[tilespmem:$0x13330] =	vst v63  }
0x141: {  	_ = 	snop  }
0x142: {  	[tilespmem:s28], [sflag:$0x3] =	stream.indirect.gather [hbm4b:s7+s25], $0x10, s23, s25, $0xb8;
	[tilespmem:$0x13330] =	vst v63  }
0x143: {  	_ =	swait.ge [sflag:s12], $0x1900  }
0x144: {  	[sflag:s12] =	ssyncset.done $0x0  }
0x145: {  	[sflag:s12] =	ssyncadd.s32 $0xFFFFE700  }
0x146: {  	_ =	swait.ge [sflag:s13], $0x500  }
0x147: {  	[sflag:s13] =	ssyncset.done $0x0  }
0x148: {  	s0 =	simm.s32 @!p1 $0x8;
	[sflag:s13] =	ssyncadd.s32 $0xFFFFFB00  }
0x149: {  	_ =	swait.ge @!p1 [sflag:s0], $0x1900  }
0x14a: {  	[sflag:s0] =	ssyncset.done @!p1 $0x0  }
0x14b: {  	[sflag:s0] =	ssyncadd.s32 @!p1 $0xFFFFE700  }
0x14c: {  	v1 =	vld [tilespmem:$0xF0]  }
0x14d: {  	v2 =	vld [tilespmem:$0x100]  }
0x14e: {  	v3 =	vld [tilespmem:$0x110]  }
0x14f: {  	v4 =	vld [tilespmem:$0x120]  }
0x150: {  	v5 =	vld [tilespmem:$0x130]  }
0x151: {  	[tilespmem:$0x190] =	vst v1  }
0x152: {  	p1 =	seq.s32 s22, $0x3D;
	[tilespmem:$0x1A0] =	vst v2  }
0x153: {  	s0 =	sadd.s32 @!p1 s16, s18;
	[tilespmem:$0x1B0] =	vst v3  }
0x154: {  	s0 =	sshrl.u32 @!p1 s0, $0x3;
	[tilespmem:$0x1C0] =	vst v4  }
0x155: {  	s14 =	simm.s32 @!p1 $0x0;
	s15 =	simm.s32 @!p1 $0x50;
	s10 =	sadd.s32 @!p1 s1, s0;
	[tilespmem:$0x1D0] =	vst v5  }
0x156: {  	[tilespmem:s15], [sflag:$0x6] =	stream.linear.gather @!p1 [hbm4b:s10+s14], $0x50, $0x38;
	[tilespmem:$0x13330] =	vst v63  }
0x157: {  	s0 =	sadd.s32 @!p1 s2, s0;
	s10 =	simm.s32 @!p1 $0xF0;
	s15 =	simm.s32 $0x1C20  }
0x158: {  	[tilespmem:s10], [sflag:$0x6] =	stream.linear.gather @!p1 [hbm4b:s0+s14], $0x50, $0x38;
	[tilespmem:$0x13330] =	vst v63  }
0x159: {  	s21 =	simm.s32 $0x3920;
	v1 =	vld [tilespmem:s15+$0x130]  }
0x15a: {  	v2 =	vld [tilespmem:s21+$0x30];
	_ =	sdelay $0x1  }
0x15b: {  	v3 =	vld [tilespmem:s21+$0xFFFFFFC0]  }
0x15c: {  	v4 =	vld [tilespmem:s15+$0xFFFFFF50]  }
0x15d: {  	v5 =	vld [tilespmem:s21+$0xFFFFFFD0]  }
0x15e: {  	v6 =	vld [tilespmem:s15+$0xFFFFFFA0];
	v1 =	vadd.f32 v2, v1  }
0x15f: {  	v2 =	vld [tilespmem:s21+$0xFFFFFFE0]  }
0x160: {  	v7 =	vld [tilespmem:s15+$0xFFFFFFF0];
	v8 =	vmul.f32 $2.000000030e-01, v1  }
0x161: {  	v9 =	vld [tilespmem:s21+$0xFFFFFFF0]  }
0x162: {  	v4 =	vadd.f32 v5, v4;
	v5 =	vld [tilespmem:s15+$0x40];
	v1 =	vmax.f32 v1, v8  }
0x163: {  	v8 =	vld [tilespmem:s21+$0x0];
	v1 =	vmul.f32 $1.442695020e+00, v1  }
0x164: {  	v11 =	vld [tilespmem:s15+$0x90];
	v10 =	vmul.f32 $2.000000030e-01, v4;
	v2 =	vadd.f32 v2, v6  }
0x165: {  	v6 =	vld [tilespmem:s21+$0x10];
	(erf) = vpow2.f32 v1  }
0x166: {  	v12 =	vld [tilespmem:s15+$0xFFFFFF00];
	v1 =	vmax.f32 v4, v10;
	v4 =	vadd.f32 v9, v7;
	v9 =	vmul.f32 $2.000000030e-01, v2  }
0x167: {  	v7 =	vld [tilespmem:s15+$0xE0];
	v1 =	vmul.f32 $1.442695020e+00, v1  }
0x168: {  	v10 =	vld [tilespmem:s21+$0x20];
	v13 =	vmul.f32 $2.000000030e-01, v4;
	v5 =	vadd.f32 v8, v5;
	v2 =	vmax.f32 v2, v9  }
0x169: {  	(erf) = vpow2.f32 v1;
	v1 =	vmul.f32 $1.442695020e+00, v2  }
0x16a: {  	v6 =	vadd.f32 v6, v11;
	v2 =	vmax.f32 v4, v13;
	v4 =	vmul.f32 $2.000000030e-01, v5  }
0x16b: {  	v3 =	vadd.f32 v3, v12;
	v2 =	vmul.f32 $1.442695020e+00, v2  }
0x16c: {  	(erf) = vpow2.f32 v1;
	v1 =	vmax.f32 v5, v4;
	v5 =	vmul.f32 $2.000000030e-01, v6  }
0x16d: {  	v4 =	vadd.f32 v10, v7;
	v1 =	vmul.f32 $1.442695020e+00, v1  }
0x16e: {  	(erf) = vpow2.f32 v2;
	v5 =	vmax.f32 v6, v5;
	v6 =	vmul.f32 $2.000000030e-01, v3;
	v7 =	vpop (erf)  }
0x16f: {  	(erf) = vpow2.f32 v1;
	v7 =	vmul.f32 v0, v7  }
0x170: {  	s16 =	simm.s32 $0x5820;
	v2 =	vmul.f32 $2.000000030e-01, v4  }
0x171: {  	v1 =	vmax.f32 v3, v6;
	[tilespmem:s16+$0x130] =	vst v7  }
0x172: {  	v5 =	vmul.f32 $1.442695020e+00, v5;
	v2 =	vmax.f32 v4, v2;
	v1 =	vmul.f32 $1.442695020e+00, v1;
	v4 =	vpop (erf);
	v3 =	vld [tilespmem:s15+$0xF0]  }
0x173: {  	v2 =	vmul.f32 $1.442695020e+00, v2;
	v6 =	vmul.f32 v0, v4  }
0x174: {  	(erf) = vpow2.f32 v5  }
0x175: {  	v8 =	vbroadcast v7, $0x0;
	(erf) = vpow2.f32 v2;
	[tilespmem:s16+$0xFFFFFF50] =	vst v6  }
0x176: {  	s31 =	simm.s32 $0x39A0;
	(erf) = vpow2.f32 v1;
	v1 =	vpop (erf);
	v4 =	vld [tilespmem:s15+$0xFFFFFF10]  }
0x177: {  	s19 =	simm.s32 $0x1EA0;
	v24 =	vld [tilespmem:s31+$0xFFFFFFC0];
	v9 =	vmul.f32 v0, v1;
	v1 =	vpop (erf);
	v3 =	vmul.f32 v8, v3  }
0x178: {  	v25 =	vld [tilespmem:s19+$0xFFFFFF50];
	v2 =	vmul.f32 v0, v1;
	v1 =	vpop (erf)  }
0x179: {  	v26 =	vld [tilespmem:s31+$0xFFFFFFD0];
	v10 =	vbroadcast v6, $0x0;
	v1 =	vmul.f32 v0, v1;
	[tilespmem:s16+$0xF0] =	vst v3  }
0x17a: {  	[tilespmem:s16+$0xFFFFFFA0] =	vst v9;
	v11 =	vld [tilespmem:s15+$0x100]  }
0x17b: {  	v12 =	vld [tilespmem:s15+$0xFFFFFF60];
	v4 =	vmul.f32 v10, v4;
	[tilespmem:s16+$0x40] =	vst v1  }
0x17c: {  	v14 =	vld [tilespmem:s15+$0x0]  }
0x17d: {  	v27 =	vld [tilespmem:s31+$0xFFFFFFE0];
	v3 =	vpop (erf);
	[tilespmem:s16+$0xFFFFFF10] =	vst v4  }
0x17e: {  	v15 =	vbroadcast v9, $0x0;
	v3 =	vmul.f32 v0, v3;
	v16 =	vld [tilespmem:s15+$0xFFFFFF20]  }
0x17f: {  	v29 =	vld [tilespmem:s19+$0xFFFFFFF0];
	[tilespmem:s16+$0xFFFFFFF0] =	vst v2;
	v19 =	vbroadcast v1, $0x0;
	v8 =	vmul.f32 v8, v11  }
0x180: {  	v13 =	vld [tilespmem:s15+$0xFFFFFFB0];
	[tilespmem:s16+$0x90] =	vst v3;
	v11 =	vmul.f32 v15, v12  }
0x181: {  	v56 =	vld [tilespmem:s19+$0x90];
	v5 =	vpop (erf);
	[tilespmem:s16+$0x100] =	vst v8;
	v8 =	vmul.f32 v19, v14  }
0x182: {  	v4 =	vmul.f32 v0, v5;
	v18 =	vld [tilespmem:s15+$0x50];
	[tilespmem:s16+$0xFFFFFF60] =	vst v11  }
0x183: {  	v17 =	vbroadcast v2, $0x0;
	v5 =	vpop (erf);
	v11 =	vld [tilespmem:s19+$0x130];
	[tilespmem:s16+$0x0] =	vst v8;
	v8 =	vmul.f32 v10, v16  }
0x184: {  	v5 =	vmul.f32 v0, v5;
	[tilespmem:s16+$0xE0] =	vst v4;
	v14 =	vbroadcast v6, $0x1;
	v6 =	vld [tilespmem:s19+$0xFFFFFFA0]  }
0x185: {  	v13 =	vmul.f32 v17, v13;
	[tilespmem:s16+$0xFFFFFF20] =	vst v8;
	v8 =	vld [tilespmem:s31+$0x30]  }
0x186: {  	[tilespmem:s16+$0xFFFFFF00] =	vst v5;
	v12 =	vld [tilespmem:s15+$0xA0]  }
0x187: {  	v25 =	vadd.f32 v26, v25;
	[tilespmem:s16+$0xFFFFFFB0] =	vst v13;
	v20 =	vld [tilespmem:s15+$0xFFFFFEC0]  }
0x188: {  	v23 =	vld [tilespmem:s15+$0xFFFFFFC0]  }
0x189: {  	v55 =	vmul.f32 $2.000000030e-01, v25;
	v10 =	vld [tilespmem:s15+$0x10]  }
0x18a: {  	v28 =	vbroadcast v4, $0x0;
	v6 =	vadd.f32 v27, v6;
	v27 =	vld [tilespmem:s31+$0x10];
	v8 =	vadd.f32 v8, v11  }
0x18b: {  	v13 =	vbroadcast v9, $0x1;
	v9 =	vbroadcast v3, $0x0;
	v16 =	vld [tilespmem:s15+$0xFFFFFF30]  }
0x18c: {  	v31 =	vld [tilespmem:s31+$0xFFFFFFF0];
	v30 =	vbroadcast v5, $0x0;
	v11 =	vmul.f32 $2.000000030e-01, v8  }
0x18d: {  	v22 =	vld [tilespmem:s15+$0xFFFFFF70];
	v18 =	vmul.f32 v9, v18;
	v12 =	vmul.f32 v28, v12  }
0x18e: {  	v26 =	vld [tilespmem:s19+$0x40];
	v20 =	vmul.f32 v30, v20;
	v17 =	vmul.f32 v17, v23;
	v8 =	vmax.f32 v8, v11  }
0x18f: {  	[tilespmem:s16+$0x50] =	vst v18;
	v18 =	vadd.f32 v27, v56;
	v11 =	vbroadcast v7, $0x1;
	v7 =	vld [tilespmem:s31+$0x0];
	v8 =	vmul.f32 $1.442695020e+00, v8  }
0x190: {  	v21 =	vld [tilespmem:s15+$0x110];
	v10 =	vmul.f32 v19, v10;
	v16 =	vmul.f32 v14, v16  }
0x191: {  	v23 =	vld [tilespmem:s19+$0xFFFFFF00];
	[tilespmem:s16+$0xFFFFFEC0] =	vst v20;
	v20 =	vmul.f32 $2.000000030e-01, v18;
	(erf) = vpow2.f32 v8  }
0x192: {  	v8 =	vmul.f32 v15, v22;
	v15 =	vmax.f32 v25, v55;
	v22 =	vadd.f32 v31, v29;
	v25 =	vld [tilespmem:s19+$0xE0]  }
0x193: {  	v29 =	vmul.f32 $2.000000030e-01, v6;
	v31 =	vld [tilespmem:s31+$0x20];
	v15 =	vmul.f32 $1.442695020e+00, v15  }
0x194: {  	v18 =	vmax.f32 v18, v20;
	v57 =	vmul.f32 $2.000000030e-01, v22;
	v7 =	vadd.f32 v7, v26  }
0x195: {  	s20 =	simm.s32 $0x2120;
	[tilespmem:s16+$0xA0] =	vst v12;
	v12 =	vld [tilespmem:s15+$0xFFFFFED0];
	v21 =	vmul.f32 v11, v21;
	v6 =	vmax.f32 v6, v29;
	(erf) = vpow2.f32 v15  }
0x196: {  	v56 =	vld [tilespmem:s20+$0xFFFFFFA0];
	v6 =	vmul.f32 $1.442695020e+00, v6;
	v15 =	vmax.f32 v22, v57;
	v19 =	vmul.f32 $2.000000030e-01, v7  }
0x197: {  	s21 =	simm.s32 $0x3A20;
	v18 =	vmul.f32 $1.442695020e+00, v18;
	[tilespmem:s16+$0x110] =	vst v21;
	v21 =	vadd.f32 v24, v23;
	v22 =	vld [tilespmem:s15+$0x60];
	v15 =	vmul.f32 $1.442695020e+00, v15  }
0x198: {  	v55 =	vld [tilespmem:s21+$0xFFFFFFC0];
	(erf) = vpow2.f32 v6;
	v6 =	vmax.f32 v7, v19;
	v7 =	vadd.f32 v31, v25  }
0x199: {  	[tilespmem:s16+$0xFFFFFF70] =	vst v8;
	v8 =	vld [tilespmem:s15+$0xB0];
	v20 =	vmul.f32 $2.000000030e-01, v21;
	v6 =	vmul.f32 $1.442695020e+00, v6  }
0x19a: {  	[tilespmem:s16+$0xFFFFFFC0] =	vst v17;
	v17 =	vld [tilespmem:s15+$0xFFFFFF80];
	(erf) = vpow2.f32 v15;
	v15 =	vmul.f32 $2.000000030e-01, v7;
	v23 =	vpop (erf)  }
0x19b: {  	[tilespmem:s16+$0x10] =	vst v10;
	v57 =	vld [tilespmem:s20+$0xFFFFFFF0];
	(erf) = vpow2.f32 v6;
	v23 =	vmul.f32 v0, v23  }
0x19c: {  	s10 =	simm.s32 $0x5AA0;
	[tilespmem:s16+$0xFFFFFF30] =	vst v16;
	v19 =	vld [tilespmem:s15+$0x120];
	v6 =	vmul.f32 v9, v22;
	v9 =	vmax.f32 v21, v20;
	v7 =	vmax.f32 v7, v15  }
0x19d: {  	v21 =	vld [tilespmem:s15+$0xFFFFFF40];
	v9 =	vmul.f32 $1.442695020e+00, v9;
	v7 =	vmul.f32 $1.442695020e+00, v7;
	[tilespmem:s10+$0x130] =	vst v23  }
0x19e: {  	(erf) = vpow2.f32 v18;
	[tilespmem:s16+$0x60] =	vst v6;
	v6 =	vmul.f32 v30, v12;
	v10 =	vld [tilespmem:s19+$0xF0]  }
0x19f: {  	v15 =	vld [tilespmem:s15+$0xFFFFFFD0];
	v20 =	vpop (erf);
	(erf) = vpow2.f32 v7;
	v7 =	vmul.f32 v28, v8  }
0x1a0: {  	v18 =	vld [tilespmem:s15+$0x20];
	v20 =	vmul.f32 v0, v20;
	v8 =	vbroadcast v23, $0x0;
	[tilespmem:s16+$0xFFFFFED0] =	vst v6  }
0x1a1: {  	v6 =	vmul.f32 v13, v17;
	(erf) = vpow2.f32 v9;
	v17 =	vld [tilespmem:s15+$0xFFFFFEE0]  }
0x1a2: {  	v21 =	vmul.f32 v21, v14;
	v14 =	vld [tilespmem:s21+$0xFFFFFFF0];
	[tilespmem:s10+$0xFFFFFF50] =	vst v20  }
0x1a3: {  	[tilespmem:s16+$0xB0] =	vst v7;
	v9 =	vld [tilespmem:s19+$0xFFFFFF10];
	v7 =	vpop (erf);
	v10 =	vmul.f32 v8, v10  }
0x1a4: {  	v19 =	vmul.f32 v19, v11;
	[tilespmem:s16+$0xFFFFFF80] =	vst v6;
	v22 =	vld [tilespmem:s15+$0xC0];
	v24 =	vmul.f32 v0, v7;
	v7 =	vpop (erf)  }
0x1a5: {  	v12 =	vbroadcast v20, $0x0;
	v26 =	vld [tilespmem:s15+$0xFFFFFF90];
	v25 =	vmul.f32 v0, v7;
	[tilespmem:s10+$0xF0] =	vst v10  }
0x1a6: {  	v6 =	vpop (erf);
	[tilespmem:s10+$0xFFFFFFA0] =	vst v24;
	v31 =	vbroadcast v24, $0x0;
	v11 =	vbroadcast v24, $0x1;
	v24 =	vld [tilespmem:s21+$0x30]  }
0x1a7: {  	v27 =	vmul.f32 v0, v6;
	v6 =	vld [tilespmem:s19+$0x100]  }
0x1a8: {  	v7 =	vld [tilespmem:s19+$0xFFFFFF60];
	[tilespmem:s10+$0xFFFFFFF0] =	vst v25;
	v9 =	vmul.f32 v12, v9;
	v10 =	vpop (erf)  }
0x1a9: {  	v28 =	vld [tilespmem:s19+$0xFFFFFFB0];
	[tilespmem:s10+$0x40] =	vst v27;
	v29 =	vmul.f32 v0, v10;
	v10 =	vpop (erf)  }
0x1aa: {  	[tilespmem:s10+$0xFFFFFF10] =	vst v9;
	v9 =	vld [tilespmem:s19+$0x0];
	v30 =	vmul.f32 v0, v10;
	v10 =	vpop (erf)  }
0x1ab: {  	v26 =	vmul.f32 v26, v13;
	v13 =	vld [tilespmem:s21+$0x0];
	v58 =	vmul.f32 v0, v10;
	[tilespmem:s10+$0x90] =	vst v29  }
0x1ac: {  	v59 =	vbroadcast v25, $0x0;
	v10 =	vld [tilespmem:s19+$0xFFFFFF20];
	[tilespmem:s10+$0xE0] =	vst v30;
	v6 =	vmul.f32 v8, v6  }
0x1ad: {  	v61 =	vbroadcast v27, $0x0;
	v60 =	vld [tilespmem:s19+$0x50];
	v7 =	vmul.f32 v31, v7;
	[tilespmem:s10+$0xFFFFFF00] =	vst v58  }
0x1ae: {  	v23 =	vbroadcast v23, $0x1;
	v62 =	vld [tilespmem:s19+$0xA0];
	v8 =	vmul.f32 v59, v28;
	[tilespmem:s10+$0x100] =	vst v6  }
0x1af: {  	v28 =	vld [tilespmem:s19+$0xFFFFFEC0];
	[tilespmem:s10+$0xFFFFFF60] =	vst v7;
	v7 =	vmul.f32 v61, v9;
	v6 =	vbroadcast v2, $0x1  }
0x1b0: {  	v9 =	vbroadcast v4, $0x1;
	v4 =	vbroadcast v27, $0x1;
	v27 =	vld [tilespmem:s20+$0xFFFFFF50]  }
0x1b1: {  	v2 =	vmul.f32 v12, v10;
	v12 =	vbroadcast v20, $0x1;
	v20 =	vld [tilespmem:s20+$0x130]  }
0x1b2: {  	v63 =	vbroadcast v29, $0x0;
	v54 =	vbroadcast v58, $0x0;
	v47 =	vld [tilespmem:s19+$0x110];
	[tilespmem:s10+$0xFFFFFFB0] =	vst v8  }
0x1b3: {  	v8 =	vbroadcast v1, $0x1;
	v1 =	vbroadcast v25, $0x1;
	v49 =	vld [tilespmem:s19+$0xFFFFFFC0]  }
0x1b4: {  	[tilespmem:s10+$0x0] =	vst v7;
	v7 =	vbroadcast v3, $0x1;
	v3 =	vbroadcast v29, $0x1;
	v29 =	vld [tilespmem:s21+$0xFFFFFFD0]  }
0x1b5: {  	v48 =	vld [tilespmem:s19+$0xFFFFFF70];
	v10 =	vbroadcast v5, $0x1;
	v5 =	vmul.f32 v63, v60  }
0x1b6: {  	v25 =	vbroadcast v30, $0x0;
	v15 =	vmul.f32 v6, v15;
	v50 =	vld [tilespmem:s19+$0x10];
	[tilespmem:s10+$0xFFFFFF20] =	vst v2;
	v20 =	vadd.f32 v24, v20  }
0x1b7: {  	v18 =	vmul.f32 v8, v18;
	[tilespmem:s10+$0x50] =	vst v5;
	v5 =	vbroadcast v58, $0x1;
	v24 =	vld [tilespmem:s21+$0xFFFFFFE0]  }
0x1b8: {  	v51 =	vld [tilespmem:s19+$0xFFFFFF30];
	v2 =	vmul.f32 v23, v47;
	v58 =	vmul.f32 $2.000000030e-01, v20  }
0x1b9: {  	[tilespmem:s16+$0x120] =	vst v19;
	v28 =	vmul.f32 v54, v28;
	v33 =	vmul.f32 v59, v49;
	v27 =	vadd.f32 v29, v27;
	v29 =	vld [tilespmem:s20+$0x40]  }
0x1ba: {  	[tilespmem:s10+$0x110] =	vst v2;
	v2 =	vbroadcast v30, $0x1;
	v30 =	vmul.f32 v25, v62;
	v62 =	vld [tilespmem:s20+$0xFFFFFF00];
	v20 =	vmax.f32 v20, v58  }
0x1bb: {  	v14 =	vadd.f32 v14, v57;
	v60 =	vld [tilespmem:s20+$0x90];
	[tilespmem:s16+$0xFFFFFFD0] =	vst v15;
	v59 =	vmul.f32 $2.000000030e-01, v27;
	v20 =	vmul.f32 $1.442695020e+00, v20  }
0x1bc: {  	v17 =	vmul.f32 v10, v17;
	[tilespmem:s16+$0x20] =	vst v18;
	v52 =	vld [tilespmem:s19+$0x60];
	v31 =	vmul.f32 v31, v48;
	v24 =	vadd.f32 v24, v56  }
0x1bd: {  	[tilespmem:s10+$0xFFFFFEC0] =	vst v28;
	v28 =	vld [tilespmem:s20+$0xE0];
	v34 =	vmul.f32 v61, v50;
	(erf) = vpow2.f32 v20;
	v20 =	vmax.f32 v27, v59  }
0x1be: {  	[tilespmem:s16+$0xFFFFFEE0] =	vst v17;
	v61 =	vld [tilespmem:s21+$0x10];
	v13 =	vadd.f32 v13, v29;
	v27 =	vmul.f32 $2.000000030e-01, v24;
	v20 =	vmul.f32 $1.442695020e+00, v20  }
0x1bf: {  	v22 =	vmul.f32 v9, v22;
	[tilespmem:s10+$0xFFFFFF70] =	vst v31;
	v31 =	vld [tilespmem:s21+$0x20];
	v19 =	vmul.f32 v12, v51;
	v15 =	vadd.f32 v55, v62  }
0x1c0: {  	[tilespmem:s10+$0xFFFFFFC0] =	vst v33;
	v17 =	vmul.f32 $2.000000030e-01, v13;
	v24 =	vmax.f32 v24, v27;
	(erf) = vpow2.f32 v20;
	v20 =	vld [tilespmem:s19+$0xFFFFFED0]  }
0x1c1: {  	v16 =	vld [tilespmem:s15+$0x70];
	[tilespmem:s10+$0xA0] =	vst v30;
	v27 =	vmul.f32 $2.000000030e-01, v14;
	v24 =	vmul.f32 $1.442695020e+00, v24  }
0x1c2: {  	v53 =	vld [tilespmem:s19+$0x120];
	[tilespmem:s10+$0x10] =	vst v34;
	v30 =	vmul.f32 v63, v52;
	v18 =	vmul.f32 $2.000000030e-01, v15;
	v13 =	vmax.f32 v13, v17  }
0x1c3: {  	v63 =	vld [tilespmem:s19+$0x20];
	[tilespmem:s10+$0xFFFFFF30] =	vst v19;
	v14 =	vmax.f32 v14, v27;
	v27 =	vadd.f32 v61, v60;
	(erf) = vpow2.f32 v24  }
0x1c4: {  	v29 =	vld [tilespmem:s19+$0xB0];
	[tilespmem:s10+$0x60] =	vst v30;
	v19 =	vadd.f32 v31, v28;
	v30 =	vmul.f32 $1.442695020e+00, v13;
	v14 =	vmul.f32 $1.442695020e+00, v14  }
0x1c5: {  	v28 =	vld [tilespmem:s19+$0xFFFFFFD0];
	v17 =	vmul.f32 $2.000000030e-01, v27;
	v20 =	vmul.f32 v54, v20  }
0x1c6: {  	v36 =	vld [tilespmem:s19+$0x70];
	v15 =	vmax.f32 v15, v18;
	(erf) = vpow2.f32 v14;
	v14 =	vmul.f32 $2.000000030e-01, v19  }
0x1c7: {  	v15 =	vmul.f32 $1.442695020e+00, v15;
	v24 =	vld [tilespmem:s19+$0xFFFFFF80];
	v17 =	vmax.f32 v27, v17;
	(erf) = vpow2.f32 v30;
	v13 =	vpop (erf)  }
0x1c8: {  	[tilespmem:s16+$0xC0] =	vst v22;
	v17 =	vmul.f32 $1.442695020e+00, v17;
	v19 =	vmax.f32 v19, v14;
	v14 =	vld [tilespmem:s19+$0xFFFFFF40];
	v37 =	vmul.f32 v0, v13  }
0x1c9: {  	s0 =	simm.s32 $0x5D20;
	v16 =	vmul.f32 v7, v16;
	v13 =	vld [tilespmem:s15+$0xFFFFFEF0];
	[tilespmem:s10+$0xFFFFFED0] =	vst v20;
	v18 =	vmul.f32 $1.442695020e+00, v19;
	v20 =	vpop (erf)  }
0x1ca: {  	v27 =	vld [tilespmem:s19+$0xFFFFFEE0];
	(erf) = vpow2.f32 v17;
	[tilespmem:s0+$0x130] =	vst v37;
	v20 =	vmul.f32 v0, v20  }
0x1cb: {  	[tilespmem:s16+$0x70] =	vst v16;
	v23 =	vmul.f32 v53, v23;
	(erf) = vpow2.f32 v18;
	v16 =	vld [tilespmem:s20+$0xF0]  }
0x1cc: {  	v19 =	vmul.f32 v25, v29;
	v17 =	vld [tilespmem:s15+$0xFFFFFFE0];
	(erf) = vpow2.f32 v15;
	v15 =	vpop (erf);
	[tilespmem:s0+$0xFFFFFF50] =	vst v20  }
0x1cd: {  	[tilespmem:s10+$0x120] =	vst v23;
	v22 =	vmul.f32 v11, v24;
	v15 =	vmul.f32 v0, v15;
	v24 =	vld [tilespmem:s20+$0xFFFFFF10]  }
0x1ce: {  	[tilespmem:s10+$0xB0] =	vst v19;
	v52 =	vbroadcast v37, $0x0;
	v19 =	vld [tilespmem:s15+$0x30]  }
0x1cf: {  	[tilespmem:s10+$0xFFFFFF80] =	vst v22;
	v46 =	vld [tilespmem:s19+$0xC0];
	v53 =	vbroadcast v20, $0x0;
	v18 =	vbroadcast v20, $0x1;
	v20 =	vpop (erf)  }
0x1d0: {  	v23 =	vld [tilespmem:s19+$0xFFFFFF90];
	[tilespmem:s0+$0xFFFFFFA0] =	vst v15;
	v25 =	vmul.f32 v0, v20;
	v22 =	vmul.f32 v52, v16  }
0x1d1: {  	[tilespmem:s16+$0xFFFFFF40] =	vst v21;
	v31 =	vbroadcast v15, $0x0;
	v21 =	vld [tilespmem:s20+$0xFFFFFF60];
	v20 =	vbroadcast v15, $0x1;
	v15 =	vpop (erf)  }
0x1d2: {  	[tilespmem:s0+$0xF0] =	vst v22;
	v22 =	vld [tilespmem:s15+$0x80];
	v54 =	vmul.f32 v0, v15;
	v15 =	vmul.f32 v53, v24  }
0x1d3: {  	v35 =	vmul.f32 v4, v63;
	v29 =	vmul.f32 v5, v27;
	[tilespmem:s0+$0xFFFFFFF0] =	vst v25;
	v55 =	vld [tilespmem:s20+$0x100]  }
0x1d4: {  	[tilespmem:s16+$0xFFFFFF90] =	vst v26;
	v30 =	vbroadcast v25, $0x0;
	v16 =	vbroadcast v25, $0x1;
	v26 =	vld [tilespmem:s20+$0xFFFFFFB0];
	v25 =	vpop (erf)  }
0x1d5: {  	v24 =	vmul.f32 v1, v28;
	[tilespmem:s0+$0x40] =	vst v54;
	v27 =	vmul.f32 v0, v25;
	v28 =	vpop (erf);
	v25 =	vld [tilespmem:s15+$0xD0]  }
0x1d6: {  	v36 =	vmul.f32 v3, v36;
	[tilespmem:s0+$0xFFFFFF10] =	vst v15;
	v57 =	vld [tilespmem:s20+$0x0];
	v28 =	vmul.f32 v0, v28;
	v15 =	vpop (erf)  }
0x1d7: {  	v33 =	vbroadcast v54, $0x0;
	v59 =	vld [tilespmem:s20+$0xFFFFFF20];
	[tilespmem:s0+$0x90] =	vst v27;
	v58 =	vmul.f32 v0, v15  }
0x1d8: {  	v56 =	vmul.f32 v31, v21;
	v60 =	vld [tilespmem:s20+$0x50];
	[tilespmem:s0+$0xE0] =	vst v28;
	v40 =	vmul.f32 v52, v55  }
0x1d9: {  	v34 =	vbroadcast v27, $0x0;
	v27 =	vbroadcast v27, $0x1;
	v48 =	vld [tilespmem:s20+$0xA0];
	[tilespmem:s0+$0xFFFFFF00] =	vst v58  }
0x1da: {  	v15 =	vbroadcast v28, $0x0;
	v47 =	vmul.f32 v30, v26;
	[tilespmem:s0+$0x100] =	vst v40;
	v49 =	vld [tilespmem:s20+$0xFFFFFEC0]  }
0x1db: {  	[tilespmem:s0+$0xFFFFFF60] =	vst v56;
	v26 =	vbroadcast v54, $0x1;
	v61 =	vmul.f32 v33, v57;
	v50 =	vld [tilespmem:s20+$0x110]  }
0x1dc: {  	v43 =	vld [tilespmem:s20+$0xFFFFFF70];
	v28 =	vbroadcast v28, $0x1;
	[tilespmem:s0+$0xFFFFFFB0] =	vst v47;
	v38 =	vmul.f32 v53, v59  }
0x1dd: {  	v21 =	vbroadcast v58, $0x0;
	v40 =	vld [tilespmem:s20+$0xFFFFFFC0];
	[tilespmem:s0+$0x0] =	vst v61;
	v62 =	vmul.f32 v34, v60  }
0x1de: {  	[tilespmem:s0+$0xFFFFFF20] =	vst v38;
	v42 =	vld [tilespmem:s20+$0x10];
	v38 =	vbroadcast v37, $0x1;
	v63 =	vmul.f32 v15, v48  }
0x1df: {  	v32 =	vbroadcast v58, $0x1;
	v39 =	vld [tilespmem:s20+$0xFFFFFF30];
	[tilespmem:s0+$0x50] =	vst v62;
	v44 =	vmul.f32 v21, v49  }
0x1e0: {  	s14 =	simm.s32 $0x10;
	s15 =	simm.s32 $0x23A0;
	v37 =	vmul.f32 v2, v46;
	v41 =	vld [tilespmem:s20+$0x60];
	[tilespmem:s0+$0xA0] =	vst v63;
	v45 =	vmul.f32 v38, v50  }
.LBB2_5:
0x1e1: {  	v46 =	vld [tilespmem:s15+$0x130];
	[tilespmem:s0+$0xFFFFFEC0] =	vst v44;
	v31 =	vmul.f32 v31, v43;
	s21 =	sadd.s32 $0x80, s21;
	v13 =	vmul.f32 v13, v10;
	v10 =	vmovc v5;
	v5 =	vmov v32  }
0x1e2: {  	s14 =	sadd.s32 $0x8, s14;
	v14 =	vmul.f32 v14, v12;
	v12 =	vmov v18;
	v32 =	vld [tilespmem:s21+$0x30];
	v30 =	vmul.f32 v30, v40;
	[tilespmem:s0+$0x110] =	vst v45  }
0x1e3: {  	v23 =	vmul.f32 v23, v11;
	v11 =	vmov v20;
	p2 =	slt.u32 s14, $0x48;
	[tilespmem:s0+$0xFFFFFF70] =	vst v31;
	v18 =	vmul.f32 v33, v42;
	v31 =	vld [tilespmem:s20+$0x120]  }
0x1e4: {  	v17 =	vmul.f32 v17, v6;
	v6 =	vmovc v1;
	v1 =	vmov v16;
	v20 =	vld [tilespmem:s21+$0xFFFFFFC0];
	v33 =	vmul.f32 v12, v39;
	[tilespmem:s0+$0xFFFFFFC0] =	vst v30  }
0x1e5: {  	v19 =	vmul.f32 v19, v8;
	v8 =	vmovc v4;
	v4 =	vmov v26;
	v16 =	vld [tilespmem:s15+$0xFFFFFF50];
	[tilespmem:s0+$0x10] =	vst v18;
	v18 =	vmul.f32 v34, v41  }
0x1e6: {  	v22 =	vmul.f32 v22, v7;
	v25 =	vmul.f32 v25, v9;
	v7 =	vmovc v3;
	v3 =	vmov v27;
	v26 =	vld [tilespmem:s21+$0xFFFFFFD0];
	[tilespmem:s10+$0xFFFFFEE0] =	vst v29  }
0x1e7: {  	v9 =	vmov v2;
	v2 =	vmov v28;
	v27 =	vld [tilespmem:s15+$0xFFFFFFA0];
	v29 =	vadd.f32 v32, v46;
	[tilespmem:s0+$0x60] =	vst v18  }
0x1e8: {  	v18 =	vld [tilespmem:s21+$0xFFFFFFE0];
	[tilespmem:s0+$0xFFFFFF30] =	vst v33;
	v28 =	vmul.f32 v31, v38  }
0x1e9: {  	v30 =	vld [tilespmem:s15+$0xFFFFFFF0];
	v31 =	vmul.f32 $2.000000030e-01, v29;
	[tilespmem:s10+$0xFFFFFFD0] =	vst v24  }
0x1ea: {  	v24 =	vld [tilespmem:s21+$0xFFFFFFF0];
	[tilespmem:s0+$0x120] =	vst v28  }
0x1eb: {  	v16 =	vadd.f32 v26, v16;
	v26 =	vld [tilespmem:s15+$0x40];
	v28 =	vmax.f32 v29, v31;
	[tilespmem:s10+$0x20] =	vst v35  }
0x1ec: {  	v29 =	vld [tilespmem:s21+$0x0];
	v28 =	vmul.f32 $1.442695020e+00, v28;
	[tilespmem:s10+$0x70] =	vst v36  }
0x1ed: {  	v31 =	vmul.f32 $2.000000030e-01, v16;
	v18 =	vadd.f32 v18, v27;
	v27 =	vld [tilespmem:s15+$0x90];
	[tilespmem:s10+$0xC0] =	vst v37  }
0x1ee: {  	v32 =	vld [tilespmem:s21+$0x10];
	(erf) = vpow2.f32 v28;
	[tilespmem:s16+$0xFFFFFEF0] =	vst v13  }
0x1ef: {  	v13 =	vmax.f32 v16, v31;
	v16 =	vmul.f32 $2.000000030e-01, v18;
	v24 =	vadd.f32 v24, v30;
	v28 =	vld [tilespmem:s15+$0xE0];
	[tilespmem:s10+$0xFFFFFF40] =	vst v14  }
0x1f0: {  	v13 =	vmul.f32 $1.442695020e+00, v13;
	v14 =	vld [tilespmem:s21+$0x20];
	[tilespmem:s10+$0xFFFFFF90] =	vst v23  }
0x1f1: {  	v23 =	vld [tilespmem:s15+$0xFFFFFF00];
	v16 =	vmax.f32 v18, v16;
	v18 =	vmul.f32 $2.000000030e-01, v24;
	v26 =	vadd.f32 v29, v26;
	[tilespmem:s16+$0xFFFFFFE0] =	vst v17  }
0x1f2: {  	v16 =	vmul.f32 $1.442695020e+00, v16;
	(erf) = vpow2.f32 v13;
	v13 =	vld [tilespmem:s20+$0xFFFFFED0];
	[tilespmem:s16+$0x30] =	vst v19  }
0x1f3: {  	v17 =	vmax.f32 v24, v18;
	v18 =	vmul.f32 $2.000000030e-01, v26;
	v19 =	vadd.f32 v32, v27;
	v24 =	vld [tilespmem:s20+$0xB0];
	[tilespmem:s16+$0x80] =	vst v22  }
0x1f4: {  	v17 =	vmul.f32 $1.442695020e+00, v17;
	(erf) = vpow2.f32 v16;
	v16 =	vld [tilespmem:s20+$0xFFFFFF80];
	[tilespmem:s16+$0xD0] =	vst v25;
	s16 =	smov.u32 s10;
	s10 =	smov.u32 s0  }
0x1f5: {  	v18 =	vmax.f32 v26, v18;
	v26 =	vmul.f32 $2.000000030e-01, v19;
	v14 =	vadd.f32 v14, v28;
	v25 =	vld [tilespmem:s20+$0xFFFFFFD0]  }
0x1f6: {  	v20 =	vadd.f32 v20, v23;
	v18 =	vmul.f32 $1.442695020e+00, v18;
	(erf) = vpow2.f32 v17;
	v35 =	vld [tilespmem:s20+$0x20]  }
0x1f7: {  	v17 =	vmax.f32 v19, v26;
	v19 =	vmul.f32 $2.000000030e-01, v14;
	v22 =	vpop (erf);
	v21 =	vmul.f32 v21, v13;
	v36 =	vld [tilespmem:s20+$0x70]  }
0x1f8: {  	v23 =	vmul.f32 $2.000000030e-01, v20;
	v37 =	vmul.f32 v0, v22;
	v13 =	vld [tilespmem:s19+$0xFFFFFEF0]  }
0x1f9: {  	s0 =	sadd.s32 $0x280, s0;
	v17 =	vmul.f32 $1.442695020e+00, v17;
	v19 =	vmax.f32 v14, v19;
	(erf) = vpow2.f32 v18;
	[tilespmem:s10+$0xFFFFFED0] =	vst v21;
	v14 =	vld [tilespmem:s20+$0xFFFFFF40]  }
0x1fa: {  	v18 =	vmax.f32 v20, v23;
	v19 =	vmul.f32 $1.442695020e+00, v19;
	[tilespmem:s0+$0x130] =	vst v37;
	v21 =	vld [tilespmem:s20+$0xFFFFFEE0];
	v23 =	vmul.f32 v15, v24  }
0x1fb: {  	v18 =	vmul.f32 $1.442695020e+00, v18;
	v20 =	vld [tilespmem:s15+$0xF0];
	v22 =	vpop (erf);
	(erf) = vpow2.f32 v17  }
0x1fc: {  	v27 =	vmul.f32 v0, v22;
	(erf) = vpow2.f32 v19;
	[tilespmem:s10+$0xB0] =	vst v23;
	v17 =	vld [tilespmem:s19+$0xFFFFFFE0]  }
0x1fd: {  	v16 =	vmul.f32 v11, v16;
	(erf) = vpow2.f32 v18;
	v15 =	vpop (erf);
	v46 =	vld [tilespmem:s20+$0xC0]  }
0x1fe: {  	v26 =	vbroadcast v37, $0x0;
	[tilespmem:s0+$0xFFFFFF50] =	vst v27;
	v15 =	vmul.f32 v0, v15;
	v19 =	vld [tilespmem:s19+$0x30]  }
0x1ff: {  	v28 =	vbroadcast v27, $0x0;
	v18 =	vbroadcast v27, $0x1;
	v24 =	vld [tilespmem:s15+$0xFFFFFF10];
	v22 =	vpop (erf);
	[tilespmem:s10+$0xFFFFFF80] =	vst v16  }
0x200: {  	[tilespmem:s0+$0xFFFFFFA0] =	vst v15;
	v27 =	vmul.f32 v0, v22;
	v22 =	vmul.f32 v26, v20;
	v23 =	vld [tilespmem:s20+$0xFFFFFF90]  }
0x201: {  	v31 =	vbroadcast v15, $0x0;
	v20 =	vbroadcast v15, $0x1;
	v32 =	vld [tilespmem:s15+$0xFFFFFF60]  }
0x202: {  	v30 =	vbroadcast v27, $0x0;
	v16 =	vbroadcast v27, $0x1;
	[tilespmem:s0+$0xF0] =	vst v22;
	v15 =	vpop (erf);
	v22 =	vld [tilespmem:s19+$0x80]  }
0x203: {  	v29 =	vmul.f32 v5, v21;
	[tilespmem:s0+$0xFFFFFFF0] =	vst v27;
	v27 =	vmul.f32 v0, v15;
	v38 =	vld [tilespmem:s15+$0x100]  }
0x204: {  	v34 =	vmul.f32 v28, v24;
	v39 =	vld [tilespmem:s15+$0xFFFFFFB0];
	v21 =	vpop (erf);
	v24 =	vmul.f32 v1, v25  }
0x205: {  	[tilespmem:s0+$0x40] =	vst v27;
	v33 =	vbroadcast v27, $0x0;
	v40 =	vmul.f32 v0, v21;
	v21 =	vpop (erf);
	v25 =	vld [tilespmem:s19+$0xD0];
	s19 =	smov.u32 s20;
	s20 =	smov.u32 s15  }
0x206: {  	[tilespmem:s0+$0xFFFFFF10] =	vst v34;
	v41 =	vmul.f32 v31, v32;
	v42 =	vld [tilespmem:s15+$0x0];
	v44 =	vmul.f32 v0, v21;
	v15 =	vpop (erf)  }
0x207: {  	v32 =	vmul.f32 v0, v15;
	v43 =	vld [tilespmem:s15+$0xFFFFFF20];
	[tilespmem:s0+$0x90] =	vst v40;
	v34 =	vbroadcast v40, $0x0  }
0x208: {  	v45 =	vld [tilespmem:s15+$0x50];
	[tilespmem:s0+$0xE0] =	vst v44;
	v15 =	vbroadcast v44, $0x0;
	v38 =	vmul.f32 v26, v38  }
0x209: {  	[tilespmem:s0+$0xFFFFFF00] =	vst v32;
	v21 =	vbroadcast v32, $0x0;
	v39 =	vmul.f32 v30, v39;
	v47 =	vld [tilespmem:s15+$0xA0]  }
0x20a: {  	v26 =	vbroadcast v27, $0x1;
	v32 =	vbroadcast v32, $0x1;
	v48 =	vld [tilespmem:s15+$0xFFFFFEC0];
	[tilespmem:s0+$0x100] =	vst v38  }
0x20b: {  	v27 =	vbroadcast v40, $0x1;
	[tilespmem:s0+$0xFFFFFF60] =	vst v41;
	v38 =	vmul.f32 v33, v42;
	v49 =	vld [tilespmem:s15+$0x110]  }
.Ltmp1:
0x20c: {  	v41 =	vmul.f32 v28, v43;
	v43 =	vld [tilespmem:s15+$0xFFFFFF70];
	[tilespmem:s0+$0xFFFFFFB0] =	vst v39;
	v28 =	vbroadcast v44, $0x1;
	(pc) =	sbr.rel @p2 .LBB2_5-.Ltmp1, $4  }
0x20d: {  	v35 =	vmul.f32 v4, v35;
	v40 =	vld [tilespmem:s15+$0xFFFFFFC0];
	[tilespmem:s0+$0x0] =	vst v38;
	v45 =	vmul.f32 v34, v45  }
0x20e: {  	v38 =	vbroadcast v37, $0x1;
	[tilespmem:s0+$0xFFFFFF20] =	vst v41;
	v42 =	vld [tilespmem:s15+$0x10];
	v47 =	vmul.f32 v15, v47  }
0x20f: {  	v36 =	vmul.f32 v3, v36;
	v44 =	vmul.f32 v21, v48;
	v39 =	vld [tilespmem:s15+$0xFFFFFF30];
	[tilespmem:s0+$0x50] =	vst v45  }
0x210: {  	v37 =	vmul.f32 v2, v46;
	s15 =	sadd.s32 $0x280, s15;
	v41 =	vld [tilespmem:s20+$0x60];
	[tilespmem:s0+$0xA0] =	vst v47;
	v45 =	vmul.f32 v38, v49  }
0x211: {  	[tilespmem:s0+$0xFFFFFEC0] =	vst v44  }
0x212: {  	[tilespmem:s10+$0xFFFFFEE0] =	vst v29  }
0x213: {  	[tilespmem:s10+$0xFFFFFFD0] =	vst v24  }
0x214: {  	[tilespmem:s10+$0x20] =	vst v35  }
0x215: {  	[tilespmem:s10+$0x70] =	vst v36  }
0x216: {  	v31 =	vmul.f32 v31, v43;
	[tilespmem:s0+$0x110] =	vst v45  }
0x217: {  	v10 =	vmul.f32 v13, v10;
	[tilespmem:s10+$0xC0] =	vst v37  }
0x218: {  	v12 =	vmul.f32 v14, v12;
	[tilespmem:s0+$0xFFFFFF70] =	vst v31  }
0x219: {  	v11 =	vmul.f32 v23, v11;
	[tilespmem:s16+$0xFFFFFEF0] =	vst v10  }
0x21a: {  	v6 =	vmul.f32 v17, v6;
	[tilespmem:s10+$0xFFFFFF40] =	vst v12  }
0x21b: {  	v8 =	vmul.f32 v19, v8;
	[tilespmem:s10+$0xFFFFFF90] =	vst v11  }
0x21c: {  	v7 =	vmul.f32 v22, v7;
	[tilespmem:s16+$0xFFFFFFE0] =	vst v6  }
0x21d: {  	v9 =	vmul.f32 v25, v9;
	v44 =	vld [tilespmem:s20+$0xFFFFFED0];
	[tilespmem:s16+$0x30] =	vst v8  }
0x21e: {  	v30 =	vmul.f32 v30, v40;
	v45 =	vld [tilespmem:s20+$0xB0];
	[tilespmem:s16+$0x80] =	vst v7  }
0x21f: {  	v53 =	vld [tilespmem:s19+$0xFFFFFEF0];
	v63 =	vmul.f32 v33, v42;
	[tilespmem:s16+$0xD0] =	vst v9  }
0x220: {  	v55 =	vld [tilespmem:s19+$0xFFFFFFE0];
	[tilespmem:s0+$0xFFFFFFC0] =	vst v30;
	v42 =	vmul.f32 v18, v39  }
0x221: {  	v56 =	vld [tilespmem:s19+$0x30];
	[tilespmem:s0+$0x10] =	vst v63;
	v41 =	vmul.f32 v34, v41  }
0x222: {  	v57 =	vld [tilespmem:s19+$0x80];
	[tilespmem:s0+$0xFFFFFF30] =	vst v42;
	v46 =	vmul.f32 v21, v44  }
0x223: {  	v40 =	vld [tilespmem:s20+$0x120];
	[tilespmem:s0+$0x60] =	vst v41;
	v49 =	vmul.f32 v15, v45  }
0x224: {  	v47 =	vld [tilespmem:s20+$0xFFFFFF80];
	v5 =	vmul.f32 v53, v5;
	[tilespmem:s0+$0xFFFFFED0] =	vst v46  }
0x225: {  	v48 =	vld [tilespmem:s20+$0xFFFFFFD0];
	v1 =	vmul.f32 v55, v1;
	[tilespmem:s0+$0xB0] =	vst v49  }
0x226: {  	v50 =	vld [tilespmem:s20+$0x20];
	v4 =	vmul.f32 v56, v4;
	[tilespmem:s10+$0xFFFFFEF0] =	vst v5  }
0x227: {  	v3 =	vmul.f32 v57, v3;
	v51 =	vld [tilespmem:s20+$0x70];
	[tilespmem:s10+$0xFFFFFFE0] =	vst v1  }
0x228: {  	v43 =	vmul.f32 v40, v38;
	[tilespmem:s10+$0x30] =	vst v4;
	v10 =	vld [tilespmem:s20+$0xFFFFFEE0]  }
0x229: {  	v52 =	vmul.f32 v20, v47;
	[tilespmem:s10+$0x80] =	vst v3;
	v11 =	vld [tilespmem:s20+$0xC0]  }
0x22a: {  	v58 =	vld [tilespmem:s19+$0xD0];
	[tilespmem:s0+$0x120] =	vst v43;
	v6 =	vmul.f32 v16, v48  }
0x22b: {  	v54 =	vld [tilespmem:s20+$0xFFFFFF40];
	[tilespmem:s0+$0xFFFFFF80] =	vst v52;
	v8 =	vmul.f32 v26, v50  }
0x22c: {  	v7 =	vld [tilespmem:s20+$0xFFFFFF90];
	[tilespmem:s0+$0xFFFFFFD0] =	vst v6;
	v13 =	vmul.f32 v27, v51  }
0x22d: {  	[tilespmem:s0+$0x20] =	vst v8;
	v60 =	vld [tilespmem:s20+$0xFFFFFFE0];
	v10 =	vmul.f32 v32, v10  }
0x22e: {  	v61 =	vld [tilespmem:s20+$0x30];
	v11 =	vmul.f32 v28, v11;
	[tilespmem:s0+$0x70] =	vst v13  }
0x22f: {  	v2 =	vmul.f32 v58, v2;
	v1 =	vld [tilespmem:s20+$0x80];
	[tilespmem:s0+$0xFFFFFEE0] =	vst v10  }
0x230: {  	v12 =	vmul.f32 v54, v18;
	[tilespmem:s0+$0xC0] =	vst v11;
	v59 =	vld [tilespmem:s20+$0xFFFFFEF0]  }
0x231: {  	[tilespmem:s10+$0xD0] =	vst v2;
	v7 =	vmul.f32 v7, v20;
	v62 =	vld [tilespmem:s20+$0xD0]  }
0x232: {  	[tilespmem:s0+$0xFFFFFF40] =	vst v12;
	v2 =	vmul.f32 v60, v16  }
0x233: {  	[tilespmem:s0+$0xFFFFFF90] =	vst v7;
	v63 =	vmul.f32 v61, v26  }
0x234: {  	[tilespmem:s0+$0xFFFFFFE0] =	vst v2;
	v1 =	vmul.f32 v1, v27  }
.Ltmp2:
0x235: {  	[tilespmem:s0+$0x30] =	vst v63;
	v3 =	vmul.f32 v59, v32;
	(pc) =	sbr.rel @p1 .LBB2_8-.Ltmp2, $4  }
0x236: {  	v2 =	vmul.f32 v62, v28;
	[tilespmem:s0+$0x80] =	vst v1  }
0x237: {  	[tilespmem:s0+$0xFFFFFEF0] =	vst v3  }
0x238: {  	s21 =	simm.s32 $0x190;
	s31 =	simm.s32 $0x56E0;
	[tilespmem:s0+$0xD0] =	vst v2  }
0x239: {  	[spmem:s4] =	stream.indirect.scatter.add.f32 [tilespmem:s31], [sflag:$0x8], $0x50, s21, s25, $0xb8;
	[tilespmem:$0x13330] =	vst v63  }
0x23a: {  	_ =	swait.ge [sflag:s30], $0x50  }
0x23b: {  	[sflag:s30] =	ssyncset.done $0x0  }
0x23c: {  	[sflag:s30] =	ssyncadd.s32 $0xFFFFFFB0  }
0x23d: {  	_ =	swait.ge [sflag:s30], $0x50  }
.Ltmp3:
0x23e: {  	[sflag:s30] =	ssyncset.done $0x0;
	(pc) =	sbr.rel .LBB2_2-.Ltmp3, $4  }
0x23f: {  	s0 =	simm.s32 $0x1AE0;
	[sflag:s30] =	ssyncadd.s32 $0xFFFFFFB0  }
0x240: {  	[tilespmem:s0], [sflag:$0x2] =	stream.indirect.gather [hbm4b:s6+s25], $0x50, s25, s25, $0xb8;
	[tilespmem:$0x13330] =	vst v63  }
0x241: {  	s31 =	simm.s32 $0x38E0;
	s22 =	sadd.s32 $0x1, s22  }
0x242: {  	[tilespmem:s31], [sflag:$0x4] =	stream.indirect.gather [hbm4b:s7+s25], $0x10, s29, s25, $0xb8;
	[tilespmem:$0x13330] =	vst v63  }
.LBB2_8:
0x243: {  	_ =	swait.ge [sflag:s3], $0x1900  }
0x244: {  	[sflag:s3] =	ssyncset.done $0x0  }
0x245: {  	[sflag:s3] =	ssyncadd.s32 $0xFFFFE700  }
0x246: {  	_ =	swait.ge [sflag:s8], $0x500  }
0x247: {  	[sflag:s8] =	ssyncset.done $0x0  }
0x248: {  	s22 =	simm.s32 $0x7;
	[sflag:s8] =	ssyncadd.s32 $0xFFFFFB00  }
0x249: {  	_ =	swait.ge [sflag:s22], $0x1900  }
0x24a: {  	[sflag:s22] =	ssyncset.done $0x0  }
0x24b: {  	[sflag:s22] =	ssyncadd.s32 $0xFFFFE700  }
0x24c: {  	v1 =	vld [tilespmem:$0xA0]  }
0x24d: {  	v2 =	vld [tilespmem:$0xB0]  }
0x24e: {  	v3 =	vld [tilespmem:$0xC0]  }
0x24f: {  	v4 =	vld [tilespmem:$0xD0]  }
0x250: {  	v5 =	vld [tilespmem:$0xE0]  }
0x251: {  	[tilespmem:$0x140] =	vst v1  }
0x252: {  	[tilespmem:$0x150] =	vst v2  }
0x253: {  	[tilespmem:$0x160] =	vst v3  }
0x254: {  	[tilespmem:$0x170] =	vst v4  }
0x255: {  	s14 =	simm.s32 $0x320;
	[tilespmem:$0x180] =	vst v5  }
0x256: {  	s0 =	simm.s32 $0x3420;
	v1 =	vld [tilespmem:s14+$0x130]  }
0x257: {  	v2 =	vld [tilespmem:s0+$0x30];
	_ =	sdelay $0x1  }
0x258: {  	v3 =	vld [tilespmem:s0+$0xFFFFFFC0]  }
0x259: {  	v4 =	vld [tilespmem:s14+$0xFFFFFF50]  }
0x25a: {  	v5 =	vld [tilespmem:s0+$0xFFFFFFD0]  }
0x25b: {  	v6 =	vld [tilespmem:s14+$0xFFFFFFA0];
	v1 =	vadd.f32 v2, v1  }
0x25c: {  	v2 =	vld [tilespmem:s0+$0xFFFFFFE0]  }
0x25d: {  	v7 =	vld [tilespmem:s14+$0xFFFFFFF0];
	v8 =	vmul.f32 $2.000000030e-01, v1  }
0x25e: {  	v9 =	vld [tilespmem:s0+$0xFFFFFFF0]  }
0x25f: {  	v4 =	vadd.f32 v5, v4;
	v5 =	vld [tilespmem:s14+$0x40];
	v1 =	vmax.f32 v1, v8  }
0x260: {  	v8 =	vld [tilespmem:s0+$0x0];
	v1 =	vmul.f32 $1.442695020e+00, v1  }
0x261: {  	v11 =	vld [tilespmem:s14+$0x90];
	v10 =	vmul.f32 $2.000000030e-01, v4;
	v2 =	vadd.f32 v2, v6  }
0x262: {  	v6 =	vld [tilespmem:s0+$0x10];
	(erf) = vpow2.f32 v1  }
0x263: {  	v12 =	vld [tilespmem:s14+$0xFFFFFF00];
	v1 =	vmax.f32 v4, v10;
	v4 =	vadd.f32 v9, v7;
	v9 =	vmul.f32 $2.000000030e-01, v2  }
0x264: {  	v7 =	vld [tilespmem:s14+$0xE0];
	v1 =	vmul.f32 $1.442695020e+00, v1  }
0x265: {  	v10 =	vld [tilespmem:s0+$0x20];
	v13 =	vmul.f32 $2.000000030e-01, v4;
	v5 =	vadd.f32 v8, v5;
	v2 =	vmax.f32 v2, v9  }
0x266: {  	(erf) = vpow2.f32 v1;
	v1 =	vmul.f32 $1.442695020e+00, v2  }
0x267: {  	v6 =	vadd.f32 v6, v11;
	v2 =	vmax.f32 v4, v13;
	v4 =	vmul.f32 $2.000000030e-01, v5  }
0x268: {  	v3 =	vadd.f32 v3, v12;
	v2 =	vmul.f32 $1.442695020e+00, v2  }
0x269: {  	(erf) = vpow2.f32 v1;
	v1 =	vmax.f32 v5, v4;
	v5 =	vmul.f32 $2.000000030e-01, v6  }
0x26a: {  	v4 =	vadd.f32 v10, v7;
	v1 =	vmul.f32 $1.442695020e+00, v1  }
0x26b: {  	(erf) = vpow2.f32 v2;
	v5 =	vmax.f32 v6, v5;
	v6 =	vmul.f32 $2.000000030e-01, v3;
	v7 =	vpop (erf)  }
0x26c: {  	(erf) = vpow2.f32 v1;
	v7 =	vmul.f32 v0, v7  }
0x26d: {  	s16 =	simm.s32 $0x3F20;
	v2 =	vmul.f32 $2.000000030e-01, v4  }
0x26e: {  	v1 =	vmax.f32 v3, v6;
	[tilespmem:s16+$0x130] =	vst v7  }
0x26f: {  	v5 =	vmul.f32 $1.442695020e+00, v5;
	v2 =	vmax.f32 v4, v2;
	v1 =	vmul.f32 $1.442695020e+00, v1;
	v4 =	vpop (erf);
	v3 =	vld [tilespmem:s14+$0xF0]  }
0x270: {  	v2 =	vmul.f32 $1.442695020e+00, v2;
	v6 =	vmul.f32 v0, v4  }
0x271: {  	(erf) = vpow2.f32 v5  }
0x272: {  	v8 =	vbroadcast v7, $0x0;
	(erf) = vpow2.f32 v2;
	[tilespmem:s16+$0xFFFFFF50] =	vst v6  }
0x273: {  	s31 =	simm.s32 $0x34A0;
	(erf) = vpow2.f32 v1;
	v1 =	vpop (erf);
	v4 =	vld [tilespmem:s14+$0xFFFFFF10]  }
0x274: {  	s19 =	simm.s32 $0x5A0;
	v24 =	vld [tilespmem:s31+$0xFFFFFFC0];
	v9 =	vmul.f32 v0, v1;
	v1 =	vpop (erf);
	v3 =	vmul.f32 v8, v3  }
0x275: {  	v25 =	vld [tilespmem:s19+$0xFFFFFF50];
	v2 =	vmul.f32 v0, v1;
	v1 =	vpop (erf)  }
0x276: {  	v26 =	vld [tilespmem:s31+$0xFFFFFFD0];
	v10 =	vbroadcast v6, $0x0;
	v1 =	vmul.f32 v0, v1;
	[tilespmem:s16+$0xF0] =	vst v3  }
0x277: {  	[tilespmem:s16+$0xFFFFFFA0] =	vst v9;
	v11 =	vld [tilespmem:s14+$0x100]  }
0x278: {  	v12 =	vld [tilespmem:s14+$0xFFFFFF60];
	v4 =	vmul.f32 v10, v4;
	[tilespmem:s16+$0x40] =	vst v1  }
0x279: {  	v14 =	vld [tilespmem:s14+$0x0]  }
0x27a: {  	v27 =	vld [tilespmem:s31+$0xFFFFFFE0];
	v3 =	vpop (erf);
	[tilespmem:s16+$0xFFFFFF10] =	vst v4  }
0x27b: {  	v15 =	vbroadcast v9, $0x0;
	v3 =	vmul.f32 v0, v3;
	v16 =	vld [tilespmem:s14+$0xFFFFFF20]  }
0x27c: {  	v29 =	vld [tilespmem:s19+$0xFFFFFFF0];
	[tilespmem:s16+$0xFFFFFFF0] =	vst v2;
	v19 =	vbroadcast v1, $0x0;
	v8 =	vmul.f32 v8, v11  }
0x27d: {  	v13 =	vld [tilespmem:s14+$0xFFFFFFB0];
	[tilespmem:s16+$0x90] =	vst v3;
	v11 =	vmul.f32 v15, v12  }
0x27e: {  	v33 =	vld [tilespmem:s19+$0x90];
	v5 =	vpop (erf);
	[tilespmem:s16+$0x100] =	vst v8;
	v8 =	vmul.f32 v19, v14  }
0x27f: {  	v4 =	vmul.f32 v0, v5;
	v18 =	vld [tilespmem:s14+$0x50];
	[tilespmem:s16+$0xFFFFFF60] =	vst v11  }
0x280: {  	v17 =	vbroadcast v2, $0x0;
	v5 =	vpop (erf);
	v11 =	vld [tilespmem:s19+$0x130];
	[tilespmem:s16+$0x0] =	vst v8;
	v8 =	vmul.f32 v10, v16  }
0x281: {  	v5 =	vmul.f32 v0, v5;
	[tilespmem:s16+$0xE0] =	vst v4;
	v14 =	vbroadcast v6, $0x1;
	v6 =	vld [tilespmem:s19+$0xFFFFFFA0]  }
0x282: {  	v13 =	vmul.f32 v17, v13;
	[tilespmem:s16+$0xFFFFFF20] =	vst v8;
	v8 =	vld [tilespmem:s31+$0x30]  }
0x283: {  	[tilespmem:s16+$0xFFFFFF00] =	vst v5;
	v12 =	vld [tilespmem:s14+$0xA0]  }
0x284: {  	v25 =	vadd.f32 v26, v25;
	[tilespmem:s16+$0xFFFFFFB0] =	vst v13;
	v20 =	vld [tilespmem:s14+$0xFFFFFEC0]  }
0x285: {  	v23 =	vld [tilespmem:s14+$0xFFFFFFC0]  }
0x286: {  	v32 =	vmul.f32 $2.000000030e-01, v25;
	v10 =	vld [tilespmem:s14+$0x10]  }
0x287: {  	v28 =	vbroadcast v4, $0x0;
	v6 =	vadd.f32 v27, v6;
	v27 =	vld [tilespmem:s31+$0x10];
	v8 =	vadd.f32 v8, v11  }
0x288: {  	v13 =	vbroadcast v9, $0x1;
	v9 =	vbroadcast v3, $0x0;
	v16 =	vld [tilespmem:s14+$0xFFFFFF30]  }
0x289: {  	v31 =	vld [tilespmem:s31+$0xFFFFFFF0];
	v30 =	vbroadcast v5, $0x0;
	v11 =	vmul.f32 $2.000000030e-01, v8  }
0x28a: {  	v22 =	vld [tilespmem:s14+$0xFFFFFF70];
	v18 =	vmul.f32 v9, v18;
	v12 =	vmul.f32 v28, v12  }
0x28b: {  	v26 =	vld [tilespmem:s19+$0x40];
	v20 =	vmul.f32 v30, v20;
	v17 =	vmul.f32 v17, v23;
	v8 =	vmax.f32 v8, v11  }
0x28c: {  	[tilespmem:s16+$0x50] =	vst v18;
	v18 =	vadd.f32 v27, v33;
	v11 =	vbroadcast v7, $0x1;
	v7 =	vld [tilespmem:s31+$0x0];
	v8 =	vmul.f32 $1.442695020e+00, v8  }
0x28d: {  	v21 =	vld [tilespmem:s14+$0x110];
	v10 =	vmul.f32 v19, v10;
	v16 =	vmul.f32 v14, v16  }
0x28e: {  	v23 =	vld [tilespmem:s19+$0xFFFFFF00];
	[tilespmem:s16+$0xFFFFFEC0] =	vst v20;
	v20 =	vmul.f32 $2.000000030e-01, v18;
	(erf) = vpow2.f32 v8  }
0x28f: {  	v8 =	vmul.f32 v15, v22;
	v15 =	vmax.f32 v25, v32;
	v22 =	vadd.f32 v31, v29;
	v25 =	vld [tilespmem:s19+$0xE0]  }
0x290: {  	s21 =	simm.s32 $0x3520;
	v29 =	vmul.f32 $2.000000030e-01, v6;
	v31 =	vld [tilespmem:s31+$0x20];
	v15 =	vmul.f32 $1.442695020e+00, v15  }
0x291: {  	s20 =	simm.s32 $0x820;
	v56 =	vld [tilespmem:s21+$0xFFFFFFC0];
	v18 =	vmax.f32 v18, v20;
	v51 =	vmul.f32 $2.000000030e-01, v22;
	v7 =	vadd.f32 v7, v26  }
0x292: {  	v57 =	vld [tilespmem:s20+$0xFFFFFFA0];
	v21 =	vmul.f32 v11, v21;
	v6 =	vmax.f32 v6, v29;
	(erf) = vpow2.f32 v15  }
0x293: {  	v58 =	vld [tilespmem:s20+$0xFFFFFFF0];
	v6 =	vmul.f32 $1.442695020e+00, v6;
	v15 =	vmax.f32 v22, v51;
	v19 =	vmul.f32 $2.000000030e-01, v7  }
0x294: {  	v18 =	vmul.f32 $1.442695020e+00, v18;
	[tilespmem:s16+$0x110] =	vst v21;
	v21 =	vadd.f32 v24, v23;
	v22 =	vld [tilespmem:s14+$0x60];
	v15 =	vmul.f32 $1.442695020e+00, v15  }
0x295: {  	v62 =	vld [tilespmem:s20+$0xFFFFFF00];
	[tilespmem:s16+$0xA0] =	vst v12;
	(erf) = vpow2.f32 v6;
	v6 =	vmax.f32 v7, v19;
	v7 =	vadd.f32 v31, v25  }
0x296: {  	[tilespmem:s16+$0xFFFFFFC0] =	vst v17;
	v12 =	vld [tilespmem:s14+$0xFFFFFED0];
	v20 =	vmul.f32 $2.000000030e-01, v21;
	v6 =	vmul.f32 $1.442695020e+00, v6  }
0x297: {  	[tilespmem:s16+$0xFFFFFF70] =	vst v8;
	v8 =	vld [tilespmem:s14+$0xB0];
	(erf) = vpow2.f32 v15;
	v15 =	vmul.f32 $2.000000030e-01, v7;
	v23 =	vpop (erf)  }
0x298: {  	[tilespmem:s16+$0x10] =	vst v10;
	v17 =	vld [tilespmem:s14+$0xFFFFFF80];
	(erf) = vpow2.f32 v6;
	v23 =	vmul.f32 v0, v23  }
0x299: {  	s10 =	simm.s32 $0x41A0;
	[tilespmem:s16+$0xFFFFFF30] =	vst v16;
	v19 =	vld [tilespmem:s14+$0x120];
	v6 =	vmul.f32 v9, v22;
	v9 =	vmax.f32 v21, v20;
	v7 =	vmax.f32 v7, v15  }
0x29a: {  	v21 =	vld [tilespmem:s14+$0xFFFFFF40];
	v9 =	vmul.f32 $1.442695020e+00, v9;
	v7 =	vmul.f32 $1.442695020e+00, v7;
	[tilespmem:s10+$0x130] =	vst v23  }
0x29b: {  	(erf) = vpow2.f32 v18;
	[tilespmem:s16+$0x60] =	vst v6;
	v6 =	vmul.f32 v30, v12;
	v10 =	vld [tilespmem:s19+$0xF0]  }
0x29c: {  	v15 =	vld [tilespmem:s14+$0xFFFFFFD0];
	v20 =	vpop (erf);
	(erf) = vpow2.f32 v7;
	v7 =	vmul.f32 v28, v8  }
0x29d: {  	v18 =	vld [tilespmem:s14+$0x20];
	v20 =	vmul.f32 v0, v20;
	v8 =	vbroadcast v23, $0x0;
	[tilespmem:s16+$0xFFFFFED0] =	vst v6  }
0x29e: {  	v6 =	vmul.f32 v13, v17;
	(erf) = vpow2.f32 v9;
	v17 =	vld [tilespmem:s14+$0xFFFFFEE0]  }
0x29f: {  	v21 =	vmul.f32 v21, v14;
	v14 =	vld [tilespmem:s21+$0xFFFFFFF0];
	[tilespmem:s10+$0xFFFFFF50] =	vst v20  }
0x2a0: {  	[tilespmem:s16+$0xB0] =	vst v7;
	v9 =	vld [tilespmem:s19+$0xFFFFFF10];
	v7 =	vpop (erf);
	v10 =	vmul.f32 v8, v10  }
0x2a1: {  	v19 =	vmul.f32 v19, v11;
	[tilespmem:s16+$0xFFFFFF80] =	vst v6;
	v22 =	vld [tilespmem:s14+$0xC0];
	v24 =	vmul.f32 v0, v7;
	v7 =	vpop (erf)  }
0x2a2: {  	v12 =	vbroadcast v20, $0x0;
	v26 =	vld [tilespmem:s14+$0xFFFFFF90];
	v25 =	vmul.f32 v0, v7;
	[tilespmem:s10+$0xF0] =	vst v10  }
0x2a3: {  	v6 =	vpop (erf);
	[tilespmem:s10+$0xFFFFFFA0] =	vst v24;
	v31 =	vbroadcast v24, $0x0;
	v11 =	vbroadcast v24, $0x1;
	v24 =	vld [tilespmem:s21+$0x30]  }
0x2a4: {  	v27 =	vmul.f32 v0, v6;
	v6 =	vld [tilespmem:s19+$0x100]  }
0x2a5: {  	v7 =	vld [tilespmem:s19+$0xFFFFFF60];
	[tilespmem:s10+$0xFFFFFFF0] =	vst v25;
	v9 =	vmul.f32 v12, v9;
	v10 =	vpop (erf)  }
0x2a6: {  	v23 =	vbroadcast v23, $0x1;
	v28 =	vld [tilespmem:s19+$0xFFFFFFB0];
	[tilespmem:s10+$0x40] =	vst v27;
	v29 =	vmul.f32 v0, v10;
	v10 =	vpop (erf)  }
0x2a7: {  	v53 =	vbroadcast v25, $0x0;
	[tilespmem:s10+$0xFFFFFF10] =	vst v9;
	v9 =	vld [tilespmem:s19+$0x0];
	v30 =	vmul.f32 v0, v10;
	v10 =	vpop (erf)  }
0x2a8: {  	v26 =	vmul.f32 v26, v13;
	v52 =	vmul.f32 v0, v10;
	v10 =	vld [tilespmem:s19+$0xFFFFFF20];
	[tilespmem:s10+$0x90] =	vst v29  }
0x2a9: {  	v13 =	vld [tilespmem:s21+$0x0];
	v35 =	vbroadcast v27, $0x0;
	[tilespmem:s10+$0xE0] =	vst v30;
	v6 =	vmul.f32 v8, v6  }
0x2aa: {  	v37 =	vbroadcast v29, $0x0;
	v34 =	vld [tilespmem:s19+$0x50];
	v7 =	vmul.f32 v31, v7;
	[tilespmem:s10+$0xFFFFFF00] =	vst v52  }
0x2ab: {  	v36 =	vld [tilespmem:s19+$0xA0];
	v8 =	vmul.f32 v53, v28;
	v43 =	vbroadcast v52, $0x0;
	[tilespmem:s10+$0x100] =	vst v6  }
0x2ac: {  	v28 =	vld [tilespmem:s19+$0xFFFFFEC0];
	[tilespmem:s10+$0xFFFFFF60] =	vst v7;
	v7 =	vmul.f32 v35, v9;
	v6 =	vbroadcast v2, $0x1  }
0x2ad: {  	v2 =	vmul.f32 v12, v10;
	v12 =	vbroadcast v20, $0x1;
	v20 =	vld [tilespmem:s20+$0x130]  }
0x2ae: {  	v9 =	vbroadcast v4, $0x1;
	v4 =	vbroadcast v27, $0x1;
	v27 =	vld [tilespmem:s20+$0xFFFFFF50]  }
0x2af: {  	v38 =	vld [tilespmem:s19+$0x110];
	[tilespmem:s10+$0xFFFFFFB0] =	vst v8;
	v8 =	vbroadcast v1, $0x1;
	v1 =	vbroadcast v25, $0x1  }
0x2b0: {  	[tilespmem:s10+$0x0] =	vst v7;
	v7 =	vbroadcast v3, $0x1;
	v3 =	vbroadcast v29, $0x1;
	v29 =	vld [tilespmem:s21+$0xFFFFFFD0]  }
0x2b1: {  	v39 =	vld [tilespmem:s19+$0xFFFFFF70];
	v25 =	vbroadcast v30, $0x0;
	v10 =	vbroadcast v5, $0x1  }
0x2b2: {  	v40 =	vld [tilespmem:s19+$0xFFFFFFC0];
	v15 =	vmul.f32 v6, v15;
	v22 =	vmul.f32 v9, v22;
	v20 =	vadd.f32 v24, v20  }
0x2b3: {  	[tilespmem:s16+$0x120] =	vst v19;
	v5 =	vmul.f32 v37, v34;
	v18 =	vmul.f32 v8, v18;
	v24 =	vld [tilespmem:s21+$0xFFFFFFE0]  }
0x2b4: {  	v54 =	vld [tilespmem:s19+$0x10];
	[tilespmem:s10+$0xFFFFFF20] =	vst v2;
	v17 =	vmul.f32 v10, v17;
	v44 =	vmul.f32 $2.000000030e-01, v20  }
0x2b5: {  	[tilespmem:s10+$0x50] =	vst v5;
	v5 =	vbroadcast v52, $0x1;
	v28 =	vmul.f32 v43, v28;
	v27 =	vadd.f32 v29, v27;
	v29 =	vld [tilespmem:s20+$0x40]  }
0x2b6: {  	[tilespmem:s16+$0xFFFFFFD0] =	vst v15;
	v41 =	vld [tilespmem:s19+$0xFFFFFF30];
	v2 =	vmul.f32 v23, v38;
	v31 =	vmul.f32 v31, v39;
	v20 =	vmax.f32 v20, v44  }
0x2b7: {  	v60 =	vld [tilespmem:s20+$0x90];
	v14 =	vadd.f32 v14, v58;
	[tilespmem:s16+$0x20] =	vst v18;
	v59 =	vmul.f32 $2.000000030e-01, v27;
	v20 =	vmul.f32 $1.442695020e+00, v20  }
0x2b8: {  	v61 =	vld [tilespmem:s21+$0x10];
	v33 =	vmul.f32 v53, v40;
	[tilespmem:s10+$0x110] =	vst v2;
	v2 =	vbroadcast v30, $0x1;
	v24 =	vadd.f32 v24, v57  }
0x2b9: {  	v42 =	vld [tilespmem:s19+$0x60];
	[tilespmem:s16+$0xFFFFFEE0] =	vst v17;
	v30 =	vmul.f32 v25, v36;
	(erf) = vpow2.f32 v20;
	v20 =	vmax.f32 v27, v59  }
0x2ba: {  	[tilespmem:s10+$0xFFFFFEC0] =	vst v28;
	v28 =	vld [tilespmem:s20+$0xE0];
	v13 =	vadd.f32 v13, v29;
	v27 =	vmul.f32 $2.000000030e-01, v24;
	v20 =	vmul.f32 $1.442695020e+00, v20  }
0x2bb: {  	v15 =	vadd.f32 v56, v62;
	v34 =	vmul.f32 v35, v54;
	[tilespmem:s10+$0xFFFFFF70] =	vst v31;
	v31 =	vld [tilespmem:s21+$0x20];
	v19 =	vmul.f32 v12, v41  }
0x2bc: {  	[tilespmem:s10+$0xFFFFFFC0] =	vst v33;
	v17 =	vmul.f32 $2.000000030e-01, v13;
	v24 =	vmax.f32 v24, v27;
	(erf) = vpow2.f32 v20;
	v20 =	vld [tilespmem:s19+$0xFFFFFED0]  }
0x2bd: {  	v16 =	vld [tilespmem:s14+$0x70];
	[tilespmem:s10+$0xA0] =	vst v30;
	v27 =	vmul.f32 $2.000000030e-01, v14;
	v24 =	vmul.f32 $1.442695020e+00, v24  }
0x2be: {  	v18 =	vmul.f32 $2.000000030e-01, v15;
	v55 =	vld [tilespmem:s19+$0x120];
	[tilespmem:s10+$0x10] =	vst v34;
	v30 =	vmul.f32 v37, v42;
	v13 =	vmax.f32 v13, v17  }
0x2bf: {  	v63 =	vld [tilespmem:s19+$0x20];
	[tilespmem:s10+$0xFFFFFF30] =	vst v19;
	v14 =	vmax.f32 v14, v27;
	v27 =	vadd.f32 v61, v60;
	(erf) = vpow2.f32 v24  }
0x2c0: {  	v29 =	vld [tilespmem:s19+$0xB0];
	[tilespmem:s10+$0x60] =	vst v30;
	v19 =	vadd.f32 v31, v28;
	v30 =	vmul.f32 $1.442695020e+00, v13;
	v14 =	vmul.f32 $1.442695020e+00, v14  }
0x2c1: {  	v28 =	vld [tilespmem:s19+$0xFFFFFFD0];
	v17 =	vmul.f32 $2.000000030e-01, v27;
	v20 =	vmul.f32 v43, v20  }
0x2c2: {  	v15 =	vmax.f32 v15, v18;
	v36 =	vld [tilespmem:s19+$0x70];
	(erf) = vpow2.f32 v14;
	v14 =	vmul.f32 $2.000000030e-01, v19  }
0x2c3: {  	v15 =	vmul.f32 $1.442695020e+00, v15;
	v24 =	vld [tilespmem:s19+$0xFFFFFF80];
	v17 =	vmax.f32 v27, v17;
	(erf) = vpow2.f32 v30;
	v13 =	vpop (erf)  }
0x2c4: {  	[tilespmem:s16+$0xC0] =	vst v22;
	v17 =	vmul.f32 $1.442695020e+00, v17;
	v19 =	vmax.f32 v19, v14;
	v14 =	vld [tilespmem:s19+$0xFFFFFF40];
	v52 =	vmul.f32 v0, v13  }
0x2c5: {  	s0 =	simm.s32 $0x4420;
	v16 =	vmul.f32 v7, v16;
	v13 =	vld [tilespmem:s14+$0xFFFFFEF0];
	[tilespmem:s10+$0xFFFFFED0] =	vst v20;
	v18 =	vmul.f32 $1.442695020e+00, v19;
	v20 =	vpop (erf)  }
0x2c6: {  	v27 =	vld [tilespmem:s19+$0xFFFFFEE0];
	(erf) = vpow2.f32 v17;
	[tilespmem:s0+$0x130] =	vst v52;
	v20 =	vmul.f32 v0, v20  }
0x2c7: {  	[tilespmem:s16+$0x70] =	vst v16;
	v23 =	vmul.f32 v55, v23;
	(erf) = vpow2.f32 v18;
	v16 =	vld [tilespmem:s20+$0xF0]  }
0x2c8: {  	v19 =	vmul.f32 v25, v29;
	v17 =	vld [tilespmem:s14+$0xFFFFFFE0];
	(erf) = vpow2.f32 v15;
	v15 =	vpop (erf);
	[tilespmem:s0+$0xFFFFFF50] =	vst v20  }
0x2c9: {  	[tilespmem:s10+$0x120] =	vst v23;
	v22 =	vmul.f32 v11, v24;
	v15 =	vmul.f32 v0, v15;
	v24 =	vld [tilespmem:s20+$0xFFFFFF10]  }
0x2ca: {  	[tilespmem:s10+$0xB0] =	vst v19;
	v53 =	vbroadcast v52, $0x0;
	v19 =	vld [tilespmem:s14+$0x30]  }
0x2cb: {  	[tilespmem:s10+$0xFFFFFF80] =	vst v22;
	v46 =	vld [tilespmem:s19+$0xC0];
	v54 =	vbroadcast v20, $0x0;
	v18 =	vbroadcast v20, $0x1;
	v20 =	vpop (erf)  }
0x2cc: {  	v23 =	vld [tilespmem:s19+$0xFFFFFF90];
	[tilespmem:s0+$0xFFFFFFA0] =	vst v15;
	v25 =	vmul.f32 v0, v20;
	v22 =	vmul.f32 v53, v16  }
0x2cd: {  	[tilespmem:s16+$0xFFFFFF40] =	vst v21;
	v31 =	vbroadcast v15, $0x0;
	v21 =	vld [tilespmem:s20+$0xFFFFFF60];
	v20 =	vbroadcast v15, $0x1;
	v15 =	vpop (erf)  }
0x2ce: {  	[tilespmem:s0+$0xF0] =	vst v22;
	v22 =	vld [tilespmem:s14+$0x80];
	v55 =	vmul.f32 v0, v15;
	v15 =	vmul.f32 v54, v24  }
0x2cf: {  	v35 =	vmul.f32 v4, v63;
	v29 =	vmul.f32 v5, v27;
	[tilespmem:s0+$0xFFFFFFF0] =	vst v25;
	v56 =	vld [tilespmem:s20+$0x100]  }
0x2d0: {  	[tilespmem:s16+$0xFFFFFF90] =	vst v26;
	v30 =	vbroadcast v25, $0x0;
	v16 =	vbroadcast v25, $0x1;
	v26 =	vld [tilespmem:s20+$0xFFFFFFB0];
	v25 =	vpop (erf)  }
0x2d1: {  	v24 =	vmul.f32 v1, v28;
	[tilespmem:s0+$0x40] =	vst v55;
	v27 =	vmul.f32 v0, v25;
	v28 =	vpop (erf);
	v25 =	vld [tilespmem:s14+$0xD0]  }
0x2d2: {  	v36 =	vmul.f32 v3, v36;
	[tilespmem:s0+$0xFFFFFF10] =	vst v15;
	v58 =	vld [tilespmem:s20+$0x0];
	v28 =	vmul.f32 v0, v28;
	v15 =	vpop (erf)  }
0x2d3: {  	v37 =	vmul.f32 v2, v46;
	v60 =	vld [tilespmem:s20+$0xFFFFFF20];
	[tilespmem:s0+$0x90] =	vst v27;
	v59 =	vmul.f32 v0, v15  }
0x2d4: {  	v33 =	vbroadcast v55, $0x0;
	v45 =	vld [tilespmem:s20+$0x50];
	[tilespmem:s0+$0xE0] =	vst v28;
	v40 =	vmul.f32 v53, v56  }
0x2d5: {  	v57 =	vmul.f32 v31, v21;
	v34 =	vbroadcast v27, $0x0;
	v48 =	vld [tilespmem:s20+$0xA0];
	[tilespmem:s0+$0xFFFFFF00] =	vst v59  }
0x2d6: {  	v27 =	vbroadcast v27, $0x1;
	v47 =	vmul.f32 v30, v26;
	[tilespmem:s0+$0x100] =	vst v40;
	v49 =	vld [tilespmem:s20+$0xFFFFFEC0]  }
0x2d7: {  	[tilespmem:s0+$0xFFFFFF60] =	vst v57;
	v15 =	vbroadcast v28, $0x0;
	v61 =	vmul.f32 v33, v58;
	v50 =	vld [tilespmem:s20+$0x110]  }
0x2d8: {  	v26 =	vbroadcast v55, $0x1;
	v43 =	vld [tilespmem:s20+$0xFFFFFF70];
	[tilespmem:s0+$0xFFFFFFB0] =	vst v47;
	v38 =	vmul.f32 v54, v60  }
0x2d9: {  	v21 =	vbroadcast v59, $0x0;
	v40 =	vld [tilespmem:s20+$0xFFFFFFC0];
	[tilespmem:s0+$0x0] =	vst v61;
	v62 =	vmul.f32 v34, v45  }
0x2da: {  	[tilespmem:s0+$0xFFFFFF20] =	vst v38;
	v42 =	vld [tilespmem:s20+$0x10];
	v38 =	vbroadcast v52, $0x1;
	v63 =	vmul.f32 v15, v48  }
0x2db: {  	v32 =	vbroadcast v59, $0x1;
	v39 =	vld [tilespmem:s20+$0xFFFFFF30];
	[tilespmem:s0+$0x50] =	vst v62;
	v44 =	vmul.f32 v21, v49  }
0x2dc: {  	s15 =	simm.s32 $0xAA0;
	s14 =	simm.s32 $0x10;
	v28 =	vbroadcast v28, $0x1;
	v41 =	vld [tilespmem:s20+$0x60];
	[tilespmem:s0+$0xA0] =	vst v63;
	v45 =	vmul.f32 v38, v50  }
.LBB2_9:
0x2dd: {  	v46 =	vld [tilespmem:s15+$0x130];
	[tilespmem:s0+$0xFFFFFEC0] =	vst v44;
	v31 =	vmul.f32 v31, v43;
	s21 =	sadd.s32 $0x80, s21;
	v13 =	vmul.f32 v13, v10;
	v10 =	vmovc v5;
	v5 =	vmov v32  }
0x2de: {  	s14 =	sadd.s32 $0x8, s14;
	v14 =	vmul.f32 v14, v12;
	v12 =	vmov v18;
	v32 =	vld [tilespmem:s21+$0x30];
	v30 =	vmul.f32 v30, v40;
	[tilespmem:s0+$0x110] =	vst v45  }
0x2df: {  	v23 =	vmul.f32 v23, v11;
	v11 =	vmov v20;
	p1 =	slt.u32 s14, $0x48;
	[tilespmem:s0+$0xFFFFFF70] =	vst v31;
	v18 =	vmul.f32 v33, v42;
	v31 =	vld [tilespmem:s20+$0x120]  }
0x2e0: {  	v17 =	vmul.f32 v17, v6;
	v6 =	vmovc v1;
	v1 =	vmov v16;
	v20 =	vld [tilespmem:s21+$0xFFFFFFC0];
	v33 =	vmul.f32 v12, v39;
	[tilespmem:s0+$0xFFFFFFC0] =	vst v30  }
0x2e1: {  	v19 =	vmul.f32 v19, v8;
	v8 =	vmovc v4;
	v4 =	vmov v26;
	v16 =	vld [tilespmem:s15+$0xFFFFFF50];
	[tilespmem:s0+$0x10] =	vst v18;
	v18 =	vmul.f32 v34, v41  }
0x2e2: {  	v22 =	vmul.f32 v22, v7;
	v25 =	vmul.f32 v25, v9;
	v7 =	vmovc v3;
	v3 =	vmov v27;
	v26 =	vld [tilespmem:s21+$0xFFFFFFD0];
	[tilespmem:s10+$0xFFFFFEE0] =	vst v29  }
0x2e3: {  	v9 =	vmov v2;
	v2 =	vmov v28;
	v27 =	vld [tilespmem:s15+$0xFFFFFFA0];
	v29 =	vadd.f32 v32, v46;
	[tilespmem:s0+$0x60] =	vst v18  }
0x2e4: {  	v18 =	vld [tilespmem:s21+$0xFFFFFFE0];
	[tilespmem:s0+$0xFFFFFF30] =	vst v33;
	v28 =	vmul.f32 v31, v38  }
0x2e5: {  	v30 =	vld [tilespmem:s15+$0xFFFFFFF0];
	v31 =	vmul.f32 $2.000000030e-01, v29;
	[tilespmem:s10+$0xFFFFFFD0] =	vst v24  }
0x2e6: {  	v24 =	vld [tilespmem:s21+$0xFFFFFFF0];
	[tilespmem:s0+$0x120] =	vst v28  }
0x2e7: {  	v16 =	vadd.f32 v26, v16;
	v26 =	vld [tilespmem:s15+$0x40];
	v28 =	vmax.f32 v29, v31;
	[tilespmem:s10+$0x20] =	vst v35  }
0x2e8: {  	v29 =	vld [tilespmem:s21+$0x0];
	v28 =	vmul.f32 $1.442695020e+00, v28;
	[tilespmem:s10+$0x70] =	vst v36  }
0x2e9: {  	v31 =	vmul.f32 $2.000000030e-01, v16;
	v18 =	vadd.f32 v18, v27;
	v27 =	vld [tilespmem:s15+$0x90];
	[tilespmem:s10+$0xC0] =	vst v37  }
0x2ea: {  	v32 =	vld [tilespmem:s21+$0x10];
	(erf) = vpow2.f32 v28;
	[tilespmem:s16+$0xFFFFFEF0] =	vst v13  }
0x2eb: {  	v13 =	vmax.f32 v16, v31;
	v16 =	vmul.f32 $2.000000030e-01, v18;
	v24 =	vadd.f32 v24, v30;
	v28 =	vld [tilespmem:s15+$0xE0];
	[tilespmem:s10+$0xFFFFFF40] =	vst v14  }
0x2ec: {  	v13 =	vmul.f32 $1.442695020e+00, v13;
	v14 =	vld [tilespmem:s21+$0x20];
	[tilespmem:s10+$0xFFFFFF90] =	vst v23  }
0x2ed: {  	v23 =	vld [tilespmem:s15+$0xFFFFFF00];
	v16 =	vmax.f32 v18, v16;
	v18 =	vmul.f32 $2.000000030e-01, v24;
	v26 =	vadd.f32 v29, v26;
	[tilespmem:s16+$0xFFFFFFE0] =	vst v17  }
0x2ee: {  	v16 =	vmul.f32 $1.442695020e+00, v16;
	(erf) = vpow2.f32 v13;
	v13 =	vld [tilespmem:s20+$0xFFFFFED0];
	[tilespmem:s16+$0x30] =	vst v19  }
0x2ef: {  	v17 =	vmax.f32 v24, v18;
	v18 =	vmul.f32 $2.000000030e-01, v26;
	v19 =	vadd.f32 v32, v27;
	v24 =	vld [tilespmem:s20+$0xB0];
	[tilespmem:s16+$0x80] =	vst v22  }
0x2f0: {  	v17 =	vmul.f32 $1.442695020e+00, v17;
	(erf) = vpow2.f32 v16;
	v16 =	vld [tilespmem:s20+$0xFFFFFF80];
	[tilespmem:s16+$0xD0] =	vst v25;
	s16 =	smov.u32 s10;
	s10 =	smov.u32 s0  }
0x2f1: {  	v18 =	vmax.f32 v26, v18;
	v26 =	vmul.f32 $2.000000030e-01, v19;
	v14 =	vadd.f32 v14, v28;
	v25 =	vld [tilespmem:s20+$0xFFFFFFD0]  }
0x2f2: {  	v20 =	vadd.f32 v20, v23;
	v18 =	vmul.f32 $1.442695020e+00, v18;
	(erf) = vpow2.f32 v17;
	v35 =	vld [tilespmem:s20+$0x20]  }
0x2f3: {  	v17 =	vmax.f32 v19, v26;
	v19 =	vmul.f32 $2.000000030e-01, v14;
	v22 =	vpop (erf);
	v21 =	vmul.f32 v21, v13;
	v36 =	vld [tilespmem:s20+$0x70]  }
0x2f4: {  	v23 =	vmul.f32 $2.000000030e-01, v20;
	v37 =	vmul.f32 v0, v22;
	v13 =	vld [tilespmem:s19+$0xFFFFFEF0]  }
0x2f5: {  	s0 =	sadd.s32 $0x280, s0;
	v17 =	vmul.f32 $1.442695020e+00, v17;
	v19 =	vmax.f32 v14, v19;
	(erf) = vpow2.f32 v18;
	[tilespmem:s10+$0xFFFFFED0] =	vst v21;
	v14 =	vld [tilespmem:s20+$0xFFFFFF40]  }
0x2f6: {  	v18 =	vmax.f32 v20, v23;
	v19 =	vmul.f32 $1.442695020e+00, v19;
	[tilespmem:s0+$0x130] =	vst v37;
	v21 =	vld [tilespmem:s20+$0xFFFFFEE0];
	v23 =	vmul.f32 v15, v24  }
0x2f7: {  	v18 =	vmul.f32 $1.442695020e+00, v18;
	v20 =	vld [tilespmem:s15+$0xF0];
	v22 =	vpop (erf);
	(erf) = vpow2.f32 v17  }
0x2f8: {  	v27 =	vmul.f32 v0, v22;
	(erf) = vpow2.f32 v19;
	[tilespmem:s10+$0xB0] =	vst v23;
	v17 =	vld [tilespmem:s19+$0xFFFFFFE0]  }
0x2f9: {  	v16 =	vmul.f32 v11, v16;
	(erf) = vpow2.f32 v18;
	v15 =	vpop (erf);
	v46 =	vld [tilespmem:s20+$0xC0]  }
0x2fa: {  	v26 =	vbroadcast v37, $0x0;
	[tilespmem:s0+$0xFFFFFF50] =	vst v27;
	v15 =	vmul.f32 v0, v15;
	v19 =	vld [tilespmem:s19+$0x30]  }
0x2fb: {  	v28 =	vbroadcast v27, $0x0;
	v18 =	vbroadcast v27, $0x1;
	v24 =	vld [tilespmem:s15+$0xFFFFFF10];
	v22 =	vpop (erf);
	[tilespmem:s10+$0xFFFFFF80] =	vst v16  }
0x2fc: {  	[tilespmem:s0+$0xFFFFFFA0] =	vst v15;
	v27 =	vmul.f32 v0, v22;
	v22 =	vmul.f32 v26, v20;
	v23 =	vld [tilespmem:s20+$0xFFFFFF90]  }
0x2fd: {  	v31 =	vbroadcast v15, $0x0;
	v20 =	vbroadcast v15, $0x1;
	v32 =	vld [tilespmem:s15+$0xFFFFFF60]  }
0x2fe: {  	v30 =	vbroadcast v27, $0x0;
	v16 =	vbroadcast v27, $0x1;
	[tilespmem:s0+$0xF0] =	vst v22;
	v15 =	vpop (erf);
	v22 =	vld [tilespmem:s19+$0x80]  }
0x2ff: {  	v29 =	vmul.f32 v5, v21;
	[tilespmem:s0+$0xFFFFFFF0] =	vst v27;
	v27 =	vmul.f32 v0, v15;
	v38 =	vld [tilespmem:s15+$0x100]  }
0x300: {  	v34 =	vmul.f32 v28, v24;
	v39 =	vld [tilespmem:s15+$0xFFFFFFB0];
	v21 =	vpop (erf);
	v24 =	vmul.f32 v1, v25  }
0x301: {  	[tilespmem:s0+$0x40] =	vst v27;
	v33 =	vbroadcast v27, $0x0;
	v40 =	vmul.f32 v0, v21;
	v21 =	vpop (erf);
	v25 =	vld [tilespmem:s19+$0xD0];
	s19 =	smov.u32 s20;
	s20 =	smov.u32 s15  }
0x302: {  	[tilespmem:s0+$0xFFFFFF10] =	vst v34;
	v41 =	vmul.f32 v31, v32;
	v42 =	vld [tilespmem:s15+$0x0];
	v44 =	vmul.f32 v0, v21;
	v15 =	vpop (erf)  }
0x303: {  	v32 =	vmul.f32 v0, v15;
	v43 =	vld [tilespmem:s15+$0xFFFFFF20];
	[tilespmem:s0+$0x90] =	vst v40;
	v34 =	vbroadcast v40, $0x0  }
0x304: {  	v45 =	vld [tilespmem:s15+$0x50];
	[tilespmem:s0+$0xE0] =	vst v44;
	v15 =	vbroadcast v44, $0x0;
	v38 =	vmul.f32 v26, v38  }
0x305: {  	[tilespmem:s0+$0xFFFFFF00] =	vst v32;
	v21 =	vbroadcast v32, $0x0;
	v39 =	vmul.f32 v30, v39;
	v47 =	vld [tilespmem:s15+$0xA0]  }
0x306: {  	v26 =	vbroadcast v27, $0x1;
	v32 =	vbroadcast v32, $0x1;
	v48 =	vld [tilespmem:s15+$0xFFFFFEC0];
	[tilespmem:s0+$0x100] =	vst v38  }
0x307: {  	v27 =	vbroadcast v40, $0x1;
	[tilespmem:s0+$0xFFFFFF60] =	vst v41;
	v38 =	vmul.f32 v33, v42;
	v49 =	vld [tilespmem:s15+$0x110]  }
.Ltmp4:
0x308: {  	v41 =	vmul.f32 v28, v43;
	v43 =	vld [tilespmem:s15+$0xFFFFFF70];
	[tilespmem:s0+$0xFFFFFFB0] =	vst v39;
	v28 =	vbroadcast v44, $0x1;
	(pc) =	sbr.rel @p1 .LBB2_9-.Ltmp4, $4  }
0x309: {  	v35 =	vmul.f32 v4, v35;
	v40 =	vld [tilespmem:s15+$0xFFFFFFC0];
	[tilespmem:s0+$0x0] =	vst v38;
	v45 =	vmul.f32 v34, v45  }
0x30a: {  	v38 =	vbroadcast v37, $0x1;
	[tilespmem:s0+$0xFFFFFF20] =	vst v41;
	v42 =	vld [tilespmem:s15+$0x10];
	v47 =	vmul.f32 v15, v47  }
0x30b: {  	v36 =	vmul.f32 v3, v36;
	v44 =	vmul.f32 v21, v48;
	v39 =	vld [tilespmem:s15+$0xFFFFFF30];
	[tilespmem:s0+$0x50] =	vst v45  }
0x30c: {  	v37 =	vmul.f32 v2, v46;
	s15 =	sadd.s32 $0x280, s15;
	v41 =	vld [tilespmem:s20+$0x60];
	[tilespmem:s0+$0xA0] =	vst v47;
	v45 =	vmul.f32 v38, v49  }
0x30d: {  	[tilespmem:s0+$0xFFFFFEC0] =	vst v44  }
0x30e: {  	[tilespmem:s10+$0xFFFFFEE0] =	vst v29  }
0x30f: {  	[tilespmem:s10+$0xFFFFFFD0] =	vst v24  }
0x310: {  	[tilespmem:s10+$0x20] =	vst v35  }
0x311: {  	[tilespmem:s10+$0x70] =	vst v36  }
0x312: {  	v31 =	vmul.f32 v31, v43;
	[tilespmem:s0+$0x110] =	vst v45  }
0x313: {  	v10 =	vmul.f32 v13, v10;
	[tilespmem:s10+$0xC0] =	vst v37  }
0x314: {  	v12 =	vmul.f32 v14, v12;
	[tilespmem:s0+$0xFFFFFF70] =	vst v31  }
0x315: {  	v11 =	vmul.f32 v23, v11;
	[tilespmem:s16+$0xFFFFFEF0] =	vst v10  }
0x316: {  	v6 =	vmul.f32 v17, v6;
	[tilespmem:s10+$0xFFFFFF40] =	vst v12  }
0x317: {  	v8 =	vmul.f32 v19, v8;
	[tilespmem:s10+$0xFFFFFF90] =	vst v11  }
0x318: {  	v7 =	vmul.f32 v22, v7;
	[tilespmem:s16+$0xFFFFFFE0] =	vst v6  }
0x319: {  	v9 =	vmul.f32 v25, v9;
	v44 =	vld [tilespmem:s20+$0xFFFFFED0];
	[tilespmem:s16+$0x30] =	vst v8  }
0x31a: {  	v30 =	vmul.f32 v30, v40;
	v45 =	vld [tilespmem:s20+$0xB0];
	[tilespmem:s16+$0x80] =	vst v7  }
0x31b: {  	v53 =	vld [tilespmem:s19+$0xFFFFFEF0];
	v63 =	vmul.f32 v33, v42;
	[tilespmem:s16+$0xD0] =	vst v9  }
0x31c: {  	v55 =	vld [tilespmem:s19+$0xFFFFFFE0];
	[tilespmem:s0+$0xFFFFFFC0] =	vst v30;
	v42 =	vmul.f32 v18, v39  }
0x31d: {  	v56 =	vld [tilespmem:s19+$0x30];
	[tilespmem:s0+$0x10] =	vst v63;
	v41 =	vmul.f32 v34, v41  }
0x31e: {  	v57 =	vld [tilespmem:s19+$0x80];
	[tilespmem:s0+$0xFFFFFF30] =	vst v42;
	v46 =	vmul.f32 v21, v44  }
0x31f: {  	v40 =	vld [tilespmem:s20+$0x120];
	[tilespmem:s0+$0x60] =	vst v41;
	v49 =	vmul.f32 v15, v45  }
0x320: {  	v47 =	vld [tilespmem:s20+$0xFFFFFF80];
	v5 =	vmul.f32 v53, v5;
	[tilespmem:s0+$0xFFFFFED0] =	vst v46  }
0x321: {  	v48 =	vld [tilespmem:s20+$0xFFFFFFD0];
	v1 =	vmul.f32 v55, v1;
	[tilespmem:s0+$0xB0] =	vst v49  }
0x322: {  	v50 =	vld [tilespmem:s20+$0x20];
	v4 =	vmul.f32 v56, v4;
	[tilespmem:s10+$0xFFFFFEF0] =	vst v5  }
0x323: {  	v3 =	vmul.f32 v57, v3;
	v51 =	vld [tilespmem:s20+$0x70];
	[tilespmem:s10+$0xFFFFFFE0] =	vst v1  }
0x324: {  	v43 =	vmul.f32 v40, v38;
	[tilespmem:s10+$0x30] =	vst v4;
	v10 =	vld [tilespmem:s20+$0xFFFFFEE0]  }
0x325: {  	v52 =	vmul.f32 v20, v47;
	[tilespmem:s10+$0x80] =	vst v3;
	v11 =	vld [tilespmem:s20+$0xC0]  }
0x326: {  	v58 =	vld [tilespmem:s19+$0xD0];
	[tilespmem:s0+$0x120] =	vst v43;
	v6 =	vmul.f32 v16, v48  }
0x327: {  	v54 =	vld [tilespmem:s20+$0xFFFFFF40];
	[tilespmem:s0+$0xFFFFFF80] =	vst v52;
	v8 =	vmul.f32 v26, v50  }
0x328: {  	v7 =	vld [tilespmem:s20+$0xFFFFFF90];
	[tilespmem:s0+$0xFFFFFFD0] =	vst v6;
	v13 =	vmul.f32 v27, v51  }
0x329: {  	[tilespmem:s0+$0x20] =	vst v8;
	v60 =	vld [tilespmem:s20+$0xFFFFFFE0];
	v10 =	vmul.f32 v32, v10  }
0x32a: {  	v61 =	vld [tilespmem:s20+$0x30];
	v11 =	vmul.f32 v28, v11;
	[tilespmem:s0+$0x70] =	vst v13  }
0x32b: {  	v2 =	vmul.f32 v58, v2;
	v1 =	vld [tilespmem:s20+$0x80];
	[tilespmem:s0+$0xFFFFFEE0] =	vst v10  }
0x32c: {  	v12 =	vmul.f32 v54, v18;
	[tilespmem:s0+$0xC0] =	vst v11;
	v59 =	vld [tilespmem:s20+$0xFFFFFEF0]  }
0x32d: {  	[tilespmem:s10+$0xD0] =	vst v2;
	v7 =	vmul.f32 v7, v20;
	v62 =	vld [tilespmem:s20+$0xD0]  }
0x32e: {  	[tilespmem:s0+$0xFFFFFF40] =	vst v12;
	v2 =	vmul.f32 v60, v16  }
0x32f: {  	[tilespmem:s0+$0xFFFFFF90] =	vst v7;
	v63 =	vmul.f32 v61, v26  }
0x330: {  	[tilespmem:s0+$0xFFFFFFE0] =	vst v2;
	v1 =	vmul.f32 v1, v27  }
0x331: {  	[tilespmem:s0+$0x30] =	vst v63;
	v3 =	vmul.f32 v59, v32  }
0x332: {  	v2 =	vmul.f32 v62, v28;
	[tilespmem:s0+$0x80] =	vst v1  }
0x333: {  	[tilespmem:s0+$0xFFFFFEF0] =	vst v3  }
0x334: {  	[tilespmem:s0+$0xD0] =	vst v2  }
0x335: {  	[spmem:s4] =	stream.indirect.scatter.add.f32 [tilespmem:s11], [sflag:$0x7], $0x50, s9, s25, $0xb8;
	[tilespmem:$0x13330] =	vst v63  }
0x336: {  	_ =	swait.ge [sflag:s22], $0x1900  }
0x337: {  	[sflag:s22] =	ssyncset.done $0x0  }
0x338: {  	s19 =	simm.s32 $0x8;
	[sflag:s22] =	ssyncadd.s32 $0xFFFFE700  }
0x339: {  	_ =	swait.ge [sflag:s19], $0x1900  }
0x33a: {  	[sflag:s19] =	ssyncset.done $0x0  }
0x33b: {  	[sflag:s19] =	ssyncadd.s32 $0xFFFFE700  }
0x33c: {  	[bflag:$0x0] =	sbarrier.arrive $0xFFFF  }
0x33d: {  	s15 =	rddreg [dreg:$0x7]  }
0x33e: {  	s20 =	rddreg [dreg:$0xe]  }
0x33f: {  	s14 =	simm.s32 $0x9;
	s21 =	rddreg [dreg:$0x12]  }
0x340: {  	[hbm:s20], [sflag:s15] =	dma.local [spmem:s21], $0x1860  }
0x341: {  	_ =	swait.ge [sflag:s14], $0x1860  }
0x342: {  	[sflag:s14] =	ssyncset.done $0x0;
	s0 =	rddreg [dreg:$0xf]  }
0x343: {  	s10 =	rddreg [dreg:$0x13];
	[sflag:s14] =	ssyncadd.s32 $0xFFFFE7A0  }
0x344: {  	[hbm:s0], [sflag:s15] =	dma.local @!p0 [spmem:s10], $0xA0  }
0x345: {  	s0 =	simm.s32 @!p0 $0x9  }
0x346: {  	_ =	swait.ge @!p0 [sflag:s0], $0xA0  }
0x347: {  	s22 =	rddreg [dreg:$0x11]  }
0x348: {  	s31 =	rddreg [dreg:$0x10];
	s16 =	sadd.s32 $0x1, s22  }
0x349: {  	p1 =	sne.s32 s16, s31  }
.Ltmp5:
0x34a: {  	_ = 	snop;
	(pc) =	sbr.rel @p1 .LBB2_1-.Ltmp5, $3  }
0x34b: {  	_ =	sdelay $0x1  }
0x34c: {  	[sflag:s0] =	ssyncset.done @!p0 $0x0  }
0x34d: {  	[sflag:s0] =	ssyncadd.s32 @!p0 $0xFFFFFF60  }
0x34e: {  	_ =	sfence.sel $0x180000  }
0x34f: {  	[bflag:$0x0] =	sbarrier.arrive $0xFFFF  }
0x350: {  	_ =	strace $0x9000004A  }
0x351: {  	s0 =	stileid.u32;
	[bflag:$0x2] =	sbarrier.arrive $0xFFFF  }
0x352: {  	p0 =	sne.s32 s0, $0x0;
	s0 =	rddreg [dreg:$0x4]  }
0x353: {  	s0 =	sadd.s32 @!p0 $0x100000, s0  }
0x354: {  	[sflag:s0] =	ssyncadd.tile.s32 @!p0 $0x1;
	_ =	shalt  }
.Lfunc_end2:
_tile_overlayer_lowered:
.L_overlay_start_2:
0x355: {  	(tag) =	ssettag $0x2  }
0x356: {  	s0 =	rddreg [dreg:$0x0];
	s2 =	stileid.u32  }
0x357: {  	s1 =	rddreg [dreg:$0x1];
	p0 =	sne.s32 s2, $0x0  }
0x358: {  	s3 =	rddreg [dreg:$0x2];
	[bflag:$0x3] =	sbarrier.arrive $0xFFFF;
	s2 =	simm.s32 @!p0 $0x1C09  }
0x359: {  	[timem:s3], [sflag:s2] =	dma.local @!p0 [hbm:s0], s1  }
0x35a: {  	s0 =	simm.s32 @!p0 $0x9  }
0x35b: {  	_ =	swait.ge @!p0 [sflag:s0], s1  }
0x35c: {  	s1 =	ssub.s32 @!p0 $0x0, s1;
	[sflag:s0] =	ssyncset.done @!p0 $0x0  }
0x35d: {  	[sflag:s0] =	ssyncadd.s32 @!p0 s1  }
0x35e: {  	[bflag:$0x3] =	sbarrier.arrive $0xFFFF  }
0x35f: {  	_ =	shalt  }

// kernel: kernel.7.cloned.1.call-start
scs
__scs_entry_jumppad:
0x0: {  	(pc) =	sbr.rel $0x88, $3  }
0x1: {  	(tag) =	ssettag $0x0;
	lr =	simm.s32 $0x1  }
0x2: {  	[smem:$0x3F93] =	sst lr;
	_ =	strace $0xD0000000  }
0x3: {  	_ = 	snop  }
0x4: {  	_ = 	snop  }
0x5: {  	_ = 	snop  }
0x6: {  	_ = 	snop  }
0x7: {  	_ = 	snop  }
__scs_overlays_trampoline_lowered:
0x8: {  	[smem:$0x3FA2] =	sst s0  }
0x9: {  	[smem:$0x3FA3] =	sst s1  }
0xa: {  	[smem:$0x3FA4] =	sst s2  }
0xb: {  	[smem:$0x3FA5] =	sst s3  }
0xc: {  	[smem:$0x3FA6] =	sst s4  }
0xd: {  	[smem:$0x3FA7] =	sst s5  }
0xe: {  	[smem:$0x3FA8] =	sst s6  }
0xf: {  	[smem:$0x3FA9] =	sst s7  }
0x10: {  	[smem:$0x3FAA] =	sst s8  }
0x11: {  	[smem:$0x3FAB] =	sst s9;
	s0 =	simm.s32 @!p0 $0x0  }
0x12: {  	s1 =	sld [smem:$0x3F91];
	s0 =	simm.s32 @p0 $0x1  }
0x13: {  	[smem:$0x3FAC] =	sst s0;
	s0 =	simm.s32 @!p1 $0x0  }
0x14: {  	s2 =	sld [smem:$0x3F90];
	s0 =	simm.s32 @p1 $0x1  }
0x15: {  	[smem:$0x3FAD] =	sst s0;
	s0 =	simm.s32 @!p2 $0x0  }
0x16: {  	s3 =	sld [smem:$0x3FDB];
	s0 =	simm.s32 @p2 $0x1  }
0x17: {  	s4 =	simm.s32 $0x1BF5;
	[smem:$0x3FAF] =	sst s0  }
0x18: {  	s0 =	sld [smem:$0x3F92];
	_ =	swait.ge [sflag:s4], $0x0  }
0x19: {  	s7 =	sld [smem:$0x3F93]  }
0x1a: {  	s8 =	sadd.s32 $0xFFFFE003, lr  }
0x1b: {  	s9 =	sadd.s32 $0xFFFFFEF7, lr;
	s5 =	simm.s32 $0xFFFFFFFF;
	p2 =	slt.u32 s8, $0xFFFFF086  }
0x1c: {  	p1 =	slt.u32 s9, $0xF7A;
	s5 =	simm.s32 @!p2 $0x0  }
0x1d: {  	s5 =	simm.s32 @p1 $0x1;
	p0 =	seq.s32 s7, s2  }
0x1e: {  	s7 =	smul.u32 @!p0 $0xF7A, s2;
	p2 =	seq.s32 @!p0 s5, $0x0  }
0x1f: {  	s9 =	smul.u32 $0xF7A, s1;
	s8 =	simm.s32 @!p0 $0x1BF5;
	p2 =	por !p2, p0  }
0x20: {  	[sflag:s8] =	ssyncset.s32 @!p0 $0xFFFFF086;
	s6 =	sadd.s32 @!p0 s3, s7;
	s7 =	simm.s32 @!p0 $0x108  }
0x21: {  	s3 =	sadd.s32 s3, s9;
	s6 =	sadd.s32 @!p0 $0x88, s6;
	s7 =	simm.s32 @p2 $0x1082  }
0x22: {  	[simem:s7], [sflag:s8] =	dma.local @!p0 [hbm:s6], $0xF7A  }
0x23: {  	s9 =	sor.u32 $0xD0000000, s2;
	s6 =	simm.s32 $0x108;
	_ =	swait.ge @!p0 [sflag:s8], $0x0  }
0x24: {  	s3 =	sadd.s32 $0x88, s3;
	s6 =	simm.s32 @!p1 $0x1082;
	[sflag:s4] =	ssyncset.s32 $0xFFFFF086  }
0x25: {  	[simem:s6], [sflag:s4] =	dma.local [hbm:s3], $0xF7A  }
0x26: {  	[smem:$0x3F93] =	sst s1;
	(tag) =	ssettag s2;
	_ =	strace s9  }
0x27: {  	s1 =	sld [smem:$0x3FA3]  }
0x28: {  	s2 =	sld [smem:$0x3FA4]  }
0x29: {  	s4 =	sld [smem:$0x3FA6]  }
0x2a: {  	p0 =	seq.s32 s5, $0x0;
	s5 =	sld [smem:$0x3FA7]  }
0x2b: {  	s6 =	sld [smem:$0x3FA8]  }
0x2c: {  	s7 =	sld [smem:$0x3FA9]  }
0x2d: {  	s3 =	simm.s32 $0x108;
	s8 =	sld [smem:$0x3FAA]  }
0x2e: {  	s3 =	simm.s32 @!p0 $0x1082;
	s9 =	sld [smem:$0x3FAB]  }
0x2f: {  	lr =	sadd.s32 s0, s3;
	s0 =	sld [smem:$0x3FA2]  }
0x30: {  	s3 =	sld [smem:$0x3FA5]  }
0x31: {  	[smem:$0x3FAE] =	sst s10  }
0x32: {  	s10 =	sld [smem:$0x3FAC];
	_ =	sdelay $0x3  }
0x33: {  	p0 =	seq.s32 s10, $0x1;
	s10 =	sld [smem:$0x3FAE];
	_ =	sdelay $0x3  }
0x34: {  	[smem:$0x3FAE] =	sst s10  }
0x35: {  	s10 =	sld [smem:$0x3FAD];
	_ =	sdelay $0x3  }
0x36: {  	p1 =	seq.s32 s10, $0x1;
	s10 =	sld [smem:$0x3FAE];
	_ =	sdelay $0x3  }
0x37: {  	[smem:$0x3FAE] =	sst s10  }
0x38: {  	s10 =	sld [smem:$0x3FAF]  }
0x39: {  	_ = 	snop;
	(pc) =	sbr.ind lr, $3  }
0x3a: {  	_ = 	snop  }
0x3b: {  	_ = 	snop  }
0x3c: {  	p2 =	seq.s32 s10, $0x1;
	s10 =	sld [smem:$0x3FAE]  }
0x3d: {  	_ =	shalt  }
0x3e: {  	_ =	shalt  }
0x3f: {  	_ =	shalt  }
0x40: {  	_ =	shalt  }
0x41: {  	_ =	shalt  }
0x42: {  	_ =	shalt  }
0x43: {  	_ =	shalt  }
0x44: {  	_ =	shalt  }
0x45: {  	_ =	shalt  }
0x46: {  	_ =	shalt  }
0x47: {  	_ =	shalt  }
0x48: {  	_ =	shalt  }
0x49: {  	_ =	shalt  }
0x4a: {  	_ =	shalt  }
0x4b: {  	_ =	shalt  }
0x4c: {  	_ =	shalt  }
0x4d: {  	_ =	shalt  }
0x4e: {  	_ =	shalt  }
0x4f: {  	_ =	shalt  }
0x50: {  	_ =	shalt  }
0x51: {  	_ =	shalt  }
0x52: {  	_ =	shalt  }
0x53: {  	_ =	shalt  }
0x54: {  	_ =	shalt  }
0x55: {  	_ =	shalt  }
0x56: {  	_ =	shalt  }
0x57: {  	_ =	shalt  }
0x58: {  	_ =	shalt  }
0x59: {  	_ =	shalt  }
0x5a: {  	_ =	shalt  }
0x5b: {  	_ =	shalt  }
0x5c: {  	_ =	shalt  }
0x5d: {  	_ =	shalt  }
0x5e: {  	_ =	shalt  }
0x5f: {  	_ =	shalt  }
0x60: {  	_ =	shalt  }
0x61: {  	_ =	shalt  }
0x62: {  	_ =	shalt  }
0x63: {  	_ =	shalt  }
0x64: {  	_ =	shalt  }
0x65: {  	_ =	shalt  }
0x66: {  	_ =	shalt  }
0x67: {  	_ =	shalt  }
0x68: {  	_ =	shalt  }
0x69: {  	_ =	shalt  }
0x6a: {  	_ =	shalt  }
0x6b: {  	_ =	shalt  }
0x6c: {  	_ =	shalt  }
0x6d: {  	_ =	shalt  }
0x6e: {  	_ =	shalt  }
0x6f: {  	_ =	shalt  }
0x70: {  	_ =	shalt  }
0x71: {  	_ =	shalt  }
0x72: {  	_ =	shalt  }
0x73: {  	_ =	shalt  }
0x74: {  	_ =	shalt  }
0x75: {  	_ =	shalt  }
0x76: {  	_ =	shalt  }
0x77: {  	_ =	shalt  }
0x78: {  	_ =	shalt  }
0x79: {  	_ =	shalt  }
0x7a: {  	_ =	shalt  }
0x7b: {  	_ =	shalt  }
0x7c: {  	_ =	shalt  }
0x7d: {  	_ =	shalt  }
0x7e: {  	_ =	shalt  }
0x7f: {  	_ =	shalt  }
0x80: {  	_ =	shalt  }
0x81: {  	_ =	shalt  }
0x82: {  	_ =	shalt  }
0x83: {  	_ =	shalt  }
0x84: {  	_ =	shalt  }
0x85: {  	_ =	shalt  }
0x86: {  	_ =	shalt  }
0x87: {  	_ =	shalt  }
.Lfunc_end0:
.L_simem_size_0:
called_computation_lowered:
.L_overlay_start_0:
0x88: {  	s2 =	sld [smem:$0x3FD9]  }
0x89: {  	s3 =	sld [smem:$0x3FFE];
	_ =	sdelay $0x1  }
0x8a: {  	s1 =	srdreg.scid  }
0x8b: {  	s0 =	sand.u32 $0x1, s1  }
0x8c: {  	s14 =	sshll.u32 s0, $0xA;
	s2 =	sadd.s32 s3, s2  }
0x8d: {  	s2 =	sadd.s32 s2, s14  }
0x8e: {  	[smem:$0x3FBA] =	sst s2  }
0x8f: {  	_ = 	snop  }
0x90: {  	s2 =	sld [smem:$0x3FD0];
	_ =	sdelay $0x2  }
0x91: {  	s15 =	simm.s32 $0xA;
	s4 =	simm.s32 $0x10  }
0x92: {  	[smem:s4], [sflag:s15] =	dma.local [hbm:s2], $0x1  }
0x93: {  	_ =	swait.eq [sflag:s15], $0x1  }
0x94: {  	[sflag:s15] =	ssyncset.done $0x0  }
0x95: {  	s16 =	sld [smem:$0x10];
	[sflag:s15] =	ssyncadd.s32 $0xFFFFFFFF  }
0x96: {  	s17 =	sld [smem:$0x11];
	(tm) =	ssettm $0x1  }
0x97: {  	s18 =	sld [smem:$0x3FFB];
	_ =	sdelay $0x3  }
0x98: {  	_ =	strace s18  }
0x99: {  	s4 =	sld [smem:$0x3FFC];
	_ =	sdelay $0x3  }
0x9a: {  	_ =	strace s4  }
0x9b: {  	s4 =	sld [smem:$0x3FFD];
	_ =	sdelay $0x3  }
0x9c: {  	_ =	strace s4  }
0x9d: {  	_ =	strace $0x8FFFFFFF  }
0x9e: {  	s19 =	sld [smem:$0x3FDB];
	_ =	sdelay $0x1  }
0x9f: {  	s5 =	simm.s32 $_scs_section_size  }
0xa0: {  	s6 =	simm.s32 $_size__tile_overlayer_lowered;
	s7 =	simm.s32 $_tile_overlayer_lowered  }
0xa1: {  	s22 =	simm.s32 $0x1BFF;
	s21 =	sshll.u32 s7, $0x1;
	s4 =	sadd.s32 s5, s19  }
0xa2: {  	s8 =	simm.s32 $0x0;
	s20 =	sshll.u32 s6, $0x1;
	s6 =	sadd.s32 s21, s4  }
0xa3: {  	[timem:s8], [sflag:s22] =	dma.local [hbm:s6], s20  }
0xa4: {  	_ =	swait.ge [sflag:s22], s20  }
0xa5: {  	s5 =	ssub.s32 $0x0, s20;
	[sflag:s22] =	ssyncset.done $0x0  }
0xa6: {  	[sflag:s22] =	ssyncadd.s32 s5;
	_ =	sdelay $0x1  }
0xa7: {  	s23 =	simm.s32 $0x1B8B  }
0xa8: {  	_ =	swait.ge [sflag:s23], $0x1  }
0xa9: {  	[sflag:s23] =	ssyncset.done $0x0  }
0xaa: {  	s25 =	simm.s32 $0x1B8E;
	s24 =	sld [smem:$0x3FFE];
	[sflag:s23] =	ssyncadd.s32 $0xFFFFFFFF  }
0xab: {  	s26 =	simm.s32 $execute0_lowered;
	[smem:$0x3FD2] =	sst s25  }
0xac: {  	s6 =	sshll.u32 s26, $0x1;
	_ =	strace $0x80000046;
	[dreg:$0x1] =	wrdreg $0xFFFFFFFF  }
0xad: {  	s28 =	simm.s32 $_size_execute0_lowered;
	s4 =	sadd.s32 s4, s6;
	[dreg:$0x0] =	wrdreg $0x0  }
0xae: {  	s6 =	sshll.u32 s28, $0x1;
	[dreg:$0x2] =	wrdreg s4  }
0xaf: {  	[dreg:$0x3] =	wrdreg s6  }
0xb0: {  	[dreg:$0x4] =	wrdreg $0xC0  }
0xb1: {  	_ =	task [dreg:s8], $0x5FFFF  }
0xb2: {  	[dreg:$0x1] =	wrdreg $0xFFFFFFFF  }
0xb3: {  	[dreg:$0x0] =	wrdreg $0x60  }
0xb4: {  	[dreg:$0x2] =	wrdreg s24  }
0xb5: {  	[dreg:$0x3] =	wrdreg s16  }
0xb6: {  	[dreg:$0x4] =	wrdreg s17  }
0xb7: {  	[dreg:$0x5] =	wrdreg $0x6FE00  }
0xb8: {  	[dreg:$0x6] =	wrdreg $0x9  }
0xb9: {  	_ =	task.clear_ibuf [dreg:s8], $0x7FFFF;
	_ =	strace $0x90000046  }
0xba: {  	s29 =	simm.s32 $0x9;
	_ =	strace $0x80000048  }
0xbb: {  	_ =	swait.ge [sflag:s29], $0x1  }
0xbc: {  	[sflag:s29] =	ssyncadd.s32 $0xFFFFFFFF  }
0xbd: {  	_ =	strace $0x90000048  }
0xbe: {  	_ =	sfence  }
0xbf: {  	s30 =	sld [smem:$0x0];
	_ =	sdelay $0x2  }
0xc0: {  	s31 =	sshll.u32 s1, $0xD;
	s1 =	sshrl.u32 s1, $0x2  }
0xc1: {  	s3 =	sand.u32 $0x4000, s31;
	s1 =	sadd.s32 s1, s30  }
0xc2: {  	s0 =	sor.u32 s3, s0;
	s1 =	sshll.u32 s1, $0x11  }
0xc3: {  	s0 =	sor.u32 s1, s0  }
0xc4: {  	s0 =	sadd.s32 $0x8F2B, s0  }
0xc5: {  	[sflag:s0] =	ssyncadd.remote.s32 $0x1  }
0xc6: {  	_ =	sfence.sel $0xFFFF  }
0xc7: {  	[dreg:$0x0] =	wrdreg $0xFFFFFFFF;
	(pc) =	sbr.abs _section_cstart, $3  }
0xc8: {  	[dreg:$0x1] =	wrdreg $0xFFFFFFFF  }
0xc9: {  	_ =	task.clear_ibuf [dreg:s8], $0x2FFFF;
	_ =	strace $0x9FFFFFFF  }
0xca: {  	(tm) =	ssettm $0x7FFFFFFF  }
0xcb: {  	_ =	shalt  }
tec
execute0_lowered:
.L_overlay_start_1:
0x0: {  	(tag) =	ssettag $0x1  }
0x1: {  	s0 =	rddreg [dreg:$0x0]  }
0x2: {  	s1 =	rddreg [dreg:$0x1]  }
0x3: {  	s2 =	rddreg [dreg:$0x2]  }
0x4: {  	s4 =	rddreg [dreg:$0x3]  }
0x5: {  	s5 =	simm.s32 $0x0;
	s14 =	stileid.u32;
	s7 =	srdreg.scid  }
0x6: {  	s28 =	simm.s32 $0x33E0;
	s29 =	simm.s32 $0xF0;
	s30 =	simm.s32 $0x6  }
0x7: {  	s15 =	simm.s32 $0x56E0;
	[smem:$0x7FF] =	sst s5;
	s3 =	smul.u32 $0xC300, s14  }
0x8: {  	s6 =	sadd.s32 $0x1C00, s0;
	s8 =	sand.u32 $0x1, s7;
	s7 =	sadd.s32 $0x1A400, s0  }
0x9: {  	s12 =	sshll.u32 s14, $0x1;
	s13 =	sadd.s32 $0x37C00, s0;
	s18 =	sshll.u32 s14, $0x6  }
0xa: {  	s19 =	sadd.s32 $0xC3000, s4;
	p0 =	sne.s32 s14, $0xF;
	s14 =	simm.s32 $0x9  }
0xb: {  	_ =	strace $0x80000047;
	s10 =	ssub.s32 $0x2, s8;
	s16 =	sor.u32 s8, s12  }
0xc: {  	[dreg:$0x8] =	wrdreg s19;
	s8 =	smul.u32 $0xC3500, s8;
	s12 =	simm.s32 $0x2  }
0xd: {  	s19 =	simm.s32 $0x0;
	s9 =	sshrl.u32 s3, $0x3;
	s11 =	sshrl.u32 s10, $0x1  }
0xe: {  	s17 =	sadd.s32 s3, s4;
	s9 =	sadd.s32 s9, s0;
	s10 =	ssub.s32 s10, s11  }
0xf: {  	[dreg:$0x5] =	wrdreg s17;
	s11 =	smul.u32 $0x2710, s16;
	s16 =	sor.u32 $0x1C09, s18  }
0x10: {  	s0 =	sadd.s32 $0x37A00, s0;
	s24 =	sadd.s32 s3, s8;
	s25 =	sshrl.u32 s8, $0x3  }
0x11: {  	s3 =	simm.s32 $0x1;
	s8 =	simm.s32 $0x3;
	[dreg:$0x9] =	wrdreg s0  }
0x12: {  	s9 =	sadd.s32 $0x1F400, s9;
	s26 =	sadd.s32 s13, s25;
	[dreg:$0x7] =	wrdreg s16  }
0x13: {  	s31 =	smax.u32 s10, $0x1;
	s25 =	simm.s32 $0x50;
	[dreg:$0x6] =	wrdreg s9  }
0x14: {  	s20 =	sshrl.u32 s11, $0x3;
	s17 =	sadd.s32 $0xA0, s11;
	s18 =	sadd.s32 $0xF0, s11  }
0x15: {  	[dreg:$0x10] =	wrdreg s31;
	s9 =	simm.s32 $0x140;
	s21 =	sadd.s32 s1, s20  }
0x16: {  	s22 =	sadd.s32 s2, s20;
	s0 =	sadd.s32 $0xA, s20;
	[dreg:$0xa] =	wrdreg s21  }
0x17: {  	[dreg:$0xb] =	wrdreg s22;
	s23 =	sadd.s32 s1, s0;
	s0 =	sadd.s32 s2, s0  }
0x18: {  	s11 =	simm.s32 $0x3DE0;
	[dreg:$0xd] =	wrdreg s0;
	s0 =	sshrl.u32 s24, $0x3  }
0x19: {  	[dreg:$0xc] =	wrdreg s23;
	s23 =	simm.s32 $0xA0;
	s0 =	sadd.s32 s13, s0  }
0x1a: {  	v0 =	vimm.f32 $0.0e+00;
	vm0 =	vcmask $0xF00;
	s24 =	simm.s32 $0x5;
	[dreg:$0xe] =	wrdreg s0;
	s0 =	sadd.s32 $0x18600, s26  }
0x1b: {  	v0 =	vsel vm0, $0x3F800000, v0;
	s13 =	simm.s32 $0x4;
	s26 =	simm.s32 $0x1E0;
	[dreg:$0xf] =	wrdreg s0  }
.LBB2_1:
0x1c: {  	[dreg:$0x11] =	wrdreg s19  }
0x1d: {  	s0 =	rddreg [dreg:$0x5]  }
0x1e: {  	s31 =	rddreg [dreg:$0x6];
	s10 =	sshrl.u32 s0, $0x3  }
0x1f: {  	[dreg:$0x12] =	wrdreg s10  }
0x20: {  	[spmem:s10], [sflag:s16] =	dma.local [hbm:s31], $0x1860  }
0x21: {  	_ =	swait.ge [sflag:s14], $0x1860  }
0x22: {  	s0 =	rddreg [dreg:$0x8]  }
0x23: {  	[sflag:s14] =	ssyncset.done $0x0;
	s10 =	sshrl.u32 @!p0 s0, $0x3;
	s0 =	rddreg [dreg:$0x9]  }
0x24: {  	[sflag:s14] =	ssyncadd.s32 $0xFFFFE7A0;
	[dreg:$0x13] =	wrdreg s10  }
0x25: {  	[spmem:s10], [sflag:s16] =	dma.local @!p0 [hbm:s0], $0xA0  }
0x26: {  	s0 =	simm.s32 @!p0 $0x9  }
0x27: {  	_ =	swait.ge @!p0 [sflag:s0], $0xA0  }
0x28: {  	[sflag:s0] =	ssyncset.done @!p0 $0x0  }
0x29: {  	[sflag:s0] =	ssyncadd.s32 @!p0 $0xFFFFFF60  }
0x2a: {  	[bflag:$0x0] =	sbarrier.arrive $0xFFFF  }
0x2b: {  	s16 =	rddreg [dreg:$0xa]  }
0x2c: {  	[tilespmem:s5], [sflag:$0x5] =	stream.linear.gather [hbm4b:s16+s5], $0x50, $0x38;
	[tilespmem:$0x13330] =	vst v63  }
0x2d: {  	s19 =	rddreg [dreg:$0xb]  }
0x2e: {  	[tilespmem:s23], [sflag:$0x5] =	stream.linear.gather [hbm4b:s19+s5], $0x50, $0x38;
	[tilespmem:$0x13330] =	vst v63  }
0x2f: {  	_ =	swait.ge [sflag:s24], $0x50  }
0x30: {  	[sflag:s24] =	ssyncset.done $0x0  }
0x31: {  	[sflag:s24] =	ssyncadd.s32 $0xFFFFFFB0  }
0x32: {  	_ =	swait.ge [sflag:s24], $0x50  }
0x33: {  	[sflag:s24] =	ssyncset.done $0x0  }
0x34: {  	[sflag:s24] =	ssyncadd.s32 $0xFFFFFFB0  }
0x35: {  	[tilespmem:s26], [sflag:$0x1] =	stream.indirect.gather [hbm4b:s6+s25], $0x50, s5, s25, $0xb8;
	[tilespmem:$0x13330] =	vst v63  }
0x36: {  	_ = 	snop  }
0x37: {  	[tilespmem:s28], [sflag:$0x3] =	stream.indirect.gather [hbm4b:s7+s25], $0x10, s23, s25, $0xb8;
	[tilespmem:$0x13330] =	vst v63  }
0x38: {  	s20 =	rddreg [dreg:$0xc]  }
0x39: {  	[tilespmem:s25], [sflag:$0x6] =	stream.linear.gather [hbm4b:s20+s5], $0x50, $0x38;
	[tilespmem:$0x13330] =	vst v63  }
0x3a: {  	s21 =	rddreg [dreg:$0xd]  }
0x3b: {  	[tilespmem:s29], [sflag:$0x6] =	stream.linear.gather [hbm4b:s21+s5], $0x50, $0x38;
	[tilespmem:$0x13330] =	vst v63  }
0x3c: {  	_ =	swait.ge [sflag:s30], $0x50  }
0x3d: {  	[sflag:s30] =	ssyncset.done $0x0  }
0x3e: {  	[sflag:s30] =	ssyncadd.s32 $0xFFFFFFB0  }
0x3f: {  	_ =	swait.ge [sflag:s30], $0x50  }
0x40: {  	[sflag:s30] =	ssyncset.done $0x0  }
0x41: {  	s22 =	simm.s32 $0x1AE0;
	[sflag:s30] =	ssyncadd.s32 $0xFFFFFFB0  }
0x42: {  	[tilespmem:s22], [sflag:$0x2] =	stream.indirect.gather [hbm4b:s6+s25], $0x50, s25, s25, $0xb8;
	[tilespmem:$0x13330] =	vst v63  }
0x43: {  	s31 =	simm.s32 $0x38E0;
	s22 =	simm.s32 $0x0  }
0x44: {  	[tilespmem:s31], [sflag:$0x4] =	stream.indirect.gather [hbm4b:s7+s25], $0x10, s29, s25, $0xb8;
	[tilespmem:$0x13330] =	vst v63  }
.LBB2_2:
0x45: {  	_ =	swait.ge [sflag:s3], $0x1900  }
0x46: {  	[sflag:s3] =	ssyncset.done $0x0  }
0x47: {  	[sflag:s3] =	ssyncadd.s32 $0xFFFFE700  }
0x48: {  	_ =	swait.ge [sflag:s8], $0x500  }
0x49: {  	p1 =	seq.s32 s22, $0x0;
	[sflag:s8] =	ssyncset.done $0x0  }
0x4a: {  	s0 =	simm.s32 @!p1 $0x7;
	[sflag:s8] =	ssyncadd.s32 $0xFFFFFB00  }
0x4b: {  	_ =	swait.ge @!p1 [sflag:s0], $0x1900  }
0x4c: {  	[sflag:s0] =	ssyncset.done @!p1 $0x0  }
0x4d: {  	[sflag:s0] =	ssyncadd.s32 @!p1 $0xFFFFE700  }
0x4e: {  	v1 =	vld [tilespmem:$0xA0]  }
0x4f: {  	v2 =	vld [tilespmem:$0xB0]  }
0x50: {  	v3 =	vld [tilespmem:$0xC0]  }
0x51: {  	v4 =	vld [tilespmem:$0xD0]  }
0x52: {  	v5 =	vld [tilespmem:$0xE0]  }
0x53: {  	s16 =	smul.u32 $0xA0, s22;
	[tilespmem:$0x140] =	vst v1  }
0x54: {  	[tilespmem:$0x150] =	vst v2  }
0x55: {  	s10 =	sadd.s32 s16, s17;
	[tilespmem:$0x160] =	vst v3  }
0x56: {  	s0 =	sshrl.u32 s10, $0x3;
	[tilespmem:$0x170] =	vst v4  }
0x57: {  	s10 =	sadd.s32 s1, s0;
	[tilespmem:$0x180] =	vst v5  }
0x58: {  	[tilespmem:s5], [sflag:$0x5] =	stream.linear.gather [hbm4b:s10+s5], $0x50, $0x38;
	[tilespmem:$0x13330] =	vst v63  }
0x59: {  	s14 =	simm.s32 $0x3420;
	s0 =	sadd.s32 s2, s0  }
0x5a: {  	[tilespmem:s23], [sflag:$0x5] =	stream.linear.gather [hbm4b:s0+s5], $0x50, $0x38;
	[tilespmem:$0x13330] =	vst v63  }
0x5b: {  	s19 =	simm.s32 $0x320;
	v1 =	vld [tilespmem:s14+$0x30]  }
0x5c: {  	v2 =	vld [tilespmem:s19+$0x130]  }
0x5d: {  	v3 =	vld [tilespmem:s19+$0xE0]  }
0x5e: {  	v4 =	vld [tilespmem:s14+$0x20];
	_ =	sdelay $0x2  }
0x5f: {  	v5 =	vld [tilespmem:s14+$0x10]  }
0x60: {  	v1 =	vadd.f32 v1, v2;
	v2 =	vld [tilespmem:s19+$0x90]  }
0x61: {  	v3 =	vadd.f32 v4, v3  }
0x62: {  	v4 =	vmul.f32 $2.000000030e-01, v1  }
0x63: {  	v6 =	vmul.f32 $2.000000030e-01, v3  }
0x64: {  	v1 =	vmax.f32 v1, v4  }
0x65: {  	v3 =	vmax.f32 v3, v6;
	v1 =	vmul.f32 $1.442695020e+00, v1;
	v2 =	vadd.f32 v5, v2  }
0x66: {  	v4 =	vld [tilespmem:s14+$0x0];
	v3 =	vmul.f32 $1.442695020e+00, v3  }
0x67: {  	v5 =	vld [tilespmem:s19+$0x40];
	(erf) = vpow2.f32 v1;
	v1 =	vmul.f32 $2.000000030e-01, v2;
	_ =	sdelay $0x1  }
0x68: {  	(erf) = vpow2.f32 v3;
	v1 =	vmax.f32 v2, v1  }
0x69: {  	v1 =	vmul.f32 $1.442695020e+00, v1;
	_ =	sdelay $0x1  }
0x6a: {  	v2 =	vld [tilespmem:s19+$0xFFFFFF50];
	(erf) = vpow2.f32 v1;
	v1 =	vadd.f32 v4, v5  }
0x6b: {  	v4 =	vld [tilespmem:s14+$0xFFFFFFD0]  }
0x6c: {  	v7 =	vld [tilespmem:s14+$0xFFFFFFF0];
	v6 =	vmul.f32 $2.000000030e-01, v1  }
0x6d: {  	v5 =	vld [tilespmem:s19+$0xFFFFFFF0]  }
0x6e: {  	v8 =	vld [tilespmem:s14+$0xFFFFFFC0]  }
0x6f: {  	v3 =	vld [tilespmem:s19+$0xFFFFFF00];
	v9 =	vpop (erf);
	v1 =	vmax.f32 v1, v6  }
0x70: {  	v1 =	vmul.f32 $1.442695020e+00, v1;
	v2 =	vadd.f32 v4, v2;
	v6 =	vpop (erf)  }
0x71: {  	v11 =	vmul.f32 v0, v6  }
0x72: {  	(erf) = vpow2.f32 v1;
	v1 =	vadd.f32 v7, v5;
	v5 =	vmul.f32 $2.000000030e-01, v2  }
0x73: {  	s10 =	simm.s32 $0x3F20;
	v10 =	vld [tilespmem:s14+$0xFFFFFFE0]  }
0x74: {  	v3 =	vadd.f32 v8, v3;
	v4 =	vld [tilespmem:s19+$0xFFFFFFA0];
	[tilespmem:s10+$0xE0] =	vst v11;
	v6 =	vpop (erf);
	v8 =	vmul.f32 $2.000000030e-01, v1;
	v2 =	vmax.f32 v2, v5  }
0x75: {  	v7 =	vld [tilespmem:s19+$0xA0];
	v12 =	vmul.f32 v0, v6;
	v2 =	vmul.f32 $1.442695020e+00, v2  }
0x76: {  	s20 =	simm.s32 $0x34A0;
	v5 =	vmul.f32 $2.000000030e-01, v3  }
0x77: {  	v15 =	vld [tilespmem:s20+$0x20];
	v1 =	vmax.f32 v1, v8;
	[tilespmem:s10+$0x90] =	vst v12;
	(erf) = vpow2.f32 v2  }
0x78: {  	v6 =	vbroadcast v11, $0x0;
	v3 =	vmax.f32 v3, v5;
	v1 =	vmul.f32 $1.442695020e+00, v1;
	v5 =	vld [tilespmem:s19+$0x50]  }
0x79: {  	s21 =	simm.s32 $0x5A0;
	v4 =	vadd.f32 v10, v4;
	v10 =	vld [tilespmem:s20+$0x30];
	v3 =	vmul.f32 $1.442695020e+00, v3  }
0x7a: {  	v2 =	vld [tilespmem:s21+$0x130];
	(erf) = vpow2.f32 v1;
	v6 =	vmul.f32 v6, v7  }
0x7b: {  	v20 =	vld [tilespmem:s21+$0x90];
	v8 =	vmul.f32 $2.000000030e-01, v4;
	v1 =	vbroadcast v12, $0x0  }
0x7c: {  	v22 =	vld [tilespmem:s20+$0xFFFFFFE0];
	v9 =	vmul.f32 v0, v9;
	[tilespmem:s10+$0xA0] =	vst v6  }
0x7d: {  	v13 =	vpop (erf);
	(erf) = vpow2.f32 v3;
	v3 =	vmax.f32 v4, v8;
	v4 =	vld [tilespmem:s19+$0xB0];
	v1 =	vmul.f32 v1, v5  }
0x7e: {  	v29 =	vld [tilespmem:s20+$0xFFFFFFC0];
	v23 =	vbroadcast v9, $0x0;
	v13 =	vmul.f32 v0, v13  }
0x7f: {  	v30 =	vld [tilespmem:s20+$0xFFFFFFF0];
	v21 =	vbroadcast v11, $0x2;
	v14 =	vbroadcast v12, $0x2;
	v2 =	vadd.f32 v10, v2;
	[tilespmem:s10+$0x50] =	vst v1  }
0x80: {  	v17 =	vbroadcast v12, $0x3;
	v5 =	vbroadcast v11, $0x1;
	[tilespmem:s10+$0x40] =	vst v13;
	v18 =	vld [tilespmem:s19+$0x60];
	v19 =	vpop (erf)  }
0x81: {  	v16 =	vld [tilespmem:s19+$0x0];
	v1 =	vmul.f32 $2.000000030e-01, v2;
	v19 =	vmul.f32 v0, v19  }
0x82: {  	[tilespmem:s10+$0x130] =	vst v9;
	v12 =	vbroadcast v12, $0x1;
	v4 =	vmul.f32 v5, v4;
	v5 =	vld [tilespmem:s20+$0x10]  }
0x83: {  	v8 =	vld [tilespmem:s21+$0xE0];
	v3 =	vmul.f32 $1.442695020e+00, v3;
	v11 =	vbroadcast v11, $0x3;
	v1 =	vmax.f32 v2, v1;
	v2 =	vpop (erf);
	[tilespmem:s10+$0xFFFFFF50] =	vst v19  }
0x84: {  	v10 =	vbroadcast v13, $0x0;
	v24 =	vmul.f32 v0, v2;
	[tilespmem:s10+$0xB0] =	vst v4;
	v4 =	vld [tilespmem:s19+$0xF0]  }
0x85: {  	(erf) = vpow2.f32 v3;
	v12 =	vmul.f32 v12, v18;
	v18 =	vld [tilespmem:s19+$0xFFFFFF10]  }
0x86: {  	v32 =	vld [tilespmem:s20+$0x0];
	v28 =	vbroadcast v13, $0x1;
	v10 =	vmul.f32 v10, v16;
	[tilespmem:s10+$0xFFFFFFF0] =	vst v24  }
0x87: {  	v31 =	vbroadcast v13, $0x2;
	v1 =	vmul.f32 $1.442695020e+00, v1;
	v16 =	vpop (erf);
	v26 =	vld [tilespmem:s19+$0xFFFFFFB0];
	v5 =	vadd.f32 v5, v20  }
0x88: {  	v58 =	vld [tilespmem:s21+$0x40];
	v25 =	vbroadcast v19, $0x0;
	v16 =	vmul.f32 v0, v16;
	[tilespmem:s10+$0x0] =	vst v10  }
0x89: {  	v8 =	vadd.f32 v15, v8;
	v27 =	vbroadcast v24, $0x0;
	v10 =	vld [tilespmem:s19+$0x10];
	v15 =	vmul.f32 $2.000000030e-01, v5  }
0x8a: {  	v60 =	vld [tilespmem:s20+$0xFFFFFFD0];
	[tilespmem:s10+$0xFFFFFF00] =	vst v16;
	v4 =	vmul.f32 v23, v4;
	v18 =	vmul.f32 v25, v18  }
0x8b: {  	v2 =	vbroadcast v9, $0x3;
	v34 =	vbroadcast v19, $0x2;
	v23 =	vld [tilespmem:s19+$0xFFFFFEC0]  }
0x8c: {  	v3 =	vld [tilespmem:s19+$0xC0];
	v5 =	vmax.f32 v5, v15;
	v15 =	vmul.f32 $2.000000030e-01, v8;
	[tilespmem:s10+$0xF0] =	vst v4;
	v26 =	vmul.f32 v27, v26  }
0x8d: {  	v7 =	vld [tilespmem:s21+$0xFFFFFF50];
	(erf) = vpow2.f32 v1;
	v1 =	vbroadcast v19, $0x3;
	[tilespmem:s10+$0xFFFFFF10] =	vst v18  }
0x8e: {  	v28 =	vmul.f32 v28, v10;
	v10 =	vld [tilespmem:s19+$0x100];
	v4 =	vmax.f32 v8, v15;
	v8 =	vbroadcast v16, $0x0;
	[tilespmem:s10+$0xFFFFFFB0] =	vst v26;
	v18 =	vpop (erf)  }
0x8f: {  	v33 =	vbroadcast v24, $0x1;
	[tilespmem:s10+$0x60] =	vst v12;
	v26 =	vld [tilespmem:s19+$0xFFFFFFC0];
	v18 =	vmul.f32 v0, v18  }
0x90: {  	v4 =	vmul.f32 $1.442695020e+00, v4;
	v8 =	vmul.f32 v8, v23;
	v23 =	vld [tilespmem:s19+$0x70]  }
0x91: {  	v20 =	vld [tilespmem:s21+$0xFFFFFFF0];
	v3 =	vmul.f32 v21, v3;
	v5 =	vmul.f32 $1.442695020e+00, v5;
	[tilespmem:s10+$0xFFFFFFA0] =	vst v18  }
0x92: {  	v27 =	vbroadcast v19, $0x1;
	(erf) = vpow2.f32 v4;
	[tilespmem:s10+$0xFFFFFEC0] =	vst v8;
	v8 =	vld [tilespmem:s19+$0xFFFFFF60]  }
0x93: {  	v15 =	vbroadcast v9, $0x1;
	[tilespmem:s10+$0x10] =	vst v28;
	(erf) = vpow2.f32 v5;
	v5 =	vld [tilespmem:s19+$0xFFFFFED0]  }
0x94: {  	v59 =	vld [tilespmem:s19+$0x20];
	v21 =	vbroadcast v18, $0x0;
	v26 =	vmul.f32 v33, v26  }
0x95: {  	[tilespmem:s10+$0xC0] =	vst v3;
	v12 =	vld [tilespmem:s19+$0xFFFFFF20];
	v15 =	vmul.f32 v15, v10;
	v14 =	vmul.f32 v14, v23  }
0x96: {  	v25 =	vld [tilespmem:s21+$0xFFFFFFA0];
	v4 =	vbroadcast v18, $0x3;
	v23 =	vbroadcast v16, $0x1;
	[tilespmem:s10+$0xFFFFFFC0] =	vst v26  }
0x97: {  	v10 =	vbroadcast v9, $0x2;
	[tilespmem:s10+$0x70] =	vst v14;
	v14 =	vld [tilespmem:s19+$0xD0];
	v3 =	vmul.f32 v21, v8  }
0x98: {  	v9 =	vbroadcast v16, $0x3;
	[tilespmem:s10+$0x100] =	vst v15;
	v35 =	vld [tilespmem:s19+$0xFFFFFFD0];
	v21 =	vmul.f32 v23, v5  }
0x99: {  	v15 =	vmul.f32 v31, v59;
	v19 =	vld [tilespmem:s19+$0x80];
	v23 =	vbroadcast v16, $0x2;
	[tilespmem:s10+$0xFFFFFF60] =	vst v3  }
0x9a: {  	v16 =	vmul.f32 v27, v12;
	v12 =	vbroadcast v13, $0x3;
	v13 =	vadd.f32 v32, v58;
	[tilespmem:s10+$0xFFFFFED0] =	vst v21;
	v21 =	vld [tilespmem:s19+$0xFFFFFF70]  }
0x9b: {  	v8 =	vbroadcast v24, $0x3;
	v5 =	vpop (erf);
	v24 =	vbroadcast v24, $0x2;
	v27 =	vld [tilespmem:s19+$0xFFFFFEE0]  }
0x9c: {  	v6 =	vld [tilespmem:s21+$0xFFFFFF00];
	[tilespmem:s10+$0xFFFFFF20] =	vst v16;
	v61 =	vmul.f32 $2.000000030e-01, v13;
	v3 =	vpop (erf);
	v11 =	vmul.f32 v14, v11  }
0x9d: {  	v26 =	vbroadcast v18, $0x1;
	[tilespmem:s10+$0x20] =	vst v15;
	v16 =	vadd.f32 v30, v20;
	v63 =	vld [tilespmem:s19+$0xFFFFFF30];
	v3 =	vmul.f32 v0, v3  }
0x9e: {  	s20 =	simm.s32 $0x41A0;
	v14 =	vld [tilespmem:s19+$0x110];
	v13 =	vmax.f32 v13, v61;
	v62 =	vmul.f32 v19, v17;
	v19 =	vmul.f32 v24, v35;
	[tilespmem:s10+$0xD0] =	vst v11  }
0x9f: {  	v20 =	vadd.f32 v22, v25;
	v24 =	vmul.f32 $1.442695020e+00, v13;
	v11 =	vld [tilespmem:s19+$0x30];
	[tilespmem:s20+$0xE0] =	vst v3;
	v21 =	vmul.f32 v26, v21  }
0xa0: {  	v15 =	vbroadcast v3, $0x0;
	[tilespmem:s10+$0xFFFFFFD0] =	vst v19;
	v17 =	vld [tilespmem:s21+$0xA0];
	v25 =	vmul.f32 v23, v27  }
0xa1: {  	v22 =	vadd.f32 v60, v7;
	(erf) = vpow2.f32 v24;
	v26 =	vmul.f32 $2.000000030e-01, v20;
	v13 =	vld [tilespmem:s19+$0xFFFFFFE0];
	[tilespmem:s10+$0xFFFFFF70] =	vst v21  }
0xa2: {  	v6 =	vadd.f32 v29, v6;
	v19 =	vbroadcast v18, $0x2;
	v23 =	vmul.f32 $2.000000030e-01, v16;
	[tilespmem:s10+$0xFFFFFEE0] =	vst v25;
	v7 =	vld [tilespmem:s19+$0xFFFFFF80]  }
0xa3: {  	s31 =	simm.s32 $0x8;
	s0 =	simm.s32 $0x3520;
	s14 =	simm.s32 $0x820;
	v18 =	vpop (erf);
	[tilespmem:s10+$0x80] =	vst v62;
	v24 =	vmul.f32 v34, v63;
	v25 =	vmul.f32 $2.000000030e-01, v22;
	v21 =	vmax.f32 v20, v26;
	v20 =	vld [tilespmem:s19+$0xFFFFFEF0]  }
.LBB2_3:
0xa4: {  	v26 =	vld [tilespmem:s0+$0x30];
	s31 =	sadd.s32 $0x8, s31;
	v27 =	vmul.f32 $2.000000030e-01, v6;
	v16 =	vmax.f32 v16, v23;
	v18 =	vmul.f32 v0, v18  }
0xa5: {  	v15 =	vmul.f32 v15, v17;
	v23 =	vld [tilespmem:s14+$0x130];
	p2 =	slt.u32 s31, $0x48;
	v22 =	vmax.f32 v22, v25;
	v16 =	vmul.f32 $1.442695020e+00, v16;
	[tilespmem:s10+$0xFFFFFF30] =	vst v24  }
0xa6: {  	v10 =	vmul.f32 v10, v14;
	v17 =	vmax.f32 v6, v27;
	v22 =	vmul.f32 $1.442695020e+00, v22;
	[tilespmem:s20+$0x90] =	vst v18;
	v24 =	vld [tilespmem:s19+$0xFFFFFF40]  }
0xa7: {  	v6 =	vld [tilespmem:s14+$0xFFFFFF50];
	v14 =	vmul.f32 $1.442695020e+00, v17;
	[tilespmem:s20+$0xA0] =	vst v15;
	v7 =	vmul.f32 v19, v7  }
0xa8: {  	v15 =	vmul.f32 $1.442695020e+00, v21;
	v17 =	vld [tilespmem:s21+$0x50];
	v9 =	vmul.f32 v20, v9;
	[tilespmem:s10+$0x110] =	vst v10  }
0xa9: {  	v10 =	vmul.f32 v11, v12;
	(erf) = vpow2.f32 v22;
	[tilespmem:s10+$0xFFFFFF80] =	vst v7;
	v11 =	vld [tilespmem:s19+$0x120]  }
0xaa: {  	v8 =	vmul.f32 v13, v8;
	v19 =	vbroadcast v3, $0x1;
	[tilespmem:s10+$0xFFFFFEF0] =	vst v9;
	v9 =	vld [tilespmem:s19+$0xFFFFFF90];
	s19 =	smov.u32 s21;
	s21 =	smov.u32 s14  }
0xab: {  	v13 =	vbroadcast v18, $0x0;
	v7 =	vld [tilespmem:s14+$0xFFFFFF00];
	(erf) = vpow2.f32 v16;
	v12 =	vpop (erf);
	[tilespmem:s10+$0x30] =	vst v10  }
0xac: {  	v12 =	vmul.f32 v0, v12;
	v10 =	vld [tilespmem:s19+$0xB0];
	(erf) = vpow2.f32 v14;
	[tilespmem:s10+$0xFFFFFFE0] =	vst v8  }
0xad: {  	v8 =	vbroadcast v18, $0x2;
	v14 =	vld [tilespmem:s14+$0xE0];
	v13 =	vmul.f32 v13, v17  }
0xae: {  	v16 =	vld [tilespmem:s0+$0x20];
	[tilespmem:s20+$0x40] =	vst v12;
	v17 =	vbroadcast v12, $0x0;
	v2 =	vmul.f32 v11, v2  }
0xaf: {  	v22 =	vmul.f32 v0, v5;
	v20 =	vadd.f32 v26, v23;
	v21 =	vld [tilespmem:s19+$0x0];
	[tilespmem:s20+$0x50] =	vst v13;
	v4 =	vmul.f32 v9, v4  }
0xb0: {  	v1 =	vmul.f32 v24, v1;
	v13 =	vbroadcast v18, $0x3;
	v11 =	vld [tilespmem:s0+$0xFFFFFFE0];
	[tilespmem:s10+$0x120] =	vst v2  }
0xb1: {  	v25 =	vmul.f32 $2.000000030e-01, v20;
	v5 =	vld [tilespmem:s19+$0x60];
	v9 =	vmul.f32 v19, v10;
	[tilespmem:s20+$0x130] =	vst v22  }
0xb2: {  	v18 =	vbroadcast v18, $0x1;
	v10 =	vld [tilespmem:s0+$0x10];
	v19 =	vpop (erf);
	[tilespmem:s10+$0xFFFFFF90] =	vst v4  }
0xb3: {  	v25 =	vmax.f32 v20, v25;
	v20 =	vbroadcast v3, $0x2;
	v4 =	vld [tilespmem:s14+$0x90];
	v19 =	vmul.f32 v0, v19;
	[tilespmem:s10+$0xFFFFFF40] =	vst v1;
	s10 =	smov.u32 s20  }
0xb4: {  	v23 =	vbroadcast v22, $0x0;
	v1 =	vmul.f32 $1.442695020e+00, v25;
	[tilespmem:s20+$0xB0] =	vst v9;
	v9 =	vld [tilespmem:s19+$0xF0];
	v2 =	vpop (erf)  }
0xb5: {  	v17 =	vmul.f32 v17, v21;
	[tilespmem:s20+$0xFFFFFF50] =	vst v19;
	v21 =	vld [tilespmem:s19+$0xC0];
	v24 =	vpop (erf);
	(erf) = vpow2.f32 v15  }
0xb6: {  	v14 =	vadd.f32 v16, v14;
	v15 =	vmul.f32 v0, v24;
	v16 =	vld [tilespmem:s19+$0xFFFFFF10];
	v5 =	vmul.f32 v18, v5  }
0xb7: {  	v25 =	vmul.f32 v0, v2;
	v24 =	vld [tilespmem:s14+$0xFFFFFFF0];
	[tilespmem:s20+$0x0] =	vst v17;
	v17 =	vbroadcast v3, $0x3  }
0xb8: {  	v3 =	vadd.f32 v10, v4;
	(erf) = vpow2.f32 v1;
	[tilespmem:s20+$0xFFFFFF00] =	vst v15;
	v1 =	vbroadcast v19, $0x3;
	v4 =	vld [tilespmem:s19+$0x10]  }
0xb9: {  	v2 =	vbroadcast v22, $0x3;
	v18 =	vbroadcast v19, $0x0;
	v10 =	vld [tilespmem:s19+$0xFFFFFEC0];
	[tilespmem:s20+$0xFFFFFFF0] =	vst v25  }
0xba: {  	v26 =	vmul.f32 $2.000000030e-01, v3;
	v27 =	vld [tilespmem:s19+$0xFFFFFFB0];
	[tilespmem:s20+$0x60] =	vst v5;
	v5 =	vmul.f32 v23, v9  }
0xbb: {  	v31 =	vbroadcast v12, $0x1;
	v9 =	vbroadcast v25, $0x0;
	v28 =	vld [tilespmem:s0+$0xFFFFFFC0]  }
0xbc: {  	v16 =	vmul.f32 v18, v16;
	v29 =	vld [tilespmem:s14+$0xFFFFFFA0];
	v3 =	vmax.f32 v3, v26;
	v26 =	vmul.f32 $2.000000030e-01, v14  }
0xbd: {  	v30 =	vld [tilespmem:s0+$0xFFFFFFF0];
	v3 =	vmul.f32 $1.442695020e+00, v3;
	v4 =	vmul.f32 v31, v4;
	[tilespmem:s20+$0xF0] =	vst v5  }
0xbe: {  	v18 =	vbroadcast v22, $0x1;
	v5 =	vmax.f32 v14, v26;
	v14 =	vbroadcast v15, $0x0;
	[tilespmem:s20+$0xFFFFFF10] =	vst v16;
	v16 =	vld [tilespmem:s19+$0x100];
	v23 =	vpop (erf)  }
0xbf: {  	s20 =	sadd.s32 $0x280, s20;
	v26 =	vmul.f32 $1.442695020e+00, v5;
	v31 =	vld [tilespmem:s19+$0xFFFFFF20];
	v9 =	vmul.f32 v9, v27;
	[tilespmem:s10+$0x10] =	vst v4  }
0xc0: {  	v32 =	vbroadcast v19, $0x1;
	v33 =	vmul.f32 v0, v23;
	v27 =	vld [tilespmem:s0+$0x0]  }
0xc1: {  	v20 =	vmul.f32 v20, v21;
	v4 =	vmul.f32 v14, v10;
	v5 =	vpop (erf);
	[tilespmem:s10+$0xFFFFFFB0] =	vst v9;
	v14 =	vld [tilespmem:s19+$0x70]  }
0xc2: {  	v21 =	vbroadcast v33, $0x0;
	(erf) = vpow2.f32 v26;
	[tilespmem:s10+$0xFFFFFFA0] =	vst v33;
	v23 =	vld [tilespmem:s19+$0xFFFFFFC0]  }
0xc3: {  	v34 =	vbroadcast v12, $0x2;
	[tilespmem:s10+$0xFFFFFEC0] =	vst v4;
	v26 =	vld [tilespmem:s19+$0xFFFFFF60];
	v9 =	vmul.f32 v18, v16  }
0xc4: {  	v4 =	vbroadcast v33, $0x3;
	(erf) = vpow2.f32 v3;
	v3 =	vld [tilespmem:s19+$0xFFFFFED0]  }
0xc5: {  	v10 =	vbroadcast v22, $0x2;
	v18 =	vbroadcast v25, $0x1;
	v16 =	vld [tilespmem:s14+$0x40];
	[tilespmem:s10+$0x100] =	vst v9  }
0xc6: {  	v9 =	vbroadcast v15, $0x3;
	v22 =	vmul.f32 v8, v14;
	v14 =	vld [tilespmem:s19+$0x110]  }
0xc7: {  	v35 =	vbroadcast v15, $0x1;
	v18 =	vmul.f32 v18, v23;
	v23 =	vld [tilespmem:s19+$0x20];
	[tilespmem:s10+$0xC0] =	vst v20  }
0xc8: {  	v8 =	vbroadcast v25, $0x3;
	v20 =	vmul.f32 v21, v26;
	[tilespmem:s10+$0x70] =	vst v22;
	v21 =	vld [tilespmem:s19+$0xD0]  }
0xc9: {  	v26 =	vbroadcast v19, $0x2;
	v3 =	vmul.f32 v35, v3;
	[tilespmem:s10+$0xFFFFFFC0] =	vst v18;
	v19 =	vld [tilespmem:s19+$0x80]  }
0xca: {  	v22 =	vbroadcast v15, $0x2;
	[tilespmem:s10+$0xFFFFFF60] =	vst v20;
	v20 =	vbroadcast v33, $0x1;
	v35 =	vld [tilespmem:s19+$0xFFFFFFD0]  }
0xcb: {  	v12 =	vbroadcast v12, $0x3;
	v31 =	vmul.f32 v32, v31;
	v15 =	vpop (erf);
	[tilespmem:s10+$0xFFFFFED0] =	vst v3;
	v32 =	vld [tilespmem:s19+$0xFFFFFF70]  }
0xcc: {  	v27 =	vadd.f32 v27, v16;
	v3 =	vmul.f32 v0, v15;
	v36 =	vld [tilespmem:s19+$0xFFFFFEE0];
	v15 =	vmul.f32 v34, v23  }
0xcd: {  	v25 =	vbroadcast v25, $0x2;
	v23 =	vld [tilespmem:s0+$0xFFFFFFD0];
	v18 =	vpop (erf);
	[tilespmem:s10+$0xFFFFFF20] =	vst v31;
	v21 =	vmul.f32 v21, v17  }
0xce: {  	v16 =	vadd.f32 v30, v24;
	v17 =	vmul.f32 $2.000000030e-01, v27;
	v24 =	vld [tilespmem:s19+$0xFFFFFF30];
	[tilespmem:s10+$0x20] =	vst v15;
	v30 =	vmul.f32 v19, v13  }
0xcf: {  	v15 =	vbroadcast v3, $0x0;
	[tilespmem:s20+$0xE0] =	vst v3;
	v13 =	vmul.f32 v25, v35  }
.Ltmp0:
0xd0: {  	v29 =	vadd.f32 v11, v29;
	v11 =	vmax.f32 v27, v17;
	v17 =	vld [tilespmem:s14+$0xA0];
	v19 =	vmul.f32 v20, v32;
	[tilespmem:s10+$0xD0] =	vst v21;
	(pc) =	sbr.rel @p2 .LBB2_3-.Ltmp0, $4  }
0xd1: {  	v20 =	vmul.f32 $1.442695020e+00, v11;
	v21 =	vmul.f32 v22, v36;
	[tilespmem:s10+$0xFFFFFFD0] =	vst v13;
	v11 =	vld [tilespmem:s19+$0x30]  }
0xd2: {  	v27 =	vmul.f32 $2.000000030e-01, v29;
	v22 =	vadd.f32 v23, v6;
	v23 =	vmul.f32 $2.000000030e-01, v16;
	[tilespmem:s10+$0xFFFFFF70] =	vst v19;
	v13 =	vld [tilespmem:s19+$0xFFFFFFE0]  }
0xd3: {  	v6 =	vadd.f32 v28, v7;
	v19 =	vbroadcast v33, $0x2;
	(erf) = vpow2.f32 v20;
	[tilespmem:s10+$0xFFFFFEE0] =	vst v21;
	v7 =	vld [tilespmem:s19+$0xFFFFFF80]  }
0xd4: {  	s0 =	sadd.s32 $0x80, s0;
	s14 =	sadd.s32 $0x280, s14;
	v21 =	vmax.f32 v29, v27;
	v24 =	vmul.f32 v26, v24;
	v25 =	vmul.f32 $2.000000030e-01, v22;
	v20 =	vld [tilespmem:s19+$0xFFFFFEF0];
	[tilespmem:s10+$0x80] =	vst v30  }
0xd5: {  	_ = 	snop  }
0xd6: {  	v26 =	vmul.f32 $2.000000030e-01, v6;
	v22 =	vmax.f32 v22, v25  }
0xd7: {  	v16 =	vmax.f32 v16, v23;
	v22 =	vmul.f32 $1.442695020e+00, v22  }
0xd8: {  	v16 =	vmul.f32 $1.442695020e+00, v16;
	v6 =	vmax.f32 v6, v26  }
0xd9: {  	v6 =	vmul.f32 $1.442695020e+00, v6;
	(erf) = vpow2.f32 v22  }
0xda: {  	(erf) = vpow2.f32 v16  }
0xdb: {  	(erf) = vpow2.f32 v6  }
0xdc: {  	v6 =	vmul.f32 v0, v18  }
0xdd: {  	v10 =	vmul.f32 v10, v14;
	[tilespmem:s10+$0xFFFFFF30] =	vst v24;
	v16 =	vmul.f32 $1.442695020e+00, v21  }
0xde: {  	v9 =	vmul.f32 v20, v9;
	[tilespmem:s20+$0x90] =	vst v6  }
0xdf: {  	[tilespmem:s10+$0x110] =	vst v10;
	v7 =	vmul.f32 v19, v7;
	(erf) = vpow2.f32 v16;
	v14 =	vld [tilespmem:s21+$0x50]  }
0xe0: {  	v15 =	vmul.f32 v15, v17;
	[tilespmem:s10+$0xFFFFFEF0] =	vst v9;
	v9 =	vbroadcast v6, $0x0  }
0xe1: {  	[tilespmem:s10+$0xFFFFFF80] =	vst v7;
	v7 =	vmul.f32 v11, v12;
	v11 =	vld [tilespmem:s19+$0x120];
	v10 =	vpop (erf)  }
0xe2: {  	[tilespmem:s20+$0xA0] =	vst v15;
	v8 =	vmul.f32 v13, v8;
	v12 =	vpop (erf)  }
0xe3: {  	[tilespmem:s10+$0x30] =	vst v7;
	v7 =	vmul.f32 v0, v10;
	v10 =	vpop (erf)  }
0xe4: {  	[tilespmem:s10+$0xFFFFFFE0] =	vst v8;
	v8 =	vmul.f32 v9, v14;
	v9 =	vpop (erf)  }
0xe5: {  	[tilespmem:s20+$0x40] =	vst v7;
	v9 =	vmul.f32 v0, v9  }
0xe6: {  	v13 =	vld [tilespmem:s19+$0xFFFFFF90];
	v2 =	vmul.f32 v11, v2;
	[tilespmem:s20+$0x50] =	vst v8  }
0xe7: {  	v10 =	vmul.f32 v0, v10;
	v8 =	vld [tilespmem:s19+$0xFFFFFF40];
	[tilespmem:s20+$0xFFFFFF00] =	vst v9  }
0xe8: {  	v5 =	vmul.f32 v0, v5;
	[tilespmem:s10+$0x120] =	vst v2;
	v11 =	vpop (erf);
	v2 =	vld [tilespmem:s21+$0xFFFFFEC0]  }
0xe9: {  	v14 =	vld [tilespmem:s21+$0x0];
	[tilespmem:s20+$0xFFFFFFF0] =	vst v10;
	v11 =	vmul.f32 v0, v11  }
0xea: {  	[tilespmem:s20+$0x130] =	vst v5;
	v12 =	vmul.f32 v0, v12;
	v15 =	vld [tilespmem:s21+$0xFFFFFFB0]  }
0xeb: {  	v4 =	vmul.f32 v13, v4;
	v13 =	vld [tilespmem:s21+$0xF0];
	v16 =	vbroadcast v9, $0x0;
	[tilespmem:s20+$0xFFFFFFA0] =	vst v11  }
0xec: {  	v17 =	vbroadcast v7, $0x0;
	[tilespmem:s20+$0xFFFFFF50] =	vst v12;
	v1 =	vmul.f32 v8, v1;
	v8 =	vld [tilespmem:s21+$0xFFFFFF60]  }
0xed: {  	[tilespmem:s10+$0xFFFFFF90] =	vst v4;
	v4 =	vld [tilespmem:s21+$0xFFFFFF10];
	v18 =	vbroadcast v10, $0x0;
	v2 =	vmul.f32 v16, v2  }
0xee: {  	v14 =	vmul.f32 v17, v14;
	[tilespmem:s10+$0xFFFFFF40] =	vst v1;
	v1 =	vbroadcast v5, $0x0;
	v16 =	vld [tilespmem:s21+$0xB0]  }
0xef: {  	v17 =	vld [tilespmem:s21+$0x60];
	v15 =	vmul.f32 v18, v15;
	v18 =	vbroadcast v11, $0x0;
	[tilespmem:s20+$0xFFFFFEC0] =	vst v2  }
0xf0: {  	[tilespmem:s20+$0x0] =	vst v14;
	v1 =	vmul.f32 v1, v13;
	v2 =	vbroadcast v12, $0x0;
	v13 =	vld [tilespmem:s21+$0xFFFFFED0]  }
0xf1: {  	v14 =	vbroadcast v3, $0x1;
	v19 =	vld [tilespmem:s21+$0x10];
	[tilespmem:s20+$0xFFFFFFB0] =	vst v15;
	v8 =	vmul.f32 v18, v8  }
0xf2: {  	v15 =	vbroadcast v6, $0x1;
	[tilespmem:s20+$0xF0] =	vst v1;
	v1 =	vld [tilespmem:s21+$0xFFFFFFC0];
	v2 =	vmul.f32 v2, v4  }
0xf3: {  	[tilespmem:s20+$0xFFFFFF60] =	vst v8;
	v4 =	vmul.f32 v14, v16;
	v14 =	vld [tilespmem:s21+$0x100];
	v16 =	vbroadcast v9, $0x1  }
0xf4: {  	v8 =	vmul.f32 v15, v17;
	v15 =	vbroadcast v7, $0x1;
	[tilespmem:s20+$0xFFFFFF10] =	vst v2;
	v2 =	vld [tilespmem:s21+$0xFFFFFF70]  }
0xf5: {  	v17 =	vbroadcast v10, $0x1;
	[tilespmem:s20+$0xB0] =	vst v4;
	v4 =	vld [tilespmem:s21+$0xFFFFFF20];
	v13 =	vmul.f32 v16, v13  }
0xf6: {  	[tilespmem:s20+$0x60] =	vst v8;
	v8 =	vmul.f32 v15, v19;
	v15 =	vbroadcast v5, $0x1;
	v16 =	vld [tilespmem:s21+$0xC0]  }
0xf7: {  	v18 =	vld [tilespmem:s21+$0x70];
	v1 =	vmul.f32 v17, v1;
	v17 =	vbroadcast v11, $0x1;
	[tilespmem:s20+$0xFFFFFED0] =	vst v13  }
0xf8: {  	[tilespmem:s20+$0x10] =	vst v8;
	v8 =	vbroadcast v12, $0x1;
	v13 =	vmul.f32 v15, v14;
	v14 =	vld [tilespmem:s21+$0xFFFFFEE0]  }
0xf9: {  	v19 =	vld [tilespmem:s21+$0x20];
	v15 =	vbroadcast v3, $0x2;
	[tilespmem:s20+$0xFFFFFFC0] =	vst v1;
	v1 =	vmul.f32 v17, v2  }
0xfa: {  	v2 =	vbroadcast v6, $0x2;
	[tilespmem:s20+$0x100] =	vst v13;
	v13 =	vld [tilespmem:s21+$0xFFFFFFD0];
	v4 =	vmul.f32 v8, v4  }
0xfb: {  	v8 =	vmul.f32 v15, v16;
	v15 =	vld [tilespmem:s21+$0x110];
	v16 =	vbroadcast v9, $0x2;
	[tilespmem:s20+$0xFFFFFF70] =	vst v1  }
0xfc: {  	v1 =	vbroadcast v7, $0x2;
	v2 =	vmul.f32 v2, v18;
	[tilespmem:s20+$0xFFFFFF20] =	vst v4;
	v4 =	vld [tilespmem:s21+$0xFFFFFF80]  }
0xfd: {  	[tilespmem:s20+$0xC0] =	vst v8;
	v8 =	vbroadcast v10, $0x2;
	v17 =	vld [tilespmem:s21+$0xFFFFFF30];
	v14 =	vmul.f32 v16, v14  }
0xfe: {  	[tilespmem:s20+$0x70] =	vst v2;
	v1 =	vmul.f32 v1, v19;
	v16 =	vbroadcast v5, $0x2;
	v2 =	vld [tilespmem:s21+$0xD0]  }
0xff: {  	v18 =	vld [tilespmem:s21+$0x80];
	v8 =	vmul.f32 v8, v13;
	v13 =	vbroadcast v11, $0x2;
	[tilespmem:s20+$0xFFFFFEE0] =	vst v14  }
0x100: {  	[tilespmem:s20+$0x20] =	vst v1;
	v14 =	vbroadcast v12, $0x2;
	v15 =	vmul.f32 v16, v15;
	v1 =	vld [tilespmem:s21+$0xFFFFFEF0]  }
0x101: {  	v3 =	vbroadcast v3, $0x3;
	[tilespmem:s20+$0xFFFFFFD0] =	vst v8;
	v8 =	vld [tilespmem:s21+$0x30];
	v4 =	vmul.f32 v13, v4  }
0x102: {  	v6 =	vbroadcast v6, $0x3;
	v13 =	vld [tilespmem:s21+$0xFFFFFFE0];
	v14 =	vmul.f32 v14, v17;
	[tilespmem:s20+$0x110] =	vst v15  }
0x103: {  	v9 =	vbroadcast v9, $0x3;
	v2 =	vmul.f32 v2, v3;
	[tilespmem:s20+$0xFFFFFF80] =	vst v4;
	v3 =	vld [tilespmem:s21+$0x120]  }
0x104: {  	v4 =	vbroadcast v7, $0x3;
	v6 =	vmul.f32 v18, v6;
	[tilespmem:s20+$0xFFFFFF30] =	vst v14;
	v7 =	vld [tilespmem:s21+$0xFFFFFF90]  }
0x105: {  	v10 =	vbroadcast v10, $0x3;
	[tilespmem:s20+$0xD0] =	vst v2;
	v2 =	vld [tilespmem:s21+$0xFFFFFF40];
	v1 =	vmul.f32 v1, v9  }
0x106: {  	v5 =	vbroadcast v5, $0x3;
	[tilespmem:s20+$0x80] =	vst v6;
	v4 =	vmul.f32 v8, v4  }
0x107: {  	v6 =	vbroadcast v11, $0x3;
	[tilespmem:s20+$0xFFFFFEF0] =	vst v1;
	v1 =	vmul.f32 v13, v10  }
0x108: {  	v8 =	vbroadcast v12, $0x3;
	[tilespmem:s20+$0x30] =	vst v4;
	v3 =	vmul.f32 v3, v5  }
0x109: {  	[tilespmem:s20+$0xFFFFFFE0] =	vst v1;
	v1 =	vmul.f32 v7, v6  }
0x10a: {  	v2 =	vmul.f32 v2, v8;
	[tilespmem:s20+$0x120] =	vst v3  }
0x10b: {  	[tilespmem:s20+$0xFFFFFF90] =	vst v1  }
0x10c: {  	[tilespmem:s20+$0xFFFFFF40] =	vst v2  }
0x10d: {  	[spmem:s4] =	stream.indirect.scatter.add.f32 [tilespmem:s11], [sflag:$0x7], $0x50, s9, s25, $0xb8;
	[tilespmem:$0x13330] =	vst v63  }
0x10e: {  	_ =	swait.ge [sflag:s24], $0x50  }
0x10f: {  	[sflag:s24] =	ssyncset.done $0x0  }
0x110: {  	[sflag:s24] =	ssyncadd.s32 $0xFFFFFFB0  }
0x111: {  	_ =	swait.ge [sflag:s24], $0x50  }
0x112: {  	[sflag:s24] =	ssyncset.done $0x0  }
0x113: {  	[sflag:s24] =	ssyncadd.s32 $0xFFFFFFB0  }
0x114: {  	[tilespmem:s26], [sflag:$0x1] =	stream.indirect.gather [hbm4b:s6+s25], $0x50, s5, s25, $0xb8;
	[tilespmem:$0x13330] =	vst v63  }
0x115: {  	_ = 	snop  }
0x116: {  	[tilespmem:s28], [sflag:$0x3] =	stream.indirect.gather [hbm4b:s7+s25], $0x10, s23, s25, $0xb8;
	[tilespmem:$0x13330] =	vst v63  }
0x117: {  	_ =	swait.ge [sflag:s12], $0x1900  }
0x118: {  	[sflag:s12] =	ssyncset.done $0x0  }
0x119: {  	[sflag:s12] =	ssyncadd.s32 $0xFFFFE700  }
0x11a: {  	_ =	swait.ge [sflag:s13], $0x500  }
0x11b: {  	[sflag:s13] =	ssyncset.done $0x0  }
0x11c: {  	s0 =	simm.s32 @!p1 $0x8;
	[sflag:s13] =	ssyncadd.s32 $0xFFFFFB00  }
0x11d: {  	_ =	swait.ge @!p1 [sflag:s0], $0x1900  }
0x11e: {  	[sflag:s0] =	ssyncset.done @!p1 $0x0  }
0x11f: {  	[sflag:s0] =	ssyncadd.s32 @!p1 $0xFFFFE700  }
0x120: {  	v1 =	vld [tilespmem:$0xF0]  }
0x121: {  	v2 =	vld [tilespmem:$0x100]  }
0x122: {  	v3 =	vld [tilespmem:$0x110]  }
0x123: {  	v4 =	vld [tilespmem:$0x120]  }
0x124: {  	v5 =	vld [tilespmem:$0x130]  }
0x125: {  	[tilespmem:$0x190] =	vst v1  }
0x126: {  	p1 =	seq.s32 s22, $0x3D;
	[tilespmem:$0x1A0] =	vst v2  }
0x127: {  	s0 =	sadd.s32 @!p1 s16, s18;
	[tilespmem:$0x1B0] =	vst v3  }
0x128: {  	s0 =	sshrl.u32 @!p1 s0, $0x3;
	[tilespmem:$0x1C0] =	vst v4  }
0x129: {  	s14 =	simm.s32 @!p1 $0x0;
	s16 =	simm.s32 @!p1 $0x50;
	s10 =	sadd.s32 @!p1 s1, s0;
	[tilespmem:$0x1D0] =	vst v5  }
0x12a: {  	[tilespmem:s16], [sflag:$0x6] =	stream.linear.gather @!p1 [hbm4b:s10+s14], $0x50, $0x38;
	[tilespmem:$0x13330] =	vst v63  }
0x12b: {  	s21 =	simm.s32 $0x3920;
	s0 =	sadd.s32 @!p1 s2, s0;
	s10 =	simm.s32 @!p1 $0xF0  }
0x12c: {  	[tilespmem:s10], [sflag:$0x6] =	stream.linear.gather @!p1 [hbm4b:s0+s14], $0x50, $0x38;
	[tilespmem:$0x13330] =	vst v63  }
0x12d: {  	s19 =	simm.s32 $0x1C20;
	v1 =	vld [tilespmem:s21+$0x30]  }
0x12e: {  	v2 =	vld [tilespmem:s19+$0x130]  }
0x12f: {  	v3 =	vld [tilespmem:s19+$0xE0]  }
0x130: {  	v4 =	vld [tilespmem:s21+$0x20];
	_ =	sdelay $0x2  }
0x131: {  	v5 =	vld [tilespmem:s21+$0x10]  }
0x132: {  	v1 =	vadd.f32 v1, v2;
	v2 =	vld [tilespmem:s19+$0x90]  }
0x133: {  	v3 =	vadd.f32 v4, v3  }
0x134: {  	v4 =	vmul.f32 $2.000000030e-01, v1  }
0x135: {  	v6 =	vmul.f32 $2.000000030e-01, v3  }
0x136: {  	v1 =	vmax.f32 v1, v4  }
0x137: {  	v3 =	vmax.f32 v3, v6;
	v1 =	vmul.f32 $1.442695020e+00, v1;
	v2 =	vadd.f32 v5, v2  }
0x138: {  	v4 =	vld [tilespmem:s21+$0x0];
	v3 =	vmul.f32 $1.442695020e+00, v3  }
0x139: {  	v5 =	vld [tilespmem:s19+$0x40];
	(erf) = vpow2.f32 v1;
	v1 =	vmul.f32 $2.000000030e-01, v2;
	_ =	sdelay $0x1  }
0x13a: {  	(erf) = vpow2.f32 v3;
	v1 =	vmax.f32 v2, v1  }
0x13b: {  	v1 =	vmul.f32 $1.442695020e+00, v1;
	_ =	sdelay $0x1  }
0x13c: {  	v2 =	vld [tilespmem:s19+$0xFFFFFF50];
	(erf) = vpow2.f32 v1;
	v1 =	vadd.f32 v4, v5  }
0x13d: {  	v4 =	vld [tilespmem:s21+$0xFFFFFFD0]  }
0x13e: {  	v7 =	vld [tilespmem:s21+$0xFFFFFFF0];
	v6 =	vmul.f32 $2.000000030e-01, v1  }
0x13f: {  	v5 =	vld [tilespmem:s19+$0xFFFFFFF0]  }
0x140: {  	v8 =	vld [tilespmem:s21+$0xFFFFFFC0]  }
0x141: {  	v3 =	vld [tilespmem:s19+$0xFFFFFF00];
	v9 =	vpop (erf);
	v1 =	vmax.f32 v1, v6  }
0x142: {  	v1 =	vmul.f32 $1.442695020e+00, v1;
	v2 =	vadd.f32 v4, v2;
	v6 =	vpop (erf)  }
0x143: {  	v11 =	vmul.f32 v0, v6  }
0x144: {  	(erf) = vpow2.f32 v1;
	v1 =	vadd.f32 v7, v5;
	v5 =	vmul.f32 $2.000000030e-01, v2  }
0x145: {  	s10 =	simm.s32 $0x5820;
	v10 =	vld [tilespmem:s21+$0xFFFFFFE0]  }
0x146: {  	v3 =	vadd.f32 v8, v3;
	v4 =	vld [tilespmem:s19+$0xFFFFFFA0];
	[tilespmem:s10+$0xE0] =	vst v11;
	v6 =	vpop (erf);
	v8 =	vmul.f32 $2.000000030e-01, v1;
	v2 =	vmax.f32 v2, v5  }
0x147: {  	v7 =	vld [tilespmem:s19+$0xA0];
	v12 =	vmul.f32 v0, v6;
	v2 =	vmul.f32 $1.442695020e+00, v2  }
0x148: {  	s31 =	simm.s32 $0x39A0;
	v5 =	vmul.f32 $2.000000030e-01, v3  }
0x149: {  	v15 =	vld [tilespmem:s31+$0x20];
	v1 =	vmax.f32 v1, v8;
	[tilespmem:s10+$0x90] =	vst v12;
	(erf) = vpow2.f32 v2  }
0x14a: {  	v6 =	vbroadcast v11, $0x0;
	v3 =	vmax.f32 v3, v5;
	v1 =	vmul.f32 $1.442695020e+00, v1;
	v5 =	vld [tilespmem:s19+$0x50]  }
0x14b: {  	s16 =	simm.s32 $0x1EA0;
	v4 =	vadd.f32 v10, v4;
	v10 =	vld [tilespmem:s31+$0x30];
	v3 =	vmul.f32 $1.442695020e+00, v3  }
0x14c: {  	v2 =	vld [tilespmem:s16+$0x130];
	(erf) = vpow2.f32 v1;
	v6 =	vmul.f32 v6, v7  }
0x14d: {  	v20 =	vld [tilespmem:s16+$0x90];
	v8 =	vmul.f32 $2.000000030e-01, v4;
	v1 =	vbroadcast v12, $0x0  }
0x14e: {  	v22 =	vld [tilespmem:s31+$0xFFFFFFE0];
	v9 =	vmul.f32 v0, v9;
	[tilespmem:s10+$0xA0] =	vst v6  }
0x14f: {  	v13 =	vpop (erf);
	(erf) = vpow2.f32 v3;
	v3 =	vmax.f32 v4, v8;
	v4 =	vld [tilespmem:s19+$0xB0];
	v1 =	vmul.f32 v1, v5  }
0x150: {  	v29 =	vld [tilespmem:s31+$0xFFFFFFC0];
	v23 =	vbroadcast v9, $0x0;
	v13 =	vmul.f32 v0, v13  }
0x151: {  	v30 =	vld [tilespmem:s31+$0xFFFFFFF0];
	v21 =	vbroadcast v11, $0x2;
	v14 =	vbroadcast v12, $0x2;
	v2 =	vadd.f32 v10, v2;
	[tilespmem:s10+$0x50] =	vst v1  }
0x152: {  	v17 =	vbroadcast v12, $0x3;
	v5 =	vbroadcast v11, $0x1;
	[tilespmem:s10+$0x40] =	vst v13;
	v18 =	vld [tilespmem:s19+$0x60];
	v19 =	vpop (erf)  }
0x153: {  	v16 =	vld [tilespmem:s19+$0x0];
	v1 =	vmul.f32 $2.000000030e-01, v2;
	v19 =	vmul.f32 v0, v19  }
0x154: {  	[tilespmem:s10+$0x130] =	vst v9;
	v12 =	vbroadcast v12, $0x1;
	v4 =	vmul.f32 v5, v4;
	v5 =	vld [tilespmem:s31+$0x10]  }
0x155: {  	v8 =	vld [tilespmem:s16+$0xE0];
	v3 =	vmul.f32 $1.442695020e+00, v3;
	v11 =	vbroadcast v11, $0x3;
	v1 =	vmax.f32 v2, v1;
	v2 =	vpop (erf);
	[tilespmem:s10+$0xFFFFFF50] =	vst v19  }
0x156: {  	v10 =	vbroadcast v13, $0x0;
	v24 =	vmul.f32 v0, v2;
	[tilespmem:s10+$0xB0] =	vst v4;
	v4 =	vld [tilespmem:s19+$0xF0]  }
0x157: {  	(erf) = vpow2.f32 v3;
	v12 =	vmul.f32 v12, v18;
	v18 =	vld [tilespmem:s19+$0xFFFFFF10]  }
0x158: {  	v32 =	vld [tilespmem:s31+$0x0];
	v28 =	vbroadcast v13, $0x1;
	v10 =	vmul.f32 v10, v16;
	[tilespmem:s10+$0xFFFFFFF0] =	vst v24  }
0x159: {  	v31 =	vbroadcast v13, $0x2;
	v1 =	vmul.f32 $1.442695020e+00, v1;
	v16 =	vpop (erf);
	v26 =	vld [tilespmem:s19+$0xFFFFFFB0];
	v5 =	vadd.f32 v5, v20  }
0x15a: {  	v58 =	vld [tilespmem:s16+$0x40];
	v25 =	vbroadcast v19, $0x0;
	v16 =	vmul.f32 v0, v16;
	[tilespmem:s10+$0x0] =	vst v10  }
0x15b: {  	v8 =	vadd.f32 v15, v8;
	v27 =	vbroadcast v24, $0x0;
	v10 =	vld [tilespmem:s19+$0x10];
	v15 =	vmul.f32 $2.000000030e-01, v5  }
0x15c: {  	v60 =	vld [tilespmem:s31+$0xFFFFFFD0];
	[tilespmem:s10+$0xFFFFFF00] =	vst v16;
	v4 =	vmul.f32 v23, v4;
	v18 =	vmul.f32 v25, v18  }
0x15d: {  	v2 =	vbroadcast v9, $0x3;
	v34 =	vbroadcast v19, $0x2;
	v23 =	vld [tilespmem:s19+$0xFFFFFEC0]  }
0x15e: {  	v3 =	vld [tilespmem:s19+$0xC0];
	v5 =	vmax.f32 v5, v15;
	v15 =	vmul.f32 $2.000000030e-01, v8;
	[tilespmem:s10+$0xF0] =	vst v4;
	v26 =	vmul.f32 v27, v26  }
0x15f: {  	v7 =	vld [tilespmem:s16+$0xFFFFFF50];
	(erf) = vpow2.f32 v1;
	v1 =	vbroadcast v19, $0x3;
	[tilespmem:s10+$0xFFFFFF10] =	vst v18  }
0x160: {  	v28 =	vmul.f32 v28, v10;
	v10 =	vld [tilespmem:s19+$0x100];
	v4 =	vmax.f32 v8, v15;
	v8 =	vbroadcast v16, $0x0;
	[tilespmem:s10+$0xFFFFFFB0] =	vst v26;
	v18 =	vpop (erf)  }
0x161: {  	v33 =	vbroadcast v24, $0x1;
	[tilespmem:s10+$0x60] =	vst v12;
	v26 =	vld [tilespmem:s19+$0xFFFFFFC0];
	v18 =	vmul.f32 v0, v18  }
0x162: {  	v4 =	vmul.f32 $1.442695020e+00, v4;
	v8 =	vmul.f32 v8, v23;
	v23 =	vld [tilespmem:s19+$0x70]  }
0x163: {  	v20 =	vld [tilespmem:s16+$0xFFFFFFF0];
	v3 =	vmul.f32 v21, v3;
	v5 =	vmul.f32 $1.442695020e+00, v5;
	[tilespmem:s10+$0xFFFFFFA0] =	vst v18  }
0x164: {  	v27 =	vbroadcast v19, $0x1;
	(erf) = vpow2.f32 v4;
	[tilespmem:s10+$0xFFFFFEC0] =	vst v8;
	v8 =	vld [tilespmem:s19+$0xFFFFFF60]  }
0x165: {  	v15 =	vbroadcast v9, $0x1;
	[tilespmem:s10+$0x10] =	vst v28;
	(erf) = vpow2.f32 v5;
	v5 =	vld [tilespmem:s19+$0xFFFFFED0]  }
0x166: {  	v59 =	vld [tilespmem:s19+$0x20];
	v21 =	vbroadcast v18, $0x0;
	v26 =	vmul.f32 v33, v26  }
0x167: {  	[tilespmem:s10+$0xC0] =	vst v3;
	v12 =	vld [tilespmem:s19+$0xFFFFFF20];
	v15 =	vmul.f32 v15, v10;
	v14 =	vmul.f32 v14, v23  }
0x168: {  	v25 =	vld [tilespmem:s16+$0xFFFFFFA0];
	v4 =	vbroadcast v18, $0x3;
	v23 =	vbroadcast v16, $0x1;
	[tilespmem:s10+$0xFFFFFFC0] =	vst v26  }
0x169: {  	v10 =	vbroadcast v9, $0x2;
	[tilespmem:s10+$0x70] =	vst v14;
	v14 =	vld [tilespmem:s19+$0xD0];
	v3 =	vmul.f32 v21, v8  }
0x16a: {  	v9 =	vbroadcast v16, $0x3;
	[tilespmem:s10+$0x100] =	vst v15;
	v35 =	vld [tilespmem:s19+$0xFFFFFFD0];
	v21 =	vmul.f32 v23, v5  }
0x16b: {  	v15 =	vmul.f32 v31, v59;
	v19 =	vld [tilespmem:s19+$0x80];
	v23 =	vbroadcast v16, $0x2;
	[tilespmem:s10+$0xFFFFFF60] =	vst v3  }
0x16c: {  	v16 =	vmul.f32 v27, v12;
	v12 =	vbroadcast v13, $0x3;
	v13 =	vadd.f32 v32, v58;
	[tilespmem:s10+$0xFFFFFED0] =	vst v21;
	v21 =	vld [tilespmem:s19+$0xFFFFFF70]  }
0x16d: {  	v8 =	vbroadcast v24, $0x3;
	v5 =	vpop (erf);
	v24 =	vbroadcast v24, $0x2;
	v27 =	vld [tilespmem:s19+$0xFFFFFEE0]  }
0x16e: {  	v6 =	vld [tilespmem:s16+$0xFFFFFF00];
	[tilespmem:s10+$0xFFFFFF20] =	vst v16;
	v61 =	vmul.f32 $2.000000030e-01, v13;
	v3 =	vpop (erf);
	v11 =	vmul.f32 v14, v11  }
0x16f: {  	v26 =	vbroadcast v18, $0x1;
	[tilespmem:s10+$0x20] =	vst v15;
	v16 =	vadd.f32 v30, v20;
	v63 =	vld [tilespmem:s19+$0xFFFFFF30];
	v3 =	vmul.f32 v0, v3  }
0x170: {  	s20 =	simm.s32 $0x5AA0;
	v14 =	vld [tilespmem:s19+$0x110];
	v13 =	vmax.f32 v13, v61;
	v62 =	vmul.f32 v19, v17;
	v19 =	vmul.f32 v24, v35;
	[tilespmem:s10+$0xD0] =	vst v11  }
0x171: {  	v20 =	vadd.f32 v22, v25;
	v24 =	vmul.f32 $1.442695020e+00, v13;
	v11 =	vld [tilespmem:s19+$0x30];
	[tilespmem:s20+$0xE0] =	vst v3;
	v21 =	vmul.f32 v26, v21  }
0x172: {  	v15 =	vbroadcast v3, $0x0;
	[tilespmem:s10+$0xFFFFFFD0] =	vst v19;
	v17 =	vld [tilespmem:s16+$0xA0];
	v25 =	vmul.f32 v23, v27  }
0x173: {  	v22 =	vadd.f32 v60, v7;
	(erf) = vpow2.f32 v24;
	v26 =	vmul.f32 $2.000000030e-01, v20;
	v13 =	vld [tilespmem:s19+$0xFFFFFFE0];
	[tilespmem:s10+$0xFFFFFF70] =	vst v21  }
0x174: {  	v6 =	vadd.f32 v29, v6;
	v19 =	vbroadcast v18, $0x2;
	v23 =	vmul.f32 $2.000000030e-01, v16;
	[tilespmem:s10+$0xFFFFFEE0] =	vst v25;
	v7 =	vld [tilespmem:s19+$0xFFFFFF80]  }
0x175: {  	s0 =	simm.s32 $0x3A20;
	s14 =	simm.s32 $0x2120;
	s21 =	simm.s32 $0x8;
	v18 =	vpop (erf);
	[tilespmem:s10+$0x80] =	vst v62;
	v24 =	vmul.f32 v34, v63;
	v25 =	vmul.f32 $2.000000030e-01, v22;
	v21 =	vmax.f32 v20, v26;
	v20 =	vld [tilespmem:s19+$0xFFFFFEF0]  }
.LBB2_5:
0x176: {  	v26 =	vld [tilespmem:s0+$0x30];
	s21 =	sadd.s32 $0x8, s21;
	v27 =	vmul.f32 $2.000000030e-01, v6;
	v16 =	vmax.f32 v16, v23;
	v18 =	vmul.f32 v0, v18  }
0x177: {  	v15 =	vmul.f32 v15, v17;
	v23 =	vld [tilespmem:s14+$0x130];
	p2 =	slt.u32 s21, $0x48;
	v22 =	vmax.f32 v22, v25;
	v16 =	vmul.f32 $1.442695020e+00, v16;
	[tilespmem:s10+$0xFFFFFF30] =	vst v24  }
0x178: {  	v10 =	vmul.f32 v10, v14;
	v17 =	vmax.f32 v6, v27;
	v22 =	vmul.f32 $1.442695020e+00, v22;
	[tilespmem:s20+$0x90] =	vst v18;
	v24 =	vld [tilespmem:s19+$0xFFFFFF40]  }
0x179: {  	v6 =	vld [tilespmem:s14+$0xFFFFFF50];
	v14 =	vmul.f32 $1.442695020e+00, v17;
	[tilespmem:s20+$0xA0] =	vst v15;
	v7 =	vmul.f32 v19, v7  }
0x17a: {  	v15 =	vmul.f32 $1.442695020e+00, v21;
	v17 =	vld [tilespmem:s16+$0x50];
	v9 =	vmul.f32 v20, v9;
	[tilespmem:s10+$0x110] =	vst v10  }
0x17b: {  	v10 =	vmul.f32 v11, v12;
	(erf) = vpow2.f32 v22;
	[tilespmem:s10+$0xFFFFFF80] =	vst v7;
	v11 =	vld [tilespmem:s19+$0x120]  }
0x17c: {  	v8 =	vmul.f32 v13, v8;
	v19 =	vbroadcast v3, $0x1;
	[tilespmem:s10+$0xFFFFFEF0] =	vst v9;
	v9 =	vld [tilespmem:s19+$0xFFFFFF90];
	s19 =	smov.u32 s16;
	s16 =	smov.u32 s14  }
0x17d: {  	v13 =	vbroadcast v18, $0x0;
	v7 =	vld [tilespmem:s14+$0xFFFFFF00];
	(erf) = vpow2.f32 v16;
	v12 =	vpop (erf);
	[tilespmem:s10+$0x30] =	vst v10  }
0x17e: {  	v12 =	vmul.f32 v0, v12;
	v10 =	vld [tilespmem:s19+$0xB0];
	(erf) = vpow2.f32 v14;
	[tilespmem:s10+$0xFFFFFFE0] =	vst v8  }
0x17f: {  	v8 =	vbroadcast v18, $0x2;
	v14 =	vld [tilespmem:s14+$0xE0];
	v13 =	vmul.f32 v13, v17  }
0x180: {  	v16 =	vld [tilespmem:s0+$0x20];
	[tilespmem:s20+$0x40] =	vst v12;
	v17 =	vbroadcast v12, $0x0;
	v2 =	vmul.f32 v11, v2  }
0x181: {  	v22 =	vmul.f32 v0, v5;
	v20 =	vadd.f32 v26, v23;
	v21 =	vld [tilespmem:s19+$0x0];
	[tilespmem:s20+$0x50] =	vst v13;
	v4 =	vmul.f32 v9, v4  }
0x182: {  	v1 =	vmul.f32 v24, v1;
	v13 =	vbroadcast v18, $0x3;
	v11 =	vld [tilespmem:s0+$0xFFFFFFE0];
	[tilespmem:s10+$0x120] =	vst v2  }
0x183: {  	v25 =	vmul.f32 $2.000000030e-01, v20;
	v5 =	vld [tilespmem:s19+$0x60];
	v9 =	vmul.f32 v19, v10;
	[tilespmem:s20+$0x130] =	vst v22  }
0x184: {  	v18 =	vbroadcast v18, $0x1;
	v10 =	vld [tilespmem:s0+$0x10];
	v19 =	vpop (erf);
	[tilespmem:s10+$0xFFFFFF90] =	vst v4  }
0x185: {  	v25 =	vmax.f32 v20, v25;
	v20 =	vbroadcast v3, $0x2;
	v4 =	vld [tilespmem:s14+$0x90];
	v19 =	vmul.f32 v0, v19;
	[tilespmem:s10+$0xFFFFFF40] =	vst v1;
	s10 =	smov.u32 s20  }
0x186: {  	v23 =	vbroadcast v22, $0x0;
	v1 =	vmul.f32 $1.442695020e+00, v25;
	[tilespmem:s20+$0xB0] =	vst v9;
	v9 =	vld [tilespmem:s19+$0xF0];
	v2 =	vpop (erf)  }
0x187: {  	v17 =	vmul.f32 v17, v21;
	[tilespmem:s20+$0xFFFFFF50] =	vst v19;
	v21 =	vld [tilespmem:s19+$0xC0];
	v24 =	vpop (erf);
	(erf) = vpow2.f32 v15  }
0x188: {  	v14 =	vadd.f32 v16, v14;
	v15 =	vmul.f32 v0, v24;
	v16 =	vld [tilespmem:s19+$0xFFFFFF10];
	v5 =	vmul.f32 v18, v5  }
0x189: {  	v25 =	vmul.f32 v0, v2;
	v24 =	vld [tilespmem:s14+$0xFFFFFFF0];
	[tilespmem:s20+$0x0] =	vst v17;
	v17 =	vbroadcast v3, $0x3  }
0x18a: {  	v3 =	vadd.f32 v10, v4;
	(erf) = vpow2.f32 v1;
	[tilespmem:s20+$0xFFFFFF00] =	vst v15;
	v1 =	vbroadcast v19, $0x3;
	v4 =	vld [tilespmem:s19+$0x10]  }
0x18b: {  	v2 =	vbroadcast v22, $0x3;
	v18 =	vbroadcast v19, $0x0;
	v10 =	vld [tilespmem:s19+$0xFFFFFEC0];
	[tilespmem:s20+$0xFFFFFFF0] =	vst v25  }
0x18c: {  	v26 =	vmul.f32 $2.000000030e-01, v3;
	v27 =	vld [tilespmem:s19+$0xFFFFFFB0];
	[tilespmem:s20+$0x60] =	vst v5;
	v5 =	vmul.f32 v23, v9  }
0x18d: {  	v31 =	vbroadcast v12, $0x1;
	v9 =	vbroadcast v25, $0x0;
	v28 =	vld [tilespmem:s0+$0xFFFFFFC0]  }
0x18e: {  	v16 =	vmul.f32 v18, v16;
	v29 =	vld [tilespmem:s14+$0xFFFFFFA0];
	v3 =	vmax.f32 v3, v26;
	v26 =	vmul.f32 $2.000000030e-01, v14  }
0x18f: {  	v30 =	vld [tilespmem:s0+$0xFFFFFFF0];
	v3 =	vmul.f32 $1.442695020e+00, v3;
	v4 =	vmul.f32 v31, v4;
	[tilespmem:s20+$0xF0] =	vst v5  }
0x190: {  	v18 =	vbroadcast v22, $0x1;
	v5 =	vmax.f32 v14, v26;
	v14 =	vbroadcast v15, $0x0;
	[tilespmem:s20+$0xFFFFFF10] =	vst v16;
	v16 =	vld [tilespmem:s19+$0x100];
	v23 =	vpop (erf)  }
0x191: {  	s20 =	sadd.s32 $0x280, s20;
	v26 =	vmul.f32 $1.442695020e+00, v5;
	v31 =	vld [tilespmem:s19+$0xFFFFFF20];
	v9 =	vmul.f32 v9, v27;
	[tilespmem:s10+$0x10] =	vst v4  }
0x192: {  	v32 =	vbroadcast v19, $0x1;
	v33 =	vmul.f32 v0, v23;
	v27 =	vld [tilespmem:s0+$0x0]  }
0x193: {  	v20 =	vmul.f32 v20, v21;
	v4 =	vmul.f32 v14, v10;
	v5 =	vpop (erf);
	[tilespmem:s10+$0xFFFFFFB0] =	vst v9;
	v14 =	vld [tilespmem:s19+$0x70]  }
0x194: {  	v21 =	vbroadcast v33, $0x0;
	(erf) = vpow2.f32 v26;
	[tilespmem:s10+$0xFFFFFFA0] =	vst v33;
	v23 =	vld [tilespmem:s19+$0xFFFFFFC0]  }
0x195: {  	v34 =	vbroadcast v12, $0x2;
	[tilespmem:s10+$0xFFFFFEC0] =	vst v4;
	v26 =	vld [tilespmem:s19+$0xFFFFFF60];
	v9 =	vmul.f32 v18, v16  }
0x196: {  	v4 =	vbroadcast v33, $0x3;
	(erf) = vpow2.f32 v3;
	v3 =	vld [tilespmem:s19+$0xFFFFFED0]  }
0x197: {  	v10 =	vbroadcast v22, $0x2;
	v18 =	vbroadcast v25, $0x1;
	v16 =	vld [tilespmem:s14+$0x40];
	[tilespmem:s10+$0x100] =	vst v9  }
0x198: {  	v9 =	vbroadcast v15, $0x3;
	v22 =	vmul.f32 v8, v14;
	v14 =	vld [tilespmem:s19+$0x110]  }
0x199: {  	v35 =	vbroadcast v15, $0x1;
	v18 =	vmul.f32 v18, v23;
	v23 =	vld [tilespmem:s19+$0x20];
	[tilespmem:s10+$0xC0] =	vst v20  }
0x19a: {  	v8 =	vbroadcast v25, $0x3;
	v20 =	vmul.f32 v21, v26;
	[tilespmem:s10+$0x70] =	vst v22;
	v21 =	vld [tilespmem:s19+$0xD0]  }
0x19b: {  	v26 =	vbroadcast v19, $0x2;
	v3 =	vmul.f32 v35, v3;
	[tilespmem:s10+$0xFFFFFFC0] =	vst v18;
	v19 =	vld [tilespmem:s19+$0x80]  }
0x19c: {  	v22 =	vbroadcast v15, $0x2;
	[tilespmem:s10+$0xFFFFFF60] =	vst v20;
	v20 =	vbroadcast v33, $0x1;
	v35 =	vld [tilespmem:s19+$0xFFFFFFD0]  }
0x19d: {  	v12 =	vbroadcast v12, $0x3;
	v31 =	vmul.f32 v32, v31;
	v15 =	vpop (erf);
	[tilespmem:s10+$0xFFFFFED0] =	vst v3;
	v32 =	vld [tilespmem:s19+$0xFFFFFF70]  }
0x19e: {  	v27 =	vadd.f32 v27, v16;
	v3 =	vmul.f32 v0, v15;
	v36 =	vld [tilespmem:s19+$0xFFFFFEE0];
	v15 =	vmul.f32 v34, v23  }
0x19f: {  	v25 =	vbroadcast v25, $0x2;
	v23 =	vld [tilespmem:s0+$0xFFFFFFD0];
	v18 =	vpop (erf);
	[tilespmem:s10+$0xFFFFFF20] =	vst v31;
	v21 =	vmul.f32 v21, v17  }
0x1a0: {  	v16 =	vadd.f32 v30, v24;
	v17 =	vmul.f32 $2.000000030e-01, v27;
	v24 =	vld [tilespmem:s19+$0xFFFFFF30];
	[tilespmem:s10+$0x20] =	vst v15;
	v30 =	vmul.f32 v19, v13  }
0x1a1: {  	v15 =	vbroadcast v3, $0x0;
	[tilespmem:s20+$0xE0] =	vst v3;
	v13 =	vmul.f32 v25, v35  }
.Ltmp1:
0x1a2: {  	v29 =	vadd.f32 v11, v29;
	v11 =	vmax.f32 v27, v17;
	v17 =	vld [tilespmem:s14+$0xA0];
	v19 =	vmul.f32 v20, v32;
	[tilespmem:s10+$0xD0] =	vst v21;
	(pc) =	sbr.rel @p2 .LBB2_5-.Ltmp1, $4  }
0x1a3: {  	v20 =	vmul.f32 $1.442695020e+00, v11;
	v21 =	vmul.f32 v22, v36;
	[tilespmem:s10+$0xFFFFFFD0] =	vst v13;
	v11 =	vld [tilespmem:s19+$0x30]  }
0x1a4: {  	v27 =	vmul.f32 $2.000000030e-01, v29;
	v22 =	vadd.f32 v23, v6;
	v23 =	vmul.f32 $2.000000030e-01, v16;
	[tilespmem:s10+$0xFFFFFF70] =	vst v19;
	v13 =	vld [tilespmem:s19+$0xFFFFFFE0]  }
0x1a5: {  	v6 =	vadd.f32 v28, v7;
	v19 =	vbroadcast v33, $0x2;
	(erf) = vpow2.f32 v20;
	[tilespmem:s10+$0xFFFFFEE0] =	vst v21;
	v7 =	vld [tilespmem:s19+$0xFFFFFF80]  }
0x1a6: {  	s0 =	sadd.s32 $0x80, s0;
	s14 =	sadd.s32 $0x280, s14;
	v21 =	vmax.f32 v29, v27;
	v24 =	vmul.f32 v26, v24;
	v25 =	vmul.f32 $2.000000030e-01, v22;
	v20 =	vld [tilespmem:s19+$0xFFFFFEF0];
	[tilespmem:s10+$0x80] =	vst v30  }
0x1a7: {  	_ = 	snop  }
0x1a8: {  	v26 =	vmul.f32 $2.000000030e-01, v6;
	v22 =	vmax.f32 v22, v25  }
0x1a9: {  	v16 =	vmax.f32 v16, v23;
	v22 =	vmul.f32 $1.442695020e+00, v22  }
0x1aa: {  	v16 =	vmul.f32 $1.442695020e+00, v16;
	v6 =	vmax.f32 v6, v26  }
0x1ab: {  	v6 =	vmul.f32 $1.442695020e+00, v6;
	(erf) = vpow2.f32 v22  }
0x1ac: {  	(erf) = vpow2.f32 v16  }
0x1ad: {  	(erf) = vpow2.f32 v6  }
0x1ae: {  	v15 =	vmul.f32 v15, v17  }
0x1af: {  	v45 =	vmul.f32 $1.442695020e+00, v21;
	v10 =	vmul.f32 v10, v14;
	[tilespmem:s10+$0xFFFFFF30] =	vst v24  }
0x1b0: {  	v5 =	vmul.f32 v0, v5;
	[tilespmem:s20+$0xA0] =	vst v15  }
0x1b1: {  	v48 =	vmul.f32 v11, v12;
	[tilespmem:s10+$0x110] =	vst v10;
	(erf) = vpow2.f32 v45  }
0x1b2: {  	v8 =	vmul.f32 v13, v8;
	[tilespmem:s20+$0x130] =	vst v5  }
0x1b3: {  	v7 =	vmul.f32 v19, v7;
	v49 =	vld [tilespmem:s19+$0x120];
	[tilespmem:s10+$0x30] =	vst v48;
	v47 =	vpop (erf)  }
0x1b4: {  	v9 =	vmul.f32 v20, v9;
	[tilespmem:s10+$0xFFFFFFE0] =	vst v8;
	v50 =	vpop (erf)  }
0x1b5: {  	v56 =	vld [tilespmem:s19+$0xFFFFFF40];
	[tilespmem:s10+$0xFFFFFF80] =	vst v7;
	v6 =	vmul.f32 v0, v18;
	v52 =	vpop (erf)  }
0x1b6: {  	[tilespmem:s10+$0xFFFFFEF0] =	vst v9;
	v7 =	vmul.f32 v0, v47;
	v54 =	vpop (erf)  }
0x1b7: {  	[tilespmem:s20+$0x90] =	vst v6;
	v9 =	vmul.f32 v0, v54  }
0x1b8: {  	v23 =	vld [tilespmem:s16+$0xB0];
	v2 =	vmul.f32 v49, v2;
	[tilespmem:s20+$0x40] =	vst v7  }
0x1b9: {  	v46 =	vld [tilespmem:s16+$0x50];
	v10 =	vmul.f32 v0, v52;
	[tilespmem:s20+$0xFFFFFF00] =	vst v9  }
0x1ba: {  	v1 =	vmul.f32 v56, v1;
	[tilespmem:s10+$0x120] =	vst v2;
	v57 =	vpop (erf);
	v2 =	vld [tilespmem:s16+$0xFFFFFEC0]  }
0x1bb: {  	v27 =	vbroadcast v3, $0x1;
	v58 =	vld [tilespmem:s16+$0x0];
	[tilespmem:s20+$0xFFFFFFF0] =	vst v10;
	v11 =	vmul.f32 v0, v57  }
0x1bc: {  	v51 =	vbroadcast v6, $0x0;
	[tilespmem:s10+$0xFFFFFF40] =	vst v1;
	v12 =	vmul.f32 v0, v50;
	v59 =	vld [tilespmem:s16+$0xFFFFFFB0]  }
0x1bd: {  	v60 =	vld [tilespmem:s16+$0xF0];
	v30 =	vmul.f32 v27, v23;
	v61 =	vbroadcast v9, $0x0;
	[tilespmem:s20+$0xFFFFFFA0] =	vst v11  }
0x1be: {  	v62 =	vbroadcast v7, $0x0;
	v53 =	vmul.f32 v51, v46;
	[tilespmem:s20+$0xFFFFFF50] =	vst v12;
	v63 =	vld [tilespmem:s16+$0xFFFFFF60]  }
0x1bf: {  	[tilespmem:s20+$0xB0] =	vst v30;
	v21 =	vld [tilespmem:s16+$0xFFFFFF10];
	v22 =	vbroadcast v10, $0x0;
	v2 =	vmul.f32 v61, v2  }
0x1c0: {  	v55 =	vld [tilespmem:s19+$0xFFFFFF90];
	v1 =	vbroadcast v5, $0x0;
	[tilespmem:s20+$0x50] =	vst v53;
	v14 =	vmul.f32 v62, v58  }
0x1c1: {  	v24 =	vld [tilespmem:s16+$0x60];
	v25 =	vbroadcast v11, $0x0;
	v15 =	vmul.f32 v22, v59;
	[tilespmem:s20+$0xFFFFFEC0] =	vst v2  }
0x1c2: {  	v1 =	vmul.f32 v1, v60;
	[tilespmem:s20+$0x0] =	vst v14;
	v2 =	vbroadcast v12, $0x0;
	v26 =	vld [tilespmem:s16+$0xFFFFFED0]  }
0x1c3: {  	v28 =	vld [tilespmem:s16+$0x10];
	[tilespmem:s20+$0xFFFFFFB0] =	vst v15;
	v8 =	vmul.f32 v25, v63  }
0x1c4: {  	v29 =	vbroadcast v6, $0x1;
	[tilespmem:s20+$0xF0] =	vst v1;
	v1 =	vld [tilespmem:s16+$0xFFFFFFC0];
	v2 =	vmul.f32 v2, v21  }
0x1c5: {  	v4 =	vmul.f32 v55, v4;
	v31 =	vld [tilespmem:s16+$0x100];
	v32 =	vbroadcast v9, $0x1;
	[tilespmem:s20+$0xFFFFFF60] =	vst v8  }
0x1c6: {  	v34 =	vbroadcast v7, $0x1;
	v33 =	vmul.f32 v29, v24;
	[tilespmem:s20+$0xFFFFFF10] =	vst v2;
	v2 =	vld [tilespmem:s16+$0xFFFFFF70]  }
0x1c7: {  	[tilespmem:s10+$0xFFFFFF90] =	vst v4;
	v36 =	vbroadcast v10, $0x1;
	v35 =	vld [tilespmem:s16+$0xFFFFFF20];
	v13 =	vmul.f32 v32, v26  }
0x1c8: {  	v39 =	vbroadcast v5, $0x1;
	v37 =	vld [tilespmem:s16+$0xC0];
	[tilespmem:s20+$0x60] =	vst v33;
	v38 =	vmul.f32 v34, v28  }
0x1c9: {  	v41 =	vbroadcast v11, $0x1;
	v40 =	vld [tilespmem:s16+$0x70];
	v1 =	vmul.f32 v36, v1;
	[tilespmem:s20+$0xFFFFFED0] =	vst v13  }
0x1ca: {  	v42 =	vbroadcast v12, $0x1;
	v43 =	vmul.f32 v39, v31;
	[tilespmem:s20+$0x10] =	vst v38;
	v44 =	vld [tilespmem:s16+$0xFFFFFEE0]  }
0x1cb: {  	v45 =	vbroadcast v3, $0x2;
	v46 =	vld [tilespmem:s16+$0x20];
	[tilespmem:s20+$0xFFFFFFC0] =	vst v1;
	v1 =	vmul.f32 v41, v2  }
0x1cc: {  	[tilespmem:s20+$0x100] =	vst v43;
	v47 =	vld [tilespmem:s16+$0xFFFFFFD0];
	v2 =	vbroadcast v6, $0x2;
	v4 =	vmul.f32 v42, v35  }
0x1cd: {  	v48 =	vmul.f32 v45, v37;
	v50 =	vbroadcast v9, $0x2;
	v49 =	vld [tilespmem:s16+$0x110];
	[tilespmem:s20+$0xFFFFFF70] =	vst v1  }
0x1ce: {  	v1 =	vbroadcast v7, $0x2;
	v2 =	vmul.f32 v2, v40;
	[tilespmem:s20+$0xFFFFFF20] =	vst v4;
	v51 =	vld [tilespmem:s16+$0xFFFFFF80]  }
0x1cf: {  	v52 =	vbroadcast v10, $0x2;
	[tilespmem:s20+$0xC0] =	vst v48;
	v53 =	vld [tilespmem:s16+$0xFFFFFF30];
	v14 =	vmul.f32 v50, v44  }
0x1d0: {  	v54 =	vbroadcast v5, $0x2;
	[tilespmem:s20+$0x70] =	vst v2;
	v2 =	vld [tilespmem:s16+$0xD0];
	v1 =	vmul.f32 v1, v46  }
0x1d1: {  	v56 =	vbroadcast v11, $0x2;
	v8 =	vmul.f32 v52, v47;
	v55 =	vld [tilespmem:s16+$0x80];
	[tilespmem:s20+$0xFFFFFEE0] =	vst v14  }
0x1d2: {  	v57 =	vbroadcast v12, $0x2;
	v15 =	vmul.f32 v54, v49;
	[tilespmem:s20+$0x20] =	vst v1;
	v1 =	vld [tilespmem:s16+$0xFFFFFEF0]  }
0x1d3: {  	v3 =	vbroadcast v3, $0x3;
	[tilespmem:s20+$0xFFFFFFD0] =	vst v8;
	v58 =	vld [tilespmem:s16+$0x30];
	v4 =	vmul.f32 v56, v51  }
0x1d4: {  	[tilespmem:s20+$0x110] =	vst v15;
	v6 =	vbroadcast v6, $0x3;
	v59 =	vld [tilespmem:s16+$0xFFFFFFE0];
	v14 =	vmul.f32 v57, v53  }
0x1d5: {  	v9 =	vbroadcast v9, $0x3;
	v2 =	vmul.f32 v2, v3;
	v3 =	vld [tilespmem:s16+$0x120];
	[tilespmem:s20+$0xFFFFFF80] =	vst v4  }
0x1d6: {  	v60 =	vbroadcast v7, $0x3;
	v6 =	vmul.f32 v55, v6;
	[tilespmem:s20+$0xFFFFFF30] =	vst v14;
	v61 =	vld [tilespmem:s16+$0xFFFFFF90]  }
0x1d7: {  	v10 =	vbroadcast v10, $0x3;
	[tilespmem:s20+$0xD0] =	vst v2;
	v2 =	vld [tilespmem:s16+$0xFFFFFF40];
	v1 =	vmul.f32 v1, v9  }
0x1d8: {  	v5 =	vbroadcast v5, $0x3;
	[tilespmem:s20+$0x80] =	vst v6;
	v4 =	vmul.f32 v58, v60  }
0x1d9: {  	v62 =	vbroadcast v11, $0x3;
	[tilespmem:s20+$0xFFFFFEF0] =	vst v1;
	v1 =	vmul.f32 v59, v10  }
0x1da: {  	v63 =	vbroadcast v12, $0x3;
	[tilespmem:s20+$0x30] =	vst v4;
	v3 =	vmul.f32 v3, v5  }
.Ltmp2:
0x1db: {  	[tilespmem:s20+$0xFFFFFFE0] =	vst v1;
	v1 =	vmul.f32 v61, v62;
	(pc) =	sbr.rel @p1 .LBB2_8-.Ltmp2, $4  }
0x1dc: {  	[tilespmem:s20+$0x120] =	vst v3;
	v2 =	vmul.f32 v2, v63  }
0x1dd: {  	[tilespmem:s20+$0xFFFFFF90] =	vst v1  }
0x1de: {  	s0 =	simm.s32 $0x190;
	[tilespmem:s20+$0xFFFFFF40] =	vst v2  }
0x1df: {  	[spmem:s4] =	stream.indirect.scatter.add.f32 [tilespmem:s15], [sflag:$0x8], $0x50, s0, s25, $0xb8;
	[tilespmem:$0x13330] =	vst v63  }
0x1e0: {  	_ =	swait.ge [sflag:s30], $0x50  }
0x1e1: {  	[sflag:s30] =	ssyncset.done $0x0  }
0x1e2: {  	[sflag:s30] =	ssyncadd.s32 $0xFFFFFFB0  }
0x1e3: {  	_ =	swait.ge [sflag:s30], $0x50  }
.Ltmp3:
0x1e4: {  	[sflag:s30] =	ssyncset.done $0x0;
	(pc) =	sbr.rel .LBB2_2-.Ltmp3, $4  }
0x1e5: {  	s0 =	simm.s32 $0x1AE0;
	[sflag:s30] =	ssyncadd.s32 $0xFFFFFFB0  }
0x1e6: {  	[tilespmem:s0], [sflag:$0x2] =	stream.indirect.gather [hbm4b:s6+s25], $0x50, s25, s25, $0xb8;
	[tilespmem:$0x13330] =	vst v63  }
0x1e7: {  	s31 =	simm.s32 $0x38E0;
	s22 =	sadd.s32 $0x1, s22  }
0x1e8: {  	[tilespmem:s31], [sflag:$0x4] =	stream.indirect.gather [hbm4b:s7+s25], $0x10, s29, s25, $0xb8;
	[tilespmem:$0x13330] =	vst v63  }
.LBB2_8:
0x1e9: {  	_ =	swait.ge [sflag:s3], $0x1900  }
0x1ea: {  	[sflag:s3] =	ssyncset.done $0x0  }
0x1eb: {  	[sflag:s3] =	ssyncadd.s32 $0xFFFFE700  }
0x1ec: {  	_ =	swait.ge [sflag:s8], $0x500  }
0x1ed: {  	[sflag:s8] =	ssyncset.done $0x0  }
0x1ee: {  	s22 =	simm.s32 $0x7;
	[sflag:s8] =	ssyncadd.s32 $0xFFFFFB00  }
0x1ef: {  	_ =	swait.ge [sflag:s22], $0x1900  }
0x1f0: {  	[sflag:s22] =	ssyncset.done $0x0  }
0x1f1: {  	[sflag:s22] =	ssyncadd.s32 $0xFFFFE700  }
0x1f2: {  	v1 =	vld [tilespmem:$0xA0]  }
0x1f3: {  	v2 =	vld [tilespmem:$0xB0]  }
0x1f4: {  	v3 =	vld [tilespmem:$0xC0]  }
0x1f5: {  	v4 =	vld [tilespmem:$0xD0]  }
0x1f6: {  	v5 =	vld [tilespmem:$0xE0]  }
0x1f7: {  	[tilespmem:$0x140] =	vst v1  }
0x1f8: {  	[tilespmem:$0x150] =	vst v2  }
0x1f9: {  	[tilespmem:$0x160] =	vst v3  }
0x1fa: {  	[tilespmem:$0x170] =	vst v4  }
0x1fb: {  	s0 =	simm.s32 $0x3420;
	[tilespmem:$0x180] =	vst v5  }
0x1fc: {  	s19 =	simm.s32 $0x320;
	v1 =	vld [tilespmem:s0+$0x30]  }
0x1fd: {  	v2 =	vld [tilespmem:s19+$0x130]  }
0x1fe: {  	v3 =	vld [tilespmem:s19+$0xE0]  }
0x1ff: {  	v4 =	vld [tilespmem:s0+$0x20];
	_ =	sdelay $0x2  }
0x200: {  	v5 =	vld [tilespmem:s0+$0x10]  }
0x201: {  	v1 =	vadd.f32 v1, v2;
	v2 =	vld [tilespmem:s19+$0x90]  }
0x202: {  	v3 =	vadd.f32 v4, v3  }
0x203: {  	v4 =	vmul.f32 $2.000000030e-01, v1  }
0x204: {  	v6 =	vmul.f32 $2.000000030e-01, v3  }
0x205: {  	v1 =	vmax.f32 v1, v4  }
0x206: {  	v3 =	vmax.f32 v3, v6;
	v1 =	vmul.f32 $1.442695020e+00, v1;
	v2 =	vadd.f32 v5, v2  }
0x207: {  	v4 =	vld [tilespmem:s0+$0x0];
	v3 =	vmul.f32 $1.442695020e+00, v3  }
0x208: {  	v5 =	vld [tilespmem:s19+$0x40];
	(erf) = vpow2.f32 v1;
	v1 =	vmul.f32 $2.000000030e-01, v2;
	_ =	sdelay $0x1  }
0x209: {  	(erf) = vpow2.f32 v3;
	v1 =	vmax.f32 v2, v1  }
0x20a: {  	v1 =	vmul.f32 $1.442695020e+00, v1;
	_ =	sdelay $0x1  }
0x20b: {  	v2 =	vld [tilespmem:s19+$0xFFFFFF50];
	(erf) = vpow2.f32 v1;
	v1 =	vadd.f32 v4, v5  }
0x20c: {  	v4 =	vld [tilespmem:s0+$0xFFFFFFD0]  }
0x20d: {  	v7 =	vld [tilespmem:s0+$0xFFFFFFF0];
	v6 =	vmul.f32 $2.000000030e-01, v1  }
0x20e: {  	v5 =	vld [tilespmem:s19+$0xFFFFFFF0]  }
0x20f: {  	v8 =	vld [tilespmem:s0+$0xFFFFFFC0]  }
0x210: {  	v3 =	vld [tilespmem:s19+$0xFFFFFF00];
	v9 =	vpop (erf);
	v1 =	vmax.f32 v1, v6  }
0x211: {  	v1 =	vmul.f32 $1.442695020e+00, v1;
	v2 =	vadd.f32 v4, v2;
	v6 =	vpop (erf)  }
0x212: {  	v11 =	vmul.f32 v0, v6  }
0x213: {  	(erf) = vpow2.f32 v1;
	v1 =	vadd.f32 v7, v5;
	v5 =	vmul.f32 $2.000000030e-01, v2  }
0x214: {  	s10 =	simm.s32 $0x3F20;
	v10 =	vld [tilespmem:s0+$0xFFFFFFE0]  }
0x215: {  	v3 =	vadd.f32 v8, v3;
	v4 =	vld [tilespmem:s19+$0xFFFFFFA0];
	[tilespmem:s10+$0xE0] =	vst v11;
	v6 =	vpop (erf);
	v8 =	vmul.f32 $2.000000030e-01, v1;
	v2 =	vmax.f32 v2, v5  }
0x216: {  	v7 =	vld [tilespmem:s19+$0xA0];
	v12 =	vmul.f32 v0, v6;
	v2 =	vmul.f32 $1.442695020e+00, v2  }
0x217: {  	s31 =	simm.s32 $0x34A0;
	v5 =	vmul.f32 $2.000000030e-01, v3  }
0x218: {  	v15 =	vld [tilespmem:s31+$0x20];
	v1 =	vmax.f32 v1, v8;
	[tilespmem:s10+$0x90] =	vst v12;
	(erf) = vpow2.f32 v2  }
0x219: {  	v6 =	vbroadcast v11, $0x0;
	v3 =	vmax.f32 v3, v5;
	v1 =	vmul.f32 $1.442695020e+00, v1;
	v5 =	vld [tilespmem:s19+$0x50]  }
0x21a: {  	s16 =	simm.s32 $0x5A0;
	v4 =	vadd.f32 v10, v4;
	v10 =	vld [tilespmem:s31+$0x30];
	v3 =	vmul.f32 $1.442695020e+00, v3  }
0x21b: {  	v2 =	vld [tilespmem:s16+$0x130];
	(erf) = vpow2.f32 v1;
	v6 =	vmul.f32 v6, v7  }
0x21c: {  	v20 =	vld [tilespmem:s16+$0x90];
	v8 =	vmul.f32 $2.000000030e-01, v4;
	v1 =	vbroadcast v12, $0x0  }
0x21d: {  	v22 =	vld [tilespmem:s31+$0xFFFFFFE0];
	v9 =	vmul.f32 v0, v9;
	[tilespmem:s10+$0xA0] =	vst v6  }
0x21e: {  	v13 =	vpop (erf);
	(erf) = vpow2.f32 v3;
	v3 =	vmax.f32 v4, v8;
	v4 =	vld [tilespmem:s19+$0xB0];
	v1 =	vmul.f32 v1, v5  }
0x21f: {  	v29 =	vld [tilespmem:s31+$0xFFFFFFC0];
	v23 =	vbroadcast v9, $0x0;
	v13 =	vmul.f32 v0, v13  }
0x220: {  	v30 =	vld [tilespmem:s31+$0xFFFFFFF0];
	v21 =	vbroadcast v11, $0x2;
	v14 =	vbroadcast v12, $0x2;
	v2 =	vadd.f32 v10, v2;
	[tilespmem:s10+$0x50] =	vst v1  }
0x221: {  	v17 =	vbroadcast v12, $0x3;
	v5 =	vbroadcast v11, $0x1;
	[tilespmem:s10+$0x40] =	vst v13;
	v18 =	vld [tilespmem:s19+$0x60];
	v19 =	vpop (erf)  }
0x222: {  	v16 =	vld [tilespmem:s19+$0x0];
	v1 =	vmul.f32 $2.000000030e-01, v2;
	v19 =	vmul.f32 v0, v19  }
0x223: {  	[tilespmem:s10+$0x130] =	vst v9;
	v12 =	vbroadcast v12, $0x1;
	v4 =	vmul.f32 v5, v4;
	v5 =	vld [tilespmem:s31+$0x10]  }
0x224: {  	v8 =	vld [tilespmem:s16+$0xE0];
	v3 =	vmul.f32 $1.442695020e+00, v3;
	v11 =	vbroadcast v11, $0x3;
	v1 =	vmax.f32 v2, v1;
	v2 =	vpop (erf);
	[tilespmem:s10+$0xFFFFFF50] =	vst v19  }
0x225: {  	v10 =	vbroadcast v13, $0x0;
	v24 =	vmul.f32 v0, v2;
	[tilespmem:s10+$0xB0] =	vst v4;
	v4 =	vld [tilespmem:s19+$0xF0]  }
0x226: {  	(erf) = vpow2.f32 v3;
	v12 =	vmul.f32 v12, v18;
	v18 =	vld [tilespmem:s19+$0xFFFFFF10]  }
0x227: {  	v32 =	vld [tilespmem:s31+$0x0];
	v28 =	vbroadcast v13, $0x1;
	v10 =	vmul.f32 v10, v16;
	[tilespmem:s10+$0xFFFFFFF0] =	vst v24  }
0x228: {  	v31 =	vbroadcast v13, $0x2;
	v1 =	vmul.f32 $1.442695020e+00, v1;
	v16 =	vpop (erf);
	v26 =	vld [tilespmem:s19+$0xFFFFFFB0];
	v5 =	vadd.f32 v5, v20  }
0x229: {  	v58 =	vld [tilespmem:s16+$0x40];
	v25 =	vbroadcast v19, $0x0;
	v16 =	vmul.f32 v0, v16;
	[tilespmem:s10+$0x0] =	vst v10  }
0x22a: {  	v8 =	vadd.f32 v15, v8;
	v27 =	vbroadcast v24, $0x0;
	v10 =	vld [tilespmem:s19+$0x10];
	v15 =	vmul.f32 $2.000000030e-01, v5  }
0x22b: {  	v60 =	vld [tilespmem:s31+$0xFFFFFFD0];
	[tilespmem:s10+$0xFFFFFF00] =	vst v16;
	v4 =	vmul.f32 v23, v4;
	v18 =	vmul.f32 v25, v18  }
0x22c: {  	v2 =	vbroadcast v9, $0x3;
	v34 =	vbroadcast v19, $0x2;
	v23 =	vld [tilespmem:s19+$0xFFFFFEC0]  }
0x22d: {  	v3 =	vld [tilespmem:s19+$0xC0];
	v5 =	vmax.f32 v5, v15;
	v15 =	vmul.f32 $2.000000030e-01, v8;
	[tilespmem:s10+$0xF0] =	vst v4;
	v26 =	vmul.f32 v27, v26  }
0x22e: {  	v7 =	vld [tilespmem:s16+$0xFFFFFF50];
	(erf) = vpow2.f32 v1;
	v1 =	vbroadcast v19, $0x3;
	[tilespmem:s10+$0xFFFFFF10] =	vst v18  }
0x22f: {  	v28 =	vmul.f32 v28, v10;
	v10 =	vld [tilespmem:s19+$0x100];
	v4 =	vmax.f32 v8, v15;
	v8 =	vbroadcast v16, $0x0;
	[tilespmem:s10+$0xFFFFFFB0] =	vst v26;
	v18 =	vpop (erf)  }
0x230: {  	v33 =	vbroadcast v24, $0x1;
	[tilespmem:s10+$0x60] =	vst v12;
	v26 =	vld [tilespmem:s19+$0xFFFFFFC0];
	v18 =	vmul.f32 v0, v18  }
0x231: {  	v4 =	vmul.f32 $1.442695020e+00, v4;
	v8 =	vmul.f32 v8, v23;
	v23 =	vld [tilespmem:s19+$0x70]  }
0x232: {  	v20 =	vld [tilespmem:s16+$0xFFFFFFF0];
	v3 =	vmul.f32 v21, v3;
	v5 =	vmul.f32 $1.442695020e+00, v5;
	[tilespmem:s10+$0xFFFFFFA0] =	vst v18  }
0x233: {  	v27 =	vbroadcast v19, $0x1;
	(erf) = vpow2.f32 v4;
	[tilespmem:s10+$0xFFFFFEC0] =	vst v8;
	v8 =	vld [tilespmem:s19+$0xFFFFFF60]  }
0x234: {  	v15 =	vbroadcast v9, $0x1;
	[tilespmem:s10+$0x10] =	vst v28;
	(erf) = vpow2.f32 v5;
	v5 =	vld [tilespmem:s19+$0xFFFFFED0]  }
0x235: {  	v59 =	vld [tilespmem:s19+$0x20];
	v21 =	vbroadcast v18, $0x0;
	v26 =	vmul.f32 v33, v26  }
0x236: {  	[tilespmem:s10+$0xC0] =	vst v3;
	v12 =	vld [tilespmem:s19+$0xFFFFFF20];
	v15 =	vmul.f32 v15, v10;
	v14 =	vmul.f32 v14, v23  }
0x237: {  	v25 =	vld [tilespmem:s16+$0xFFFFFFA0];
	v4 =	vbroadcast v18, $0x3;
	v23 =	vbroadcast v16, $0x1;
	[tilespmem:s10+$0xFFFFFFC0] =	vst v26  }
0x238: {  	v10 =	vbroadcast v9, $0x2;
	[tilespmem:s10+$0x70] =	vst v14;
	v14 =	vld [tilespmem:s19+$0xD0];
	v3 =	vmul.f32 v21, v8  }
0x239: {  	v9 =	vbroadcast v16, $0x3;
	[tilespmem:s10+$0x100] =	vst v15;
	v35 =	vld [tilespmem:s19+$0xFFFFFFD0];
	v21 =	vmul.f32 v23, v5  }
0x23a: {  	v15 =	vmul.f32 v31, v59;
	v19 =	vld [tilespmem:s19+$0x80];
	v23 =	vbroadcast v16, $0x2;
	[tilespmem:s10+$0xFFFFFF60] =	vst v3  }
0x23b: {  	v16 =	vmul.f32 v27, v12;
	v12 =	vbroadcast v13, $0x3;
	v13 =	vadd.f32 v32, v58;
	[tilespmem:s10+$0xFFFFFED0] =	vst v21;
	v21 =	vld [tilespmem:s19+$0xFFFFFF70]  }
0x23c: {  	v8 =	vbroadcast v24, $0x3;
	v5 =	vpop (erf);
	v24 =	vbroadcast v24, $0x2;
	v27 =	vld [tilespmem:s19+$0xFFFFFEE0]  }
0x23d: {  	v6 =	vld [tilespmem:s16+$0xFFFFFF00];
	[tilespmem:s10+$0xFFFFFF20] =	vst v16;
	v61 =	vmul.f32 $2.000000030e-01, v13;
	v3 =	vpop (erf);
	v11 =	vmul.f32 v14, v11  }
0x23e: {  	v26 =	vbroadcast v18, $0x1;
	[tilespmem:s10+$0x20] =	vst v15;
	v16 =	vadd.f32 v30, v20;
	v63 =	vld [tilespmem:s19+$0xFFFFFF30];
	v3 =	vmul.f32 v0, v3  }
0x23f: {  	s20 =	simm.s32 $0x41A0;
	v14 =	vld [tilespmem:s19+$0x110];
	v13 =	vmax.f32 v13, v61;
	v62 =	vmul.f32 v19, v17;
	v19 =	vmul.f32 v24, v35;
	[tilespmem:s10+$0xD0] =	vst v11  }
0x240: {  	v20 =	vadd.f32 v22, v25;
	v24 =	vmul.f32 $1.442695020e+00, v13;
	v11 =	vld [tilespmem:s19+$0x30];
	[tilespmem:s20+$0xE0] =	vst v3;
	v21 =	vmul.f32 v26, v21  }
0x241: {  	v15 =	vbroadcast v3, $0x0;
	[tilespmem:s10+$0xFFFFFFD0] =	vst v19;
	v17 =	vld [tilespmem:s16+$0xA0];
	v25 =	vmul.f32 v23, v27  }
0x242: {  	v22 =	vadd.f32 v60, v7;
	(erf) = vpow2.f32 v24;
	v26 =	vmul.f32 $2.000000030e-01, v20;
	v13 =	vld [tilespmem:s19+$0xFFFFFFE0];
	[tilespmem:s10+$0xFFFFFF70] =	vst v21  }
0x243: {  	v6 =	vadd.f32 v29, v6;
	v19 =	vbroadcast v18, $0x2;
	v23 =	vmul.f32 $2.000000030e-01, v16;
	[tilespmem:s10+$0xFFFFFEE0] =	vst v25;
	v7 =	vld [tilespmem:s19+$0xFFFFFF80]  }
0x244: {  	s21 =	simm.s32 $0x8;
	s14 =	simm.s32 $0x820;
	s0 =	simm.s32 $0x3520;
	v18 =	vpop (erf);
	[tilespmem:s10+$0x80] =	vst v62;
	v24 =	vmul.f32 v34, v63;
	v25 =	vmul.f32 $2.000000030e-01, v22;
	v21 =	vmax.f32 v20, v26;
	v20 =	vld [tilespmem:s19+$0xFFFFFEF0]  }
.LBB2_9:
0x245: {  	v26 =	vld [tilespmem:s0+$0x30];
	s21 =	sadd.s32 $0x8, s21;
	v27 =	vmul.f32 $2.000000030e-01, v6;
	v16 =	vmax.f32 v16, v23;
	v18 =	vmul.f32 v0, v18  }
0x246: {  	v15 =	vmul.f32 v15, v17;
	v23 =	vld [tilespmem:s14+$0x130];
	p1 =	slt.u32 s21, $0x48;
	v22 =	vmax.f32 v22, v25;
	v16 =	vmul.f32 $1.442695020e+00, v16;
	[tilespmem:s10+$0xFFFFFF30] =	vst v24  }
0x247: {  	v10 =	vmul.f32 v10, v14;
	v17 =	vmax.f32 v6, v27;
	v22 =	vmul.f32 $1.442695020e+00, v22;
	[tilespmem:s20+$0x90] =	vst v18;
	v24 =	vld [tilespmem:s19+$0xFFFFFF40]  }
0x248: {  	v6 =	vld [tilespmem:s14+$0xFFFFFF50];
	v14 =	vmul.f32 $1.442695020e+00, v17;
	[tilespmem:s20+$0xA0] =	vst v15;
	v7 =	vmul.f32 v19, v7  }
0x249: {  	v15 =	vmul.f32 $1.442695020e+00, v21;
	v17 =	vld [tilespmem:s16+$0x50];
	v9 =	vmul.f32 v20, v9;
	[tilespmem:s10+$0x110] =	vst v10  }
0x24a: {  	v10 =	vmul.f32 v11, v12;
	(erf) = vpow2.f32 v22;
	[tilespmem:s10+$0xFFFFFF80] =	vst v7;
	v11 =	vld [tilespmem:s19+$0x120]  }
0x24b: {  	v8 =	vmul.f32 v13, v8;
	v19 =	vbroadcast v3, $0x1;
	[tilespmem:s10+$0xFFFFFEF0] =	vst v9;
	v9 =	vld [tilespmem:s19+$0xFFFFFF90];
	s19 =	smov.u32 s16;
	s16 =	smov.u32 s14  }
0x24c: {  	v13 =	vbroadcast v18, $0x0;
	v7 =	vld [tilespmem:s14+$0xFFFFFF00];
	(erf) = vpow2.f32 v16;
	v12 =	vpop (erf);
	[tilespmem:s10+$0x30] =	vst v10  }
0x24d: {  	v12 =	vmul.f32 v0, v12;
	v10 =	vld [tilespmem:s19+$0xB0];
	(erf) = vpow2.f32 v14;
	[tilespmem:s10+$0xFFFFFFE0] =	vst v8  }
0x24e: {  	v8 =	vbroadcast v18, $0x2;
	v14 =	vld [tilespmem:s14+$0xE0];
	v13 =	vmul.f32 v13, v17  }
0x24f: {  	v16 =	vld [tilespmem:s0+$0x20];
	[tilespmem:s20+$0x40] =	vst v12;
	v17 =	vbroadcast v12, $0x0;
	v2 =	vmul.f32 v11, v2  }
0x250: {  	v22 =	vmul.f32 v0, v5;
	v20 =	vadd.f32 v26, v23;
	v21 =	vld [tilespmem:s19+$0x0];
	[tilespmem:s20+$0x50] =	vst v13;
	v4 =	vmul.f32 v9, v4  }
0x251: {  	v1 =	vmul.f32 v24, v1;
	v13 =	vbroadcast v18, $0x3;
	v11 =	vld [tilespmem:s0+$0xFFFFFFE0];
	[tilespmem:s10+$0x120] =	vst v2  }
0x252: {  	v25 =	vmul.f32 $2.000000030e-01, v20;
	v5 =	vld [tilespmem:s19+$0x60];
	v9 =	vmul.f32 v19, v10;
	[tilespmem:s20+$0x130] =	vst v22  }
0x253: {  	v18 =	vbroadcast v18, $0x1;
	v10 =	vld [tilespmem:s0+$0x10];
	v19 =	vpop (erf);
	[tilespmem:s10+$0xFFFFFF90] =	vst v4  }
0x254: {  	v25 =	vmax.f32 v20, v25;
	v20 =	vbroadcast v3, $0x2;
	v4 =	vld [tilespmem:s14+$0x90];
	v19 =	vmul.f32 v0, v19;
	[tilespmem:s10+$0xFFFFFF40] =	vst v1;
	s10 =	smov.u32 s20  }
0x255: {  	v23 =	vbroadcast v22, $0x0;
	v1 =	vmul.f32 $1.442695020e+00, v25;
	[tilespmem:s20+$0xB0] =	vst v9;
	v9 =	vld [tilespmem:s19+$0xF0];
	v2 =	vpop (erf)  }
0x256: {  	v17 =	vmul.f32 v17, v21;
	[tilespmem:s20+$0xFFFFFF50] =	vst v19;
	v21 =	vld [tilespmem:s19+$0xC0];
	v24 =	vpop (erf);
	(erf) = vpow2.f32 v15  }
0x257: {  	v14 =	vadd.f32 v16, v14;
	v15 =	vmul.f32 v0, v24;
	v16 =	vld [tilespmem:s19+$0xFFFFFF10];
	v5 =	vmul.f32 v18, v5  }
0x258: {  	v25 =	vmul.f32 v0, v2;
	v24 =	vld [tilespmem:s14+$0xFFFFFFF0];
	[tilespmem:s20+$0x0] =	vst v17;
	v17 =	vbroadcast v3, $0x3  }
0x259: {  	v3 =	vadd.f32 v10, v4;
	(erf) = vpow2.f32 v1;
	[tilespmem:s20+$0xFFFFFF00] =	vst v15;
	v1 =	vbroadcast v19, $0x3;
	v4 =	vld [tilespmem:s19+$0x10]  }
0x25a: {  	v2 =	vbroadcast v22, $0x3;
	v18 =	vbroadcast v19, $0x0;
	v10 =	vld [tilespmem:s19+$0xFFFFFEC0];
	[tilespmem:s20+$0xFFFFFFF0] =	vst v25  }
0x25b: {  	v26 =	vmul.f32 $2.000000030e-01, v3;
	v27 =	vld [tilespmem:s19+$0xFFFFFFB0];
	[tilespmem:s20+$0x60] =	vst v5;
	v5 =	vmul.f32 v23, v9  }
0x25c: {  	v31 =	vbroadcast v12, $0x1;
	v9 =	vbroadcast v25, $0x0;
	v28 =	vld [tilespmem:s0+$0xFFFFFFC0]  }
0x25d: {  	v16 =	vmul.f32 v18, v16;
	v29 =	vld [tilespmem:s14+$0xFFFFFFA0];
	v3 =	vmax.f32 v3, v26;
	v26 =	vmul.f32 $2.000000030e-01, v14  }
0x25e: {  	v30 =	vld [tilespmem:s0+$0xFFFFFFF0];
	v3 =	vmul.f32 $1.442695020e+00, v3;
	v4 =	vmul.f32 v31, v4;
	[tilespmem:s20+$0xF0] =	vst v5  }
0x25f: {  	v18 =	vbroadcast v22, $0x1;
	v5 =	vmax.f32 v14, v26;
	v14 =	vbroadcast v15, $0x0;
	[tilespmem:s20+$0xFFFFFF10] =	vst v16;
	v16 =	vld [tilespmem:s19+$0x100];
	v23 =	vpop (erf)  }
0x260: {  	s20 =	sadd.s32 $0x280, s20;
	v26 =	vmul.f32 $1.442695020e+00, v5;
	v31 =	vld [tilespmem:s19+$0xFFFFFF20];
	v9 =	vmul.f32 v9, v27;
	[tilespmem:s10+$0x10] =	vst v4  }
0x261: {  	v32 =	vbroadcast v19, $0x1;
	v33 =	vmul.f32 v0, v23;
	v27 =	vld [tilespmem:s0+$0x0]  }
0x262: {  	v20 =	vmul.f32 v20, v21;
	v4 =	vmul.f32 v14, v10;
	v5 =	vpop (erf);
	[tilespmem:s10+$0xFFFFFFB0] =	vst v9;
	v14 =	vld [tilespmem:s19+$0x70]  }
0x263: {  	v21 =	vbroadcast v33, $0x0;
	(erf) = vpow2.f32 v26;
	[tilespmem:s10+$0xFFFFFFA0] =	vst v33;
	v23 =	vld [tilespmem:s19+$0xFFFFFFC0]  }
0x264: {  	v34 =	vbroadcast v12, $0x2;
	[tilespmem:s10+$0xFFFFFEC0] =	vst v4;
	v26 =	vld [tilespmem:s19+$0xFFFFFF60];
	v9 =	vmul.f32 v18, v16  }
0x265: {  	v4 =	vbroadcast v33, $0x3;
	(erf) = vpow2.f32 v3;
	v3 =	vld [tilespmem:s19+$0xFFFFFED0]  }
0x266: {  	v10 =	vbroadcast v22, $0x2;
	v18 =	vbroadcast v25, $0x1;
	v16 =	vld [tilespmem:s14+$0x40];
	[tilespmem:s10+$0x100] =	vst v9  }
0x267: {  	v9 =	vbroadcast v15, $0x3;
	v22 =	vmul.f32 v8, v14;
	v14 =	vld [tilespmem:s19+$0x110]  }
0x268: {  	v35 =	vbroadcast v15, $0x1;
	v18 =	vmul.f32 v18, v23;
	v23 =	vld [tilespmem:s19+$0x20];
	[tilespmem:s10+$0xC0] =	vst v20  }
0x269: {  	v8 =	vbroadcast v25, $0x3;
	v20 =	vmul.f32 v21, v26;
	[tilespmem:s10+$0x70] =	vst v22;
	v21 =	vld [tilespmem:s19+$0xD0]  }
0x26a: {  	v26 =	vbroadcast v19, $0x2;
	v3 =	vmul.f32 v35, v3;
	[tilespmem:s10+$0xFFFFFFC0] =	vst v18;
	v19 =	vld [tilespmem:s19+$0x80]  }
0x26b: {  	v22 =	vbroadcast v15, $0x2;
	[tilespmem:s10+$0xFFFFFF60] =	vst v20;
	v20 =	vbroadcast v33, $0x1;
	v35 =	vld [tilespmem:s19+$0xFFFFFFD0]  }
0x26c: {  	v12 =	vbroadcast v12, $0x3;
	v31 =	vmul.f32 v32, v31;
	v15 =	vpop (erf);
	[tilespmem:s10+$0xFFFFFED0] =	vst v3;
	v32 =	vld [tilespmem:s19+$0xFFFFFF70]  }
0x26d: {  	v27 =	vadd.f32 v27, v16;
	v3 =	vmul.f32 v0, v15;
	v36 =	vld [tilespmem:s19+$0xFFFFFEE0];
	v15 =	vmul.f32 v34, v23  }
0x26e: {  	v25 =	vbroadcast v25, $0x2;
	v23 =	vld [tilespmem:s0+$0xFFFFFFD0];
	v18 =	vpop (erf);
	[tilespmem:s10+$0xFFFFFF20] =	vst v31;
	v21 =	vmul.f32 v21, v17  }
0x26f: {  	v16 =	vadd.f32 v30, v24;
	v17 =	vmul.f32 $2.000000030e-01, v27;
	v24 =	vld [tilespmem:s19+$0xFFFFFF30];
	[tilespmem:s10+$0x20] =	vst v15;
	v30 =	vmul.f32 v19, v13  }
0x270: {  	v15 =	vbroadcast v3, $0x0;
	[tilespmem:s20+$0xE0] =	vst v3;
	v13 =	vmul.f32 v25, v35  }
.Ltmp4:
0x271: {  	v29 =	vadd.f32 v11, v29;
	v11 =	vmax.f32 v27, v17;
	v17 =	vld [tilespmem:s14+$0xA0];
	v19 =	vmul.f32 v20, v32;
	[tilespmem:s10+$0xD0] =	vst v21;
	(pc) =	sbr.rel @p1 .LBB2_9-.Ltmp4, $4  }
0x272: {  	v20 =	vmul.f32 $1.442695020e+00, v11;
	v21 =	vmul.f32 v22, v36;
	[tilespmem:s10+$0xFFFFFFD0] =	vst v13;
	v11 =	vld [tilespmem:s19+$0x30]  }
0x273: {  	v27 =	vmul.f32 $2.000000030e-01, v29;
	v22 =	vadd.f32 v23, v6;
	v23 =	vmul.f32 $2.000000030e-01, v16;
	[tilespmem:s10+$0xFFFFFF70] =	vst v19;
	v13 =	vld [tilespmem:s19+$0xFFFFFFE0]  }
0x274: {  	v6 =	vadd.f32 v28, v7;
	v19 =	vbroadcast v33, $0x2;
	(erf) = vpow2.f32 v20;
	[tilespmem:s10+$0xFFFFFEE0] =	vst v21;
	v7 =	vld [tilespmem:s19+$0xFFFFFF80]  }
0x275: {  	s0 =	sadd.s32 $0x80, s0;
	s14 =	sadd.s32 $0x280, s14;
	v21 =	vmax.f32 v29, v27;
	v24 =	vmul.f32 v26, v24;
	v25 =	vmul.f32 $2.000000030e-01, v22;
	v20 =	vld [tilespmem:s19+$0xFFFFFEF0];
	[tilespmem:s10+$0x80] =	vst v30  }
0x276: {  	_ = 	snop  }
0x277: {  	v26 =	vmul.f32 $2.000000030e-01, v6;
	v22 =	vmax.f32 v22, v25  }
0x278: {  	v16 =	vmax.f32 v16, v23;
	v22 =	vmul.f32 $1.442695020e+00, v22  }
0x279: {  	v16 =	vmul.f32 $1.442695020e+00, v16;
	v6 =	vmax.f32 v6, v26  }
0x27a: {  	v6 =	vmul.f32 $1.442695020e+00, v6;
	(erf) = vpow2.f32 v22  }
0x27b: {  	(erf) = vpow2.f32 v16  }
0x27c: {  	(erf) = vpow2.f32 v6  }
0x27d: {  	v15 =	vmul.f32 v15, v17  }
0x27e: {  	v45 =	vmul.f32 $1.442695020e+00, v21;
	v10 =	vmul.f32 v10, v14;
	[tilespmem:s10+$0xFFFFFF30] =	vst v24  }
0x27f: {  	v5 =	vmul.f32 v0, v5;
	[tilespmem:s20+$0xA0] =	vst v15  }
0x280: {  	v48 =	vmul.f32 v11, v12;
	[tilespmem:s10+$0x110] =	vst v10;
	(erf) = vpow2.f32 v45  }
0x281: {  	v8 =	vmul.f32 v13, v8;
	[tilespmem:s20+$0x130] =	vst v5  }
0x282: {  	v7 =	vmul.f32 v19, v7;
	v49 =	vld [tilespmem:s19+$0x120];
	[tilespmem:s10+$0x30] =	vst v48;
	v47 =	vpop (erf)  }
0x283: {  	v9 =	vmul.f32 v20, v9;
	[tilespmem:s10+$0xFFFFFFE0] =	vst v8;
	v50 =	vpop (erf)  }
0x284: {  	v56 =	vld [tilespmem:s19+$0xFFFFFF40];
	[tilespmem:s10+$0xFFFFFF80] =	vst v7;
	v6 =	vmul.f32 v0, v18;
	v52 =	vpop (erf)  }
0x285: {  	[tilespmem:s10+$0xFFFFFEF0] =	vst v9;
	v7 =	vmul.f32 v0, v47;
	v54 =	vpop (erf)  }
0x286: {  	[tilespmem:s20+$0x90] =	vst v6;
	v9 =	vmul.f32 v0, v54  }
0x287: {  	v23 =	vld [tilespmem:s16+$0xB0];
	v2 =	vmul.f32 v49, v2;
	[tilespmem:s20+$0x40] =	vst v7  }
0x288: {  	v46 =	vld [tilespmem:s16+$0x50];
	v10 =	vmul.f32 v0, v52;
	[tilespmem:s20+$0xFFFFFF00] =	vst v9  }
0x289: {  	v1 =	vmul.f32 v56, v1;
	[tilespmem:s10+$0x120] =	vst v2;
	v57 =	vpop (erf);
	v2 =	vld [tilespmem:s16+$0xFFFFFEC0]  }
0x28a: {  	v27 =	vbroadcast v3, $0x1;
	v58 =	vld [tilespmem:s16+$0x0];
	[tilespmem:s20+$0xFFFFFFF0] =	vst v10;
	v11 =	vmul.f32 v0, v57  }
0x28b: {  	v51 =	vbroadcast v6, $0x0;
	[tilespmem:s10+$0xFFFFFF40] =	vst v1;
	v12 =	vmul.f32 v0, v50;
	v59 =	vld [tilespmem:s16+$0xFFFFFFB0]  }
0x28c: {  	v60 =	vld [tilespmem:s16+$0xF0];
	v30 =	vmul.f32 v27, v23;
	v61 =	vbroadcast v9, $0x0;
	[tilespmem:s20+$0xFFFFFFA0] =	vst v11  }
0x28d: {  	v62 =	vbroadcast v7, $0x0;
	v53 =	vmul.f32 v51, v46;
	[tilespmem:s20+$0xFFFFFF50] =	vst v12;
	v63 =	vld [tilespmem:s16+$0xFFFFFF60]  }
0x28e: {  	[tilespmem:s20+$0xB0] =	vst v30;
	v21 =	vld [tilespmem:s16+$0xFFFFFF10];
	v22 =	vbroadcast v10, $0x0;
	v2 =	vmul.f32 v61, v2  }
0x28f: {  	v55 =	vld [tilespmem:s19+$0xFFFFFF90];
	v1 =	vbroadcast v5, $0x0;
	[tilespmem:s20+$0x50] =	vst v53;
	v14 =	vmul.f32 v62, v58  }
0x290: {  	v24 =	vld [tilespmem:s16+$0x60];
	v25 =	vbroadcast v11, $0x0;
	v15 =	vmul.f32 v22, v59;
	[tilespmem:s20+$0xFFFFFEC0] =	vst v2  }
0x291: {  	v1 =	vmul.f32 v1, v60;
	[tilespmem:s20+$0x0] =	vst v14;
	v2 =	vbroadcast v12, $0x0;
	v26 =	vld [tilespmem:s16+$0xFFFFFED0]  }
0x292: {  	v28 =	vld [tilespmem:s16+$0x10];
	[tilespmem:s20+$0xFFFFFFB0] =	vst v15;
	v8 =	vmul.f32 v25, v63  }
0x293: {  	v29 =	vbroadcast v6, $0x1;
	[tilespmem:s20+$0xF0] =	vst v1;
	v1 =	vld [tilespmem:s16+$0xFFFFFFC0];
	v2 =	vmul.f32 v2, v21  }
0x294: {  	v4 =	vmul.f32 v55, v4;
	v31 =	vld [tilespmem:s16+$0x100];
	v32 =	vbroadcast v9, $0x1;
	[tilespmem:s20+$0xFFFFFF60] =	vst v8  }
0x295: {  	v34 =	vbroadcast v7, $0x1;
	v33 =	vmul.f32 v29, v24;
	[tilespmem:s20+$0xFFFFFF10] =	vst v2;
	v2 =	vld [tilespmem:s16+$0xFFFFFF70]  }
0x296: {  	[tilespmem:s10+$0xFFFFFF90] =	vst v4;
	v36 =	vbroadcast v10, $0x1;
	v35 =	vld [tilespmem:s16+$0xFFFFFF20];
	v13 =	vmul.f32 v32, v26  }
0x297: {  	v39 =	vbroadcast v5, $0x1;
	v37 =	vld [tilespmem:s16+$0xC0];
	[tilespmem:s20+$0x60] =	vst v33;
	v38 =	vmul.f32 v34, v28  }
0x298: {  	v41 =	vbroadcast v11, $0x1;
	v40 =	vld [tilespmem:s16+$0x70];
	v1 =	vmul.f32 v36, v1;
	[tilespmem:s20+$0xFFFFFED0] =	vst v13  }
0x299: {  	v42 =	vbroadcast v12, $0x1;
	v43 =	vmul.f32 v39, v31;
	[tilespmem:s20+$0x10] =	vst v38;
	v44 =	vld [tilespmem:s16+$0xFFFFFEE0]  }
0x29a: {  	v45 =	vbroadcast v3, $0x2;
	v46 =	vld [tilespmem:s16+$0x20];
	[tilespmem:s20+$0xFFFFFFC0] =	vst v1;
	v1 =	vmul.f32 v41, v2  }
0x29b: {  	[tilespmem:s20+$0x100] =	vst v43;
	v47 =	vld [tilespmem:s16+$0xFFFFFFD0];
	v2 =	vbroadcast v6, $0x2;
	v4 =	vmul.f32 v42, v35  }
0x29c: {  	v48 =	vmul.f32 v45, v37;
	v50 =	vbroadcast v9, $0x2;
	v49 =	vld [tilespmem:s16+$0x110];
	[tilespmem:s20+$0xFFFFFF70] =	vst v1  }
0x29d: {  	v1 =	vbroadcast v7, $0x2;
	v2 =	vmul.f32 v2, v40;
	[tilespmem:s20+$0xFFFFFF20] =	vst v4;
	v51 =	vld [tilespmem:s16+$0xFFFFFF80]  }
0x29e: {  	v52 =	vbroadcast v10, $0x2;
	[tilespmem:s20+$0xC0] =	vst v48;
	v53 =	vld [tilespmem:s16+$0xFFFFFF30];
	v14 =	vmul.f32 v50, v44  }
0x29f: {  	v54 =	vbroadcast v5, $0x2;
	[tilespmem:s20+$0x70] =	vst v2;
	v2 =	vld [tilespmem:s16+$0xD0];
	v1 =	vmul.f32 v1, v46  }
0x2a0: {  	v56 =	vbroadcast v11, $0x2;
	v8 =	vmul.f32 v52, v47;
	v55 =	vld [tilespmem:s16+$0x80];
	[tilespmem:s20+$0xFFFFFEE0] =	vst v14  }
0x2a1: {  	v57 =	vbroadcast v12, $0x2;
	v15 =	vmul.f32 v54, v49;
	[tilespmem:s20+$0x20] =	vst v1;
	v1 =	vld [tilespmem:s16+$0xFFFFFEF0]  }
0x2a2: {  	v3 =	vbroadcast v3, $0x3;
	[tilespmem:s20+$0xFFFFFFD0] =	vst v8;
	v58 =	vld [tilespmem:s16+$0x30];
	v4 =	vmul.f32 v56, v51  }
0x2a3: {  	[tilespmem:s20+$0x110] =	vst v15;
	v6 =	vbroadcast v6, $0x3;
	v59 =	vld [tilespmem:s16+$0xFFFFFFE0];
	v14 =	vmul.f32 v57, v53  }
0x2a4: {  	v9 =	vbroadcast v9, $0x3;
	v2 =	vmul.f32 v2, v3;
	v3 =	vld [tilespmem:s16+$0x120];
	[tilespmem:s20+$0xFFFFFF80] =	vst v4  }
0x2a5: {  	v60 =	vbroadcast v7, $0x3;
	v6 =	vmul.f32 v55, v6;
	[tilespmem:s20+$0xFFFFFF30] =	vst v14;
	v61 =	vld [tilespmem:s16+$0xFFFFFF90]  }
0x2a6: {  	v10 =	vbroadcast v10, $0x3;
	[tilespmem:s20+$0xD0] =	vst v2;
	v2 =	vld [tilespmem:s16+$0xFFFFFF40];
	v1 =	vmul.f32 v1, v9  }
0x2a7: {  	v5 =	vbroadcast v5, $0x3;
	[tilespmem:s20+$0x80] =	vst v6;
	v4 =	vmul.f32 v58, v60  }
0x2a8: {  	v62 =	vbroadcast v11, $0x3;
	[tilespmem:s20+$0xFFFFFEF0] =	vst v1;
	v1 =	vmul.f32 v59, v10  }
0x2a9: {  	v63 =	vbroadcast v12, $0x3;
	[tilespmem:s20+$0x30] =	vst v4;
	v3 =	vmul.f32 v3, v5  }
0x2aa: {  	[tilespmem:s20+$0xFFFFFFE0] =	vst v1;
	v1 =	vmul.f32 v61, v62  }
0x2ab: {  	[tilespmem:s20+$0x120] =	vst v3;
	v2 =	vmul.f32 v2, v63  }
0x2ac: {  	[tilespmem:s20+$0xFFFFFF90] =	vst v1  }
0x2ad: {  	[tilespmem:s20+$0xFFFFFF40] =	vst v2  }
0x2ae: {  	[spmem:s4] =	stream.indirect.scatter.add.f32 [tilespmem:s11], [sflag:$0x7], $0x50, s9, s25, $0xb8;
	[tilespmem:$0x13330] =	vst v63  }
0x2af: {  	_ =	swait.ge [sflag:s22], $0x1900  }
0x2b0: {  	[sflag:s22] =	ssyncset.done $0x0  }
0x2b1: {  	s0 =	simm.s32 $0x8;
	[sflag:s22] =	ssyncadd.s32 $0xFFFFE700  }
0x2b2: {  	_ =	swait.ge [sflag:s0], $0x1900  }
0x2b3: {  	[sflag:s0] =	ssyncset.done $0x0  }
0x2b4: {  	[sflag:s0] =	ssyncadd.s32 $0xFFFFE700  }
0x2b5: {  	[bflag:$0x0] =	sbarrier.arrive $0xFFFF  }
0x2b6: {  	s16 =	rddreg [dreg:$0x7]  }
0x2b7: {  	s20 =	rddreg [dreg:$0xe]  }
0x2b8: {  	s14 =	simm.s32 $0x9;
	s21 =	rddreg [dreg:$0x12]  }
0x2b9: {  	[hbm:s20], [sflag:s16] =	dma.local [spmem:s21], $0x1860  }
0x2ba: {  	_ =	swait.ge [sflag:s14], $0x1860  }
0x2bb: {  	[sflag:s14] =	ssyncset.done $0x0;
	s0 =	rddreg [dreg:$0xf]  }
0x2bc: {  	s10 =	rddreg [dreg:$0x13];
	[sflag:s14] =	ssyncadd.s32 $0xFFFFE7A0  }
0x2bd: {  	[hbm:s0], [sflag:s16] =	dma.local @!p0 [spmem:s10], $0xA0  }
0x2be: {  	s0 =	simm.s32 @!p0 $0x9  }
0x2bf: {  	_ =	swait.ge @!p0 [sflag:s0], $0xA0  }
0x2c0: {  	s22 =	rddreg [dreg:$0x11]  }
0x2c1: {  	s31 =	rddreg [dreg:$0x10];
	s19 =	sadd.s32 $0x1, s22  }
0x2c2: {  	p1 =	sne.s32 s19, s31  }
.Ltmp5:
0x2c3: {  	_ = 	snop;
	(pc) =	sbr.rel @p1 .LBB2_1-.Ltmp5, $3  }
0x2c4: {  	_ =	sdelay $0x1  }
0x2c5: {  	[sflag:s0] =	ssyncset.done @!p0 $0x0  }
0x2c6: {  	[sflag:s0] =	ssyncadd.s32 @!p0 $0xFFFFFF60  }
0x2c7: {  	_ =	sfence.sel $0x180000  }
0x2c8: {  	[bflag:$0x0] =	sbarrier.arrive $0xFFFF  }
0x2c9: {  	_ =	strace $0x90000047  }
0x2ca: {  	s0 =	stileid.u32;
	[bflag:$0x2] =	sbarrier.arrive $0xFFFF  }
0x2cb: {  	p0 =	sne.s32 s0, $0x0;
	s0 =	rddreg [dreg:$0x4]  }
0x2cc: {  	s0 =	sadd.s32 @!p0 $0x100000, s0  }
0x2cd: {  	[sflag:s0] =	ssyncadd.tile.s32 @!p0 $0x1;
	_ =	shalt  }
.Lfunc_end2:
_tile_overlayer_lowered:
.L_overlay_start_2:
0x2ce: {  	(tag) =	ssettag $0x2  }
0x2cf: {  	s0 =	rddreg [dreg:$0x0];
	s2 =	stileid.u32  }
0x2d0: {  	s1 =	rddreg [dreg:$0x1];
	p0 =	sne.s32 s2, $0x0  }
0x2d1: {  	s3 =	rddreg [dreg:$0x2];
	[bflag:$0x3] =	sbarrier.arrive $0xFFFF;
	s2 =	simm.s32 @!p0 $0x1C09  }
0x2d2: {  	[timem:s3], [sflag:s2] =	dma.local @!p0 [hbm:s0], s1  }
0x2d3: {  	s0 =	simm.s32 @!p0 $0x9  }
0x2d4: {  	_ =	swait.ge @!p0 [sflag:s0], s1  }
0x2d5: {  	s1 =	ssub.s32 @!p0 $0x0, s1;
	[sflag:s0] =	ssyncset.done @!p0 $0x0  }
0x2d6: {  	[sflag:s0] =	ssyncadd.s32 @!p0 s1  }
0x2d7: {  	[bflag:$0x3] =	sbarrier.arrive $0xFFFF  }
0x2d8: {  	_ =	shalt  }

</sc_bundles>
